<compile_context>
chip_gen: v7x
topology: tpu7x:2x2x1
jax: 0.10.2.dev20260603
libtpu: 0.0.44.dev20260713+nightly
codegen_flags: <defaults>
</compile_context>

<pallas_src>
import functools

import jax
import jax.numpy as jnp
from jax import lax
from jax.experimental import pallas as pl
from jax.experimental.pallas import tpu as pltpu
from jax.experimental.pallas import tpu_sc as plsc

N = 50000
D = 128
H = 128
O = 64
E = 300000

NC = 2
NS = 16
LANE = 16
CH = 128

EPT = 18816
EPAD = EPT * NS
EB = 6272
NBLK = EPT // EB
NCHMAX = EB // CH + 1
CAP = NCHMAX * CH

NRANGE = 6
RPC = NRANGE // NC
RW = 8448
ACC_R = RW + 16
GLOC = RW
ZR_T = RW // NS
NOUT_R = NRANGE * RW
GARBAGE = N


def _sc_agg_body(with_cnt, *refs):
    (t0, t1, s0, d0, s1, d1) = refs[:6]
    n_out = 4 if with_cnt else 2
    outs = refs[6:6 + n_out]
    if with_cnt:
        (sblk0, dblk0, csrc, cdst2, gbuf0,
         stage0, sg0, acc, hist) = refs[6 + n_out:]
    else:
        (sblk0, dblk0, csrc, cdst2, gbuf0,
         stage0, sg0, acc) = refs[6 + n_out:]
        hist = None
    tbls = (t0, t1)
    srcs = (s0, s1)
    dsts = (d0, d1)
    sblks = (sblk0,)
    dblks = (dblk0,)
    gbufs = (gbuf0,)
    stages = (stage0,)
    sgs = (sg0,)

    c = lax.axis_index("c")
    s = lax.axis_index("s")

    zero16i = jnp.zeros((LANE,), jnp.int32)
    gloc16 = jnp.full((LANE,), GLOC, jnp.int32)
    iota16 = lax.iota(jnp.int32, LANE)

    def fill_gbuf0(val):
        v16 = jnp.full((LANE,), val, jnp.float32)

        def fill(r, carry):
            for j in range(D // LANE):
                gbuf0[r, pl.ds(j * LANE, LANE)] = v16
            return carry

        lax.fori_loop(0, CH, fill, 0)

    def zero_acc():
        for kz in range(ZR_T // CH):
            pltpu.sync_copy(gbuf0, acc.at[pl.ds(s * ZR_T + kz * CH, CH)])
        rem = ZR_T - (ZR_T // CH) * CH
        if rem:
            pltpu.sync_copy(gbuf0.at[pl.ds(0, rem)],
                            acc.at[pl.ds(s * ZR_T + (ZR_T // CH) * CH, rem)])
        plsc.subcore_barrier()

    def copy_out(out_ref, rng):
        plsc.subcore_barrier()
        pltpu.sync_copy(acc.at[pl.ds(s * ZR_T, ZR_T)],
                        out_ref.at[pl.ds(rng * RW + s * ZR_T, ZR_T)])
        plsc.subcore_barrier()

    def load_idx(rel, blk):
        ebase = s * EPT + blk * EB
        pltpu.sync_copy(srcs[rel].at[pl.ds(ebase, EB)], sblk0)
        pltpu.sync_copy(dsts[rel].at[pl.ds(ebase, EB)], dblk0)

    one16f = jnp.ones((LANE,), jnp.float32)

    def compact_block(lo, par):
        sb = sblks[par]
        db = dblks[par]

        def step(i, cur):
            sl = pl.ds(i * LANE, LANE)
            d16 = db[sl]
            s16 = sb[sl]
            m = (d16 >= lo) & (d16 < lo + RW)
            mi = m.astype(jnp.int32)
            cs = plsc.cumsum(mi)
            offs = cur + cs - mi
            plsc.store_scatter(csrc, [offs], s16, mask=m)
            plsc.store_scatter(cdst2, [offs >> 7, offs & 127], d16 - lo,
                               mask=m)
            return cur + jnp.sum(mi)

        k = lax.fori_loop(0, EB // LANE, step, 0)
        for j in range(CH // LANE):
            idx = k + j * LANE + iota16
            plsc.store_scatter(csrc, [idx], zero16i)
            plsc.store_scatter(cdst2, [idx >> 7, idx & 127], gloc16)
        return (k + CH - 1) // CH

    def stage_to(g, par):
        for j in range(CH // LANE):
            sl = pl.ds(j * LANE, LANE)
            stages[par][sl] = cdst2[g, sl]

    def run_agg_blocks(rel, lo):
        def block(blk, carry):
            load_idx(rel, blk)
            nch = compact_block(lo, 0)

            if hist is not None:
                def hstep(g2, carry):
                    for j in range(CH // LANE):
                        v = cdst2[g2, pl.ds(j * LANE, LANE)]
                        plsc.addupdate_scatter(hist, [v], one16f)
                    return carry

                lax.fori_loop(0, nch, hstep, 0)

            def chunk(g, carry):
                pltpu.async_copy(tbls[rel].at[csrc.at[pl.ds(g * CH, CH)]],
                                 gbufs[0], sgs[0]).wait()
                stage_to(g, 0)
                pltpu.sync_copy(gbufs[0], acc.at[stages[0]], add=True)
                return carry

            lax.fori_loop(0, nch, chunk, 0)
            return carry

        lax.fori_loop(0, NBLK, block, 0)

    zero16f = jnp.zeros((LANE,), jnp.float32)

    def zero_hist(i, carry):
        hist[pl.ds(i * LANE, LANE)] = zero16f
        return carry

    def run_pass(rel, out_ref, hist_out):
        def pbody(p, carry):
            rng = RPC * c + p
            lo = rng * RW
            fill_gbuf0(0.0)
            zero_acc()
            if hist is not None:
                lax.fori_loop(0, RW // LANE + 1, zero_hist, 0)
            run_agg_blocks(rel, lo)
            if hist is not None:
                pltpu.sync_copy(hist.at[pl.ds(0, RW)],
                                hist_out.at[s, pl.ds(rng * RW, RW)])
            copy_out(out_ref, rng)
            return carry

        lax.fori_loop(0, RPC, pbody, 0)

    for rel in range(2):
        run_pass(rel, outs[rel], outs[2 + rel] if with_cnt else None)


def _make_sc_agg(with_cnt):
    out_type = [jax.ShapeDtypeStruct((NOUT_R, D), jnp.float32)] * 2
    if with_cnt:
        out_type += [jax.ShapeDtypeStruct((NS, NOUT_R), jnp.float32)] * 2
    mesh = plsc.VectorSubcoreMesh(core_axis_name="c", subcore_axis_name="s")
    return pl.kernel(
        functools.partial(_sc_agg_body, with_cnt),
        out_type=out_type,
        mesh=mesh,
        scratch_types=[
            pltpu.VMEM((EB,), jnp.int32),
            pltpu.VMEM((EB,), jnp.int32),
            pltpu.VMEM((CAP,), jnp.int32),
            pltpu.VMEM((NCHMAX, CH), jnp.int32),
            pltpu.VMEM((CH, D), jnp.float32),
            pltpu.VMEM((CH,), jnp.int32),
            pltpu.SemaphoreType.DMA,
            pltpu.VMEM_SHARED((ACC_R, D), jnp.float32),
        ] + ([pltpu.VMEM((RW + LANE,), jnp.float32)] if with_cnt else []),
        compiler_params=pltpu.CompilerParams(needs_layout_passes=False),
        name="sc_agg_cnt" if with_cnt else "sc_agg",
    )


_sc_agg_l0 = _make_sc_agg(with_cnt=True)
_sc_agg_l1 = _make_sc_agg(with_cnt=False)


def _make_dense(dout, relu):
    BR = 512
    grid = ((N + BR - 1) // BR,)

    def body(agg_ref, cnt_ref, xd_ref, wl_ref, bl_ref, wr_ref, o_ref):
        cnt = jnp.maximum(jnp.sum(cnt_ref[...], axis=0), 1.0)
        mean = agg_ref[...] / cnt[:, None]
        acc = jnp.dot(xd_ref[...], wr_ref[...],
                      preferred_element_type=jnp.float32)
        acc = acc + jnp.dot(mean, wl_ref[...],
                            preferred_element_type=jnp.float32)
        r = acc + bl_ref[...]
        if relu:
            r = jnp.maximum(r, 0.0)
        o_ref[...] = r

    blk = lambda i: (i, 0)
    fix = lambda i: (0, 0)
    return pl.pallas_call(
        body,
        grid=grid,
        in_specs=[
            pl.BlockSpec((BR, D), blk),
            pl.BlockSpec((NS, BR), lambda i: (0, i)),
            pl.BlockSpec((BR, D), blk),
            pl.BlockSpec((D, dout), fix),
            pl.BlockSpec((1, dout), fix),
            pl.BlockSpec((D, dout), fix),
        ],
        out_specs=pl.BlockSpec((BR, dout), blk),
        out_shape=jax.ShapeDtypeStruct((N, dout), jnp.float32),
    )


_dense_l0 = _make_dense(H, relu=True)
_dense_l1 = _make_dense(O, relu=False)


def _pad_edges(ei):
    src = ei[0]
    dst = ei[1]
    pad = EPAD - E
    src_p = jnp.concatenate([src, jnp.zeros((pad,), jnp.int32)])
    dst_p = jnp.concatenate([dst, jnp.full((pad,), GARBAGE, jnp.int32)])
    return src_p, dst_p


def kernel(x_user, x_item, edge_index_u2i, edge_index_i2u,
           Wl0_u2i, bl0_u2i, Wr0_u2i, Wl0_i2u, bl0_i2u, Wr0_i2u,
           Wl1_u2i, bl1_u2i, Wr1_u2i, Wl1_i2u, bl1_i2u, Wr1_i2u):
    srcu, dstu = _pad_edges(edge_index_u2i)
    srci, dsti = _pad_edges(edge_index_i2u)
    aggu, aggi, cntu, cnti = _sc_agg_l0(x_user, x_item, srcu, dstu,
                                        srci, dsti)

    item1 = _dense_l0(aggu, cntu, x_item,
                      Wl0_u2i, bl0_u2i.reshape(1, H), Wr0_u2i)
    user1 = _dense_l0(aggi, cnti, x_user,
                      Wl0_i2u, bl0_i2u.reshape(1, H), Wr0_i2u)

    aggu2, aggi2 = _sc_agg_l1(user1, item1, srcu, dstu, srci, dsti)

    item2 = _dense_l1(aggu2, cntu, item1,
                      Wl1_u2i, bl1_u2i.reshape(1, O), Wr1_u2i)
    user2 = _dense_l1(aggi2, cnti, user1,
                      Wl1_i2u, bl1_i2u.reshape(1, O), Wr1_i2u)
    return (user2, item2)

# --- scband reference (transcript-rebuilt; emitter-appended) ---
"""Pipeline reference for scband-hetero-graph-sage-45217415692303 (READ-ONLY COPY).

The authoritative reference and input builder live on the scoring server;
editing this copy changes nothing except your own understanding.
"""

import jax, jax.numpy as jnp
import numpy as np

N = 50000
D = 128
H = 128
O = 64
E = 300000


def _sage(x_src, x_dst, ei, Wl, bl, Wr):
    # PyG SAGEConv with aggr='mean': out = lin_l(mean_j x_src[j]) + lin_r(x_dst)
    src = ei[0]
    dst = ei[1]
    msg = jnp.take(x_src, src, axis=0)
    n_dst = x_dst.shape[0]
    agg = jax.ops.segment_sum(msg, dst, num_segments=n_dst)
    cnt = jax.ops.segment_sum(jnp.ones((msg.shape[0],), msg.dtype), dst, num_segments=n_dst)
    mean = agg / jnp.clip(cnt, 1.0)[:, None]
    return mean @ Wl + bl + x_dst @ Wr


def setup_inputs(seed: int = 0):
    key = jax.random.key(seed)
    ks = [jax.random.fold_in(key, i) for i in range(32)]
    inp = {}
    inp['x_user'] = jax.random.normal(ks[0], (N, D), dtype=jnp.float32)
    inp['x_item'] = jax.random.normal(ks[1], (N, D), dtype=jnp.float32)
    inp['edge_index_u2i'] = jax.random.randint(ks[2], (2, E), 0, N, dtype=jnp.int32)
    inp['edge_index_i2u'] = jax.random.randint(ks[3], (2, E), 0, N, dtype=jnp.int32)
    i = 4
    for l, (din, dout) in enumerate([(D, H), (H, O)]):
        for rel in ('u2i', 'i2u'):
            inp['Wl%d_%s' % (l, rel)] = jax.random.normal(ks[i], (din, dout), dtype=jnp.float32) / np.sqrt(din)
            i += 1
            inp['bl%d_%s' % (l, rel)] = jnp.zeros((dout,), dtype=jnp.float32)
            inp['Wr%d_%s' % (l, rel)] = jax.random.normal(ks[i], (din, dout), dtype=jnp.float32) / np.sqrt(din)
            i += 1
    return inp


def reference(x_user, x_item, edge_index_u2i, edge_index_i2u,
              Wl0_u2i, bl0_u2i, Wr0_u2i, Wl0_i2u, bl0_i2u, Wr0_i2u,
              Wl1_u2i, bl1_u2i, Wr1_u2i, Wl1_i2u, bl1_i2u, Wr1_i2u):
    # Layer 0: HeteroConv over both relations, ReLU (dropout is identity in eval)
    item1 = jax.nn.relu(_sage(x_user, x_item, edge_index_u2i, Wl0_u2i, bl0_u2i, Wr0_u2i))
    user1 = jax.nn.relu(_sage(x_item, x_user, edge_index_i2u, Wl0_i2u, bl0_i2u, Wr0_i2u))
    # Layer 1: final layer, no activation
    item2 = _sage(user1, item1, edge_index_u2i, Wl1_u2i, bl1_u2i, Wr1_u2i)
    user2 = _sage(item1, user1, edge_index_i2u, Wl1_i2u, bl1_i2u, Wr1_i2u)
    return (user2, item2)

if __name__ == "__main__":
    import jax
    _d = setup_inputs()
    print(jax.jit(kernel)(*tuple(_d.values())))

</pallas_src>

<mosaic_0001>
#map = affine_map<(d0, d1) -> (0, 0)>
#map1 = affine_map<(d0, d1) -> (0)>
module attributes {stable_mosaic.version = 14 : i64} {
  func.func @sc_agg_cnt(%arg0: i32, %arg1: i32, %arg2: memref<50000x128xf32, #tpu.memory_space<hbm>>, %arg3: memref<50000x128xf32, #tpu.memory_space<hbm>>, %arg4: memref<301056xi32, #tpu.memory_space<hbm>>, %arg5: memref<301056xi32, #tpu.memory_space<hbm>>, %arg6: memref<301056xi32, #tpu.memory_space<hbm>>, %arg7: memref<301056xi32, #tpu.memory_space<hbm>>, %arg8: memref<50688x128xf32, #tpu.memory_space<hbm>>, %arg9: memref<50688x128xf32, #tpu.memory_space<hbm>>, %arg10: memref<16x50688xf32, #tpu.memory_space<hbm>>, %arg11: memref<16x50688xf32, #tpu.memory_space<hbm>>, %arg12: memref<6272xi32, #tpu.memory_space<vmem>>, %arg13: memref<6272xi32, #tpu.memory_space<vmem>>, %arg14: memref<6400xi32, #tpu.memory_space<vmem>>, %arg15: memref<50x128xi32, #tpu.memory_space<vmem>>, %arg16: memref<128x128xf32, #tpu.memory_space<vmem>>, %arg17: memref<128xi32, #tpu.memory_space<vmem>>, %arg18: memref<!tpu.dma_semaphore, #tpu.memory_space<semaphore_mem>>, %arg19: memref<8464x128xf32, #tpu.memory_space<vmem_shared>>, %arg20: memref<8464xf32, #tpu.memory_space<vmem>>) attributes {dimension_semantics = [#tpu.dimension_semantics<core_parallel>, #tpu.dimension_semantics<subcore_parallel>], iteration_bounds = array<i64: 2, 16>, scalar_prefetch = 0 : i64, scratch_operands = 9 : i64, tpu.core_type = #tpu.core_type<sc_vector_subcore>, window_params = [{transform_indices = #map}, {transform_indices = #map}, {transform_indices = #map1}, {transform_indices = #map1}, {transform_indices = #map1}, {transform_indices = #map1}, {transform_indices = #map}, {transform_indices = #map}, {transform_indices = #map}, {transform_indices = #map}]} {
    %broadcast_in_dim3A = arith.constant 0 : i32
    %broadcast_in_dim3A_0 = vector.broadcast %broadcast_in_dim3A : i32 to vector<16xi32>
    %broadcast_in_dim3A_1 = arith.constant 8448 : i32
    %broadcast_in_dim3A_2 = vector.broadcast %broadcast_in_dim3A_1 : i32 to vector<16xi32>
    %iota3A = tpu.iota {dimensions = array<i32: 0>} : vector<16xi32>
    %broadcast_in_dim3A_3 = arith.constant 1.000000e+00 : f32
    %broadcast_in_dim3A_4 = vector.broadcast %broadcast_in_dim3A_3 : f32 to vector<16xf32>
    %broadcast_in_dim3A_5 = arith.constant 0.000000e+00 : f32
    %broadcast_in_dim3A_6 = vector.broadcast %broadcast_in_dim3A_5 : f32 to vector<16xf32>
    %scan3A = arith.constant 0 : i32
    %scan3A_7 = arith.constant 0 : i32
    %scan3A_8 = arith.constant 3 : i32
    %scan3A_9 = arith.addi %scan3A_7, %scan3A_8 : i32
    %scan3A_10 = arith.constant 1 : i32
    scf.for %scan3A_18 = %scan3A_7 to %scan3A_9 step %scan3A_10  : i32 {
      %mul3A = arith.constant 3 : i32
      %mul3A_19 = arith.muli %mul3A, %arg0 : i32
      %add3A = arith.addi %mul3A_19, %scan3A_18 : i32
      %mul3A_20 = arith.constant 8448 : i32
      %mul3A_21 = arith.muli %add3A, %mul3A_20 : i32
      %broadcast_in_dim3A_22 = arith.constant 0.000000e+00 : f32
      %broadcast_in_dim3A_23 = vector.broadcast %broadcast_in_dim3A_22 : f32 to vector<16xf32>
      %scan3A_24 = arith.constant 0 : i32
      %scan3A_25 = arith.constant 0 : i32
      %scan3A_26 = arith.constant 128 : i32
      %scan3A_27 = arith.addi %scan3A_25, %scan3A_26 : i32
      %scan3A_28 = arith.constant 1 : i32
      scf.for %scan3A_73 = %scan3A_25 to %scan3A_27 step %scan3A_28  : i32 {
        %swap3A = arith.index_cast %scan3A_73 : i32 to index
        %swap3A_74 = arith.constant 0 : index
        %swap3A_75 = tpu.vector_load %arg16[%swap3A, %swap3A_74] {strides = array<i32>} : memref<128x128xf32, #tpu.memory_space<vmem>>, vector<16xf32>,
        tpu.vector_store %arg16[%swap3A, %swap3A_74], %broadcast_in_dim3A_23 {strides = array<i32>} : memref<128x128xf32, #tpu.memory_space<vmem>>, vector<16xf32>,
        %swap3A_76 = arith.index_cast %scan3A_73 : i32 to index
        %swap3A_77 = arith.constant 16 : index
        %swap3A_78 = tpu.vector_load %arg16[%swap3A_76, %swap3A_77] {strides = array<i32>} : memref<128x128xf32, #tpu.memory_space<vmem>>, vector<16xf32>,
        tpu.vector_store %arg16[%swap3A_76, %swap3A_77], %broadcast_in_dim3A_23 {strides = array<i32>} : memref<128x128xf32, #tpu.memory_space<vmem>>, vector<16xf32>,
        %swap3A_79 = arith.index_cast %scan3A_73 : i32 to index
        %swap3A_80 = arith.constant 32 : index
        %swap3A_81 = tpu.vector_load %arg16[%swap3A_79, %swap3A_80] {strides = array<i32>} : memref<128x128xf32, #tpu.memory_space<vmem>>, vector<16xf32>,
        tpu.vector_store %arg16[%swap3A_79, %swap3A_80], %broadcast_in_dim3A_23 {strides = array<i32>} : memref<128x128xf32, #tpu.memory_space<vmem>>, vector<16xf32>,
        %swap3A_82 = arith.index_cast %scan3A_73 : i32 to index
        %swap3A_83 = arith.constant 48 : index
        %swap3A_84 = tpu.vector_load %arg16[%swap3A_82, %swap3A_83] {strides = array<i32>} : memref<128x128xf32, #tpu.memory_space<vmem>>, vector<16xf32>,
        tpu.vector_store %arg16[%swap3A_82, %swap3A_83], %broadcast_in_dim3A_23 {strides = array<i32>} : memref<128x128xf32, #tpu.memory_space<vmem>>, vector<16xf32>,
        %swap3A_85 = arith.index_cast %scan3A_73 : i32 to index
        %swap3A_86 = arith.constant 64 : index
        %swap3A_87 = tpu.vector_load %arg16[%swap3A_85, %swap3A_86] {strides = array<i32>} : memref<128x128xf32, #tpu.memory_space<vmem>>, vector<16xf32>,
        tpu.vector_store %arg16[%swap3A_85, %swap3A_86], %broadcast_in_dim3A_23 {strides = array<i32>} : memref<128x128xf32, #tpu.memory_space<vmem>>, vector<16xf32>,
        %swap3A_88 = arith.index_cast %scan3A_73 : i32 to index
        %swap3A_89 = arith.constant 80 : index
        %swap3A_90 = tpu.vector_load %arg16[%swap3A_88, %swap3A_89] {strides = array<i32>} : memref<128x128xf32, #tpu.memory_space<vmem>>, vector<16xf32>,
        tpu.vector_store %arg16[%swap3A_88, %swap3A_89], %broadcast_in_dim3A_23 {strides = array<i32>} : memref<128x128xf32, #tpu.memory_space<vmem>>, vector<16xf32>,
        %swap3A_91 = arith.index_cast %scan3A_73 : i32 to index
        %swap3A_92 = arith.constant 96 : index
        %swap3A_93 = tpu.vector_load %arg16[%swap3A_91, %swap3A_92] {strides = array<i32>} : memref<128x128xf32, #tpu.memory_space<vmem>>, vector<16xf32>,
        tpu.vector_store %arg16[%swap3A_91, %swap3A_92], %broadcast_in_dim3A_23 {strides = array<i32>} : memref<128x128xf32, #tpu.memory_space<vmem>>, vector<16xf32>,
        %swap3A_94 = arith.index_cast %scan3A_73 : i32 to index
        %swap3A_95 = arith.constant 112 : index
        %swap3A_96 = tpu.vector_load %arg16[%swap3A_94, %swap3A_95] {strides = array<i32>} : memref<128x128xf32, #tpu.memory_space<vmem>>, vector<16xf32>,
        tpu.vector_store %arg16[%swap3A_94, %swap3A_95], %broadcast_in_dim3A_23 {strides = array<i32>} : memref<128x128xf32, #tpu.memory_space<vmem>>, vector<16xf32>,
      }
      %scan3A_29 = arith.constant 128 : i32
      %mul3A_30 = arith.constant 528 : i32
      %mul3A_31 = arith.muli %arg1, %mul3A_30 : i32
      %add3A_32 = arith.constant 0 : i32
      %add3A_33 = arith.addi %mul3A_31, %add3A_32 : i32
      "tpu.region"() ({
        %run_scoped3A = tpu.sem_alloc : memref<!tpu.dma_semaphore, #tpu.memory_space<semaphore_mem>>
        %dma_start3A = arith.constant 0 : i32
        %dma_start3A_73 = tpu.memref_slice %arg19[%add3A_33, %dma_start3A] : memref<8464x128xf32, #tpu.memory_space<vmem_shared>> -> memref<128x128xf32, #tpu.memory_space<vmem_shared>>
        %dma_start3A_74 = arith.constant 0 : i32
        %dma_start3A_75 = tpu.memref_slice %arg19[%add3A_33, %dma_start3A_74] : memref<8464x128xf32, #tpu.memory_space<vmem_shared>> -> memref<128x128xf32, #tpu.memory_space<vmem_shared>>
        tpu.enqueue_dma source(%arg16 : memref<128x128xf32, #tpu.memory_space<vmem>>) target(%dma_start3A_75 : memref<128x128xf32, #tpu.memory_space<vmem_shared>>) target_semaphore(%run_scoped3A : memref<!tpu.dma_semaphore, #tpu.memory_space<semaphore_mem>>)
        %dma_wait3A = arith.constant 0 : i32
        %dma_wait3A_76 = tpu.memref_slice %arg19[%add3A_33, %dma_wait3A] : memref<8464x128xf32, #tpu.memory_space<vmem_shared>> -> memref<128x128xf32, #tpu.memory_space<vmem_shared>>
        %dma_wait3A_77 = arith.constant 0 : i32
        %dma_wait3A_78 = tpu.memref_slice %arg19[%add3A_33, %dma_wait3A_77] : memref<8464x128xf32, #tpu.memory_space<vmem_shared>> -> memref<128x128xf32, #tpu.memory_space<vmem_shared>>
        tpu.wait_dma2 semaphore(%run_scoped3A : memref<!tpu.dma_semaphore, #tpu.memory_space<semaphore_mem>>) src(%arg16 : memref<128x128xf32, #tpu.memory_space<vmem>>) dst(%dma_wait3A_78 : memref<128x128xf32, #tpu.memory_space<vmem_shared>>)
        tpu.yield
      }) : () -> ()
      %mul3A_34 = arith.constant 528 : i32
      %mul3A_35 = arith.muli %arg1, %mul3A_34 : i32
      %add3A_36 = arith.constant 128 : i32
      %add3A_37 = arith.addi %mul3A_35, %add3A_36 : i32
      "tpu.region"() ({
        %run_scoped3A = tpu.sem_alloc : memref<!tpu.dma_semaphore, #tpu.memory_space<semaphore_mem>>
        %dma_start3A = arith.constant 0 : i32
        %dma_start3A_73 = tpu.memref_slice %arg19[%add3A_37, %dma_start3A] : memref<8464x128xf32, #tpu.memory_space<vmem_shared>> -> memref<128x128xf32, #tpu.memory_space<vmem_shared>>
        %dma_start3A_74 = arith.constant 0 : i32
        %dma_start3A_75 = tpu.memref_slice %arg19[%add3A_37, %dma_start3A_74] : memref<8464x128xf32, #tpu.memory_space<vmem_shared>> -> memref<128x128xf32, #tpu.memory_space<vmem_shared>>
        tpu.enqueue_dma source(%arg16 : memref<128x128xf32, #tpu.memory_space<vmem>>) target(%dma_start3A_75 : memref<128x128xf32, #tpu.memory_space<vmem_shared>>) target_semaphore(%run_scoped3A : memref<!tpu.dma_semaphore, #tpu.memory_space<semaphore_mem>>)
        %dma_wait3A = arith.constant 0 : i32
        %dma_wait3A_76 = tpu.memref_slice %arg19[%add3A_37, %dma_wait3A] : memref<8464x128xf32, #tpu.memory_space<vmem_shared>> -> memref<128x128xf32, #tpu.memory_space<vmem_shared>>
        %dma_wait3A_77 = arith.constant 0 : i32
        %dma_wait3A_78 = tpu.memref_slice %arg19[%add3A_37, %dma_wait3A_77] : memref<8464x128xf32, #tpu.memory_space<vmem_shared>> -> memref<128x128xf32, #tpu.memory_space<vmem_shared>>
        tpu.wait_dma2 semaphore(%run_scoped3A : memref<!tpu.dma_semaphore, #tpu.memory_space<semaphore_mem>>) src(%arg16 : memref<128x128xf32, #tpu.memory_space<vmem>>) dst(%dma_wait3A_78 : memref<128x128xf32, #tpu.memory_space<vmem_shared>>)
        tpu.yield
      }) : () -> ()
      %mul3A_38 = arith.constant 528 : i32
      %mul3A_39 = arith.muli %arg1, %mul3A_38 : i32
      %add3A_40 = arith.constant 256 : i32
      %add3A_41 = arith.addi %mul3A_39, %add3A_40 : i32
      "tpu.region"() ({
        %run_scoped3A = tpu.sem_alloc : memref<!tpu.dma_semaphore, #tpu.memory_space<semaphore_mem>>
        %dma_start3A = arith.constant 0 : i32
        %dma_start3A_73 = tpu.memref_slice %arg19[%add3A_41, %dma_start3A] : memref<8464x128xf32, #tpu.memory_space<vmem_shared>> -> memref<128x128xf32, #tpu.memory_space<vmem_shared>>
        %dma_start3A_74 = arith.constant 0 : i32
        %dma_start3A_75 = tpu.memref_slice %arg19[%add3A_41, %dma_start3A_74] : memref<8464x128xf32, #tpu.memory_space<vmem_shared>> -> memref<128x128xf32, #tpu.memory_space<vmem_shared>>
        tpu.enqueue_dma source(%arg16 : memref<128x128xf32, #tpu.memory_space<vmem>>) target(%dma_start3A_75 : memref<128x128xf32, #tpu.memory_space<vmem_shared>>) target_semaphore(%run_scoped3A : memref<!tpu.dma_semaphore, #tpu.memory_space<semaphore_mem>>)
        %dma_wait3A = arith.constant 0 : i32
        %dma_wait3A_76 = tpu.memref_slice %arg19[%add3A_41, %dma_wait3A] : memref<8464x128xf32, #tpu.memory_space<vmem_shared>> -> memref<128x128xf32, #tpu.memory_space<vmem_shared>>
        %dma_wait3A_77 = arith.constant 0 : i32
        %dma_wait3A_78 = tpu.memref_slice %arg19[%add3A_41, %dma_wait3A_77] : memref<8464x128xf32, #tpu.memory_space<vmem_shared>> -> memref<128x128xf32, #tpu.memory_space<vmem_shared>>
        tpu.wait_dma2 semaphore(%run_scoped3A : memref<!tpu.dma_semaphore, #tpu.memory_space<semaphore_mem>>) src(%arg16 : memref<128x128xf32, #tpu.memory_space<vmem>>) dst(%dma_wait3A_78 : memref<128x128xf32, #tpu.memory_space<vmem_shared>>)
        tpu.yield
      }) : () -> ()
      %mul3A_42 = arith.constant 528 : i32
      %mul3A_43 = arith.muli %arg1, %mul3A_42 : i32
      %add3A_44 = arith.constant 384 : i32
      %add3A_45 = arith.addi %mul3A_43, %add3A_44 : i32
      "tpu.region"() ({
        %run_scoped3A = tpu.sem_alloc : memref<!tpu.dma_semaphore, #tpu.memory_space<semaphore_mem>>
        %dma_start3A = arith.constant 0 : i32
        %dma_start3A_73 = tpu.memref_slice %arg19[%add3A_45, %dma_start3A] : memref<8464x128xf32, #tpu.memory_space<vmem_shared>> -> memref<128x128xf32, #tpu.memory_space<vmem_shared>>
        %dma_start3A_74 = arith.constant 0 : i32
        %dma_start3A_75 = tpu.memref_slice %arg19[%add3A_45, %dma_start3A_74] : memref<8464x128xf32, #tpu.memory_space<vmem_shared>> -> memref<128x128xf32, #tpu.memory_space<vmem_shared>>
        tpu.enqueue_dma source(%arg16 : memref<128x128xf32, #tpu.memory_space<vmem>>) target(%dma_start3A_75 : memref<128x128xf32, #tpu.memory_space<vmem_shared>>) target_semaphore(%run_scoped3A : memref<!tpu.dma_semaphore, #tpu.memory_space<semaphore_mem>>)
        %dma_wait3A = arith.constant 0 : i32
        %dma_wait3A_76 = tpu.memref_slice %arg19[%add3A_45, %dma_wait3A] : memref<8464x128xf32, #tpu.memory_space<vmem_shared>> -> memref<128x128xf32, #tpu.memory_space<vmem_shared>>
        %dma_wait3A_77 = arith.constant 0 : i32
        %dma_wait3A_78 = tpu.memref_slice %arg19[%add3A_45, %dma_wait3A_77] : memref<8464x128xf32, #tpu.memory_space<vmem_shared>> -> memref<128x128xf32, #tpu.memory_space<vmem_shared>>
        tpu.wait_dma2 semaphore(%run_scoped3A : memref<!tpu.dma_semaphore, #tpu.memory_space<semaphore_mem>>) src(%arg16 : memref<128x128xf32, #tpu.memory_space<vmem>>) dst(%dma_wait3A_78 : memref<128x128xf32, #tpu.memory_space<vmem_shared>>)
        tpu.yield
      }) : () -> ()
      %mul3A_46 = arith.constant 528 : i32
      %mul3A_47 = arith.muli %arg1, %mul3A_46 : i32
      %add3A_48 = arith.constant 512 : i32
      %add3A_49 = arith.addi %mul3A_47, %add3A_48 : i32
      "tpu.region"() ({
        %run_scoped3A = tpu.sem_alloc : memref<!tpu.dma_semaphore, #tpu.memory_space<semaphore_mem>>
        %dma_start3A = arith.constant 0 : i32
        %dma_start3A_73 = arith.constant 0 : i32
        %dma_start3A_74 = tpu.memref_slice %arg16[%dma_start3A, %dma_start3A_73] : memref<128x128xf32, #tpu.memory_space<vmem>> -> memref<16x128xf32, #tpu.memory_space<vmem>>
        %dma_start3A_75 = arith.constant 0 : i32
        %dma_start3A_76 = tpu.memref_slice %arg19[%add3A_49, %dma_start3A_75] : memref<8464x128xf32, #tpu.memory_space<vmem_shared>> -> memref<16x128xf32, #tpu.memory_space<vmem_shared>>
        %dma_start3A_77 = arith.constant 0 : i32
        %dma_start3A_78 = tpu.memref_slice %arg19[%add3A_49, %dma_start3A_77] : memref<8464x128xf32, #tpu.memory_space<vmem_shared>> -> memref<16x128xf32, #tpu.memory_space<vmem_shared>>
        %dma_start3A_79 = arith.constant 0 : i32
        %dma_start3A_80 = arith.constant 0 : i32
        %dma_start3A_81 = tpu.memref_slice %arg16[%dma_start3A_79, %dma_start3A_80] : memref<128x128xf32, #tpu.memory_space<vmem>> -> memref<16x128xf32, #tpu.memory_space<vmem>>
        tpu.enqueue_dma source(%dma_start3A_81 : memref<16x128xf32, #tpu.memory_space<vmem>>) target(%dma_start3A_78 : memref<16x128xf32, #tpu.memory_space<vmem_shared>>) target_semaphore(%run_scoped3A : memref<!tpu.dma_semaphore, #tpu.memory_space<semaphore_mem>>)
        %dma_wait3A = arith.constant 0 : i32
        %dma_wait3A_82 = arith.constant 0 : i32
        %dma_wait3A_83 = tpu.memref_slice %arg16[%dma_wait3A, %dma_wait3A_82] : memref<128x128xf32, #tpu.memory_space<vmem>> -> memref<16x128xf32, #tpu.memory_space<vmem>>
        %dma_wait3A_84 = arith.constant 0 : i32
        %dma_wait3A_85 = tpu.memref_slice %arg19[%add3A_49, %dma_wait3A_84] : memref<8464x128xf32, #tpu.memory_space<vmem_shared>> -> memref<16x128xf32, #tpu.memory_space<vmem_shared>>
        %dma_wait3A_86 = arith.constant 0 : i32
        %dma_wait3A_87 = tpu.memref_slice %arg19[%add3A_49, %dma_wait3A_86] : memref<8464x128xf32, #tpu.memory_space<vmem_shared>> -> memref<16x128xf32, #tpu.memory_space<vmem_shared>>
        %dma_wait3A_88 = arith.constant 0 : i32
        %dma_wait3A_89 = arith.constant 0 : i32
        %dma_wait3A_90 = tpu.memref_slice %arg16[%dma_wait3A_88, %dma_wait3A_89] : memref<128x128xf32, #tpu.memory_space<vmem>> -> memref<16x128xf32, #tpu.memory_space<vmem>>
        tpu.wait_dma2 semaphore(%run_scoped3A : memref<!tpu.dma_semaphore, #tpu.memory_space<semaphore_mem>>) src(%dma_wait3A_90 : memref<16x128xf32, #tpu.memory_space<vmem>>) dst(%dma_wait3A_87 : memref<16x128xf32, #tpu.memory_space<vmem_shared>>)
        tpu.yield
      }) : () -> ()
      %barrier3A = arith.constant 0 : index
      tpu.barrier barrier_id(%barrier3A)
      %scan3A_50 = arith.constant 0 : i32
      %scan3A_51 = arith.constant 0 : i32
      %scan3A_52 = arith.constant 529 : i32
      %scan3A_53 = arith.addi %scan3A_51, %scan3A_52 : i32
      %scan3A_54 = arith.constant 1 : i32
      scf.for %scan3A_73 = %scan3A_51 to %scan3A_53 step %scan3A_54  : i32 {
        %mul3A_74 = arith.constant 16 : i32
        %mul3A_75 = arith.muli %scan3A_73, %mul3A_74 : i32
        %swap3A = arith.index_cast %mul3A_75 : i32 to index
        %swap3A_76 = tpu.vector_load %arg20[%swap3A] {strides = array<i32>} : memref<8464xf32, #tpu.memory_space<vmem>>, vector<16xf32>,
        tpu.vector_store %arg20[%swap3A], %broadcast_in_dim3A_6 {strides = array<i32>} : memref<8464xf32, #tpu.memory_space<vmem>>, vector<16xf32>,
      }
      %scan3A_55 = arith.constant 529 : i32
      %scan3A_56 = arith.constant 0 : i32
      %scan3A_57 = arith.constant 0 : i32
      %scan3A_58 = arith.constant 3 : i32
      %scan3A_59 = arith.addi %scan3A_57, %scan3A_58 : i32
      %scan3A_60 = arith.constant 1 : i32
      scf.for %scan3A_73 = %scan3A_57 to %scan3A_59 step %scan3A_60  : i32 {
        %mul3A_74 = arith.constant 18816 : i32
        %mul3A_75 = arith.muli %arg1, %mul3A_74 : i32
        %mul3A_76 = arith.constant 6272 : i32
        %mul3A_77 = arith.muli %scan3A_73, %mul3A_76 : i32
        %add3A_78 = arith.addi %mul3A_75, %mul3A_77 : i32
        "tpu.region"() ({
          %run_scoped3A = tpu.sem_alloc : memref<!tpu.dma_semaphore, #tpu.memory_space<semaphore_mem>>
          %dma_start3A = tpu.memref_slice %arg4[%add3A_78] : memref<301056xi32, #tpu.memory_space<hbm>> -> memref<6272xi32, #tpu.memory_space<hbm>>
          %dma_start3A_204 = tpu.memref_slice %arg4[%add3A_78] : memref<301056xi32, #tpu.memory_space<hbm>> -> memref<6272xi32, #tpu.memory_space<hbm>>
          tpu.enqueue_dma source(%dma_start3A_204 : memref<6272xi32, #tpu.memory_space<hbm>>) target(%arg12 : memref<6272xi32, #tpu.memory_space<vmem>>) target_semaphore(%run_scoped3A : memref<!tpu.dma_semaphore, #tpu.memory_space<semaphore_mem>>)
          %dma_wait3A = tpu.memref_slice %arg4[%add3A_78] : memref<301056xi32, #tpu.memory_space<hbm>> -> memref<6272xi32, #tpu.memory_space<hbm>>
          %dma_wait3A_205 = tpu.memref_slice %arg4[%add3A_78] : memref<301056xi32, #tpu.memory_space<hbm>> -> memref<6272xi32, #tpu.memory_space<hbm>>
          tpu.wait_dma2 semaphore(%run_scoped3A : memref<!tpu.dma_semaphore, #tpu.memory_space<semaphore_mem>>) src(%dma_wait3A_205 : memref<6272xi32, #tpu.memory_space<hbm>>) dst(%arg12 : memref<6272xi32, #tpu.memory_space<vmem>>)
          tpu.yield
        }) : () -> ()
        "tpu.region"() ({
          %run_scoped3A = tpu.sem_alloc : memref<!tpu.dma_semaphore, #tpu.memory_space<semaphore_mem>>
          %dma_start3A = tpu.memref_slice %arg5[%add3A_78] : memref<301056xi32, #tpu.memory_space<hbm>> -> memref<6272xi32, #tpu.memory_space<hbm>>
          %dma_start3A_204 = tpu.memref_slice %arg5[%add3A_78] : memref<301056xi32, #tpu.memory_space<hbm>> -> memref<6272xi32, #tpu.memory_space<hbm>>
          tpu.enqueue_dma source(%dma_start3A_204 : memref<6272xi32, #tpu.memory_space<hbm>>) target(%arg13 : memref<6272xi32, #tpu.memory_space<vmem>>) target_semaphore(%run_scoped3A : memref<!tpu.dma_semaphore, #tpu.memory_space<semaphore_mem>>)
          %dma_wait3A = tpu.memref_slice %arg5[%add3A_78] : memref<301056xi32, #tpu.memory_space<hbm>> -> memref<6272xi32, #tpu.memory_space<hbm>>
          %dma_wait3A_205 = tpu.memref_slice %arg5[%add3A_78] : memref<301056xi32, #tpu.memory_space<hbm>> -> memref<6272xi32, #tpu.memory_space<hbm>>
          tpu.wait_dma2 semaphore(%run_scoped3A : memref<!tpu.dma_semaphore, #tpu.memory_space<semaphore_mem>>) src(%dma_wait3A_205 : memref<6272xi32, #tpu.memory_space<hbm>>) dst(%arg13 : memref<6272xi32, #tpu.memory_space<vmem>>)
          tpu.yield
        }) : () -> ()
        %scan3A_79 = arith.constant 0 : i32
        %scan3A_80 = arith.constant 0 : i32
        %scan3A_81 = arith.constant 392 : i32
        %scan3A_82 = arith.addi %scan3A_80, %scan3A_81 : i32
        %scan3A_83 = arith.constant 1 : i32
        %scan3A_84 = scf.for %scan3A_204 = %scan3A_80 to %scan3A_82 step %scan3A_83 iter_args(%scan3A_205 = %scan3A_79) -> (i32)  : i32 {
          %mul3A_206 = arith.constant 16 : i32
          %mul3A_207 = arith.muli %scan3A_204, %mul3A_206 : i32
          %get3A = arith.index_cast %mul3A_207 : i32 to index
          %get3A_208 = tpu.vector_load %arg13[%get3A] {strides = array<i32>} : memref<6272xi32, #tpu.memory_space<vmem>>, vector<16xi32>,
          %get3A_209 = arith.index_cast %mul3A_207 : i32 to index
          %get3A_210 = tpu.vector_load %arg12[%get3A_209] {strides = array<i32>} : memref<6272xi32, #tpu.memory_space<vmem>>, vector<16xi32>,
          %ge3A = vector.broadcast %mul3A_21 : i32 to vector<16xi32>
          %ge3A_211 = arith.cmpi sge, %get3A_208, %ge3A : vector<16xi32>
          %add3A_212 = arith.constant 8448 : i32
          %add3A_213 = arith.addi %mul3A_21, %add3A_212 : i32
          %lt3A = vector.broadcast %add3A_213 : i32 to vector<16xi32>
          %lt3A_214 = arith.cmpi slt, %get3A_208, %lt3A : vector<16xi32>
          %and3A_215 = arith.andi %ge3A_211, %lt3A_214 : vector<16xi1>
          %convert_element_type3A = arith.extui %and3A_215 : vector<16xi1> to vector<16xi32>
          %broadcast_in_dim3A_216 = arith.constant true
          %broadcast_in_dim3A_217 = vector.broadcast %broadcast_in_dim3A_216 : i1 to vector<16xi1>
          %masked_cumsum3A = tpu.scan <sum>, %convert_element_type3A masked %broadcast_in_dim3A_217 : vector<16xi32>, vector<16xi1> -> vector<16xi32>
          %add3A_218 = vector.broadcast %scan3A_205 : i32 to vector<16xi32>
          %add3A_219 = arith.addi %add3A_218, %masked_cumsum3A : vector<16xi32>
          %sub3A_220 = arith.subi %add3A_219, %convert_element_type3A : vector<16xi32>
          tpu.vector_store_idx %arg14[%sub3A_220], %get3A_210 masked %and3A_215 : memref<6400xi32, #tpu.memory_space<vmem>>[vector<16xi32>], vector<16xi32>, vector<16xi1>
          %shift_right_arithmetic3A_221 = arith.constant 7 : i32
          %shift_right_arithmetic3A_222 = vector.broadcast %shift_right_arithmetic3A_221 : i32 to vector<16xi32>
          %shift_right_arithmetic3A_223 = arith.shrsi %sub3A_220, %shift_right_arithmetic3A_222 : vector<16xi32>
          %and3A_224 = arith.constant 127 : i32
          %and3A_225 = vector.broadcast %and3A_224 : i32 to vector<16xi32>
          %and3A_226 = arith.andi %sub3A_220, %and3A_225 : vector<16xi32>
          %sub3A_227 = vector.broadcast %mul3A_21 : i32 to vector<16xi32>
          %sub3A_228 = arith.subi %get3A_208, %sub3A_227 : vector<16xi32>
          tpu.vector_store_idx %arg15[%shift_right_arithmetic3A_223, %and3A_226], %sub3A_228 masked %and3A_215 : memref<50x128xi32, #tpu.memory_space<vmem>>[vector<16xi32>, vector<16xi32>], vector<16xi32>, vector<16xi1>
          %reduce_sum3A = arith.constant true
          %reduce_sum3A_229 = vector.broadcast %reduce_sum3A : i1 to vector<16xi1>
          %reduce_sum3A_230 = tpu.scan <sum>, %convert_element_type3A masked %reduce_sum3A_229 : vector<16xi32>, vector<16xi1> -> vector<16xi32>
          %reduce_sum3A_231 = vector.extract %reduce_sum3A_230[15] : i32 from vector<16xi32>
          %add3A_232 = arith.addi %scan3A_205, %reduce_sum3A_231 : i32
          scf.yield %add3A_232 : i32
        }
        %scan3A_85 = arith.constant 392 : i32
        %add3A_86 = arith.constant 0 : i32
        %add3A_87 = arith.addi %scan3A_84, %add3A_86 : i32
        %add3A_88 = vector.broadcast %add3A_87 : i32 to vector<16xi32>
        %add3A_89 = arith.addi %add3A_88, %iota3A : vector<16xi32>
        tpu.vector_store_idx %arg14[%add3A_89], %broadcast_in_dim3A_0 : memref<6400xi32, #tpu.memory_space<vmem>>[vector<16xi32>], vector<16xi32>,
        %shift_right_arithmetic3A = arith.constant 7 : i32
        %shift_right_arithmetic3A_90 = vector.broadcast %shift_right_arithmetic3A : i32 to vector<16xi32>
        %shift_right_arithmetic3A_91 = arith.shrsi %add3A_89, %shift_right_arithmetic3A_90 : vector<16xi32>
        %and3A = arith.constant 127 : i32
        %and3A_92 = vector.broadcast %and3A : i32 to vector<16xi32>
        %and3A_93 = arith.andi %add3A_89, %and3A_92 : vector<16xi32>
        tpu.vector_store_idx %arg15[%shift_right_arithmetic3A_91, %and3A_93], %broadcast_in_dim3A_2 : memref<50x128xi32, #tpu.memory_space<vmem>>[vector<16xi32>, vector<16xi32>], vector<16xi32>,
        %add3A_94 = arith.constant 16 : i32
        %add3A_95 = arith.addi %scan3A_84, %add3A_94 : i32
        %add3A_96 = vector.broadcast %add3A_95 : i32 to vector<16xi32>
        %add3A_97 = arith.addi %add3A_96, %iota3A : vector<16xi32>
        tpu.vector_store_idx %arg14[%add3A_97], %broadcast_in_dim3A_0 : memref<6400xi32, #tpu.memory_space<vmem>>[vector<16xi32>], vector<16xi32>,
        %shift_right_arithmetic3A_98 = arith.constant 7 : i32
        %shift_right_arithmetic3A_99 = vector.broadcast %shift_right_arithmetic3A_98 : i32 to vector<16xi32>
        %shift_right_arithmetic3A_100 = arith.shrsi %add3A_97, %shift_right_arithmetic3A_99 : vector<16xi32>
        %and3A_101 = arith.constant 127 : i32
        %and3A_102 = vector.broadcast %and3A_101 : i32 to vector<16xi32>
        %and3A_103 = arith.andi %add3A_97, %and3A_102 : vector<16xi32>
        tpu.vector_store_idx %arg15[%shift_right_arithmetic3A_100, %and3A_103], %broadcast_in_dim3A_2 : memref<50x128xi32, #tpu.memory_space<vmem>>[vector<16xi32>, vector<16xi32>], vector<16xi32>,
        %add3A_104 = arith.constant 32 : i32
        %add3A_105 = arith.addi %scan3A_84, %add3A_104 : i32
        %add3A_106 = vector.broadcast %add3A_105 : i32 to vector<16xi32>
        %add3A_107 = arith.addi %add3A_106, %iota3A : vector<16xi32>
        tpu.vector_store_idx %arg14[%add3A_107], %broadcast_in_dim3A_0 : memref<6400xi32, #tpu.memory_space<vmem>>[vector<16xi32>], vector<16xi32>,
        %shift_right_arithmetic3A_108 = arith.constant 7 : i32
        %shift_right_arithmetic3A_109 = vector.broadcast %shift_right_arithmetic3A_108 : i32 to vector<16xi32>
        %shift_right_arithmetic3A_110 = arith.shrsi %add3A_107, %shift_right_arithmetic3A_109 : vector<16xi32>
        %and3A_111 = arith.constant 127 : i32
        %and3A_112 = vector.broadcast %and3A_111 : i32 to vector<16xi32>
        %and3A_113 = arith.andi %add3A_107, %and3A_112 : vector<16xi32>
        tpu.vector_store_idx %arg15[%shift_right_arithmetic3A_110, %and3A_113], %broadcast_in_dim3A_2 : memref<50x128xi32, #tpu.memory_space<vmem>>[vector<16xi32>, vector<16xi32>], vector<16xi32>,
        %add3A_114 = arith.constant 48 : i32
        %add3A_115 = arith.addi %scan3A_84, %add3A_114 : i32
        %add3A_116 = vector.broadcast %add3A_115 : i32 to vector<16xi32>
        %add3A_117 = arith.addi %add3A_116, %iota3A : vector<16xi32>
        tpu.vector_store_idx %arg14[%add3A_117], %broadcast_in_dim3A_0 : memref<6400xi32, #tpu.memory_space<vmem>>[vector<16xi32>], vector<16xi32>,
        %shift_right_arithmetic3A_118 = arith.constant 7 : i32
        %shift_right_arithmetic3A_119 = vector.broadcast %shift_right_arithmetic3A_118 : i32 to vector<16xi32>
        %shift_right_arithmetic3A_120 = arith.shrsi %add3A_117, %shift_right_arithmetic3A_119 : vector<16xi32>
        %and3A_121 = arith.constant 127 : i32
        %and3A_122 = vector.broadcast %and3A_121 : i32 to vector<16xi32>
        %and3A_123 = arith.andi %add3A_117, %and3A_122 : vector<16xi32>
        tpu.vector_store_idx %arg15[%shift_right_arithmetic3A_120, %and3A_123], %broadcast_in_dim3A_2 : memref<50x128xi32, #tpu.memory_space<vmem>>[vector<16xi32>, vector<16xi32>], vector<16xi32>,
        %add3A_124 = arith.constant 64 : i32
        %add3A_125 = arith.addi %scan3A_84, %add3A_124 : i32
        %add3A_126 = vector.broadcast %add3A_125 : i32 to vector<16xi32>
        %add3A_127 = arith.addi %add3A_126, %iota3A : vector<16xi32>
        tpu.vector_store_idx %arg14[%add3A_127], %broadcast_in_dim3A_0 : memref<6400xi32, #tpu.memory_space<vmem>>[vector<16xi32>], vector<16xi32>,
        %shift_right_arithmetic3A_128 = arith.constant 7 : i32
        %shift_right_arithmetic3A_129 = vector.broadcast %shift_right_arithmetic3A_128 : i32 to vector<16xi32>
        %shift_right_arithmetic3A_130 = arith.shrsi %add3A_127, %shift_right_arithmetic3A_129 : vector<16xi32>
        %and3A_131 = arith.constant 127 : i32
        %and3A_132 = vector.broadcast %and3A_131 : i32 to vector<16xi32>
        %and3A_133 = arith.andi %add3A_127, %and3A_132 : vector<16xi32>
        tpu.vector_store_idx %arg15[%shift_right_arithmetic3A_130, %and3A_133], %broadcast_in_dim3A_2 : memref<50x128xi32, #tpu.memory_space<vmem>>[vector<16xi32>, vector<16xi32>], vector<16xi32>,
        %add3A_134 = arith.constant 80 : i32
        %add3A_135 = arith.addi %scan3A_84, %add3A_134 : i32
        %add3A_136 = vector.broadcast %add3A_135 : i32 to vector<16xi32>
        %add3A_137 = arith.addi %add3A_136, %iota3A : vector<16xi32>
        tpu.vector_store_idx %arg14[%add3A_137], %broadcast_in_dim3A_0 : memref<6400xi32, #tpu.memory_space<vmem>>[vector<16xi32>], vector<16xi32>,
        %shift_right_arithmetic3A_138 = arith.constant 7 : i32
        %shift_right_arithmetic3A_139 = vector.broadcast %shift_right_arithmetic3A_138 : i32 to vector<16xi32>
        %shift_right_arithmetic3A_140 = arith.shrsi %add3A_137, %shift_right_arithmetic3A_139 : vector<16xi32>
        %and3A_141 = arith.constant 127 : i32
        %and3A_142 = vector.broadcast %and3A_141 : i32 to vector<16xi32>
        %and3A_143 = arith.andi %add3A_137, %and3A_142 : vector<16xi32>
        tpu.vector_store_idx %arg15[%shift_right_arithmetic3A_140, %and3A_143], %broadcast_in_dim3A_2 : memref<50x128xi32, #tpu.memory_space<vmem>>[vector<16xi32>, vector<16xi32>], vector<16xi32>,
        %add3A_144 = arith.constant 96 : i32
        %add3A_145 = arith.addi %scan3A_84, %add3A_144 : i32
        %add3A_146 = vector.broadcast %add3A_145 : i32 to vector<16xi32>
        %add3A_147 = arith.addi %add3A_146, %iota3A : vector<16xi32>
        tpu.vector_store_idx %arg14[%add3A_147], %broadcast_in_dim3A_0 : memref<6400xi32, #tpu.memory_space<vmem>>[vector<16xi32>], vector<16xi32>,
        %shift_right_arithmetic3A_148 = arith.constant 7 : i32
        %shift_right_arithmetic3A_149 = vector.broadcast %shift_right_arithmetic3A_148 : i32 to vector<16xi32>
        %shift_right_arithmetic3A_150 = arith.shrsi %add3A_147, %shift_right_arithmetic3A_149 : vector<16xi32>
        %and3A_151 = arith.constant 127 : i32
        %and3A_152 = vector.broadcast %and3A_151 : i32 to vector<16xi32>
        %and3A_153 = arith.andi %add3A_147, %and3A_152 : vector<16xi32>
        tpu.vector_store_idx %arg15[%shift_right_arithmetic3A_150, %and3A_153], %broadcast_in_dim3A_2 : memref<50x128xi32, #tpu.memory_space<vmem>>[vector<16xi32>, vector<16xi32>], vector<16xi32>,
        %add3A_154 = arith.constant 112 : i32
        %add3A_155 = arith.addi %scan3A_84, %add3A_154 : i32
        %add3A_156 = vector.broadcast %add3A_155 : i32 to vector<16xi32>
        %add3A_157 = arith.addi %add3A_156, %iota3A : vector<16xi32>
        tpu.vector_store_idx %arg14[%add3A_157], %broadcast_in_dim3A_0 : memref<6400xi32, #tpu.memory_space<vmem>>[vector<16xi32>], vector<16xi32>,
        %shift_right_arithmetic3A_158 = arith.constant 7 : i32
        %shift_right_arithmetic3A_159 = vector.broadcast %shift_right_arithmetic3A_158 : i32 to vector<16xi32>
        %shift_right_arithmetic3A_160 = arith.shrsi %add3A_157, %shift_right_arithmetic3A_159 : vector<16xi32>
        %and3A_161 = arith.constant 127 : i32
        %and3A_162 = vector.broadcast %and3A_161 : i32 to vector<16xi32>
        %and3A_163 = arith.andi %add3A_157, %and3A_162 : vector<16xi32>
        tpu.vector_store_idx %arg15[%shift_right_arithmetic3A_160, %and3A_163], %broadcast_in_dim3A_2 : memref<50x128xi32, #tpu.memory_space<vmem>>[vector<16xi32>, vector<16xi32>], vector<16xi32>,
        %add3A_164 = arith.constant 128 : i32
        %add3A_165 = arith.addi %scan3A_84, %add3A_164 : i32
        %sub3A = arith.constant 1 : i32
        %sub3A_166 = arith.subi %add3A_165, %sub3A : i32
        %jit3A = arith.constant 128 : i32
        %div3A = arith.divsi %sub3A_166, %jit3A : i32
        %sign3A = arith.constant 0 : i32
        %sign3A_167 = arith.cmpi sgt, %sub3A_166, %sign3A : i32
        %sign3A_168 = arith.extui %sign3A_167 : i1 to i32
        %sign3A_169 = arith.constant 0 : i32
        %sign3A_170 = arith.cmpi slt, %sub3A_166, %sign3A_169 : i32
        %sign3A_171 = arith.extui %sign3A_170 : i1 to i32
        %sign3A_172 = arith.subi %sign3A_168, %sign3A_171 : i32
        %sign3A_173 = arith.constant 0 : i32
        %sign3A_174 = arith.cmpi sgt, %jit3A, %sign3A_173 : i32
        %sign3A_175 = arith.extui %sign3A_174 : i1 to i32
        %sign3A_176 = arith.constant 0 : i32
        %sign3A_177 = arith.cmpi slt, %jit3A, %sign3A_176 : i32
        %sign3A_178 = arith.extui %sign3A_177 : i1 to i32
        %sign3A_179 = arith.subi %sign3A_175, %sign3A_178 : i32
        %ne3A = arith.cmpi ne, %sign3A_172, %sign3A_179 : i32
        %rem3A = arith.remsi %sub3A_166, %jit3A : i32
        %ne3A_180 = arith.constant 0 : i32
        %ne3A_181 = arith.cmpi ne, %rem3A, %ne3A_180 : i32
        %and3A_182 = arith.andi %ne3A, %ne3A_181 : i1
        %sub3A_183 = arith.constant 1 : i32
        %sub3A_184 = arith.subi %div3A, %sub3A_183 : i32
        %select_n3A = arith.select %and3A_182, %sub3A_184, %div3A : i32
        %while3A = arith.constant 0 : i32
        %while3A_185 = arith.constant 0 : i32
        %while3A_186 = arith.subi %select_n3A, %while3A_185 : i32
        %while3A_187 = arith.addi %while3A_185, %while3A_186 : i32
        %while3A_188 = arith.constant 1 : i32
        %while3A_189 = arith.divsi %while3A_186, %while3A_188 : i32
        %while3A_190 = arith.muli %while3A_189, %while3A_188 : i32
        %while3A_191 = arith.addi %while3A_185, %while3A_190 : i32
        %while3A_192 = arith.constant 1 : i32
        scf.for %while3A_204 = %while3A_185 to %while3A_191 step %while3A_192  : i32 {
          %get3A = arith.index_cast %while3A_204 : i32 to index
          %get3A_205 = arith.constant 0 : index
          %get3A_206 = tpu.vector_load %arg15[%get3A, %get3A_205] {strides = array<i32>} : memref<50x128xi32, #tpu.memory_space<vmem>>, vector<16xi32>,
          tpu.vector_store_idx %arg20[%get3A_206], %broadcast_in_dim3A_4 {add = true} : memref<8464xf32, #tpu.memory_space<vmem>>[vector<16xi32>], vector<16xf32>,
          %get3A_207 = arith.index_cast %while3A_204 : i32 to index
          %get3A_208 = arith.constant 16 : index
          %get3A_209 = tpu.vector_load %arg15[%get3A_207, %get3A_208] {strides = array<i32>} : memref<50x128xi32, #tpu.memory_space<vmem>>, vector<16xi32>,
          tpu.vector_store_idx %arg20[%get3A_209], %broadcast_in_dim3A_4 {add = true} : memref<8464xf32, #tpu.memory_space<vmem>>[vector<16xi32>], vector<16xf32>,
          %get3A_210 = arith.index_cast %while3A_204 : i32 to index
          %get3A_211 = arith.constant 32 : index
          %get3A_212 = tpu.vector_load %arg15[%get3A_210, %get3A_211] {strides = array<i32>} : memref<50x128xi32, #tpu.memory_space<vmem>>, vector<16xi32>,
          tpu.vector_store_idx %arg20[%get3A_212], %broadcast_in_dim3A_4 {add = true} : memref<8464xf32, #tpu.memory_space<vmem>>[vector<16xi32>], vector<16xf32>,
          %get3A_213 = arith.index_cast %while3A_204 : i32 to index
          %get3A_214 = arith.constant 48 : index
          %get3A_215 = tpu.vector_load %arg15[%get3A_213, %get3A_214] {strides = array<i32>} : memref<50x128xi32, #tpu.memory_space<vmem>>, vector<16xi32>,
          tpu.vector_store_idx %arg20[%get3A_215], %broadcast_in_dim3A_4 {add = true} : memref<8464xf32, #tpu.memory_space<vmem>>[vector<16xi32>], vector<16xf32>,
          %get3A_216 = arith.index_cast %while3A_204 : i32 to index
          %get3A_217 = arith.constant 64 : index
          %get3A_218 = tpu.vector_load %arg15[%get3A_216, %get3A_217] {strides = array<i32>} : memref<50x128xi32, #tpu.memory_space<vmem>>, vector<16xi32>,
          tpu.vector_store_idx %arg20[%get3A_218], %broadcast_in_dim3A_4 {add = true} : memref<8464xf32, #tpu.memory_space<vmem>>[vector<16xi32>], vector<16xf32>,
          %get3A_219 = arith.index_cast %while3A_204 : i32 to index
          %get3A_220 = arith.constant 80 : index
          %get3A_221 = tpu.vector_load %arg15[%get3A_219, %get3A_220] {strides = array<i32>} : memref<50x128xi32, #tpu.memory_space<vmem>>, vector<16xi32>,
          tpu.vector_store_idx %arg20[%get3A_221], %broadcast_in_dim3A_4 {add = true} : memref<8464xf32, #tpu.memory_space<vmem>>[vector<16xi32>], vector<16xf32>,
          %get3A_222 = arith.index_cast %while3A_204 : i32 to index
          %get3A_223 = arith.constant 96 : index
          %get3A_224 = tpu.vector_load %arg15[%get3A_222, %get3A_223] {strides = array<i32>} : memref<50x128xi32, #tpu.memory_space<vmem>>, vector<16xi32>,
          tpu.vector_store_idx %arg20[%get3A_224], %broadcast_in_dim3A_4 {add = true} : memref<8464xf32, #tpu.memory_space<vmem>>[vector<16xi32>], vector<16xf32>,
          %get3A_225 = arith.index_cast %while3A_204 : i32 to index
          %get3A_226 = arith.constant 112 : index
          %get3A_227 = tpu.vector_load %arg15[%get3A_225, %get3A_226] {strides = array<i32>} : memref<50x128xi32, #tpu.memory_space<vmem>>, vector<16xi32>,
          tpu.vector_store_idx %arg20[%get3A_227], %broadcast_in_dim3A_4 {add = true} : memref<8464xf32, #tpu.memory_space<vmem>>[vector<16xi32>], vector<16xf32>,
        }
        %while3A_193 = arith.constant 1 : i32
        scf.for %while3A_204 = %while3A_191 to %while3A_187 step %while3A_193  : i32 {
          %get3A = arith.index_cast %while3A_204 : i32 to index
          %get3A_205 = arith.constant 0 : index
          %get3A_206 = tpu.vector_load %arg15[%get3A, %get3A_205] {strides = array<i32>} : memref<50x128xi32, #tpu.memory_space<vmem>>, vector<16xi32>,
          tpu.vector_store_idx %arg20[%get3A_206], %broadcast_in_dim3A_4 {add = true} : memref<8464xf32, #tpu.memory_space<vmem>>[vector<16xi32>], vector<16xf32>,
          %get3A_207 = arith.index_cast %while3A_204 : i32 to index
          %get3A_208 = arith.constant 16 : index
          %get3A_209 = tpu.vector_load %arg15[%get3A_207, %get3A_208] {strides = array<i32>} : memref<50x128xi32, #tpu.memory_space<vmem>>, vector<16xi32>,
          tpu.vector_store_idx %arg20[%get3A_209], %broadcast_in_dim3A_4 {add = true} : memref<8464xf32, #tpu.memory_space<vmem>>[vector<16xi32>], vector<16xf32>,
          %get3A_210 = arith.index_cast %while3A_204 : i32 to index
          %get3A_211 = arith.constant 32 : index
          %get3A_212 = tpu.vector_load %arg15[%get3A_210, %get3A_211] {strides = array<i32>} : memref<50x128xi32, #tpu.memory_space<vmem>>, vector<16xi32>,
          tpu.vector_store_idx %arg20[%get3A_212], %broadcast_in_dim3A_4 {add = true} : memref<8464xf32, #tpu.memory_space<vmem>>[vector<16xi32>], vector<16xf32>,
          %get3A_213 = arith.index_cast %while3A_204 : i32 to index
          %get3A_214 = arith.constant 48 : index
          %get3A_215 = tpu.vector_load %arg15[%get3A_213, %get3A_214] {strides = array<i32>} : memref<50x128xi32, #tpu.memory_space<vmem>>, vector<16xi32>,
          tpu.vector_store_idx %arg20[%get3A_215], %broadcast_in_dim3A_4 {add = true} : memref<8464xf32, #tpu.memory_space<vmem>>[vector<16xi32>], vector<16xf32>,
          %get3A_216 = arith.index_cast %while3A_204 : i32 to index
          %get3A_217 = arith.constant 64 : index
          %get3A_218 = tpu.vector_load %arg15[%get3A_216, %get3A_217] {strides = array<i32>} : memref<50x128xi32, #tpu.memory_space<vmem>>, vector<16xi32>,
          tpu.vector_store_idx %arg20[%get3A_218], %broadcast_in_dim3A_4 {add = true} : memref<8464xf32, #tpu.memory_space<vmem>>[vector<16xi32>], vector<16xf32>,
          %get3A_219 = arith.index_cast %while3A_204 : i32 to index
          %get3A_220 = arith.constant 80 : index
          %get3A_221 = tpu.vector_load %arg15[%get3A_219, %get3A_220] {strides = array<i32>} : memref<50x128xi32, #tpu.memory_space<vmem>>, vector<16xi32>,
          tpu.vector_store_idx %arg20[%get3A_221], %broadcast_in_dim3A_4 {add = true} : memref<8464xf32, #tpu.memory_space<vmem>>[vector<16xi32>], vector<16xf32>,
          %get3A_222 = arith.index_cast %while3A_204 : i32 to index
          %get3A_223 = arith.constant 96 : index
          %get3A_224 = tpu.vector_load %arg15[%get3A_222, %get3A_223] {strides = array<i32>} : memref<50x128xi32, #tpu.memory_space<vmem>>, vector<16xi32>,
          tpu.vector_store_idx %arg20[%get3A_224], %broadcast_in_dim3A_4 {add = true} : memref<8464xf32, #tpu.memory_space<vmem>>[vector<16xi32>], vector<16xf32>,
          %get3A_225 = arith.index_cast %while3A_204 : i32 to index
          %get3A_226 = arith.constant 112 : index
          %get3A_227 = tpu.vector_load %arg15[%get3A_225, %get3A_226] {strides = array<i32>} : memref<50x128xi32, #tpu.memory_space<vmem>>, vector<16xi32>,
          tpu.vector_store_idx %arg20[%get3A_227], %broadcast_in_dim3A_4 {add = true} : memref<8464xf32, #tpu.memory_space<vmem>>[vector<16xi32>], vector<16xf32>,
        }
        %while3A_194 = arith.constant 0 : i32
        %while3A_195 = arith.constant 0 : i32
        %while3A_196 = arith.subi %select_n3A, %while3A_195 : i32
        %while3A_197 = arith.addi %while3A_195, %while3A_196 : i32
        %while3A_198 = arith.constant 1 : i32
        %while3A_199 = arith.divsi %while3A_196, %while3A_198 : i32
        %while3A_200 = arith.muli %while3A_199, %while3A_198 : i32
        %while3A_201 = arith.addi %while3A_195, %while3A_200 : i32
        %while3A_202 = arith.constant 1 : i32
        scf.for %while3A_204 = %while3A_195 to %while3A_201 step %while3A_202  : i32 {
          %mul3A_205 = arith.constant 128 : i32
          %mul3A_206 = arith.muli %while3A_204, %mul3A_205 : i32
          %dma_start3A = tpu.memref_slice %arg14[%mul3A_206] : memref<6400xi32, #tpu.memory_space<vmem>> -> memref<128xi32, #tpu.memory_space<vmem>>
          %dma_start3A_207 = arith.constant 0 : i32
          %dma_start3A_208 = arith.constant 0 : i32
          %dma_start3A_209 = tpu.memref_slice %arg2[%dma_start3A_207, %dma_start3A_208] : memref<50000x128xf32, #tpu.memory_space<hbm>> -> memref<50000x128xf32, #tpu.memory_space<hbm>>
          tpu.enqueue_indirect_dma source(%dma_start3A_209 : memref<50000x128xf32, #tpu.memory_space<hbm>>) target(%arg16 : memref<128x128xf32, #tpu.memory_space<vmem>>) offsets(%dma_start3A : memref<128xi32, #tpu.memory_space<vmem>>) semaphore(%arg18 : memref<!tpu.dma_semaphore, #tpu.memory_space<semaphore_mem>>)
          %dma_wait3A = tpu.memref_slice %arg14[%mul3A_206] : memref<6400xi32, #tpu.memory_space<vmem>> -> memref<128xi32, #tpu.memory_space<vmem>>
          %dma_wait3A_210 = arith.constant 0 : i32
          %dma_wait3A_211 = arith.constant 0 : i32
          %dma_wait3A_212 = tpu.memref_slice %arg2[%dma_wait3A_210, %dma_wait3A_211] : memref<50000x128xf32, #tpu.memory_space<hbm>> -> memref<50000x128xf32, #tpu.memory_space<hbm>>
          tpu.wait_indirect_dma semaphore(%arg18 : memref<!tpu.dma_semaphore, #tpu.memory_space<semaphore_mem>>) src(%dma_wait3A_212 : memref<50000x128xf32, #tpu.memory_space<hbm>>) dst(%arg16 : memref<128x128xf32, #tpu.memory_space<vmem>>)
          %get3A = arith.index_cast %while3A_204 : i32 to index
          %get3A_213 = arith.constant 0 : index
          %get3A_214 = tpu.vector_load %arg15[%get3A, %get3A_213] {strides = array<i32>} : memref<50x128xi32, #tpu.memory_space<vmem>>, vector<16xi32>,
          %swap3A = arith.constant 0 : index
          %swap3A_215 = tpu.vector_load %arg17[%swap3A] {strides = array<i32>} : memref<128xi32, #tpu.memory_space<vmem>>, vector<16xi32>,
          tpu.vector_store %arg17[%swap3A], %get3A_214 {strides = array<i32>} : memref<128xi32, #tpu.memory_space<vmem>>, vector<16xi32>,
          %get3A_216 = arith.index_cast %while3A_204 : i32 to index
          %get3A_217 = arith.constant 16 : index
          %get3A_218 = tpu.vector_load %arg15[%get3A_216, %get3A_217] {strides = array<i32>} : memref<50x128xi32, #tpu.memory_space<vmem>>, vector<16xi32>,
          %swap3A_219 = arith.constant 16 : index
          %swap3A_220 = tpu.vector_load %arg17[%swap3A_219] {strides = array<i32>} : memref<128xi32, #tpu.memory_space<vmem>>, vector<16xi32>,
          tpu.vector_store %arg17[%swap3A_219], %get3A_218 {strides = array<i32>} : memref<128xi32, #tpu.memory_space<vmem>>, vector<16xi32>,
          %get3A_221 = arith.index_cast %while3A_204 : i32 to index
          %get3A_222 = arith.constant 32 : index
          %get3A_223 = tpu.vector_load %arg15[%get3A_221, %get3A_222] {strides = array<i32>} : memref<50x128xi32, #tpu.memory_space<vmem>>, vector<16xi32>,
          %swap3A_224 = arith.constant 32 : index
          %swap3A_225 = tpu.vector_load %arg17[%swap3A_224] {strides = array<i32>} : memref<128xi32, #tpu.memory_space<vmem>>, vector<16xi32>,
          tpu.vector_store %arg17[%swap3A_224], %get3A_223 {strides = array<i32>} : memref<128xi32, #tpu.memory_space<vmem>>, vector<16xi32>,
          %get3A_226 = arith.index_cast %while3A_204 : i32 to index
          %get3A_227 = arith.constant 48 : index
          %get3A_228 = tpu.vector_load %arg15[%get3A_226, %get3A_227] {strides = array<i32>} : memref<50x128xi32, #tpu.memory_space<vmem>>, vector<16xi32>,
          %swap3A_229 = arith.constant 48 : index
          %swap3A_230 = tpu.vector_load %arg17[%swap3A_229] {strides = array<i32>} : memref<128xi32, #tpu.memory_space<vmem>>, vector<16xi32>,
          tpu.vector_store %arg17[%swap3A_229], %get3A_228 {strides = array<i32>} : memref<128xi32, #tpu.memory_space<vmem>>, vector<16xi32>,
          %get3A_231 = arith.index_cast %while3A_204 : i32 to index
          %get3A_232 = arith.constant 64 : index
          %get3A_233 = tpu.vector_load %arg15[%get3A_231, %get3A_232] {strides = array<i32>} : memref<50x128xi32, #tpu.memory_space<vmem>>, vector<16xi32>,
          %swap3A_234 = arith.constant 64 : index
          %swap3A_235 = tpu.vector_load %arg17[%swap3A_234] {strides = array<i32>} : memref<128xi32, #tpu.memory_space<vmem>>, vector<16xi32>,
          tpu.vector_store %arg17[%swap3A_234], %get3A_233 {strides = array<i32>} : memref<128xi32, #tpu.memory_space<vmem>>, vector<16xi32>,
          %get3A_236 = arith.index_cast %while3A_204 : i32 to index
          %get3A_237 = arith.constant 80 : index
          %get3A_238 = tpu.vector_load %arg15[%get3A_236, %get3A_237] {strides = array<i32>} : memref<50x128xi32, #tpu.memory_space<vmem>>, vector<16xi32>,
          %swap3A_239 = arith.constant 80 : index
          %swap3A_240 = tpu.vector_load %arg17[%swap3A_239] {strides = array<i32>} : memref<128xi32, #tpu.memory_space<vmem>>, vector<16xi32>,
          tpu.vector_store %arg17[%swap3A_239], %get3A_238 {strides = array<i32>} : memref<128xi32, #tpu.memory_space<vmem>>, vector<16xi32>,
          %get3A_241 = arith.index_cast %while3A_204 : i32 to index
          %get3A_242 = arith.constant 96 : index
          %get3A_243 = tpu.vector_load %arg15[%get3A_241, %get3A_242] {strides = array<i32>} : memref<50x128xi32, #tpu.memory_space<vmem>>, vector<16xi32>,
          %swap3A_244 = arith.constant 96 : index
          %swap3A_245 = tpu.vector_load %arg17[%swap3A_244] {strides = array<i32>} : memref<128xi32, #tpu.memory_space<vmem>>, vector<16xi32>,
          tpu.vector_store %arg17[%swap3A_244], %get3A_243 {strides = array<i32>} : memref<128xi32, #tpu.memory_space<vmem>>, vector<16xi32>,
          %get3A_246 = arith.index_cast %while3A_204 : i32 to index
          %get3A_247 = arith.constant 112 : index
          %get3A_248 = tpu.vector_load %arg15[%get3A_246, %get3A_247] {strides = array<i32>} : memref<50x128xi32, #tpu.memory_space<vmem>>, vector<16xi32>,
          %swap3A_249 = arith.constant 112 : index
          %swap3A_250 = tpu.vector_load %arg17[%swap3A_249] {strides = array<i32>} : memref<128xi32, #tpu.memory_space<vmem>>, vector<16xi32>,
          tpu.vector_store %arg17[%swap3A_249], %get3A_248 {strides = array<i32>} : memref<128xi32, #tpu.memory_space<vmem>>, vector<16xi32>,
          "tpu.region"() ({
            %run_scoped3A = tpu.sem_alloc : memref<!tpu.dma_semaphore, #tpu.memory_space<semaphore_mem>>
            %dma_start3A_251 = arith.constant 0 : i32
            %dma_start3A_252 = arith.constant 0 : i32
            %dma_start3A_253 = tpu.memref_slice %arg19[%dma_start3A_251, %dma_start3A_252] : memref<8464x128xf32, #tpu.memory_space<vmem_shared>> -> memref<8464x128xf32, #tpu.memory_space<vmem_shared>>
            tpu.enqueue_indirect_dma source(%arg16 : memref<128x128xf32, #tpu.memory_space<vmem>>) target(%dma_start3A_253 : memref<8464x128xf32, #tpu.memory_space<vmem_shared>>) offsets(%arg17 : memref<128xi32, #tpu.memory_space<vmem>>) semaphore(%run_scoped3A : memref<!tpu.dma_semaphore, #tpu.memory_space<semaphore_mem>>) {add = true}
            %dma_wait3A_254 = arith.constant 0 : i32
            %dma_wait3A_255 = arith.constant 0 : i32
            %dma_wait3A_256 = tpu.memref_slice %arg19[%dma_wait3A_254, %dma_wait3A_255] : memref<8464x128xf32, #tpu.memory_space<vmem_shared>> -> memref<8464x128xf32, #tpu.memory_space<vmem_shared>>
            tpu.wait_indirect_dma semaphore(%run_scoped3A : memref<!tpu.dma_semaphore, #tpu.memory_space<semaphore_mem>>) src(%arg16 : memref<128x128xf32, #tpu.memory_space<vmem>>) dst(%dma_wait3A_256 : memref<8464x128xf32, #tpu.memory_space<vmem_shared>>)
            tpu.yield
          }) : () -> ()
        }
        %while3A_203 = arith.constant 1 : i32
        scf.for %while3A_204 = %while3A_201 to %while3A_197 step %while3A_203  : i32 {
          %mul3A_205 = arith.constant 128 : i32
          %mul3A_206 = arith.muli %while3A_204, %mul3A_205 : i32
          %dma_start3A = tpu.memref_slice %arg14[%mul3A_206] : memref<6400xi32, #tpu.memory_space<vmem>> -> memref<128xi32, #tpu.memory_space<vmem>>
          %dma_start3A_207 = arith.constant 0 : i32
          %dma_start3A_208 = arith.constant 0 : i32
          %dma_start3A_209 = tpu.memref_slice %arg2[%dma_start3A_207, %dma_start3A_208] : memref<50000x128xf32, #tpu.memory_space<hbm>> -> memref<50000x128xf32, #tpu.memory_space<hbm>>
          tpu.enqueue_indirect_dma source(%dma_start3A_209 : memref<50000x128xf32, #tpu.memory_space<hbm>>) target(%arg16 : memref<128x128xf32, #tpu.memory_space<vmem>>) offsets(%dma_start3A : memref<128xi32, #tpu.memory_space<vmem>>) semaphore(%arg18 : memref<!tpu.dma_semaphore, #tpu.memory_space<semaphore_mem>>)
          %dma_wait3A = tpu.memref_slice %arg14[%mul3A_206] : memref<6400xi32, #tpu.memory_space<vmem>> -> memref<128xi32, #tpu.memory_space<vmem>>
          %dma_wait3A_210 = arith.constant 0 : i32
          %dma_wait3A_211 = arith.constant 0 : i32
          %dma_wait3A_212 = tpu.memref_slice %arg2[%dma_wait3A_210, %dma_wait3A_211] : memref<50000x128xf32, #tpu.memory_space<hbm>> -> memref<50000x128xf32, #tpu.memory_space<hbm>>
          tpu.wait_indirect_dma semaphore(%arg18 : memref<!tpu.dma_semaphore, #tpu.memory_space<semaphore_mem>>) src(%dma_wait3A_212 : memref<50000x128xf32, #tpu.memory_space<hbm>>) dst(%arg16 : memref<128x128xf32, #tpu.memory_space<vmem>>)
          %get3A = arith.index_cast %while3A_204 : i32 to index
          %get3A_213 = arith.constant 0 : index
          %get3A_214 = tpu.vector_load %arg15[%get3A, %get3A_213] {strides = array<i32>} : memref<50x128xi32, #tpu.memory_space<vmem>>, vector<16xi32>,
          %swap3A = arith.constant 0 : index
          %swap3A_215 = tpu.vector_load %arg17[%swap3A] {strides = array<i32>} : memref<128xi32, #tpu.memory_space<vmem>>, vector<16xi32>,
          tpu.vector_store %arg17[%swap3A], %get3A_214 {strides = array<i32>} : memref<128xi32, #tpu.memory_space<vmem>>, vector<16xi32>,
          %get3A_216 = arith.index_cast %while3A_204 : i32 to index
          %get3A_217 = arith.constant 16 : index
          %get3A_218 = tpu.vector_load %arg15[%get3A_216, %get3A_217] {strides = array<i32>} : memref<50x128xi32, #tpu.memory_space<vmem>>, vector<16xi32>,
          %swap3A_219 = arith.constant 16 : index
          %swap3A_220 = tpu.vector_load %arg17[%swap3A_219] {strides = array<i32>} : memref<128xi32, #tpu.memory_space<vmem>>, vector<16xi32>,
          tpu.vector_store %arg17[%swap3A_219], %get3A_218 {strides = array<i32>} : memref<128xi32, #tpu.memory_space<vmem>>, vector<16xi32>,
          %get3A_221 = arith.index_cast %while3A_204 : i32 to index
          %get3A_222 = arith.constant 32 : index
          %get3A_223 = tpu.vector_load %arg15[%get3A_221, %get3A_222] {strides = array<i32>} : memref<50x128xi32, #tpu.memory_space<vmem>>, vector<16xi32>,
          %swap3A_224 = arith.constant 32 : index
          %swap3A_225 = tpu.vector_load %arg17[%swap3A_224] {strides = array<i32>} : memref<128xi32, #tpu.memory_space<vmem>>, vector<16xi32>,
          tpu.vector_store %arg17[%swap3A_224], %get3A_223 {strides = array<i32>} : memref<128xi32, #tpu.memory_space<vmem>>, vector<16xi32>,
          %get3A_226 = arith.index_cast %while3A_204 : i32 to index
          %get3A_227 = arith.constant 48 : index
          %get3A_228 = tpu.vector_load %arg15[%get3A_226, %get3A_227] {strides = array<i32>} : memref<50x128xi32, #tpu.memory_space<vmem>>, vector<16xi32>,
          %swap3A_229 = arith.constant 48 : index
          %swap3A_230 = tpu.vector_load %arg17[%swap3A_229] {strides = array<i32>} : memref<128xi32, #tpu.memory_space<vmem>>, vector<16xi32>,
          tpu.vector_store %arg17[%swap3A_229], %get3A_228 {strides = array<i32>} : memref<128xi32, #tpu.memory_space<vmem>>, vector<16xi32>,
          %get3A_231 = arith.index_cast %while3A_204 : i32 to index
          %get3A_232 = arith.constant 64 : index
          %get3A_233 = tpu.vector_load %arg15[%get3A_231, %get3A_232] {strides = array<i32>} : memref<50x128xi32, #tpu.memory_space<vmem>>, vector<16xi32>,
          %swap3A_234 = arith.constant 64 : index
          %swap3A_235 = tpu.vector_load %arg17[%swap3A_234] {strides = array<i32>} : memref<128xi32, #tpu.memory_space<vmem>>, vector<16xi32>,
          tpu.vector_store %arg17[%swap3A_234], %get3A_233 {strides = array<i32>} : memref<128xi32, #tpu.memory_space<vmem>>, vector<16xi32>,
          %get3A_236 = arith.index_cast %while3A_204 : i32 to index
          %get3A_237 = arith.constant 80 : index
          %get3A_238 = tpu.vector_load %arg15[%get3A_236, %get3A_237] {strides = array<i32>} : memref<50x128xi32, #tpu.memory_space<vmem>>, vector<16xi32>,
          %swap3A_239 = arith.constant 80 : index
          %swap3A_240 = tpu.vector_load %arg17[%swap3A_239] {strides = array<i32>} : memref<128xi32, #tpu.memory_space<vmem>>, vector<16xi32>,
          tpu.vector_store %arg17[%swap3A_239], %get3A_238 {strides = array<i32>} : memref<128xi32, #tpu.memory_space<vmem>>, vector<16xi32>,
          %get3A_241 = arith.index_cast %while3A_204 : i32 to index
          %get3A_242 = arith.constant 96 : index
          %get3A_243 = tpu.vector_load %arg15[%get3A_241, %get3A_242] {strides = array<i32>} : memref<50x128xi32, #tpu.memory_space<vmem>>, vector<16xi32>,
          %swap3A_244 = arith.constant 96 : index
          %swap3A_245 = tpu.vector_load %arg17[%swap3A_244] {strides = array<i32>} : memref<128xi32, #tpu.memory_space<vmem>>, vector<16xi32>,
          tpu.vector_store %arg17[%swap3A_244], %get3A_243 {strides = array<i32>} : memref<128xi32, #tpu.memory_space<vmem>>, vector<16xi32>,
          %get3A_246 = arith.index_cast %while3A_204 : i32 to index
          %get3A_247 = arith.constant 112 : index
          %get3A_248 = tpu.vector_load %arg15[%get3A_246, %get3A_247] {strides = array<i32>} : memref<50x128xi32, #tpu.memory_space<vmem>>, vector<16xi32>,
          %swap3A_249 = arith.constant 112 : index
          %swap3A_250 = tpu.vector_load %arg17[%swap3A_249] {strides = array<i32>} : memref<128xi32, #tpu.memory_space<vmem>>, vector<16xi32>,
          tpu.vector_store %arg17[%swap3A_249], %get3A_248 {strides = array<i32>} : memref<128xi32, #tpu.memory_space<vmem>>, vector<16xi32>,
          "tpu.region"() ({
            %run_scoped3A = tpu.sem_alloc : memref<!tpu.dma_semaphore, #tpu.memory_space<semaphore_mem>>
            %dma_start3A_251 = arith.constant 0 : i32
            %dma_start3A_252 = arith.constant 0 : i32
            %dma_start3A_253 = tpu.memref_slice %arg19[%dma_start3A_251, %dma_start3A_252] : memref<8464x128xf32, #tpu.memory_space<vmem_shared>> -> memref<8464x128xf32, #tpu.memory_space<vmem_shared>>
            tpu.enqueue_indirect_dma source(%arg16 : memref<128x128xf32, #tpu.memory_space<vmem>>) target(%dma_start3A_253 : memref<8464x128xf32, #tpu.memory_space<vmem_shared>>) offsets(%arg17 : memref<128xi32, #tpu.memory_space<vmem>>) semaphore(%run_scoped3A : memref<!tpu.dma_semaphore, #tpu.memory_space<semaphore_mem>>) {add = true}
            %dma_wait3A_254 = arith.constant 0 : i32
            %dma_wait3A_255 = arith.constant 0 : i32
            %dma_wait3A_256 = tpu.memref_slice %arg19[%dma_wait3A_254, %dma_wait3A_255] : memref<8464x128xf32, #tpu.memory_space<vmem_shared>> -> memref<8464x128xf32, #tpu.memory_space<vmem_shared>>
            tpu.wait_indirect_dma semaphore(%run_scoped3A : memref<!tpu.dma_semaphore, #tpu.memory_space<semaphore_mem>>) src(%arg16 : memref<128x128xf32, #tpu.memory_space<vmem>>) dst(%dma_wait3A_256 : memref<8464x128xf32, #tpu.memory_space<vmem_shared>>)
            tpu.yield
          }) : () -> ()
        }
      }
      %scan3A_61 = arith.constant 3 : i32
      %mul3A_62 = arith.constant 8448 : i32
      %mul3A_63 = arith.muli %add3A, %mul3A_62 : i32
      "tpu.region"() ({
        %run_scoped3A = tpu.sem_alloc : memref<!tpu.dma_semaphore, #tpu.memory_space<semaphore_mem>>
        %dma_start3A = arith.constant 0 : i32
        %dma_start3A_73 = tpu.memref_slice %arg20[%dma_start3A] : memref<8464xf32, #tpu.memory_space<vmem>> -> memref<8448xf32, #tpu.memory_space<vmem>>
        %dma_start3A_74 = tpu.memref_slice %arg10[%arg1, %mul3A_63] : memref<16x50688xf32, #tpu.memory_space<hbm>> -> memref<1x8448xf32, #tpu.memory_space<hbm>>
        %dma_start3A_75 = tpu.memref_squeeze %dma_start3A_74 : memref<1x8448xf32, #tpu.memory_space<hbm>> -> memref<8448xf32, #tpu.memory_space<hbm>>
        %dma_start3A_76 = tpu.memref_slice %arg10[%arg1, %mul3A_63] : memref<16x50688xf32, #tpu.memory_space<hbm>> -> memref<1x8448xf32, #tpu.memory_space<hbm>>
        %dma_start3A_77 = tpu.memref_squeeze %dma_start3A_76 : memref<1x8448xf32, #tpu.memory_space<hbm>> -> memref<8448xf32, #tpu.memory_space<hbm>>
        %dma_start3A_78 = arith.constant 0 : i32
        %dma_start3A_79 = tpu.memref_slice %arg20[%dma_start3A_78] : memref<8464xf32, #tpu.memory_space<vmem>> -> memref<8448xf32, #tpu.memory_space<vmem>>
        tpu.enqueue_dma source(%dma_start3A_79 : memref<8448xf32, #tpu.memory_space<vmem>>) target(%dma_start3A_77 : memref<8448xf32, #tpu.memory_space<hbm>>) target_semaphore(%run_scoped3A : memref<!tpu.dma_semaphore, #tpu.memory_space<semaphore_mem>>)
        %dma_wait3A = arith.constant 0 : i32
        %dma_wait3A_80 = tpu.memref_slice %arg20[%dma_wait3A] : memref<8464xf32, #tpu.memory_space<vmem>> -> memref<8448xf32, #tpu.memory_space<vmem>>
        %dma_wait3A_81 = tpu.memref_slice %arg10[%arg1, %mul3A_63] : memref<16x50688xf32, #tpu.memory_space<hbm>> -> memref<1x8448xf32, #tpu.memory_space<hbm>>
        %dma_wait3A_82 = tpu.memref_squeeze %dma_wait3A_81 : memref<1x8448xf32, #tpu.memory_space<hbm>> -> memref<8448xf32, #tpu.memory_space<hbm>>
        %dma_wait3A_83 = tpu.memref_slice %arg10[%arg1, %mul3A_63] : memref<16x50688xf32, #tpu.memory_space<hbm>> -> memref<1x8448xf32, #tpu.memory_space<hbm>>
        %dma_wait3A_84 = tpu.memref_squeeze %dma_wait3A_83 : memref<1x8448xf32, #tpu.memory_space<hbm>> -> memref<8448xf32, #tpu.memory_space<hbm>>
        %dma_wait3A_85 = arith.constant 0 : i32
        %dma_wait3A_86 = tpu.memref_slice %arg20[%dma_wait3A_85] : memref<8464xf32, #tpu.memory_space<vmem>> -> memref<8448xf32, #tpu.memory_space<vmem>>
        tpu.wait_dma2 semaphore(%run_scoped3A : memref<!tpu.dma_semaphore, #tpu.memory_space<semaphore_mem>>) src(%dma_wait3A_86 : memref<8448xf32, #tpu.memory_space<vmem>>) dst(%dma_wait3A_84 : memref<8448xf32, #tpu.memory_space<hbm>>)
        tpu.yield
      }) : () -> ()
      %barrier3A_64 = arith.constant 0 : index
      tpu.barrier barrier_id(%barrier3A_64)
      %mul3A_65 = arith.constant 528 : i32
      %mul3A_66 = arith.muli %arg1, %mul3A_65 : i32
      %mul3A_67 = arith.constant 8448 : i32
      %mul3A_68 = arith.muli %add3A, %mul3A_67 : i32
      %mul3A_69 = arith.constant 528 : i32
      %mul3A_70 = arith.muli %arg1, %mul3A_69 : i32
      %add3A_71 = arith.addi %mul3A_68, %mul3A_70 : i32
      "tpu.region"() ({
        %run_scoped3A = tpu.sem_alloc : memref<!tpu.dma_semaphore, #tpu.memory_space<semaphore_mem>>
        %dma_start3A = arith.constant 0 : i32
        %dma_start3A_73 = tpu.memref_slice %arg8[%add3A_71, %dma_start3A] : memref<50688x128xf32, #tpu.memory_space<hbm>> -> memref<528x128xf32, #tpu.memory_space<hbm>>
        %dma_start3A_74 = arith.constant 0 : i32
        %dma_start3A_75 = tpu.memref_slice %arg19[%mul3A_66, %dma_start3A_74] : memref<8464x128xf32, #tpu.memory_space<vmem_shared>> -> memref<528x128xf32, #tpu.memory_space<vmem_shared>>
        tpu.enqueue_dma source(%dma_start3A_75 : memref<528x128xf32, #tpu.memory_space<vmem_shared>>) target(%dma_start3A_73 : memref<528x128xf32, #tpu.memory_space<hbm>>) target_semaphore(%run_scoped3A : memref<!tpu.dma_semaphore, #tpu.memory_space<semaphore_mem>>)
        %dma_wait3A = arith.constant 0 : i32
        %dma_wait3A_76 = tpu.memref_slice %arg8[%add3A_71, %dma_wait3A] : memref<50688x128xf32, #tpu.memory_space<hbm>> -> memref<528x128xf32, #tpu.memory_space<hbm>>
        %dma_wait3A_77 = arith.constant 0 : i32
        %dma_wait3A_78 = tpu.memref_slice %arg19[%mul3A_66, %dma_wait3A_77] : memref<8464x128xf32, #tpu.memory_space<vmem_shared>> -> memref<528x128xf32, #tpu.memory_space<vmem_shared>>
        tpu.wait_dma2 semaphore(%run_scoped3A : memref<!tpu.dma_semaphore, #tpu.memory_space<semaphore_mem>>) src(%dma_wait3A_78 : memref<528x128xf32, #tpu.memory_space<vmem_shared>>) dst(%dma_wait3A_76 : memref<528x128xf32, #tpu.memory_space<hbm>>)
        tpu.yield
      }) : () -> ()
      %barrier3A_72 = arith.constant 0 : index
      tpu.barrier barrier_id(%barrier3A_72)
    }
    %scan3A_11 = arith.constant 3 : i32
    %scan3A_12 = arith.constant 0 : i32
    %scan3A_13 = arith.constant 0 : i32
    %scan3A_14 = arith.constant 3 : i32
    %scan3A_15 = arith.addi %scan3A_13, %scan3A_14 : i32
    %scan3A_16 = arith.constant 1 : i32
    scf.for %scan3A_18 = %scan3A_13 to %scan3A_15 step %scan3A_16  : i32 {
      %mul3A = arith.constant 3 : i32
      %mul3A_19 = arith.muli %mul3A, %arg0 : i32
      %add3A = arith.addi %mul3A_19, %scan3A_18 : i32
      %mul3A_20 = arith.constant 8448 : i32
      %mul3A_21 = arith.muli %add3A, %mul3A_20 : i32
      %broadcast_in_dim3A_22 = arith.constant 0.000000e+00 : f32
      %broadcast_in_dim3A_23 = vector.broadcast %broadcast_in_dim3A_22 : f32 to vector<16xf32>
      %scan3A_24 = arith.constant 0 : i32
      %scan3A_25 = arith.constant 0 : i32
      %scan3A_26 = arith.constant 128 : i32
      %scan3A_27 = arith.addi %scan3A_25, %scan3A_26 : i32
      %scan3A_28 = arith.constant 1 : i32
      scf.for %scan3A_73 = %scan3A_25 to %scan3A_27 step %scan3A_28  : i32 {
        %swap3A = arith.index_cast %scan3A_73 : i32 to index
        %swap3A_74 = arith.constant 0 : index
        %swap3A_75 = tpu.vector_load %arg16[%swap3A, %swap3A_74] {strides = array<i32>} : memref<128x128xf32, #tpu.memory_space<vmem>>, vector<16xf32>,
        tpu.vector_store %arg16[%swap3A, %swap3A_74], %broadcast_in_dim3A_23 {strides = array<i32>} : memref<128x128xf32, #tpu.memory_space<vmem>>, vector<16xf32>,
        %swap3A_76 = arith.index_cast %scan3A_73 : i32 to index
        %swap3A_77 = arith.constant 16 : index
        %swap3A_78 = tpu.vector_load %arg16[%swap3A_76, %swap3A_77] {strides = array<i32>} : memref<128x128xf32, #tpu.memory_space<vmem>>, vector<16xf32>,
        tpu.vector_store %arg16[%swap3A_76, %swap3A_77], %broadcast_in_dim3A_23 {strides = array<i32>} : memref<128x128xf32, #tpu.memory_space<vmem>>, vector<16xf32>,
        %swap3A_79 = arith.index_cast %scan3A_73 : i32 to index
        %swap3A_80 = arith.constant 32 : index
        %swap3A_81 = tpu.vector_load %arg16[%swap3A_79, %swap3A_80] {strides = array<i32>} : memref<128x128xf32, #tpu.memory_space<vmem>>, vector<16xf32>,
        tpu.vector_store %arg16[%swap3A_79, %swap3A_80], %broadcast_in_dim3A_23 {strides = array<i32>} : memref<128x128xf32, #tpu.memory_space<vmem>>, vector<16xf32>,
        %swap3A_82 = arith.index_cast %scan3A_73 : i32 to index
        %swap3A_83 = arith.constant 48 : index
        %swap3A_84 = tpu.vector_load %arg16[%swap3A_82, %swap3A_83] {strides = array<i32>} : memref<128x128xf32, #tpu.memory_space<vmem>>, vector<16xf32>,
        tpu.vector_store %arg16[%swap3A_82, %swap3A_83], %broadcast_in_dim3A_23 {strides = array<i32>} : memref<128x128xf32, #tpu.memory_space<vmem>>, vector<16xf32>,
        %swap3A_85 = arith.index_cast %scan3A_73 : i32 to index
        %swap3A_86 = arith.constant 64 : index
        %swap3A_87 = tpu.vector_load %arg16[%swap3A_85, %swap3A_86] {strides = array<i32>} : memref<128x128xf32, #tpu.memory_space<vmem>>, vector<16xf32>,
        tpu.vector_store %arg16[%swap3A_85, %swap3A_86], %broadcast_in_dim3A_23 {strides = array<i32>} : memref<128x128xf32, #tpu.memory_space<vmem>>, vector<16xf32>,
        %swap3A_88 = arith.index_cast %scan3A_73 : i32 to index
        %swap3A_89 = arith.constant 80 : index
        %swap3A_90 = tpu.vector_load %arg16[%swap3A_88, %swap3A_89] {strides = array<i32>} : memref<128x128xf32, #tpu.memory_space<vmem>>, vector<16xf32>,
        tpu.vector_store %arg16[%swap3A_88, %swap3A_89], %broadcast_in_dim3A_23 {strides = array<i32>} : memref<128x128xf32, #tpu.memory_space<vmem>>, vector<16xf32>,
        %swap3A_91 = arith.index_cast %scan3A_73 : i32 to index
        %swap3A_92 = arith.constant 96 : index
        %swap3A_93 = tpu.vector_load %arg16[%swap3A_91, %swap3A_92] {strides = array<i32>} : memref<128x128xf32, #tpu.memory_space<vmem>>, vector<16xf32>,
        tpu.vector_store %arg16[%swap3A_91, %swap3A_92], %broadcast_in_dim3A_23 {strides = array<i32>} : memref<128x128xf32, #tpu.memory_space<vmem>>, vector<16xf32>,
        %swap3A_94 = arith.index_cast %scan3A_73 : i32 to index
        %swap3A_95 = arith.constant 112 : index
        %swap3A_96 = tpu.vector_load %arg16[%swap3A_94, %swap3A_95] {strides = array<i32>} : memref<128x128xf32, #tpu.memory_space<vmem>>, vector<16xf32>,
        tpu.vector_store %arg16[%swap3A_94, %swap3A_95], %broadcast_in_dim3A_23 {strides = array<i32>} : memref<128x128xf32, #tpu.memory_space<vmem>>, vector<16xf32>,
      }
      %scan3A_29 = arith.constant 128 : i32
      %mul3A_30 = arith.constant 528 : i32
      %mul3A_31 = arith.muli %arg1, %mul3A_30 : i32
      %add3A_32 = arith.constant 0 : i32
      %add3A_33 = arith.addi %mul3A_31, %add3A_32 : i32
      "tpu.region"() ({
        %run_scoped3A = tpu.sem_alloc : memref<!tpu.dma_semaphore, #tpu.memory_space<semaphore_mem>>
        %dma_start3A = arith.constant 0 : i32
        %dma_start3A_73 = tpu.memref_slice %arg19[%add3A_33, %dma_start3A] : memref<8464x128xf32, #tpu.memory_space<vmem_shared>> -> memref<128x128xf32, #tpu.memory_space<vmem_shared>>
        %dma_start3A_74 = arith.constant 0 : i32
        %dma_start3A_75 = tpu.memref_slice %arg19[%add3A_33, %dma_start3A_74] : memref<8464x128xf32, #tpu.memory_space<vmem_shared>> -> memref<128x128xf32, #tpu.memory_space<vmem_shared>>
        tpu.enqueue_dma source(%arg16 : memref<128x128xf32, #tpu.memory_space<vmem>>) target(%dma_start3A_75 : memref<128x128xf32, #tpu.memory_space<vmem_shared>>) target_semaphore(%run_scoped3A : memref<!tpu.dma_semaphore, #tpu.memory_space<semaphore_mem>>)
        %dma_wait3A = arith.constant 0 : i32
        %dma_wait3A_76 = tpu.memref_slice %arg19[%add3A_33, %dma_wait3A] : memref<8464x128xf32, #tpu.memory_space<vmem_shared>> -> memref<128x128xf32, #tpu.memory_space<vmem_shared>>
        %dma_wait3A_77 = arith.constant 0 : i32
        %dma_wait3A_78 = tpu.memref_slice %arg19[%add3A_33, %dma_wait3A_77] : memref<8464x128xf32, #tpu.memory_space<vmem_shared>> -> memref<128x128xf32, #tpu.memory_space<vmem_shared>>
        tpu.wait_dma2 semaphore(%run_scoped3A : memref<!tpu.dma_semaphore, #tpu.memory_space<semaphore_mem>>) src(%arg16 : memref<128x128xf32, #tpu.memory_space<vmem>>) dst(%dma_wait3A_78 : memref<128x128xf32, #tpu.memory_space<vmem_shared>>)
        tpu.yield
      }) : () -> ()
      %mul3A_34 = arith.constant 528 : i32
      %mul3A_35 = arith.muli %arg1, %mul3A_34 : i32
      %add3A_36 = arith.constant 128 : i32
      %add3A_37 = arith.addi %mul3A_35, %add3A_36 : i32
      "tpu.region"() ({
        %run_scoped3A = tpu.sem_alloc : memref<!tpu.dma_semaphore, #tpu.memory_space<semaphore_mem>>
        %dma_start3A = arith.constant 0 : i32
        %dma_start3A_73 = tpu.memref_slice %arg19[%add3A_37, %dma_start3A] : memref<8464x128xf32, #tpu.memory_space<vmem_shared>> -> memref<128x128xf32, #tpu.memory_space<vmem_shared>>
        %dma_start3A_74 = arith.constant 0 : i32
        %dma_start3A_75 = tpu.memref_slice %arg19[%add3A_37, %dma_start3A_74] : memref<8464x128xf32, #tpu.memory_space<vmem_shared>> -> memref<128x128xf32, #tpu.memory_space<vmem_shared>>
        tpu.enqueue_dma source(%arg16 : memref<128x128xf32, #tpu.memory_space<vmem>>) target(%dma_start3A_75 : memref<128x128xf32, #tpu.memory_space<vmem_shared>>) target_semaphore(%run_scoped3A : memref<!tpu.dma_semaphore, #tpu.memory_space<semaphore_mem>>)
        %dma_wait3A = arith.constant 0 : i32
        %dma_wait3A_76 = tpu.memref_slice %arg19[%add3A_37, %dma_wait3A] : memref<8464x128xf32, #tpu.memory_space<vmem_shared>> -> memref<128x128xf32, #tpu.memory_space<vmem_shared>>
        %dma_wait3A_77 = arith.constant 0 : i32
        %dma_wait3A_78 = tpu.memref_slice %arg19[%add3A_37, %dma_wait3A_77] : memref<8464x128xf32, #tpu.memory_space<vmem_shared>> -> memref<128x128xf32, #tpu.memory_space<vmem_shared>>
        tpu.wait_dma2 semaphore(%run_scoped3A : memref<!tpu.dma_semaphore, #tpu.memory_space<semaphore_mem>>) src(%arg16 : memref<128x128xf32, #tpu.memory_space<vmem>>) dst(%dma_wait3A_78 : memref<128x128xf32, #tpu.memory_space<vmem_shared>>)
        tpu.yield
      }) : () -> ()
      %mul3A_38 = arith.constant 528 : i32
      %mul3A_39 = arith.muli %arg1, %mul3A_38 : i32
      %add3A_40 = arith.constant 256 : i32
      %add3A_41 = arith.addi %mul3A_39, %add3A_40 : i32
      "tpu.region"() ({
        %run_scoped3A = tpu.sem_alloc : memref<!tpu.dma_semaphore, #tpu.memory_space<semaphore_mem>>
        %dma_start3A = arith.constant 0 : i32
        %dma_start3A_73 = tpu.memref_slice %arg19[%add3A_41, %dma_start3A] : memref<8464x128xf32, #tpu.memory_space<vmem_shared>> -> memref<128x128xf32, #tpu.memory_space<vmem_shared>>
        %dma_start3A_74 = arith.constant 0 : i32
        %dma_start3A_75 = tpu.memref_slice %arg19[%add3A_41, %dma_start3A_74] : memref<8464x128xf32, #tpu.memory_space<vmem_shared>> -> memref<128x128xf32, #tpu.memory_space<vmem_shared>>
        tpu.enqueue_dma source(%arg16 : memref<128x128xf32, #tpu.memory_space<vmem>>) target(%dma_start3A_75 : memref<128x128xf32, #tpu.memory_space<vmem_shared>>) target_semaphore(%run_scoped3A : memref<!tpu.dma_semaphore, #tpu.memory_space<semaphore_mem>>)
        %dma_wait3A = arith.constant 0 : i32
        %dma_wait3A_76 = tpu.memref_slice %arg19[%add3A_41, %dma_wait3A] : memref<8464x128xf32, #tpu.memory_space<vmem_shared>> -> memref<128x128xf32, #tpu.memory_space<vmem_shared>>
        %dma_wait3A_77 = arith.constant 0 : i32
        %dma_wait3A_78 = tpu.memref_slice %arg19[%add3A_41, %dma_wait3A_77] : memref<8464x128xf32, #tpu.memory_space<vmem_shared>> -> memref<128x128xf32, #tpu.memory_space<vmem_shared>>
        tpu.wait_dma2 semaphore(%run_scoped3A : memref<!tpu.dma_semaphore, #tpu.memory_space<semaphore_mem>>) src(%arg16 : memref<128x128xf32, #tpu.memory_space<vmem>>) dst(%dma_wait3A_78 : memref<128x128xf32, #tpu.memory_space<vmem_shared>>)
        tpu.yield
      }) : () -> ()
      %mul3A_42 = arith.constant 528 : i32
      %mul3A_43 = arith.muli %arg1, %mul3A_42 : i32
      %add3A_44 = arith.constant 384 : i32
      %add3A_45 = arith.addi %mul3A_43, %add3A_44 : i32
      "tpu.region"() ({
        %run_scoped3A = tpu.sem_alloc : memref<!tpu.dma_semaphore, #tpu.memory_space<semaphore_mem>>
        %dma_start3A = arith.constant 0 : i32
        %dma_start3A_73 = tpu.memref_slice %arg19[%add3A_45, %dma_start3A] : memref<8464x128xf32, #tpu.memory_space<vmem_shared>> -> memref<128x128xf32, #tpu.memory_space<vmem_shared>>
        %dma_start3A_74 = arith.constant 0 : i32
        %dma_start3A_75 = tpu.memref_slice %arg19[%add3A_45, %dma_start3A_74] : memref<8464x128xf32, #tpu.memory_space<vmem_shared>> -> memref<128x128xf32, #tpu.memory_space<vmem_shared>>
        tpu.enqueue_dma source(%arg16 : memref<128x128xf32, #tpu.memory_space<vmem>>) target(%dma_start3A_75 : memref<128x128xf32, #tpu.memory_space<vmem_shared>>) target_semaphore(%run_scoped3A : memref<!tpu.dma_semaphore, #tpu.memory_space<semaphore_mem>>)
        %dma_wait3A = arith.constant 0 : i32
        %dma_wait3A_76 = tpu.memref_slice %arg19[%add3A_45, %dma_wait3A] : memref<8464x128xf32, #tpu.memory_space<vmem_shared>> -> memref<128x128xf32, #tpu.memory_space<vmem_shared>>
        %dma_wait3A_77 = arith.constant 0 : i32
        %dma_wait3A_78 = tpu.memref_slice %arg19[%add3A_45, %dma_wait3A_77] : memref<8464x128xf32, #tpu.memory_space<vmem_shared>> -> memref<128x128xf32, #tpu.memory_space<vmem_shared>>
        tpu.wait_dma2 semaphore(%run_scoped3A : memref<!tpu.dma_semaphore, #tpu.memory_space<semaphore_mem>>) src(%arg16 : memref<128x128xf32, #tpu.memory_space<vmem>>) dst(%dma_wait3A_78 : memref<128x128xf32, #tpu.memory_space<vmem_shared>>)
        tpu.yield
      }) : () -> ()
      %mul3A_46 = arith.constant 528 : i32
      %mul3A_47 = arith.muli %arg1, %mul3A_46 : i32
      %add3A_48 = arith.constant 512 : i32
      %add3A_49 = arith.addi %mul3A_47, %add3A_48 : i32
      "tpu.region"() ({
        %run_scoped3A = tpu.sem_alloc : memref<!tpu.dma_semaphore, #tpu.memory_space<semaphore_mem>>
        %dma_start3A = arith.constant 0 : i32
        %dma_start3A_73 = arith.constant 0 : i32
        %dma_start3A_74 = tpu.memref_slice %arg16[%dma_start3A, %dma_start3A_73] : memref<128x128xf32, #tpu.memory_space<vmem>> -> memref<16x128xf32, #tpu.memory_space<vmem>>
        %dma_start3A_75 = arith.constant 0 : i32
        %dma_start3A_76 = tpu.memref_slice %arg19[%add3A_49, %dma_start3A_75] : memref<8464x128xf32, #tpu.memory_space<vmem_shared>> -> memref<16x128xf32, #tpu.memory_space<vmem_shared>>
        %dma_start3A_77 = arith.constant 0 : i32
        %dma_start3A_78 = tpu.memref_slice %arg19[%add3A_49, %dma_start3A_77] : memref<8464x128xf32, #tpu.memory_space<vmem_shared>> -> memref<16x128xf32, #tpu.memory_space<vmem_shared>>
        %dma_start3A_79 = arith.constant 0 : i32
        %dma_start3A_80 = arith.constant 0 : i32
        %dma_start3A_81 = tpu.memref_slice %arg16[%dma_start3A_79, %dma_start3A_80] : memref<128x128xf32, #tpu.memory_space<vmem>> -> memref<16x128xf32, #tpu.memory_space<vmem>>
        tpu.enqueue_dma source(%dma_start3A_81 : memref<16x128xf32, #tpu.memory_space<vmem>>) target(%dma_start3A_78 : memref<16x128xf32, #tpu.memory_space<vmem_shared>>) target_semaphore(%run_scoped3A : memref<!tpu.dma_semaphore, #tpu.memory_space<semaphore_mem>>)
        %dma_wait3A = arith.constant 0 : i32
        %dma_wait3A_82 = arith.constant 0 : i32
        %dma_wait3A_83 = tpu.memref_slice %arg16[%dma_wait3A, %dma_wait3A_82] : memref<128x128xf32, #tpu.memory_space<vmem>> -> memref<16x128xf32, #tpu.memory_space<vmem>>
        %dma_wait3A_84 = arith.constant 0 : i32
        %dma_wait3A_85 = tpu.memref_slice %arg19[%add3A_49, %dma_wait3A_84] : memref<8464x128xf32, #tpu.memory_space<vmem_shared>> -> memref<16x128xf32, #tpu.memory_space<vmem_shared>>
        %dma_wait3A_86 = arith.constant 0 : i32
        %dma_wait3A_87 = tpu.memref_slice %arg19[%add3A_49, %dma_wait3A_86] : memref<8464x128xf32, #tpu.memory_space<vmem_shared>> -> memref<16x128xf32, #tpu.memory_space<vmem_shared>>
        %dma_wait3A_88 = arith.constant 0 : i32
        %dma_wait3A_89 = arith.constant 0 : i32
        %dma_wait3A_90 = tpu.memref_slice %arg16[%dma_wait3A_88, %dma_wait3A_89] : memref<128x128xf32, #tpu.memory_space<vmem>> -> memref<16x128xf32, #tpu.memory_space<vmem>>
        tpu.wait_dma2 semaphore(%run_scoped3A : memref<!tpu.dma_semaphore, #tpu.memory_space<semaphore_mem>>) src(%dma_wait3A_90 : memref<16x128xf32, #tpu.memory_space<vmem>>) dst(%dma_wait3A_87 : memref<16x128xf32, #tpu.memory_space<vmem_shared>>)
        tpu.yield
      }) : () -> ()
      %barrier3A = arith.constant 0 : index
      tpu.barrier barrier_id(%barrier3A)
      %scan3A_50 = arith.constant 0 : i32
      %scan3A_51 = arith.constant 0 : i32
      %scan3A_52 = arith.constant 529 : i32
      %scan3A_53 = arith.addi %scan3A_51, %scan3A_52 : i32
      %scan3A_54 = arith.constant 1 : i32
      scf.for %scan3A_73 = %scan3A_51 to %scan3A_53 step %scan3A_54  : i32 {
        %mul3A_74 = arith.constant 16 : i32
        %mul3A_75 = arith.muli %scan3A_73, %mul3A_74 : i32
        %swap3A = arith.index_cast %mul3A_75 : i32 to index
        %swap3A_76 = tpu.vector_load %arg20[%swap3A] {strides = array<i32>} : memref<8464xf32, #tpu.memory_space<vmem>>, vector<16xf32>,
        tpu.vector_store %arg20[%swap3A], %broadcast_in_dim3A_6 {strides = array<i32>} : memref<8464xf32, #tpu.memory_space<vmem>>, vector<16xf32>,
      }
      %scan3A_55 = arith.constant 529 : i32
      %scan3A_56 = arith.constant 0 : i32
      %scan3A_57 = arith.constant 0 : i32
      %scan3A_58 = arith.constant 3 : i32
      %scan3A_59 = arith.addi %scan3A_57, %scan3A_58 : i32
      %scan3A_60 = arith.constant 1 : i32
      scf.for %scan3A_73 = %scan3A_57 to %scan3A_59 step %scan3A_60  : i32 {
        %mul3A_74 = arith.constant 18816 : i32
        %mul3A_75 = arith.muli %arg1, %mul3A_74 : i32
        %mul3A_76 = arith.constant 6272 : i32
        %mul3A_77 = arith.muli %scan3A_73, %mul3A_76 : i32
        %add3A_78 = arith.addi %mul3A_75, %mul3A_77 : i32
        "tpu.region"() ({
          %run_scoped3A = tpu.sem_alloc : memref<!tpu.dma_semaphore, #tpu.memory_space<semaphore_mem>>
          %dma_start3A = tpu.memref_slice %arg6[%add3A_78] : memref<301056xi32, #tpu.memory_space<hbm>> -> memref<6272xi32, #tpu.memory_space<hbm>>
          %dma_start3A_204 = tpu.memref_slice %arg6[%add3A_78] : memref<301056xi32, #tpu.memory_space<hbm>> -> memref<6272xi32, #tpu.memory_space<hbm>>
          tpu.enqueue_dma source(%dma_start3A_204 : memref<6272xi32, #tpu.memory_space<hbm>>) target(%arg12 : memref<6272xi32, #tpu.memory_space<vmem>>) target_semaphore(%run_scoped3A : memref<!tpu.dma_semaphore, #tpu.memory_space<semaphore_mem>>)
          %dma_wait3A = tpu.memref_slice %arg6[%add3A_78] : memref<301056xi32, #tpu.memory_space<hbm>> -> memref<6272xi32, #tpu.memory_space<hbm>>
          %dma_wait3A_205 = tpu.memref_slice %arg6[%add3A_78] : memref<301056xi32, #tpu.memory_space<hbm>> -> memref<6272xi32, #tpu.memory_space<hbm>>
          tpu.wait_dma2 semaphore(%run_scoped3A : memref<!tpu.dma_semaphore, #tpu.memory_space<semaphore_mem>>) src(%dma_wait3A_205 : memref<6272xi32, #tpu.memory_space<hbm>>) dst(%arg12 : memref<6272xi32, #tpu.memory_space<vmem>>)
          tpu.yield
        }) : () -> ()
        "tpu.region"() ({
          %run_scoped3A = tpu.sem_alloc : memref<!tpu.dma_semaphore, #tpu.memory_space<semaphore_mem>>
          %dma_start3A = tpu.memref_slice %arg7[%add3A_78] : memref<301056xi32, #tpu.memory_space<hbm>> -> memref<6272xi32, #tpu.memory_space<hbm>>
          %dma_start3A_204 = tpu.memref_slice %arg7[%add3A_78] : memref<301056xi32, #tpu.memory_space<hbm>> -> memref<6272xi32, #tpu.memory_space<hbm>>
          tpu.enqueue_dma source(%dma_start3A_204 : memref<6272xi32, #tpu.memory_space<hbm>>) target(%arg13 : memref<6272xi32, #tpu.memory_space<vmem>>) target_semaphore(%run_scoped3A : memref<!tpu.dma_semaphore, #tpu.memory_space<semaphore_mem>>)
          %dma_wait3A = tpu.memref_slice %arg7[%add3A_78] : memref<301056xi32, #tpu.memory_space<hbm>> -> memref<6272xi32, #tpu.memory_space<hbm>>
          %dma_wait3A_205 = tpu.memref_slice %arg7[%add3A_78] : memref<301056xi32, #tpu.memory_space<hbm>> -> memref<6272xi32, #tpu.memory_space<hbm>>
          tpu.wait_dma2 semaphore(%run_scoped3A : memref<!tpu.dma_semaphore, #tpu.memory_space<semaphore_mem>>) src(%dma_wait3A_205 : memref<6272xi32, #tpu.memory_space<hbm>>) dst(%arg13 : memref<6272xi32, #tpu.memory_space<vmem>>)
          tpu.yield
        }) : () -> ()
        %scan3A_79 = arith.constant 0 : i32
        %scan3A_80 = arith.constant 0 : i32
        %scan3A_81 = arith.constant 392 : i32
        %scan3A_82 = arith.addi %scan3A_80, %scan3A_81 : i32
        %scan3A_83 = arith.constant 1 : i32
        %scan3A_84 = scf.for %scan3A_204 = %scan3A_80 to %scan3A_82 step %scan3A_83 iter_args(%scan3A_205 = %scan3A_79) -> (i32)  : i32 {
          %mul3A_206 = arith.constant 16 : i32
          %mul3A_207 = arith.muli %scan3A_204, %mul3A_206 : i32
          %get3A = arith.index_cast %mul3A_207 : i32 to index
          %get3A_208 = tpu.vector_load %arg13[%get3A] {strides = array<i32>} : memref<6272xi32, #tpu.memory_space<vmem>>, vector<16xi32>,
          %get3A_209 = arith.index_cast %mul3A_207 : i32 to index
          %get3A_210 = tpu.vector_load %arg12[%get3A_209] {strides = array<i32>} : memref<6272xi32, #tpu.memory_space<vmem>>, vector<16xi32>,
          %ge3A = vector.broadcast %mul3A_21 : i32 to vector<16xi32>
          %ge3A_211 = arith.cmpi sge, %get3A_208, %ge3A : vector<16xi32>
          %add3A_212 = arith.constant 8448 : i32
          %add3A_213 = arith.addi %mul3A_21, %add3A_212 : i32
          %lt3A = vector.broadcast %add3A_213 : i32 to vector<16xi32>
          %lt3A_214 = arith.cmpi slt, %get3A_208, %lt3A : vector<16xi32>
          %and3A_215 = arith.andi %ge3A_211, %lt3A_214 : vector<16xi1>
          %convert_element_type3A = arith.extui %and3A_215 : vector<16xi1> to vector<16xi32>
          %broadcast_in_dim3A_216 = arith.constant true
          %broadcast_in_dim3A_217 = vector.broadcast %broadcast_in_dim3A_216 : i1 to vector<16xi1>
          %masked_cumsum3A = tpu.scan <sum>, %convert_element_type3A masked %broadcast_in_dim3A_217 : vector<16xi32>, vector<16xi1> -> vector<16xi32>
          %add3A_218 = vector.broadcast %scan3A_205 : i32 to vector<16xi32>
          %add3A_219 = arith.addi %add3A_218, %masked_cumsum3A : vector<16xi32>
          %sub3A_220 = arith.subi %add3A_219, %convert_element_type3A : vector<16xi32>
          tpu.vector_store_idx %arg14[%sub3A_220], %get3A_210 masked %and3A_215 : memref<6400xi32, #tpu.memory_space<vmem>>[vector<16xi32>], vector<16xi32>, vector<16xi1>
          %shift_right_arithmetic3A_221 = arith.constant 7 : i32
          %shift_right_arithmetic3A_222 = vector.broadcast %shift_right_arithmetic3A_221 : i32 to vector<16xi32>
          %shift_right_arithmetic3A_223 = arith.shrsi %sub3A_220, %shift_right_arithmetic3A_222 : vector<16xi32>
          %and3A_224 = arith.constant 127 : i32
          %and3A_225 = vector.broadcast %and3A_224 : i32 to vector<16xi32>
          %and3A_226 = arith.andi %sub3A_220, %and3A_225 : vector<16xi32>
          %sub3A_227 = vector.broadcast %mul3A_21 : i32 to vector<16xi32>
          %sub3A_228 = arith.subi %get3A_208, %sub3A_227 : vector<16xi32>
          tpu.vector_store_idx %arg15[%shift_right_arithmetic3A_223, %and3A_226], %sub3A_228 masked %and3A_215 : memref<50x128xi32, #tpu.memory_space<vmem>>[vector<16xi32>, vector<16xi32>], vector<16xi32>, vector<16xi1>
          %reduce_sum3A = arith.constant true
          %reduce_sum3A_229 = vector.broadcast %reduce_sum3A : i1 to vector<16xi1>
          %reduce_sum3A_230 = tpu.scan <sum>, %convert_element_type3A masked %reduce_sum3A_229 : vector<16xi32>, vector<16xi1> -> vector<16xi32>
          %reduce_sum3A_231 = vector.extract %reduce_sum3A_230[15] : i32 from vector<16xi32>
          %add3A_232 = arith.addi %scan3A_205, %reduce_sum3A_231 : i32
          scf.yield %add3A_232 : i32
        }
        %scan3A_85 = arith.constant 392 : i32
        %add3A_86 = arith.constant 0 : i32
        %add3A_87 = arith.addi %scan3A_84, %add3A_86 : i32
        %add3A_88 = vector.broadcast %add3A_87 : i32 to vector<16xi32>
        %add3A_89 = arith.addi %add3A_88, %iota3A : vector<16xi32>
        tpu.vector_store_idx %arg14[%add3A_89], %broadcast_in_dim3A_0 : memref<6400xi32, #tpu.memory_space<vmem>>[vector<16xi32>], vector<16xi32>,
        %shift_right_arithmetic3A = arith.constant 7 : i32
        %shift_right_arithmetic3A_90 = vector.broadcast %shift_right_arithmetic3A : i32 to vector<16xi32>
        %shift_right_arithmetic3A_91 = arith.shrsi %add3A_89, %shift_right_arithmetic3A_90 : vector<16xi32>
        %and3A = arith.constant 127 : i32
        %and3A_92 = vector.broadcast %and3A : i32 to vector<16xi32>
        %and3A_93 = arith.andi %add3A_89, %and3A_92 : vector<16xi32>
        tpu.vector_store_idx %arg15[%shift_right_arithmetic3A_91, %and3A_93], %broadcast_in_dim3A_2 : memref<50x128xi32, #tpu.memory_space<vmem>>[vector<16xi32>, vector<16xi32>], vector<16xi32>,
        %add3A_94 = arith.constant 16 : i32
        %add3A_95 = arith.addi %scan3A_84, %add3A_94 : i32
        %add3A_96 = vector.broadcast %add3A_95 : i32 to vector<16xi32>
        %add3A_97 = arith.addi %add3A_96, %iota3A : vector<16xi32>
        tpu.vector_store_idx %arg14[%add3A_97], %broadcast_in_dim3A_0 : memref<6400xi32, #tpu.memory_space<vmem>>[vector<16xi32>], vector<16xi32>,
        %shift_right_arithmetic3A_98 = arith.constant 7 : i32
        %shift_right_arithmetic3A_99 = vector.broadcast %shift_right_arithmetic3A_98 : i32 to vector<16xi32>
        %shift_right_arithmetic3A_100 = arith.shrsi %add3A_97, %shift_right_arithmetic3A_99 : vector<16xi32>
        %and3A_101 = arith.constant 127 : i32
        %and3A_102 = vector.broadcast %and3A_101 : i32 to vector<16xi32>
        %and3A_103 = arith.andi %add3A_97, %and3A_102 : vector<16xi32>
        tpu.vector_store_idx %arg15[%shift_right_arithmetic3A_100, %and3A_103], %broadcast_in_dim3A_2 : memref<50x128xi32, #tpu.memory_space<vmem>>[vector<16xi32>, vector<16xi32>], vector<16xi32>,
        %add3A_104 = arith.constant 32 : i32
        %add3A_105 = arith.addi %scan3A_84, %add3A_104 : i32
        %add3A_106 = vector.broadcast %add3A_105 : i32 to vector<16xi32>
        %add3A_107 = arith.addi %add3A_106, %iota3A : vector<16xi32>
        tpu.vector_store_idx %arg14[%add3A_107], %broadcast_in_dim3A_0 : memref<6400xi32, #tpu.memory_space<vmem>>[vector<16xi32>], vector<16xi32>,
        %shift_right_arithmetic3A_108 = arith.constant 7 : i32
        %shift_right_arithmetic3A_109 = vector.broadcast %shift_right_arithmetic3A_108 : i32 to vector<16xi32>
        %shift_right_arithmetic3A_110 = arith.shrsi %add3A_107, %shift_right_arithmetic3A_109 : vector<16xi32>
        %and3A_111 = arith.constant 127 : i32
        %and3A_112 = vector.broadcast %and3A_111 : i32 to vector<16xi32>
        %and3A_113 = arith.andi %add3A_107, %and3A_112 : vector<16xi32>
        tpu.vector_store_idx %arg15[%shift_right_arithmetic3A_110, %and3A_113], %broadcast_in_dim3A_2 : memref<50x128xi32, #tpu.memory_space<vmem>>[vector<16xi32>, vector<16xi32>], vector<16xi32>,
        %add3A_114 = arith.constant 48 : i32
        %add3A_115 = arith.addi %scan3A_84, %add3A_114 : i32
        %add3A_116 = vector.broadcast %add3A_115 : i32 to vector<16xi32>
        %add3A_117 = arith.addi %add3A_116, %iota3A : vector<16xi32>
        tpu.vector_store_idx %arg14[%add3A_117], %broadcast_in_dim3A_0 : memref<6400xi32, #tpu.memory_space<vmem>>[vector<16xi32>], vector<16xi32>,
        %shift_right_arithmetic3A_118 = arith.constant 7 : i32
        %shift_right_arithmetic3A_119 = vector.broadcast %shift_right_arithmetic3A_118 : i32 to vector<16xi32>
        %shift_right_arithmetic3A_120 = arith.shrsi %add3A_117, %shift_right_arithmetic3A_119 : vector<16xi32>
        %and3A_121 = arith.constant 127 : i32
        %and3A_122 = vector.broadcast %and3A_121 : i32 to vector<16xi32>
        %and3A_123 = arith.andi %add3A_117, %and3A_122 : vector<16xi32>
        tpu.vector_store_idx %arg15[%shift_right_arithmetic3A_120, %and3A_123], %broadcast_in_dim3A_2 : memref<50x128xi32, #tpu.memory_space<vmem>>[vector<16xi32>, vector<16xi32>], vector<16xi32>,
        %add3A_124 = arith.constant 64 : i32
        %add3A_125 = arith.addi %scan3A_84, %add3A_124 : i32
        %add3A_126 = vector.broadcast %add3A_125 : i32 to vector<16xi32>
        %add3A_127 = arith.addi %add3A_126, %iota3A : vector<16xi32>
        tpu.vector_store_idx %arg14[%add3A_127], %broadcast_in_dim3A_0 : memref<6400xi32, #tpu.memory_space<vmem>>[vector<16xi32>], vector<16xi32>,
        %shift_right_arithmetic3A_128 = arith.constant 7 : i32
        %shift_right_arithmetic3A_129 = vector.broadcast %shift_right_arithmetic3A_128 : i32 to vector<16xi32>
        %shift_right_arithmetic3A_130 = arith.shrsi %add3A_127, %shift_right_arithmetic3A_129 : vector<16xi32>
        %and3A_131 = arith.constant 127 : i32
        %and3A_132 = vector.broadcast %and3A_131 : i32 to vector<16xi32>
        %and3A_133 = arith.andi %add3A_127, %and3A_132 : vector<16xi32>
        tpu.vector_store_idx %arg15[%shift_right_arithmetic3A_130, %and3A_133], %broadcast_in_dim3A_2 : memref<50x128xi32, #tpu.memory_space<vmem>>[vector<16xi32>, vector<16xi32>], vector<16xi32>,
        %add3A_134 = arith.constant 80 : i32
        %add3A_135 = arith.addi %scan3A_84, %add3A_134 : i32
        %add3A_136 = vector.broadcast %add3A_135 : i32 to vector<16xi32>
        %add3A_137 = arith.addi %add3A_136, %iota3A : vector<16xi32>
        tpu.vector_store_idx %arg14[%add3A_137], %broadcast_in_dim3A_0 : memref<6400xi32, #tpu.memory_space<vmem>>[vector<16xi32>], vector<16xi32>,
        %shift_right_arithmetic3A_138 = arith.constant 7 : i32
        %shift_right_arithmetic3A_139 = vector.broadcast %shift_right_arithmetic3A_138 : i32 to vector<16xi32>
        %shift_right_arithmetic3A_140 = arith.shrsi %add3A_137, %shift_right_arithmetic3A_139 : vector<16xi32>
        %and3A_141 = arith.constant 127 : i32
        %and3A_142 = vector.broadcast %and3A_141 : i32 to vector<16xi32>
        %and3A_143 = arith.andi %add3A_137, %and3A_142 : vector<16xi32>
        tpu.vector_store_idx %arg15[%shift_right_arithmetic3A_140, %and3A_143], %broadcast_in_dim3A_2 : memref<50x128xi32, #tpu.memory_space<vmem>>[vector<16xi32>, vector<16xi32>], vector<16xi32>,
        %add3A_144 = arith.constant 96 : i32
        %add3A_145 = arith.addi %scan3A_84, %add3A_144 : i32
        %add3A_146 = vector.broadcast %add3A_145 : i32 to vector<16xi32>
        %add3A_147 = arith.addi %add3A_146, %iota3A : vector<16xi32>
        tpu.vector_store_idx %arg14[%add3A_147], %broadcast_in_dim3A_0 : memref<6400xi32, #tpu.memory_space<vmem>>[vector<16xi32>], vector<16xi32>,
        %shift_right_arithmetic3A_148 = arith.constant 7 : i32
        %shift_right_arithmetic3A_149 = vector.broadcast %shift_right_arithmetic3A_148 : i32 to vector<16xi32>
        %shift_right_arithmetic3A_150 = arith.shrsi %add3A_147, %shift_right_arithmetic3A_149 : vector<16xi32>
        %and3A_151 = arith.constant 127 : i32
        %and3A_152 = vector.broadcast %and3A_151 : i32 to vector<16xi32>
        %and3A_153 = arith.andi %add3A_147, %and3A_152 : vector<16xi32>
        tpu.vector_store_idx %arg15[%shift_right_arithmetic3A_150, %and3A_153], %broadcast_in_dim3A_2 : memref<50x128xi32, #tpu.memory_space<vmem>>[vector<16xi32>, vector<16xi32>], vector<16xi32>,
        %add3A_154 = arith.constant 112 : i32
        %add3A_155 = arith.addi %scan3A_84, %add3A_154 : i32
        %add3A_156 = vector.broadcast %add3A_155 : i32 to vector<16xi32>
        %add3A_157 = arith.addi %add3A_156, %iota3A : vector<16xi32>
        tpu.vector_store_idx %arg14[%add3A_157], %broadcast_in_dim3A_0 : memref<6400xi32, #tpu.memory_space<vmem>>[vector<16xi32>], vector<16xi32>,
        %shift_right_arithmetic3A_158 = arith.constant 7 : i32
        %shift_right_arithmetic3A_159 = vector.broadcast %shift_right_arithmetic3A_158 : i32 to vector<16xi32>
        %shift_right_arithmetic3A_160 = arith.shrsi %add3A_157, %shift_right_arithmetic3A_159 : vector<16xi32>
        %and3A_161 = arith.constant 127 : i32
        %and3A_162 = vector.broadcast %and3A_161 : i32 to vector<16xi32>
        %and3A_163 = arith.andi %add3A_157, %and3A_162 : vector<16xi32>
        tpu.vector_store_idx %arg15[%shift_right_arithmetic3A_160, %and3A_163], %broadcast_in_dim3A_2 : memref<50x128xi32, #tpu.memory_space<vmem>>[vector<16xi32>, vector<16xi32>], vector<16xi32>,
        %add3A_164 = arith.constant 128 : i32
        %add3A_165 = arith.addi %scan3A_84, %add3A_164 : i32
        %sub3A = arith.constant 1 : i32
        %sub3A_166 = arith.subi %add3A_165, %sub3A : i32
        %jit3A = arith.constant 128 : i32
        %div3A = arith.divsi %sub3A_166, %jit3A : i32
        %sign3A = arith.constant 0 : i32
        %sign3A_167 = arith.cmpi sgt, %sub3A_166, %sign3A : i32
        %sign3A_168 = arith.extui %sign3A_167 : i1 to i32
        %sign3A_169 = arith.constant 0 : i32
        %sign3A_170 = arith.cmpi slt, %sub3A_166, %sign3A_169 : i32
        %sign3A_171 = arith.extui %sign3A_170 : i1 to i32
        %sign3A_172 = arith.subi %sign3A_168, %sign3A_171 : i32
        %sign3A_173 = arith.constant 0 : i32
        %sign3A_174 = arith.cmpi sgt, %jit3A, %sign3A_173 : i32
        %sign3A_175 = arith.extui %sign3A_174 : i1 to i32
        %sign3A_176 = arith.constant 0 : i32
        %sign3A_177 = arith.cmpi slt, %jit3A, %sign3A_176 : i32
        %sign3A_178 = arith.extui %sign3A_177 : i1 to i32
        %sign3A_179 = arith.subi %sign3A_175, %sign3A_178 : i32
        %ne3A = arith.cmpi ne, %sign3A_172, %sign3A_179 : i32
        %rem3A = arith.remsi %sub3A_166, %jit3A : i32
        %ne3A_180 = arith.constant 0 : i32
        %ne3A_181 = arith.cmpi ne, %rem3A, %ne3A_180 : i32
        %and3A_182 = arith.andi %ne3A, %ne3A_181 : i1
        %sub3A_183 = arith.constant 1 : i32
        %sub3A_184 = arith.subi %div3A, %sub3A_183 : i32
        %select_n3A = arith.select %and3A_182, %sub3A_184, %div3A : i32
        %while3A = arith.constant 0 : i32
        %while3A_185 = arith.constant 0 : i32
        %while3A_186 = arith.subi %select_n3A, %while3A_185 : i32
        %while3A_187 = arith.addi %while3A_185, %while3A_186 : i32
        %while3A_188 = arith.constant 1 : i32
        %while3A_189 = arith.divsi %while3A_186, %while3A_188 : i32
        %while3A_190 = arith.muli %while3A_189, %while3A_188 : i32
        %while3A_191 = arith.addi %while3A_185, %while3A_190 : i32
        %while3A_192 = arith.constant 1 : i32
        scf.for %while3A_204 = %while3A_185 to %while3A_191 step %while3A_192  : i32 {
          %get3A = arith.index_cast %while3A_204 : i32 to index
          %get3A_205 = arith.constant 0 : index
          %get3A_206 = tpu.vector_load %arg15[%get3A, %get3A_205] {strides = array<i32>} : memref<50x128xi32, #tpu.memory_space<vmem>>, vector<16xi32>,
          tpu.vector_store_idx %arg20[%get3A_206], %broadcast_in_dim3A_4 {add = true} : memref<8464xf32, #tpu.memory_space<vmem>>[vector<16xi32>], vector<16xf32>,
          %get3A_207 = arith.index_cast %while3A_204 : i32 to index
          %get3A_208 = arith.constant 16 : index
          %get3A_209 = tpu.vector_load %arg15[%get3A_207, %get3A_208] {strides = array<i32>} : memref<50x128xi32, #tpu.memory_space<vmem>>, vector<16xi32>,
          tpu.vector_store_idx %arg20[%get3A_209], %broadcast_in_dim3A_4 {add = true} : memref<8464xf32, #tpu.memory_space<vmem>>[vector<16xi32>], vector<16xf32>,
          %get3A_210 = arith.index_cast %while3A_204 : i32 to index
          %get3A_211 = arith.constant 32 : index
          %get3A_212 = tpu.vector_load %arg15[%get3A_210, %get3A_211] {strides = array<i32>} : memref<50x128xi32, #tpu.memory_space<vmem>>, vector<16xi32>,
          tpu.vector_store_idx %arg20[%get3A_212], %broadcast_in_dim3A_4 {add = true} : memref<8464xf32, #tpu.memory_space<vmem>>[vector<16xi32>], vector<16xf32>,
          %get3A_213 = arith.index_cast %while3A_204 : i32 to index
          %get3A_214 = arith.constant 48 : index
          %get3A_215 = tpu.vector_load %arg15[%get3A_213, %get3A_214] {strides = array<i32>} : memref<50x128xi32, #tpu.memory_space<vmem>>, vector<16xi32>,
          tpu.vector_store_idx %arg20[%get3A_215], %broadcast_in_dim3A_4 {add = true} : memref<8464xf32, #tpu.memory_space<vmem>>[vector<16xi32>], vector<16xf32>,
          %get3A_216 = arith.index_cast %while3A_204 : i32 to index
          %get3A_217 = arith.constant 64 : index
          %get3A_218 = tpu.vector_load %arg15[%get3A_216, %get3A_217] {strides = array<i32>} : memref<50x128xi32, #tpu.memory_space<vmem>>, vector<16xi32>,
          tpu.vector_store_idx %arg20[%get3A_218], %broadcast_in_dim3A_4 {add = true} : memref<8464xf32, #tpu.memory_space<vmem>>[vector<16xi32>], vector<16xf32>,
          %get3A_219 = arith.index_cast %while3A_204 : i32 to index
          %get3A_220 = arith.constant 80 : index
          %get3A_221 = tpu.vector_load %arg15[%get3A_219, %get3A_220] {strides = array<i32>} : memref<50x128xi32, #tpu.memory_space<vmem>>, vector<16xi32>,
          tpu.vector_store_idx %arg20[%get3A_221], %broadcast_in_dim3A_4 {add = true} : memref<8464xf32, #tpu.memory_space<vmem>>[vector<16xi32>], vector<16xf32>,
          %get3A_222 = arith.index_cast %while3A_204 : i32 to index
          %get3A_223 = arith.constant 96 : index
          %get3A_224 = tpu.vector_load %arg15[%get3A_222, %get3A_223] {strides = array<i32>} : memref<50x128xi32, #tpu.memory_space<vmem>>, vector<16xi32>,
          tpu.vector_store_idx %arg20[%get3A_224], %broadcast_in_dim3A_4 {add = true} : memref<8464xf32, #tpu.memory_space<vmem>>[vector<16xi32>], vector<16xf32>,
          %get3A_225 = arith.index_cast %while3A_204 : i32 to index
          %get3A_226 = arith.constant 112 : index
          %get3A_227 = tpu.vector_load %arg15[%get3A_225, %get3A_226] {strides = array<i32>} : memref<50x128xi32, #tpu.memory_space<vmem>>, vector<16xi32>,
          tpu.vector_store_idx %arg20[%get3A_227], %broadcast_in_dim3A_4 {add = true} : memref<8464xf32, #tpu.memory_space<vmem>>[vector<16xi32>], vector<16xf32>,
        }
        %while3A_193 = arith.constant 1 : i32
        scf.for %while3A_204 = %while3A_191 to %while3A_187 step %while3A_193  : i32 {
          %get3A = arith.index_cast %while3A_204 : i32 to index
          %get3A_205 = arith.constant 0 : index
          %get3A_206 = tpu.vector_load %arg15[%get3A, %get3A_205] {strides = array<i32>} : memref<50x128xi32, #tpu.memory_space<vmem>>, vector<16xi32>,
          tpu.vector_store_idx %arg20[%get3A_206], %broadcast_in_dim3A_4 {add = true} : memref<8464xf32, #tpu.memory_space<vmem>>[vector<16xi32>], vector<16xf32>,
          %get3A_207 = arith.index_cast %while3A_204 : i32 to index
          %get3A_208 = arith.constant 16 : index
          %get3A_209 = tpu.vector_load %arg15[%get3A_207, %get3A_208] {strides = array<i32>} : memref<50x128xi32, #tpu.memory_space<vmem>>, vector<16xi32>,
          tpu.vector_store_idx %arg20[%get3A_209], %broadcast_in_dim3A_4 {add = true} : memref<8464xf32, #tpu.memory_space<vmem>>[vector<16xi32>], vector<16xf32>,
          %get3A_210 = arith.index_cast %while3A_204 : i32 to index
          %get3A_211 = arith.constant 32 : index
          %get3A_212 = tpu.vector_load %arg15[%get3A_210, %get3A_211] {strides = array<i32>} : memref<50x128xi32, #tpu.memory_space<vmem>>, vector<16xi32>,
          tpu.vector_store_idx %arg20[%get3A_212], %broadcast_in_dim3A_4 {add = true} : memref<8464xf32, #tpu.memory_space<vmem>>[vector<16xi32>], vector<16xf32>,
          %get3A_213 = arith.index_cast %while3A_204 : i32 to index
          %get3A_214 = arith.constant 48 : index
          %get3A_215 = tpu.vector_load %arg15[%get3A_213, %get3A_214] {strides = array<i32>} : memref<50x128xi32, #tpu.memory_space<vmem>>, vector<16xi32>,
          tpu.vector_store_idx %arg20[%get3A_215], %broadcast_in_dim3A_4 {add = true} : memref<8464xf32, #tpu.memory_space<vmem>>[vector<16xi32>], vector<16xf32>,
          %get3A_216 = arith.index_cast %while3A_204 : i32 to index
          %get3A_217 = arith.constant 64 : index
          %get3A_218 = tpu.vector_load %arg15[%get3A_216, %get3A_217] {strides = array<i32>} : memref<50x128xi32, #tpu.memory_space<vmem>>, vector<16xi32>,
          tpu.vector_store_idx %arg20[%get3A_218], %broadcast_in_dim3A_4 {add = true} : memref<8464xf32, #tpu.memory_space<vmem>>[vector<16xi32>], vector<16xf32>,
          %get3A_219 = arith.index_cast %while3A_204 : i32 to index
          %get3A_220 = arith.constant 80 : index
          %get3A_221 = tpu.vector_load %arg15[%get3A_219, %get3A_220] {strides = array<i32>} : memref<50x128xi32, #tpu.memory_space<vmem>>, vector<16xi32>,
          tpu.vector_store_idx %arg20[%get3A_221], %broadcast_in_dim3A_4 {add = true} : memref<8464xf32, #tpu.memory_space<vmem>>[vector<16xi32>], vector<16xf32>,
          %get3A_222 = arith.index_cast %while3A_204 : i32 to index
          %get3A_223 = arith.constant 96 : index
          %get3A_224 = tpu.vector_load %arg15[%get3A_222, %get3A_223] {strides = array<i32>} : memref<50x128xi32, #tpu.memory_space<vmem>>, vector<16xi32>,
          tpu.vector_store_idx %arg20[%get3A_224], %broadcast_in_dim3A_4 {add = true} : memref<8464xf32, #tpu.memory_space<vmem>>[vector<16xi32>], vector<16xf32>,
          %get3A_225 = arith.index_cast %while3A_204 : i32 to index
          %get3A_226 = arith.constant 112 : index
          %get3A_227 = tpu.vector_load %arg15[%get3A_225, %get3A_226] {strides = array<i32>} : memref<50x128xi32, #tpu.memory_space<vmem>>, vector<16xi32>,
          tpu.vector_store_idx %arg20[%get3A_227], %broadcast_in_dim3A_4 {add = true} : memref<8464xf32, #tpu.memory_space<vmem>>[vector<16xi32>], vector<16xf32>,
        }
        %while3A_194 = arith.constant 0 : i32
        %while3A_195 = arith.constant 0 : i32
        %while3A_196 = arith.subi %select_n3A, %while3A_195 : i32
        %while3A_197 = arith.addi %while3A_195, %while3A_196 : i32
        %while3A_198 = arith.constant 1 : i32
        %while3A_199 = arith.divsi %while3A_196, %while3A_198 : i32
        %while3A_200 = arith.muli %while3A_199, %while3A_198 : i32
        %while3A_201 = arith.addi %while3A_195, %while3A_200 : i32
        %while3A_202 = arith.constant 1 : i32
        scf.for %while3A_204 = %while3A_195 to %while3A_201 step %while3A_202  : i32 {
          %mul3A_205 = arith.constant 128 : i32
          %mul3A_206 = arith.muli %while3A_204, %mul3A_205 : i32
          %dma_start3A = tpu.memref_slice %arg14[%mul3A_206] : memref<6400xi32, #tpu.memory_space<vmem>> -> memref<128xi32, #tpu.memory_space<vmem>>
          %dma_start3A_207 = arith.constant 0 : i32
          %dma_start3A_208 = arith.constant 0 : i32
          %dma_start3A_209 = tpu.memref_slice %arg3[%dma_start3A_207, %dma_start3A_208] : memref<50000x128xf32, #tpu.memory_space<hbm>> -> memref<50000x128xf32, #tpu.memory_space<hbm>>
          tpu.enqueue_indirect_dma source(%dma_start3A_209 : memref<50000x128xf32, #tpu.memory_space<hbm>>) target(%arg16 : memref<128x128xf32, #tpu.memory_space<vmem>>) offsets(%dma_start3A : memref<128xi32, #tpu.memory_space<vmem>>) semaphore(%arg18 : memref<!tpu.dma_semaphore, #tpu.memory_space<semaphore_mem>>)
          %dma_wait3A = tpu.memref_slice %arg14[%mul3A_206] : memref<6400xi32, #tpu.memory_space<vmem>> -> memref<128xi32, #tpu.memory_space<vmem>>
          %dma_wait3A_210 = arith.constant 0 : i32
          %dma_wait3A_211 = arith.constant 0 : i32
          %dma_wait3A_212 = tpu.memref_slice %arg3[%dma_wait3A_210, %dma_wait3A_211] : memref<50000x128xf32, #tpu.memory_space<hbm>> -> memref<50000x128xf32, #tpu.memory_space<hbm>>
          tpu.wait_indirect_dma semaphore(%arg18 : memref<!tpu.dma_semaphore, #tpu.memory_space<semaphore_mem>>) src(%dma_wait3A_212 : memref<50000x128xf32, #tpu.memory_space<hbm>>) dst(%arg16 : memref<128x128xf32, #tpu.memory_space<vmem>>)
          %get3A = arith.index_cast %while3A_204 : i32 to index
          %get3A_213 = arith.constant 0 : index
          %get3A_214 = tpu.vector_load %arg15[%get3A, %get3A_213] {strides = array<i32>} : memref<50x128xi32, #tpu.memory_space<vmem>>, vector<16xi32>,
          %swap3A = arith.constant 0 : index
          %swap3A_215 = tpu.vector_load %arg17[%swap3A] {strides = array<i32>} : memref<128xi32, #tpu.memory_space<vmem>>, vector<16xi32>,
          tpu.vector_store %arg17[%swap3A], %get3A_214 {strides = array<i32>} : memref<128xi32, #tpu.memory_space<vmem>>, vector<16xi32>,
          %get3A_216 = arith.index_cast %while3A_204 : i32 to index
          %get3A_217 = arith.constant 16 : index
          %get3A_218 = tpu.vector_load %arg15[%get3A_216, %get3A_217] {strides = array<i32>} : memref<50x128xi32, #tpu.memory_space<vmem>>, vector<16xi32>,
          %swap3A_219 = arith.constant 16 : index
          %swap3A_220 = tpu.vector_load %arg17[%swap3A_219] {strides = array<i32>} : memref<128xi32, #tpu.memory_space<vmem>>, vector<16xi32>,
          tpu.vector_store %arg17[%swap3A_219], %get3A_218 {strides = array<i32>} : memref<128xi32, #tpu.memory_space<vmem>>, vector<16xi32>,
          %get3A_221 = arith.index_cast %while3A_204 : i32 to index
          %get3A_222 = arith.constant 32 : index
          %get3A_223 = tpu.vector_load %arg15[%get3A_221, %get3A_222] {strides = array<i32>} : memref<50x128xi32, #tpu.memory_space<vmem>>, vector<16xi32>,
          %swap3A_224 = arith.constant 32 : index
          %swap3A_225 = tpu.vector_load %arg17[%swap3A_224] {strides = array<i32>} : memref<128xi32, #tpu.memory_space<vmem>>, vector<16xi32>,
          tpu.vector_store %arg17[%swap3A_224], %get3A_223 {strides = array<i32>} : memref<128xi32, #tpu.memory_space<vmem>>, vector<16xi32>,
          %get3A_226 = arith.index_cast %while3A_204 : i32 to index
          %get3A_227 = arith.constant 48 : index
          %get3A_228 = tpu.vector_load %arg15[%get3A_226, %get3A_227] {strides = array<i32>} : memref<50x128xi32, #tpu.memory_space<vmem>>, vector<16xi32>,
          %swap3A_229 = arith.constant 48 : index
          %swap3A_230 = tpu.vector_load %arg17[%swap3A_229] {strides = array<i32>} : memref<128xi32, #tpu.memory_space<vmem>>, vector<16xi32>,
          tpu.vector_store %arg17[%swap3A_229], %get3A_228 {strides = array<i32>} : memref<128xi32, #tpu.memory_space<vmem>>, vector<16xi32>,
          %get3A_231 = arith.index_cast %while3A_204 : i32 to index
          %get3A_232 = arith.constant 64 : index
          %get3A_233 = tpu.vector_load %arg15[%get3A_231, %get3A_232] {strides = array<i32>} : memref<50x128xi32, #tpu.memory_space<vmem>>, vector<16xi32>,
          %swap3A_234 = arith.constant 64 : index
          %swap3A_235 = tpu.vector_load %arg17[%swap3A_234] {strides = array<i32>} : memref<128xi32, #tpu.memory_space<vmem>>, vector<16xi32>,
          tpu.vector_store %arg17[%swap3A_234], %get3A_233 {strides = array<i32>} : memref<128xi32, #tpu.memory_space<vmem>>, vector<16xi32>,
          %get3A_236 = arith.index_cast %while3A_204 : i32 to index
          %get3A_237 = arith.constant 80 : index
          %get3A_238 = tpu.vector_load %arg15[%get3A_236, %get3A_237] {strides = array<i32>} : memref<50x128xi32, #tpu.memory_space<vmem>>, vector<16xi32>,
          %swap3A_239 = arith.constant 80 : index
          %swap3A_240 = tpu.vector_load %arg17[%swap3A_239] {strides = array<i32>} : memref<128xi32, #tpu.memory_space<vmem>>, vector<16xi32>,
          tpu.vector_store %arg17[%swap3A_239], %get3A_238 {strides = array<i32>} : memref<128xi32, #tpu.memory_space<vmem>>, vector<16xi32>,
          %get3A_241 = arith.index_cast %while3A_204 : i32 to index
          %get3A_242 = arith.constant 96 : index
          %get3A_243 = tpu.vector_load %arg15[%get3A_241, %get3A_242] {strides = array<i32>} : memref<50x128xi32, #tpu.memory_space<vmem>>, vector<16xi32>,
          %swap3A_244 = arith.constant 96 : index
          %swap3A_245 = tpu.vector_load %arg17[%swap3A_244] {strides = array<i32>} : memref<128xi32, #tpu.memory_space<vmem>>, vector<16xi32>,
          tpu.vector_store %arg17[%swap3A_244], %get3A_243 {strides = array<i32>} : memref<128xi32, #tpu.memory_space<vmem>>, vector<16xi32>,
          %get3A_246 = arith.index_cast %while3A_204 : i32 to index
          %get3A_247 = arith.constant 112 : index
          %get3A_248 = tpu.vector_load %arg15[%get3A_246, %get3A_247] {strides = array<i32>} : memref<50x128xi32, #tpu.memory_space<vmem>>, vector<16xi32>,
          %swap3A_249 = arith.constant 112 : index
          %swap3A_250 = tpu.vector_load %arg17[%swap3A_249] {strides = array<i32>} : memref<128xi32, #tpu.memory_space<vmem>>, vector<16xi32>,
          tpu.vector_store %arg17[%swap3A_249], %get3A_248 {strides = array<i32>} : memref<128xi32, #tpu.memory_space<vmem>>, vector<16xi32>,
          "tpu.region"() ({
            %run_scoped3A = tpu.sem_alloc : memref<!tpu.dma_semaphore, #tpu.memory_space<semaphore_mem>>
            %dma_start3A_251 = arith.constant 0 : i32
            %dma_start3A_252 = arith.constant 0 : i32
            %dma_start3A_253 = tpu.memref_slice %arg19[%dma_start3A_251, %dma_start3A_252] : memref<8464x128xf32, #tpu.memory_space<vmem_shared>> -> memref<8464x128xf32, #tpu.memory_space<vmem_shared>>
            tpu.enqueue_indirect_dma source(%arg16 : memref<128x128xf32, #tpu.memory_space<vmem>>) target(%dma_start3A_253 : memref<8464x128xf32, #tpu.memory_space<vmem_shared>>) offsets(%arg17 : memref<128xi32, #tpu.memory_space<vmem>>) semaphore(%run_scoped3A : memref<!tpu.dma_semaphore, #tpu.memory_space<semaphore_mem>>) {add = true}
            %dma_wait3A_254 = arith.constant 0 : i32
            %dma_wait3A_255 = arith.constant 0 : i32
            %dma_wait3A_256 = tpu.memref_slice %arg19[%dma_wait3A_254, %dma_wait3A_255] : memref<8464x128xf32, #tpu.memory_space<vmem_shared>> -> memref<8464x128xf32, #tpu.memory_space<vmem_shared>>
            tpu.wait_indirect_dma semaphore(%run_scoped3A : memref<!tpu.dma_semaphore, #tpu.memory_space<semaphore_mem>>) src(%arg16 : memref<128x128xf32, #tpu.memory_space<vmem>>) dst(%dma_wait3A_256 : memref<8464x128xf32, #tpu.memory_space<vmem_shared>>)
            tpu.yield
          }) : () -> ()
        }
        %while3A_203 = arith.constant 1 : i32
        scf.for %while3A_204 = %while3A_201 to %while3A_197 step %while3A_203  : i32 {
          %mul3A_205 = arith.constant 128 : i32
          %mul3A_206 = arith.muli %while3A_204, %mul3A_205 : i32
          %dma_start3A = tpu.memref_slice %arg14[%mul3A_206] : memref<6400xi32, #tpu.memory_space<vmem>> -> memref<128xi32, #tpu.memory_space<vmem>>
          %dma_start3A_207 = arith.constant 0 : i32
          %dma_start3A_208 = arith.constant 0 : i32
          %dma_start3A_209 = tpu.memref_slice %arg3[%dma_start3A_207, %dma_start3A_208] : memref<50000x128xf32, #tpu.memory_space<hbm>> -> memref<50000x128xf32, #tpu.memory_space<hbm>>
          tpu.enqueue_indirect_dma source(%dma_start3A_209 : memref<50000x128xf32, #tpu.memory_space<hbm>>) target(%arg16 : memref<128x128xf32, #tpu.memory_space<vmem>>) offsets(%dma_start3A : memref<128xi32, #tpu.memory_space<vmem>>) semaphore(%arg18 : memref<!tpu.dma_semaphore, #tpu.memory_space<semaphore_mem>>)
          %dma_wait3A = tpu.memref_slice %arg14[%mul3A_206] : memref<6400xi32, #tpu.memory_space<vmem>> -> memref<128xi32, #tpu.memory_space<vmem>>
          %dma_wait3A_210 = arith.constant 0 : i32
          %dma_wait3A_211 = arith.constant 0 : i32
          %dma_wait3A_212 = tpu.memref_slice %arg3[%dma_wait3A_210, %dma_wait3A_211] : memref<50000x128xf32, #tpu.memory_space<hbm>> -> memref<50000x128xf32, #tpu.memory_space<hbm>>
          tpu.wait_indirect_dma semaphore(%arg18 : memref<!tpu.dma_semaphore, #tpu.memory_space<semaphore_mem>>) src(%dma_wait3A_212 : memref<50000x128xf32, #tpu.memory_space<hbm>>) dst(%arg16 : memref<128x128xf32, #tpu.memory_space<vmem>>)
          %get3A = arith.index_cast %while3A_204 : i32 to index
          %get3A_213 = arith.constant 0 : index
          %get3A_214 = tpu.vector_load %arg15[%get3A, %get3A_213] {strides = array<i32>} : memref<50x128xi32, #tpu.memory_space<vmem>>, vector<16xi32>,
          %swap3A = arith.constant 0 : index
          %swap3A_215 = tpu.vector_load %arg17[%swap3A] {strides = array<i32>} : memref<128xi32, #tpu.memory_space<vmem>>, vector<16xi32>,
          tpu.vector_store %arg17[%swap3A], %get3A_214 {strides = array<i32>} : memref<128xi32, #tpu.memory_space<vmem>>, vector<16xi32>,
          %get3A_216 = arith.index_cast %while3A_204 : i32 to index
          %get3A_217 = arith.constant 16 : index
          %get3A_218 = tpu.vector_load %arg15[%get3A_216, %get3A_217] {strides = array<i32>} : memref<50x128xi32, #tpu.memory_space<vmem>>, vector<16xi32>,
          %swap3A_219 = arith.constant 16 : index
          %swap3A_220 = tpu.vector_load %arg17[%swap3A_219] {strides = array<i32>} : memref<128xi32, #tpu.memory_space<vmem>>, vector<16xi32>,
          tpu.vector_store %arg17[%swap3A_219], %get3A_218 {strides = array<i32>} : memref<128xi32, #tpu.memory_space<vmem>>, vector<16xi32>,
          %get3A_221 = arith.index_cast %while3A_204 : i32 to index
          %get3A_222 = arith.constant 32 : index
          %get3A_223 = tpu.vector_load %arg15[%get3A_221, %get3A_222] {strides = array<i32>} : memref<50x128xi32, #tpu.memory_space<vmem>>, vector<16xi32>,
          %swap3A_224 = arith.constant 32 : index
          %swap3A_225 = tpu.vector_load %arg17[%swap3A_224] {strides = array<i32>} : memref<128xi32, #tpu.memory_space<vmem>>, vector<16xi32>,
          tpu.vector_store %arg17[%swap3A_224], %get3A_223 {strides = array<i32>} : memref<128xi32, #tpu.memory_space<vmem>>, vector<16xi32>,
          %get3A_226 = arith.index_cast %while3A_204 : i32 to index
          %get3A_227 = arith.constant 48 : index
          %get3A_228 = tpu.vector_load %arg15[%get3A_226, %get3A_227] {strides = array<i32>} : memref<50x128xi32, #tpu.memory_space<vmem>>, vector<16xi32>,
          %swap3A_229 = arith.constant 48 : index
          %swap3A_230 = tpu.vector_load %arg17[%swap3A_229] {strides = array<i32>} : memref<128xi32, #tpu.memory_space<vmem>>, vector<16xi32>,
          tpu.vector_store %arg17[%swap3A_229], %get3A_228 {strides = array<i32>} : memref<128xi32, #tpu.memory_space<vmem>>, vector<16xi32>,
          %get3A_231 = arith.index_cast %while3A_204 : i32 to index
          %get3A_232 = arith.constant 64 : index
          %get3A_233 = tpu.vector_load %arg15[%get3A_231, %get3A_232] {strides = array<i32>} : memref<50x128xi32, #tpu.memory_space<vmem>>, vector<16xi32>,
          %swap3A_234 = arith.constant 64 : index
          %swap3A_235 = tpu.vector_load %arg17[%swap3A_234] {strides = array<i32>} : memref<128xi32, #tpu.memory_space<vmem>>, vector<16xi32>,
          tpu.vector_store %arg17[%swap3A_234], %get3A_233 {strides = array<i32>} : memref<128xi32, #tpu.memory_space<vmem>>, vector<16xi32>,
          %get3A_236 = arith.index_cast %while3A_204 : i32 to index
          %get3A_237 = arith.constant 80 : index
          %get3A_238 = tpu.vector_load %arg15[%get3A_236, %get3A_237] {strides = array<i32>} : memref<50x128xi32, #tpu.memory_space<vmem>>, vector<16xi32>,
          %swap3A_239 = arith.constant 80 : index
          %swap3A_240 = tpu.vector_load %arg17[%swap3A_239] {strides = array<i32>} : memref<128xi32, #tpu.memory_space<vmem>>, vector<16xi32>,
          tpu.vector_store %arg17[%swap3A_239], %get3A_238 {strides = array<i32>} : memref<128xi32, #tpu.memory_space<vmem>>, vector<16xi32>,
          %get3A_241 = arith.index_cast %while3A_204 : i32 to index
          %get3A_242 = arith.constant 96 : index
          %get3A_243 = tpu.vector_load %arg15[%get3A_241, %get3A_242] {strides = array<i32>} : memref<50x128xi32, #tpu.memory_space<vmem>>, vector<16xi32>,
          %swap3A_244 = arith.constant 96 : index
          %swap3A_245 = tpu.vector_load %arg17[%swap3A_244] {strides = array<i32>} : memref<128xi32, #tpu.memory_space<vmem>>, vector<16xi32>,
          tpu.vector_store %arg17[%swap3A_244], %get3A_243 {strides = array<i32>} : memref<128xi32, #tpu.memory_space<vmem>>, vector<16xi32>,
          %get3A_246 = arith.index_cast %while3A_204 : i32 to index
          %get3A_247 = arith.constant 112 : index
          %get3A_248 = tpu.vector_load %arg15[%get3A_246, %get3A_247] {strides = array<i32>} : memref<50x128xi32, #tpu.memory_space<vmem>>, vector<16xi32>,
          %swap3A_249 = arith.constant 112 : index
          %swap3A_250 = tpu.vector_load %arg17[%swap3A_249] {strides = array<i32>} : memref<128xi32, #tpu.memory_space<vmem>>, vector<16xi32>,
          tpu.vector_store %arg17[%swap3A_249], %get3A_248 {strides = array<i32>} : memref<128xi32, #tpu.memory_space<vmem>>, vector<16xi32>,
          "tpu.region"() ({
            %run_scoped3A = tpu.sem_alloc : memref<!tpu.dma_semaphore, #tpu.memory_space<semaphore_mem>>
            %dma_start3A_251 = arith.constant 0 : i32
            %dma_start3A_252 = arith.constant 0 : i32
            %dma_start3A_253 = tpu.memref_slice %arg19[%dma_start3A_251, %dma_start3A_252] : memref<8464x128xf32, #tpu.memory_space<vmem_shared>> -> memref<8464x128xf32, #tpu.memory_space<vmem_shared>>
            tpu.enqueue_indirect_dma source(%arg16 : memref<128x128xf32, #tpu.memory_space<vmem>>) target(%dma_start3A_253 : memref<8464x128xf32, #tpu.memory_space<vmem_shared>>) offsets(%arg17 : memref<128xi32, #tpu.memory_space<vmem>>) semaphore(%run_scoped3A : memref<!tpu.dma_semaphore, #tpu.memory_space<semaphore_mem>>) {add = true}
            %dma_wait3A_254 = arith.constant 0 : i32
            %dma_wait3A_255 = arith.constant 0 : i32
            %dma_wait3A_256 = tpu.memref_slice %arg19[%dma_wait3A_254, %dma_wait3A_255] : memref<8464x128xf32, #tpu.memory_space<vmem_shared>> -> memref<8464x128xf32, #tpu.memory_space<vmem_shared>>
            tpu.wait_indirect_dma semaphore(%run_scoped3A : memref<!tpu.dma_semaphore, #tpu.memory_space<semaphore_mem>>) src(%arg16 : memref<128x128xf32, #tpu.memory_space<vmem>>) dst(%dma_wait3A_256 : memref<8464x128xf32, #tpu.memory_space<vmem_shared>>)
            tpu.yield
          }) : () -> ()
        }
      }
      %scan3A_61 = arith.constant 3 : i32
      %mul3A_62 = arith.constant 8448 : i32
      %mul3A_63 = arith.muli %add3A, %mul3A_62 : i32
      "tpu.region"() ({
        %run_scoped3A = tpu.sem_alloc : memref<!tpu.dma_semaphore, #tpu.memory_space<semaphore_mem>>
        %dma_start3A = arith.constant 0 : i32
        %dma_start3A_73 = tpu.memref_slice %arg20[%dma_start3A] : memref<8464xf32, #tpu.memory_space<vmem>> -> memref<8448xf32, #tpu.memory_space<vmem>>
        %dma_start3A_74 = tpu.memref_slice %arg11[%arg1, %mul3A_63] : memref<16x50688xf32, #tpu.memory_space<hbm>> -> memref<1x8448xf32, #tpu.memory_space<hbm>>
        %dma_start3A_75 = tpu.memref_squeeze %dma_start3A_74 : memref<1x8448xf32, #tpu.memory_space<hbm>> -> memref<8448xf32, #tpu.memory_space<hbm>>
        %dma_start3A_76 = tpu.memref_slice %arg11[%arg1, %mul3A_63] : memref<16x50688xf32, #tpu.memory_space<hbm>> -> memref<1x8448xf32, #tpu.memory_space<hbm>>
        %dma_start3A_77 = tpu.memref_squeeze %dma_start3A_76 : memref<1x8448xf32, #tpu.memory_space<hbm>> -> memref<8448xf32, #tpu.memory_space<hbm>>
        %dma_start3A_78 = arith.constant 0 : i32
        %dma_start3A_79 = tpu.memref_slice %arg20[%dma_start3A_78] : memref<8464xf32, #tpu.memory_space<vmem>> -> memref<8448xf32, #tpu.memory_space<vmem>>
        tpu.enqueue_dma source(%dma_start3A_79 : memref<8448xf32, #tpu.memory_space<vmem>>) target(%dma_start3A_77 : memref<8448xf32, #tpu.memory_space<hbm>>) target_semaphore(%run_scoped3A : memref<!tpu.dma_semaphore, #tpu.memory_space<semaphore_mem>>)
        %dma_wait3A = arith.constant 0 : i32
        %dma_wait3A_80 = tpu.memref_slice %arg20[%dma_wait3A] : memref<8464xf32, #tpu.memory_space<vmem>> -> memref<8448xf32, #tpu.memory_space<vmem>>
        %dma_wait3A_81 = tpu.memref_slice %arg11[%arg1, %mul3A_63] : memref<16x50688xf32, #tpu.memory_space<hbm>> -> memref<1x8448xf32, #tpu.memory_space<hbm>>
        %dma_wait3A_82 = tpu.memref_squeeze %dma_wait3A_81 : memref<1x8448xf32, #tpu.memory_space<hbm>> -> memref<8448xf32, #tpu.memory_space<hbm>>
        %dma_wait3A_83 = tpu.memref_slice %arg11[%arg1, %mul3A_63] : memref<16x50688xf32, #tpu.memory_space<hbm>> -> memref<1x8448xf32, #tpu.memory_space<hbm>>
        %dma_wait3A_84 = tpu.memref_squeeze %dma_wait3A_83 : memref<1x8448xf32, #tpu.memory_space<hbm>> -> memref<8448xf32, #tpu.memory_space<hbm>>
        %dma_wait3A_85 = arith.constant 0 : i32
        %dma_wait3A_86 = tpu.memref_slice %arg20[%dma_wait3A_85] : memref<8464xf32, #tpu.memory_space<vmem>> -> memref<8448xf32, #tpu.memory_space<vmem>>
        tpu.wait_dma2 semaphore(%run_scoped3A : memref<!tpu.dma_semaphore, #tpu.memory_space<semaphore_mem>>) src(%dma_wait3A_86 : memref<8448xf32, #tpu.memory_space<vmem>>) dst(%dma_wait3A_84 : memref<8448xf32, #tpu.memory_space<hbm>>)
        tpu.yield
      }) : () -> ()
      %barrier3A_64 = arith.constant 0 : index
      tpu.barrier barrier_id(%barrier3A_64)
      %mul3A_65 = arith.constant 528 : i32
      %mul3A_66 = arith.muli %arg1, %mul3A_65 : i32
      %mul3A_67 = arith.constant 8448 : i32
      %mul3A_68 = arith.muli %add3A, %mul3A_67 : i32
      %mul3A_69 = arith.constant 528 : i32
      %mul3A_70 = arith.muli %arg1, %mul3A_69 : i32
      %add3A_71 = arith.addi %mul3A_68, %mul3A_70 : i32
      "tpu.region"() ({
        %run_scoped3A = tpu.sem_alloc : memref<!tpu.dma_semaphore, #tpu.memory_space<semaphore_mem>>
        %dma_start3A = arith.constant 0 : i32
        %dma_start3A_73 = tpu.memref_slice %arg9[%add3A_71, %dma_start3A] : memref<50688x128xf32, #tpu.memory_space<hbm>> -> memref<528x128xf32, #tpu.memory_space<hbm>>
        %dma_start3A_74 = arith.constant 0 : i32
        %dma_start3A_75 = tpu.memref_slice %arg19[%mul3A_66, %dma_start3A_74] : memref<8464x128xf32, #tpu.memory_space<vmem_shared>> -> memref<528x128xf32, #tpu.memory_space<vmem_shared>>
        tpu.enqueue_dma source(%dma_start3A_75 : memref<528x128xf32, #tpu.memory_space<vmem_shared>>) target(%dma_start3A_73 : memref<528x128xf32, #tpu.memory_space<hbm>>) target_semaphore(%run_scoped3A : memref<!tpu.dma_semaphore, #tpu.memory_space<semaphore_mem>>)
        %dma_wait3A = arith.constant 0 : i32
        %dma_wait3A_76 = tpu.memref_slice %arg9[%add3A_71, %dma_wait3A] : memref<50688x128xf32, #tpu.memory_space<hbm>> -> memref<528x128xf32, #tpu.memory_space<hbm>>
        %dma_wait3A_77 = arith.constant 0 : i32
        %dma_wait3A_78 = tpu.memref_slice %arg19[%mul3A_66, %dma_wait3A_77] : memref<8464x128xf32, #tpu.memory_space<vmem_shared>> -> memref<528x128xf32, #tpu.memory_space<vmem_shared>>
        tpu.wait_dma2 semaphore(%run_scoped3A : memref<!tpu.dma_semaphore, #tpu.memory_space<semaphore_mem>>) src(%dma_wait3A_78 : memref<528x128xf32, #tpu.memory_space<vmem_shared>>) dst(%dma_wait3A_76 : memref<528x128xf32, #tpu.memory_space<hbm>>)
        tpu.yield
      }) : () -> ()
      %barrier3A_72 = arith.constant 0 : index
      tpu.barrier barrier_id(%barrier3A_72)
    }
    %scan3A_17 = arith.constant 3 : i32
    return
  }
}

#map = affine_map<(d0, d1) -> (0, 0)>
#map1 = affine_map<(d0, d1) -> (0)>
module attributes {stable_mosaic.version = 14 : i64} {
  func.func @sc_agg(%arg0: i32, %arg1: i32, %arg2: memref<50000x128xf32, #tpu.memory_space<hbm>>, %arg3: memref<50000x128xf32, #tpu.memory_space<hbm>>, %arg4: memref<301056xi32, #tpu.memory_space<hbm>>, %arg5: memref<301056xi32, #tpu.memory_space<hbm>>, %arg6: memref<301056xi32, #tpu.memory_space<hbm>>, %arg7: memref<301056xi32, #tpu.memory_space<hbm>>, %arg8: memref<50688x128xf32, #tpu.memory_space<hbm>>, %arg9: memref<50688x128xf32, #tpu.memory_space<hbm>>, %arg10: memref<6272xi32, #tpu.memory_space<vmem>>, %arg11: memref<6272xi32, #tpu.memory_space<vmem>>, %arg12: memref<6400xi32, #tpu.memory_space<vmem>>, %arg13: memref<50x128xi32, #tpu.memory_space<vmem>>, %arg14: memref<128x128xf32, #tpu.memory_space<vmem>>, %arg15: memref<128xi32, #tpu.memory_space<vmem>>, %arg16: memref<!tpu.dma_semaphore, #tpu.memory_space<semaphore_mem>>, %arg17: memref<8464x128xf32, #tpu.memory_space<vmem_shared>>) attributes {dimension_semantics = [#tpu.dimension_semantics<core_parallel>, #tpu.dimension_semantics<subcore_parallel>], iteration_bounds = array<i64: 2, 16>, scalar_prefetch = 0 : i64, scratch_operands = 8 : i64, tpu.core_type = #tpu.core_type<sc_vector_subcore>, window_params = [{transform_indices = #map}, {transform_indices = #map}, {transform_indices = #map1}, {transform_indices = #map1}, {transform_indices = #map1}, {transform_indices = #map1}, {transform_indices = #map}, {transform_indices = #map}]} {
    %broadcast_in_dim3A = arith.constant 0 : i32
    %broadcast_in_dim3A_0 = vector.broadcast %broadcast_in_dim3A : i32 to vector<16xi32>
    %broadcast_in_dim3A_1 = arith.constant 8448 : i32
    %broadcast_in_dim3A_2 = vector.broadcast %broadcast_in_dim3A_1 : i32 to vector<16xi32>
    %iota3A = tpu.iota {dimensions = array<i32: 0>} : vector<16xi32>
    %broadcast_in_dim3A_3 = arith.constant 1.000000e+00 : f32
    %broadcast_in_dim3A_4 = vector.broadcast %broadcast_in_dim3A_3 : f32 to vector<16xf32>
    %broadcast_in_dim3A_5 = arith.constant 0.000000e+00 : f32
    %broadcast_in_dim3A_6 = vector.broadcast %broadcast_in_dim3A_5 : f32 to vector<16xf32>
    %scan3A = arith.constant 0 : i32
    %scan3A_7 = arith.constant 0 : i32
    %scan3A_8 = arith.constant 3 : i32
    %scan3A_9 = arith.addi %scan3A_7, %scan3A_8 : i32
    %scan3A_10 = arith.constant 1 : i32
    scf.for %scan3A_18 = %scan3A_7 to %scan3A_9 step %scan3A_10  : i32 {
      %mul3A = arith.constant 3 : i32
      %mul3A_19 = arith.muli %mul3A, %arg0 : i32
      %add3A = arith.addi %mul3A_19, %scan3A_18 : i32
      %mul3A_20 = arith.constant 8448 : i32
      %mul3A_21 = arith.muli %add3A, %mul3A_20 : i32
      %broadcast_in_dim3A_22 = arith.constant 0.000000e+00 : f32
      %broadcast_in_dim3A_23 = vector.broadcast %broadcast_in_dim3A_22 : f32 to vector<16xf32>
      %scan3A_24 = arith.constant 0 : i32
      %scan3A_25 = arith.constant 0 : i32
      %scan3A_26 = arith.constant 128 : i32
      %scan3A_27 = arith.addi %scan3A_25, %scan3A_26 : i32
      %scan3A_28 = arith.constant 1 : i32
      scf.for %scan3A_65 = %scan3A_25 to %scan3A_27 step %scan3A_28  : i32 {
        %swap3A = arith.index_cast %scan3A_65 : i32 to index
        %swap3A_66 = arith.constant 0 : index
        %swap3A_67 = tpu.vector_load %arg14[%swap3A, %swap3A_66] {strides = array<i32>} : memref<128x128xf32, #tpu.memory_space<vmem>>, vector<16xf32>,
        tpu.vector_store %arg14[%swap3A, %swap3A_66], %broadcast_in_dim3A_23 {strides = array<i32>} : memref<128x128xf32, #tpu.memory_space<vmem>>, vector<16xf32>,
        %swap3A_68 = arith.index_cast %scan3A_65 : i32 to index
        %swap3A_69 = arith.constant 16 : index
        %swap3A_70 = tpu.vector_load %arg14[%swap3A_68, %swap3A_69] {strides = array<i32>} : memref<128x128xf32, #tpu.memory_space<vmem>>, vector<16xf32>,
        tpu.vector_store %arg14[%swap3A_68, %swap3A_69], %broadcast_in_dim3A_23 {strides = array<i32>} : memref<128x128xf32, #tpu.memory_space<vmem>>, vector<16xf32>,
        %swap3A_71 = arith.index_cast %scan3A_65 : i32 to index
        %swap3A_72 = arith.constant 32 : index
        %swap3A_73 = tpu.vector_load %arg14[%swap3A_71, %swap3A_72] {strides = array<i32>} : memref<128x128xf32, #tpu.memory_space<vmem>>, vector<16xf32>,
        tpu.vector_store %arg14[%swap3A_71, %swap3A_72], %broadcast_in_dim3A_23 {strides = array<i32>} : memref<128x128xf32, #tpu.memory_space<vmem>>, vector<16xf32>,
        %swap3A_74 = arith.index_cast %scan3A_65 : i32 to index
        %swap3A_75 = arith.constant 48 : index
        %swap3A_76 = tpu.vector_load %arg14[%swap3A_74, %swap3A_75] {strides = array<i32>} : memref<128x128xf32, #tpu.memory_space<vmem>>, vector<16xf32>,
        tpu.vector_store %arg14[%swap3A_74, %swap3A_75], %broadcast_in_dim3A_23 {strides = array<i32>} : memref<128x128xf32, #tpu.memory_space<vmem>>, vector<16xf32>,
        %swap3A_77 = arith.index_cast %scan3A_65 : i32 to index
        %swap3A_78 = arith.constant 64 : index
        %swap3A_79 = tpu.vector_load %arg14[%swap3A_77, %swap3A_78] {strides = array<i32>} : memref<128x128xf32, #tpu.memory_space<vmem>>, vector<16xf32>,
        tpu.vector_store %arg14[%swap3A_77, %swap3A_78], %broadcast_in_dim3A_23 {strides = array<i32>} : memref<128x128xf32, #tpu.memory_space<vmem>>, vector<16xf32>,
        %swap3A_80 = arith.index_cast %scan3A_65 : i32 to index
        %swap3A_81 = arith.constant 80 : index
        %swap3A_82 = tpu.vector_load %arg14[%swap3A_80, %swap3A_81] {strides = array<i32>} : memref<128x128xf32, #tpu.memory_space<vmem>>, vector<16xf32>,
        tpu.vector_store %arg14[%swap3A_80, %swap3A_81], %broadcast_in_dim3A_23 {strides = array<i32>} : memref<128x128xf32, #tpu.memory_space<vmem>>, vector<16xf32>,
        %swap3A_83 = arith.index_cast %scan3A_65 : i32 to index
        %swap3A_84 = arith.constant 96 : index
        %swap3A_85 = tpu.vector_load %arg14[%swap3A_83, %swap3A_84] {strides = array<i32>} : memref<128x128xf32, #tpu.memory_space<vmem>>, vector<16xf32>,
        tpu.vector_store %arg14[%swap3A_83, %swap3A_84], %broadcast_in_dim3A_23 {strides = array<i32>} : memref<128x128xf32, #tpu.memory_space<vmem>>, vector<16xf32>,
        %swap3A_86 = arith.index_cast %scan3A_65 : i32 to index
        %swap3A_87 = arith.constant 112 : index
        %swap3A_88 = tpu.vector_load %arg14[%swap3A_86, %swap3A_87] {strides = array<i32>} : memref<128x128xf32, #tpu.memory_space<vmem>>, vector<16xf32>,
        tpu.vector_store %arg14[%swap3A_86, %swap3A_87], %broadcast_in_dim3A_23 {strides = array<i32>} : memref<128x128xf32, #tpu.memory_space<vmem>>, vector<16xf32>,
      }
      %scan3A_29 = arith.constant 128 : i32
      %mul3A_30 = arith.constant 528 : i32
      %mul3A_31 = arith.muli %arg1, %mul3A_30 : i32
      %add3A_32 = arith.constant 0 : i32
      %add3A_33 = arith.addi %mul3A_31, %add3A_32 : i32
      "tpu.region"() ({
        %run_scoped3A = tpu.sem_alloc : memref<!tpu.dma_semaphore, #tpu.memory_space<semaphore_mem>>
        %dma_start3A = arith.constant 0 : i32
        %dma_start3A_65 = tpu.memref_slice %arg17[%add3A_33, %dma_start3A] : memref<8464x128xf32, #tpu.memory_space<vmem_shared>> -> memref<128x128xf32, #tpu.memory_space<vmem_shared>>
        %dma_start3A_66 = arith.constant 0 : i32
        %dma_start3A_67 = tpu.memref_slice %arg17[%add3A_33, %dma_start3A_66] : memref<8464x128xf32, #tpu.memory_space<vmem_shared>> -> memref<128x128xf32, #tpu.memory_space<vmem_shared>>
        tpu.enqueue_dma source(%arg14 : memref<128x128xf32, #tpu.memory_space<vmem>>) target(%dma_start3A_67 : memref<128x128xf32, #tpu.memory_space<vmem_shared>>) target_semaphore(%run_scoped3A : memref<!tpu.dma_semaphore, #tpu.memory_space<semaphore_mem>>)
        %dma_wait3A = arith.constant 0 : i32
        %dma_wait3A_68 = tpu.memref_slice %arg17[%add3A_33, %dma_wait3A] : memref<8464x128xf32, #tpu.memory_space<vmem_shared>> -> memref<128x128xf32, #tpu.memory_space<vmem_shared>>
        %dma_wait3A_69 = arith.constant 0 : i32
        %dma_wait3A_70 = tpu.memref_slice %arg17[%add3A_33, %dma_wait3A_69] : memref<8464x128xf32, #tpu.memory_space<vmem_shared>> -> memref<128x128xf32, #tpu.memory_space<vmem_shared>>
        tpu.wait_dma2 semaphore(%run_scoped3A : memref<!tpu.dma_semaphore, #tpu.memory_space<semaphore_mem>>) src(%arg14 : memref<128x128xf32, #tpu.memory_space<vmem>>) dst(%dma_wait3A_70 : memref<128x128xf32, #tpu.memory_space<vmem_shared>>)
        tpu.yield
      }) : () -> ()
      %mul3A_34 = arith.constant 528 : i32
      %mul3A_35 = arith.muli %arg1, %mul3A_34 : i32
      %add3A_36 = arith.constant 128 : i32
      %add3A_37 = arith.addi %mul3A_35, %add3A_36 : i32
      "tpu.region"() ({
        %run_scoped3A = tpu.sem_alloc : memref<!tpu.dma_semaphore, #tpu.memory_space<semaphore_mem>>
        %dma_start3A = arith.constant 0 : i32
        %dma_start3A_65 = tpu.memref_slice %arg17[%add3A_37, %dma_start3A] : memref<8464x128xf32, #tpu.memory_space<vmem_shared>> -> memref<128x128xf32, #tpu.memory_space<vmem_shared>>
        %dma_start3A_66 = arith.constant 0 : i32
        %dma_start3A_67 = tpu.memref_slice %arg17[%add3A_37, %dma_start3A_66] : memref<8464x128xf32, #tpu.memory_space<vmem_shared>> -> memref<128x128xf32, #tpu.memory_space<vmem_shared>>
        tpu.enqueue_dma source(%arg14 : memref<128x128xf32, #tpu.memory_space<vmem>>) target(%dma_start3A_67 : memref<128x128xf32, #tpu.memory_space<vmem_shared>>) target_semaphore(%run_scoped3A : memref<!tpu.dma_semaphore, #tpu.memory_space<semaphore_mem>>)
        %dma_wait3A = arith.constant 0 : i32
        %dma_wait3A_68 = tpu.memref_slice %arg17[%add3A_37, %dma_wait3A] : memref<8464x128xf32, #tpu.memory_space<vmem_shared>> -> memref<128x128xf32, #tpu.memory_space<vmem_shared>>
        %dma_wait3A_69 = arith.constant 0 : i32
        %dma_wait3A_70 = tpu.memref_slice %arg17[%add3A_37, %dma_wait3A_69] : memref<8464x128xf32, #tpu.memory_space<vmem_shared>> -> memref<128x128xf32, #tpu.memory_space<vmem_shared>>
        tpu.wait_dma2 semaphore(%run_scoped3A : memref<!tpu.dma_semaphore, #tpu.memory_space<semaphore_mem>>) src(%arg14 : memref<128x128xf32, #tpu.memory_space<vmem>>) dst(%dma_wait3A_70 : memref<128x128xf32, #tpu.memory_space<vmem_shared>>)
        tpu.yield
      }) : () -> ()
      %mul3A_38 = arith.constant 528 : i32
      %mul3A_39 = arith.muli %arg1, %mul3A_38 : i32
      %add3A_40 = arith.constant 256 : i32
      %add3A_41 = arith.addi %mul3A_39, %add3A_40 : i32
      "tpu.region"() ({
        %run_scoped3A = tpu.sem_alloc : memref<!tpu.dma_semaphore, #tpu.memory_space<semaphore_mem>>
        %dma_start3A = arith.constant 0 : i32
        %dma_start3A_65 = tpu.memref_slice %arg17[%add3A_41, %dma_start3A] : memref<8464x128xf32, #tpu.memory_space<vmem_shared>> -> memref<128x128xf32, #tpu.memory_space<vmem_shared>>
        %dma_start3A_66 = arith.constant 0 : i32
        %dma_start3A_67 = tpu.memref_slice %arg17[%add3A_41, %dma_start3A_66] : memref<8464x128xf32, #tpu.memory_space<vmem_shared>> -> memref<128x128xf32, #tpu.memory_space<vmem_shared>>
        tpu.enqueue_dma source(%arg14 : memref<128x128xf32, #tpu.memory_space<vmem>>) target(%dma_start3A_67 : memref<128x128xf32, #tpu.memory_space<vmem_shared>>) target_semaphore(%run_scoped3A : memref<!tpu.dma_semaphore, #tpu.memory_space<semaphore_mem>>)
        %dma_wait3A = arith.constant 0 : i32
        %dma_wait3A_68 = tpu.memref_slice %arg17[%add3A_41, %dma_wait3A] : memref<8464x128xf32, #tpu.memory_space<vmem_shared>> -> memref<128x128xf32, #tpu.memory_space<vmem_shared>>
        %dma_wait3A_69 = arith.constant 0 : i32
        %dma_wait3A_70 = tpu.memref_slice %arg17[%add3A_41, %dma_wait3A_69] : memref<8464x128xf32, #tpu.memory_space<vmem_shared>> -> memref<128x128xf32, #tpu.memory_space<vmem_shared>>
        tpu.wait_dma2 semaphore(%run_scoped3A : memref<!tpu.dma_semaphore, #tpu.memory_space<semaphore_mem>>) src(%arg14 : memref<128x128xf32, #tpu.memory_space<vmem>>) dst(%dma_wait3A_70 : memref<128x128xf32, #tpu.memory_space<vmem_shared>>)
        tpu.yield
      }) : () -> ()
      %mul3A_42 = arith.constant 528 : i32
      %mul3A_43 = arith.muli %arg1, %mul3A_42 : i32
      %add3A_44 = arith.constant 384 : i32
      %add3A_45 = arith.addi %mul3A_43, %add3A_44 : i32
      "tpu.region"() ({
        %run_scoped3A = tpu.sem_alloc : memref<!tpu.dma_semaphore, #tpu.memory_space<semaphore_mem>>
        %dma_start3A = arith.constant 0 : i32
        %dma_start3A_65 = tpu.memref_slice %arg17[%add3A_45, %dma_start3A] : memref<8464x128xf32, #tpu.memory_space<vmem_shared>> -> memref<128x128xf32, #tpu.memory_space<vmem_shared>>
        %dma_start3A_66 = arith.constant 0 : i32
        %dma_start3A_67 = tpu.memref_slice %arg17[%add3A_45, %dma_start3A_66] : memref<8464x128xf32, #tpu.memory_space<vmem_shared>> -> memref<128x128xf32, #tpu.memory_space<vmem_shared>>
        tpu.enqueue_dma source(%arg14 : memref<128x128xf32, #tpu.memory_space<vmem>>) target(%dma_start3A_67 : memref<128x128xf32, #tpu.memory_space<vmem_shared>>) target_semaphore(%run_scoped3A : memref<!tpu.dma_semaphore, #tpu.memory_space<semaphore_mem>>)
        %dma_wait3A = arith.constant 0 : i32
        %dma_wait3A_68 = tpu.memref_slice %arg17[%add3A_45, %dma_wait3A] : memref<8464x128xf32, #tpu.memory_space<vmem_shared>> -> memref<128x128xf32, #tpu.memory_space<vmem_shared>>
        %dma_wait3A_69 = arith.constant 0 : i32
        %dma_wait3A_70 = tpu.memref_slice %arg17[%add3A_45, %dma_wait3A_69] : memref<8464x128xf32, #tpu.memory_space<vmem_shared>> -> memref<128x128xf32, #tpu.memory_space<vmem_shared>>
        tpu.wait_dma2 semaphore(%run_scoped3A : memref<!tpu.dma_semaphore, #tpu.memory_space<semaphore_mem>>) src(%arg14 : memref<128x128xf32, #tpu.memory_space<vmem>>) dst(%dma_wait3A_70 : memref<128x128xf32, #tpu.memory_space<vmem_shared>>)
        tpu.yield
      }) : () -> ()
      %mul3A_46 = arith.constant 528 : i32
      %mul3A_47 = arith.muli %arg1, %mul3A_46 : i32
      %add3A_48 = arith.constant 512 : i32
      %add3A_49 = arith.addi %mul3A_47, %add3A_48 : i32
      "tpu.region"() ({
        %run_scoped3A = tpu.sem_alloc : memref<!tpu.dma_semaphore, #tpu.memory_space<semaphore_mem>>
        %dma_start3A = arith.constant 0 : i32
        %dma_start3A_65 = arith.constant 0 : i32
        %dma_start3A_66 = tpu.memref_slice %arg14[%dma_start3A, %dma_start3A_65] : memref<128x128xf32, #tpu.memory_space<vmem>> -> memref<16x128xf32, #tpu.memory_space<vmem>>
        %dma_start3A_67 = arith.constant 0 : i32
        %dma_start3A_68 = tpu.memref_slice %arg17[%add3A_49, %dma_start3A_67] : memref<8464x128xf32, #tpu.memory_space<vmem_shared>> -> memref<16x128xf32, #tpu.memory_space<vmem_shared>>
        %dma_start3A_69 = arith.constant 0 : i32
        %dma_start3A_70 = tpu.memref_slice %arg17[%add3A_49, %dma_start3A_69] : memref<8464x128xf32, #tpu.memory_space<vmem_shared>> -> memref<16x128xf32, #tpu.memory_space<vmem_shared>>
        %dma_start3A_71 = arith.constant 0 : i32
        %dma_start3A_72 = arith.constant 0 : i32
        %dma_start3A_73 = tpu.memref_slice %arg14[%dma_start3A_71, %dma_start3A_72] : memref<128x128xf32, #tpu.memory_space<vmem>> -> memref<16x128xf32, #tpu.memory_space<vmem>>
        tpu.enqueue_dma source(%dma_start3A_73 : memref<16x128xf32, #tpu.memory_space<vmem>>) target(%dma_start3A_70 : memref<16x128xf32, #tpu.memory_space<vmem_shared>>) target_semaphore(%run_scoped3A : memref<!tpu.dma_semaphore, #tpu.memory_space<semaphore_mem>>)
        %dma_wait3A = arith.constant 0 : i32
        %dma_wait3A_74 = arith.constant 0 : i32
        %dma_wait3A_75 = tpu.memref_slice %arg14[%dma_wait3A, %dma_wait3A_74] : memref<128x128xf32, #tpu.memory_space<vmem>> -> memref<16x128xf32, #tpu.memory_space<vmem>>
        %dma_wait3A_76 = arith.constant 0 : i32
        %dma_wait3A_77 = tpu.memref_slice %arg17[%add3A_49, %dma_wait3A_76] : memref<8464x128xf32, #tpu.memory_space<vmem_shared>> -> memref<16x128xf32, #tpu.memory_space<vmem_shared>>
        %dma_wait3A_78 = arith.constant 0 : i32
        %dma_wait3A_79 = tpu.memref_slice %arg17[%add3A_49, %dma_wait3A_78] : memref<8464x128xf32, #tpu.memory_space<vmem_shared>> -> memref<16x128xf32, #tpu.memory_space<vmem_shared>>
        %dma_wait3A_80 = arith.constant 0 : i32
        %dma_wait3A_81 = arith.constant 0 : i32
        %dma_wait3A_82 = tpu.memref_slice %arg14[%dma_wait3A_80, %dma_wait3A_81] : memref<128x128xf32, #tpu.memory_space<vmem>> -> memref<16x128xf32, #tpu.memory_space<vmem>>
        tpu.wait_dma2 semaphore(%run_scoped3A : memref<!tpu.dma_semaphore, #tpu.memory_space<semaphore_mem>>) src(%dma_wait3A_82 : memref<16x128xf32, #tpu.memory_space<vmem>>) dst(%dma_wait3A_79 : memref<16x128xf32, #tpu.memory_space<vmem_shared>>)
        tpu.yield
      }) : () -> ()
      %barrier3A = arith.constant 0 : index
      tpu.barrier barrier_id(%barrier3A)
      %scan3A_50 = arith.constant 0 : i32
      %scan3A_51 = arith.constant 0 : i32
      %scan3A_52 = arith.constant 3 : i32
      %scan3A_53 = arith.addi %scan3A_51, %scan3A_52 : i32
      %scan3A_54 = arith.constant 1 : i32
      scf.for %scan3A_65 = %scan3A_51 to %scan3A_53 step %scan3A_54  : i32 {
        %mul3A_66 = arith.constant 18816 : i32
        %mul3A_67 = arith.muli %arg1, %mul3A_66 : i32
        %mul3A_68 = arith.constant 6272 : i32
        %mul3A_69 = arith.muli %scan3A_65, %mul3A_68 : i32
        %add3A_70 = arith.addi %mul3A_67, %mul3A_69 : i32
        "tpu.region"() ({
          %run_scoped3A = tpu.sem_alloc : memref<!tpu.dma_semaphore, #tpu.memory_space<semaphore_mem>>
          %dma_start3A = tpu.memref_slice %arg4[%add3A_70] : memref<301056xi32, #tpu.memory_space<hbm>> -> memref<6272xi32, #tpu.memory_space<hbm>>
          %dma_start3A_186 = tpu.memref_slice %arg4[%add3A_70] : memref<301056xi32, #tpu.memory_space<hbm>> -> memref<6272xi32, #tpu.memory_space<hbm>>
          tpu.enqueue_dma source(%dma_start3A_186 : memref<6272xi32, #tpu.memory_space<hbm>>) target(%arg10 : memref<6272xi32, #tpu.memory_space<vmem>>) target_semaphore(%run_scoped3A : memref<!tpu.dma_semaphore, #tpu.memory_space<semaphore_mem>>)
          %dma_wait3A = tpu.memref_slice %arg4[%add3A_70] : memref<301056xi32, #tpu.memory_space<hbm>> -> memref<6272xi32, #tpu.memory_space<hbm>>
          %dma_wait3A_187 = tpu.memref_slice %arg4[%add3A_70] : memref<301056xi32, #tpu.memory_space<hbm>> -> memref<6272xi32, #tpu.memory_space<hbm>>
          tpu.wait_dma2 semaphore(%run_scoped3A : memref<!tpu.dma_semaphore, #tpu.memory_space<semaphore_mem>>) src(%dma_wait3A_187 : memref<6272xi32, #tpu.memory_space<hbm>>) dst(%arg10 : memref<6272xi32, #tpu.memory_space<vmem>>)
          tpu.yield
        }) : () -> ()
        "tpu.region"() ({
          %run_scoped3A = tpu.sem_alloc : memref<!tpu.dma_semaphore, #tpu.memory_space<semaphore_mem>>
          %dma_start3A = tpu.memref_slice %arg5[%add3A_70] : memref<301056xi32, #tpu.memory_space<hbm>> -> memref<6272xi32, #tpu.memory_space<hbm>>
          %dma_start3A_186 = tpu.memref_slice %arg5[%add3A_70] : memref<301056xi32, #tpu.memory_space<hbm>> -> memref<6272xi32, #tpu.memory_space<hbm>>
          tpu.enqueue_dma source(%dma_start3A_186 : memref<6272xi32, #tpu.memory_space<hbm>>) target(%arg11 : memref<6272xi32, #tpu.memory_space<vmem>>) target_semaphore(%run_scoped3A : memref<!tpu.dma_semaphore, #tpu.memory_space<semaphore_mem>>)
          %dma_wait3A = tpu.memref_slice %arg5[%add3A_70] : memref<301056xi32, #tpu.memory_space<hbm>> -> memref<6272xi32, #tpu.memory_space<hbm>>
          %dma_wait3A_187 = tpu.memref_slice %arg5[%add3A_70] : memref<301056xi32, #tpu.memory_space<hbm>> -> memref<6272xi32, #tpu.memory_space<hbm>>
          tpu.wait_dma2 semaphore(%run_scoped3A : memref<!tpu.dma_semaphore, #tpu.memory_space<semaphore_mem>>) src(%dma_wait3A_187 : memref<6272xi32, #tpu.memory_space<hbm>>) dst(%arg11 : memref<6272xi32, #tpu.memory_space<vmem>>)
          tpu.yield
        }) : () -> ()
        %scan3A_71 = arith.constant 0 : i32
        %scan3A_72 = arith.constant 0 : i32
        %scan3A_73 = arith.constant 392 : i32
        %scan3A_74 = arith.addi %scan3A_72, %scan3A_73 : i32
        %scan3A_75 = arith.constant 1 : i32
        %scan3A_76 = scf.for %scan3A_186 = %scan3A_72 to %scan3A_74 step %scan3A_75 iter_args(%scan3A_187 = %scan3A_71) -> (i32)  : i32 {
          %mul3A_188 = arith.constant 16 : i32
          %mul3A_189 = arith.muli %scan3A_186, %mul3A_188 : i32
          %get3A = arith.index_cast %mul3A_189 : i32 to index
          %get3A_190 = tpu.vector_load %arg11[%get3A] {strides = array<i32>} : memref<6272xi32, #tpu.memory_space<vmem>>, vector<16xi32>,
          %get3A_191 = arith.index_cast %mul3A_189 : i32 to index
          %get3A_192 = tpu.vector_load %arg10[%get3A_191] {strides = array<i32>} : memref<6272xi32, #tpu.memory_space<vmem>>, vector<16xi32>,
          %ge3A = vector.broadcast %mul3A_21 : i32 to vector<16xi32>
          %ge3A_193 = arith.cmpi sge, %get3A_190, %ge3A : vector<16xi32>
          %add3A_194 = arith.constant 8448 : i32
          %add3A_195 = arith.addi %mul3A_21, %add3A_194 : i32
          %lt3A = vector.broadcast %add3A_195 : i32 to vector<16xi32>
          %lt3A_196 = arith.cmpi slt, %get3A_190, %lt3A : vector<16xi32>
          %and3A_197 = arith.andi %ge3A_193, %lt3A_196 : vector<16xi1>
          %convert_element_type3A = arith.extui %and3A_197 : vector<16xi1> to vector<16xi32>
          %broadcast_in_dim3A_198 = arith.constant true
          %broadcast_in_dim3A_199 = vector.broadcast %broadcast_in_dim3A_198 : i1 to vector<16xi1>
          %masked_cumsum3A = tpu.scan <sum>, %convert_element_type3A masked %broadcast_in_dim3A_199 : vector<16xi32>, vector<16xi1> -> vector<16xi32>
          %add3A_200 = vector.broadcast %scan3A_187 : i32 to vector<16xi32>
          %add3A_201 = arith.addi %add3A_200, %masked_cumsum3A : vector<16xi32>
          %sub3A_202 = arith.subi %add3A_201, %convert_element_type3A : vector<16xi32>
          tpu.vector_store_idx %arg12[%sub3A_202], %get3A_192 masked %and3A_197 : memref<6400xi32, #tpu.memory_space<vmem>>[vector<16xi32>], vector<16xi32>, vector<16xi1>
          %shift_right_arithmetic3A_203 = arith.constant 7 : i32
          %shift_right_arithmetic3A_204 = vector.broadcast %shift_right_arithmetic3A_203 : i32 to vector<16xi32>
          %shift_right_arithmetic3A_205 = arith.shrsi %sub3A_202, %shift_right_arithmetic3A_204 : vector<16xi32>
          %and3A_206 = arith.constant 127 : i32
          %and3A_207 = vector.broadcast %and3A_206 : i32 to vector<16xi32>
          %and3A_208 = arith.andi %sub3A_202, %and3A_207 : vector<16xi32>
          %sub3A_209 = vector.broadcast %mul3A_21 : i32 to vector<16xi32>
          %sub3A_210 = arith.subi %get3A_190, %sub3A_209 : vector<16xi32>
          tpu.vector_store_idx %arg13[%shift_right_arithmetic3A_205, %and3A_208], %sub3A_210 masked %and3A_197 : memref<50x128xi32, #tpu.memory_space<vmem>>[vector<16xi32>, vector<16xi32>], vector<16xi32>, vector<16xi1>
          %reduce_sum3A = arith.constant true
          %reduce_sum3A_211 = vector.broadcast %reduce_sum3A : i1 to vector<16xi1>
          %reduce_sum3A_212 = tpu.scan <sum>, %convert_element_type3A masked %reduce_sum3A_211 : vector<16xi32>, vector<16xi1> -> vector<16xi32>
          %reduce_sum3A_213 = vector.extract %reduce_sum3A_212[15] : i32 from vector<16xi32>
          %add3A_214 = arith.addi %scan3A_187, %reduce_sum3A_213 : i32
          scf.yield %add3A_214 : i32
        }
        %scan3A_77 = arith.constant 392 : i32
        %add3A_78 = arith.constant 0 : i32
        %add3A_79 = arith.addi %scan3A_76, %add3A_78 : i32
        %add3A_80 = vector.broadcast %add3A_79 : i32 to vector<16xi32>
        %add3A_81 = arith.addi %add3A_80, %iota3A : vector<16xi32>
        tpu.vector_store_idx %arg12[%add3A_81], %broadcast_in_dim3A_0 : memref<6400xi32, #tpu.memory_space<vmem>>[vector<16xi32>], vector<16xi32>,
        %shift_right_arithmetic3A = arith.constant 7 : i32
        %shift_right_arithmetic3A_82 = vector.broadcast %shift_right_arithmetic3A : i32 to vector<16xi32>
        %shift_right_arithmetic3A_83 = arith.shrsi %add3A_81, %shift_right_arithmetic3A_82 : vector<16xi32>
        %and3A = arith.constant 127 : i32
        %and3A_84 = vector.broadcast %and3A : i32 to vector<16xi32>
        %and3A_85 = arith.andi %add3A_81, %and3A_84 : vector<16xi32>
        tpu.vector_store_idx %arg13[%shift_right_arithmetic3A_83, %and3A_85], %broadcast_in_dim3A_2 : memref<50x128xi32, #tpu.memory_space<vmem>>[vector<16xi32>, vector<16xi32>], vector<16xi32>,
        %add3A_86 = arith.constant 16 : i32
        %add3A_87 = arith.addi %scan3A_76, %add3A_86 : i32
        %add3A_88 = vector.broadcast %add3A_87 : i32 to vector<16xi32>
        %add3A_89 = arith.addi %add3A_88, %iota3A : vector<16xi32>
        tpu.vector_store_idx %arg12[%add3A_89], %broadcast_in_dim3A_0 : memref<6400xi32, #tpu.memory_space<vmem>>[vector<16xi32>], vector<16xi32>,
        %shift_right_arithmetic3A_90 = arith.constant 7 : i32
        %shift_right_arithmetic3A_91 = vector.broadcast %shift_right_arithmetic3A_90 : i32 to vector<16xi32>
        %shift_right_arithmetic3A_92 = arith.shrsi %add3A_89, %shift_right_arithmetic3A_91 : vector<16xi32>
        %and3A_93 = arith.constant 127 : i32
        %and3A_94 = vector.broadcast %and3A_93 : i32 to vector<16xi32>
        %and3A_95 = arith.andi %add3A_89, %and3A_94 : vector<16xi32>
        tpu.vector_store_idx %arg13[%shift_right_arithmetic3A_92, %and3A_95], %broadcast_in_dim3A_2 : memref<50x128xi32, #tpu.memory_space<vmem>>[vector<16xi32>, vector<16xi32>], vector<16xi32>,
        %add3A_96 = arith.constant 32 : i32
        %add3A_97 = arith.addi %scan3A_76, %add3A_96 : i32
        %add3A_98 = vector.broadcast %add3A_97 : i32 to vector<16xi32>
        %add3A_99 = arith.addi %add3A_98, %iota3A : vector<16xi32>
        tpu.vector_store_idx %arg12[%add3A_99], %broadcast_in_dim3A_0 : memref<6400xi32, #tpu.memory_space<vmem>>[vector<16xi32>], vector<16xi32>,
        %shift_right_arithmetic3A_100 = arith.constant 7 : i32
        %shift_right_arithmetic3A_101 = vector.broadcast %shift_right_arithmetic3A_100 : i32 to vector<16xi32>
        %shift_right_arithmetic3A_102 = arith.shrsi %add3A_99, %shift_right_arithmetic3A_101 : vector<16xi32>
        %and3A_103 = arith.constant 127 : i32
        %and3A_104 = vector.broadcast %and3A_103 : i32 to vector<16xi32>
        %and3A_105 = arith.andi %add3A_99, %and3A_104 : vector<16xi32>
        tpu.vector_store_idx %arg13[%shift_right_arithmetic3A_102, %and3A_105], %broadcast_in_dim3A_2 : memref<50x128xi32, #tpu.memory_space<vmem>>[vector<16xi32>, vector<16xi32>], vector<16xi32>,
        %add3A_106 = arith.constant 48 : i32
        %add3A_107 = arith.addi %scan3A_76, %add3A_106 : i32
        %add3A_108 = vector.broadcast %add3A_107 : i32 to vector<16xi32>
        %add3A_109 = arith.addi %add3A_108, %iota3A : vector<16xi32>
        tpu.vector_store_idx %arg12[%add3A_109], %broadcast_in_dim3A_0 : memref<6400xi32, #tpu.memory_space<vmem>>[vector<16xi32>], vector<16xi32>,
        %shift_right_arithmetic3A_110 = arith.constant 7 : i32
        %shift_right_arithmetic3A_111 = vector.broadcast %shift_right_arithmetic3A_110 : i32 to vector<16xi32>
        %shift_right_arithmetic3A_112 = arith.shrsi %add3A_109, %shift_right_arithmetic3A_111 : vector<16xi32>
        %and3A_113 = arith.constant 127 : i32
        %and3A_114 = vector.broadcast %and3A_113 : i32 to vector<16xi32>
        %and3A_115 = arith.andi %add3A_109, %and3A_114 : vector<16xi32>
        tpu.vector_store_idx %arg13[%shift_right_arithmetic3A_112, %and3A_115], %broadcast_in_dim3A_2 : memref<50x128xi32, #tpu.memory_space<vmem>>[vector<16xi32>, vector<16xi32>], vector<16xi32>,
        %add3A_116 = arith.constant 64 : i32
        %add3A_117 = arith.addi %scan3A_76, %add3A_116 : i32
        %add3A_118 = vector.broadcast %add3A_117 : i32 to vector<16xi32>
        %add3A_119 = arith.addi %add3A_118, %iota3A : vector<16xi32>
        tpu.vector_store_idx %arg12[%add3A_119], %broadcast_in_dim3A_0 : memref<6400xi32, #tpu.memory_space<vmem>>[vector<16xi32>], vector<16xi32>,
        %shift_right_arithmetic3A_120 = arith.constant 7 : i32
        %shift_right_arithmetic3A_121 = vector.broadcast %shift_right_arithmetic3A_120 : i32 to vector<16xi32>
        %shift_right_arithmetic3A_122 = arith.shrsi %add3A_119, %shift_right_arithmetic3A_121 : vector<16xi32>
        %and3A_123 = arith.constant 127 : i32
        %and3A_124 = vector.broadcast %and3A_123 : i32 to vector<16xi32>
        %and3A_125 = arith.andi %add3A_119, %and3A_124 : vector<16xi32>
        tpu.vector_store_idx %arg13[%shift_right_arithmetic3A_122, %and3A_125], %broadcast_in_dim3A_2 : memref<50x128xi32, #tpu.memory_space<vmem>>[vector<16xi32>, vector<16xi32>], vector<16xi32>,
        %add3A_126 = arith.constant 80 : i32
        %add3A_127 = arith.addi %scan3A_76, %add3A_126 : i32
        %add3A_128 = vector.broadcast %add3A_127 : i32 to vector<16xi32>
        %add3A_129 = arith.addi %add3A_128, %iota3A : vector<16xi32>
        tpu.vector_store_idx %arg12[%add3A_129], %broadcast_in_dim3A_0 : memref<6400xi32, #tpu.memory_space<vmem>>[vector<16xi32>], vector<16xi32>,
        %shift_right_arithmetic3A_130 = arith.constant 7 : i32
        %shift_right_arithmetic3A_131 = vector.broadcast %shift_right_arithmetic3A_130 : i32 to vector<16xi32>
        %shift_right_arithmetic3A_132 = arith.shrsi %add3A_129, %shift_right_arithmetic3A_131 : vector<16xi32>
        %and3A_133 = arith.constant 127 : i32
        %and3A_134 = vector.broadcast %and3A_133 : i32 to vector<16xi32>
        %and3A_135 = arith.andi %add3A_129, %and3A_134 : vector<16xi32>
        tpu.vector_store_idx %arg13[%shift_right_arithmetic3A_132, %and3A_135], %broadcast_in_dim3A_2 : memref<50x128xi32, #tpu.memory_space<vmem>>[vector<16xi32>, vector<16xi32>], vector<16xi32>,
        %add3A_136 = arith.constant 96 : i32
        %add3A_137 = arith.addi %scan3A_76, %add3A_136 : i32
        %add3A_138 = vector.broadcast %add3A_137 : i32 to vector<16xi32>
        %add3A_139 = arith.addi %add3A_138, %iota3A : vector<16xi32>
        tpu.vector_store_idx %arg12[%add3A_139], %broadcast_in_dim3A_0 : memref<6400xi32, #tpu.memory_space<vmem>>[vector<16xi32>], vector<16xi32>,
        %shift_right_arithmetic3A_140 = arith.constant 7 : i32
        %shift_right_arithmetic3A_141 = vector.broadcast %shift_right_arithmetic3A_140 : i32 to vector<16xi32>
        %shift_right_arithmetic3A_142 = arith.shrsi %add3A_139, %shift_right_arithmetic3A_141 : vector<16xi32>
        %and3A_143 = arith.constant 127 : i32
        %and3A_144 = vector.broadcast %and3A_143 : i32 to vector<16xi32>
        %and3A_145 = arith.andi %add3A_139, %and3A_144 : vector<16xi32>
        tpu.vector_store_idx %arg13[%shift_right_arithmetic3A_142, %and3A_145], %broadcast_in_dim3A_2 : memref<50x128xi32, #tpu.memory_space<vmem>>[vector<16xi32>, vector<16xi32>], vector<16xi32>,
        %add3A_146 = arith.constant 112 : i32
        %add3A_147 = arith.addi %scan3A_76, %add3A_146 : i32
        %add3A_148 = vector.broadcast %add3A_147 : i32 to vector<16xi32>
        %add3A_149 = arith.addi %add3A_148, %iota3A : vector<16xi32>
        tpu.vector_store_idx %arg12[%add3A_149], %broadcast_in_dim3A_0 : memref<6400xi32, #tpu.memory_space<vmem>>[vector<16xi32>], vector<16xi32>,
        %shift_right_arithmetic3A_150 = arith.constant 7 : i32
        %shift_right_arithmetic3A_151 = vector.broadcast %shift_right_arithmetic3A_150 : i32 to vector<16xi32>
        %shift_right_arithmetic3A_152 = arith.shrsi %add3A_149, %shift_right_arithmetic3A_151 : vector<16xi32>
        %and3A_153 = arith.constant 127 : i32
        %and3A_154 = vector.broadcast %and3A_153 : i32 to vector<16xi32>
        %and3A_155 = arith.andi %add3A_149, %and3A_154 : vector<16xi32>
        tpu.vector_store_idx %arg13[%shift_right_arithmetic3A_152, %and3A_155], %broadcast_in_dim3A_2 : memref<50x128xi32, #tpu.memory_space<vmem>>[vector<16xi32>, vector<16xi32>], vector<16xi32>,
        %add3A_156 = arith.constant 128 : i32
        %add3A_157 = arith.addi %scan3A_76, %add3A_156 : i32
        %sub3A = arith.constant 1 : i32
        %sub3A_158 = arith.subi %add3A_157, %sub3A : i32
        %jit3A = arith.constant 128 : i32
        %div3A = arith.divsi %sub3A_158, %jit3A : i32
        %sign3A = arith.constant 0 : i32
        %sign3A_159 = arith.cmpi sgt, %sub3A_158, %sign3A : i32
        %sign3A_160 = arith.extui %sign3A_159 : i1 to i32
        %sign3A_161 = arith.constant 0 : i32
        %sign3A_162 = arith.cmpi slt, %sub3A_158, %sign3A_161 : i32
        %sign3A_163 = arith.extui %sign3A_162 : i1 to i32
        %sign3A_164 = arith.subi %sign3A_160, %sign3A_163 : i32
        %sign3A_165 = arith.constant 0 : i32
        %sign3A_166 = arith.cmpi sgt, %jit3A, %sign3A_165 : i32
        %sign3A_167 = arith.extui %sign3A_166 : i1 to i32
        %sign3A_168 = arith.constant 0 : i32
        %sign3A_169 = arith.cmpi slt, %jit3A, %sign3A_168 : i32
        %sign3A_170 = arith.extui %sign3A_169 : i1 to i32
        %sign3A_171 = arith.subi %sign3A_167, %sign3A_170 : i32
        %ne3A = arith.cmpi ne, %sign3A_164, %sign3A_171 : i32
        %rem3A = arith.remsi %sub3A_158, %jit3A : i32
        %ne3A_172 = arith.constant 0 : i32
        %ne3A_173 = arith.cmpi ne, %rem3A, %ne3A_172 : i32
        %and3A_174 = arith.andi %ne3A, %ne3A_173 : i1
        %sub3A_175 = arith.constant 1 : i32
        %sub3A_176 = arith.subi %div3A, %sub3A_175 : i32
        %select_n3A = arith.select %and3A_174, %sub3A_176, %div3A : i32
        %while3A = arith.constant 0 : i32
        %while3A_177 = arith.constant 0 : i32
        %while3A_178 = arith.subi %select_n3A, %while3A_177 : i32
        %while3A_179 = arith.addi %while3A_177, %while3A_178 : i32
        %while3A_180 = arith.constant 1 : i32
        %while3A_181 = arith.divsi %while3A_178, %while3A_180 : i32
        %while3A_182 = arith.muli %while3A_181, %while3A_180 : i32
        %while3A_183 = arith.addi %while3A_177, %while3A_182 : i32
        %while3A_184 = arith.constant 1 : i32
        scf.for %while3A_186 = %while3A_177 to %while3A_183 step %while3A_184  : i32 {
          %mul3A_187 = arith.constant 128 : i32
          %mul3A_188 = arith.muli %while3A_186, %mul3A_187 : i32
          %dma_start3A = tpu.memref_slice %arg12[%mul3A_188] : memref<6400xi32, #tpu.memory_space<vmem>> -> memref<128xi32, #tpu.memory_space<vmem>>
          %dma_start3A_189 = arith.constant 0 : i32
          %dma_start3A_190 = arith.constant 0 : i32
          %dma_start3A_191 = tpu.memref_slice %arg2[%dma_start3A_189, %dma_start3A_190] : memref<50000x128xf32, #tpu.memory_space<hbm>> -> memref<50000x128xf32, #tpu.memory_space<hbm>>
          tpu.enqueue_indirect_dma source(%dma_start3A_191 : memref<50000x128xf32, #tpu.memory_space<hbm>>) target(%arg14 : memref<128x128xf32, #tpu.memory_space<vmem>>) offsets(%dma_start3A : memref<128xi32, #tpu.memory_space<vmem>>) semaphore(%arg16 : memref<!tpu.dma_semaphore, #tpu.memory_space<semaphore_mem>>)
          %dma_wait3A = tpu.memref_slice %arg12[%mul3A_188] : memref<6400xi32, #tpu.memory_space<vmem>> -> memref<128xi32, #tpu.memory_space<vmem>>
          %dma_wait3A_192 = arith.constant 0 : i32
          %dma_wait3A_193 = arith.constant 0 : i32
          %dma_wait3A_194 = tpu.memref_slice %arg2[%dma_wait3A_192, %dma_wait3A_193] : memref<50000x128xf32, #tpu.memory_space<hbm>> -> memref<50000x128xf32, #tpu.memory_space<hbm>>
          tpu.wait_indirect_dma semaphore(%arg16 : memref<!tpu.dma_semaphore, #tpu.memory_space<semaphore_mem>>) src(%dma_wait3A_194 : memref<50000x128xf32, #tpu.memory_space<hbm>>) dst(%arg14 : memref<128x128xf32, #tpu.memory_space<vmem>>)
          %get3A = arith.index_cast %while3A_186 : i32 to index
          %get3A_195 = arith.constant 0 : index
          %get3A_196 = tpu.vector_load %arg13[%get3A, %get3A_195] {strides = array<i32>} : memref<50x128xi32, #tpu.memory_space<vmem>>, vector<16xi32>,
          %swap3A = arith.constant 0 : index
          %swap3A_197 = tpu.vector_load %arg15[%swap3A] {strides = array<i32>} : memref<128xi32, #tpu.memory_space<vmem>>, vector<16xi32>,
          tpu.vector_store %arg15[%swap3A], %get3A_196 {strides = array<i32>} : memref<128xi32, #tpu.memory_space<vmem>>, vector<16xi32>,
          %get3A_198 = arith.index_cast %while3A_186 : i32 to index
          %get3A_199 = arith.constant 16 : index
          %get3A_200 = tpu.vector_load %arg13[%get3A_198, %get3A_199] {strides = array<i32>} : memref<50x128xi32, #tpu.memory_space<vmem>>, vector<16xi32>,
          %swap3A_201 = arith.constant 16 : index
          %swap3A_202 = tpu.vector_load %arg15[%swap3A_201] {strides = array<i32>} : memref<128xi32, #tpu.memory_space<vmem>>, vector<16xi32>,
          tpu.vector_store %arg15[%swap3A_201], %get3A_200 {strides = array<i32>} : memref<128xi32, #tpu.memory_space<vmem>>, vector<16xi32>,
          %get3A_203 = arith.index_cast %while3A_186 : i32 to index
          %get3A_204 = arith.constant 32 : index
          %get3A_205 = tpu.vector_load %arg13[%get3A_203, %get3A_204] {strides = array<i32>} : memref<50x128xi32, #tpu.memory_space<vmem>>, vector<16xi32>,
          %swap3A_206 = arith.constant 32 : index
          %swap3A_207 = tpu.vector_load %arg15[%swap3A_206] {strides = array<i32>} : memref<128xi32, #tpu.memory_space<vmem>>, vector<16xi32>,
          tpu.vector_store %arg15[%swap3A_206], %get3A_205 {strides = array<i32>} : memref<128xi32, #tpu.memory_space<vmem>>, vector<16xi32>,
          %get3A_208 = arith.index_cast %while3A_186 : i32 to index
          %get3A_209 = arith.constant 48 : index
          %get3A_210 = tpu.vector_load %arg13[%get3A_208, %get3A_209] {strides = array<i32>} : memref<50x128xi32, #tpu.memory_space<vmem>>, vector<16xi32>,
          %swap3A_211 = arith.constant 48 : index
          %swap3A_212 = tpu.vector_load %arg15[%swap3A_211] {strides = array<i32>} : memref<128xi32, #tpu.memory_space<vmem>>, vector<16xi32>,
          tpu.vector_store %arg15[%swap3A_211], %get3A_210 {strides = array<i32>} : memref<128xi32, #tpu.memory_space<vmem>>, vector<16xi32>,
          %get3A_213 = arith.index_cast %while3A_186 : i32 to index
          %get3A_214 = arith.constant 64 : index
          %get3A_215 = tpu.vector_load %arg13[%get3A_213, %get3A_214] {strides = array<i32>} : memref<50x128xi32, #tpu.memory_space<vmem>>, vector<16xi32>,
          %swap3A_216 = arith.constant 64 : index
          %swap3A_217 = tpu.vector_load %arg15[%swap3A_216] {strides = array<i32>} : memref<128xi32, #tpu.memory_space<vmem>>, vector<16xi32>,
          tpu.vector_store %arg15[%swap3A_216], %get3A_215 {strides = array<i32>} : memref<128xi32, #tpu.memory_space<vmem>>, vector<16xi32>,
          %get3A_218 = arith.index_cast %while3A_186 : i32 to index
          %get3A_219 = arith.constant 80 : index
          %get3A_220 = tpu.vector_load %arg13[%get3A_218, %get3A_219] {strides = array<i32>} : memref<50x128xi32, #tpu.memory_space<vmem>>, vector<16xi32>,
          %swap3A_221 = arith.constant 80 : index
          %swap3A_222 = tpu.vector_load %arg15[%swap3A_221] {strides = array<i32>} : memref<128xi32, #tpu.memory_space<vmem>>, vector<16xi32>,
          tpu.vector_store %arg15[%swap3A_221], %get3A_220 {strides = array<i32>} : memref<128xi32, #tpu.memory_space<vmem>>, vector<16xi32>,
          %get3A_223 = arith.index_cast %while3A_186 : i32 to index
          %get3A_224 = arith.constant 96 : index
          %get3A_225 = tpu.vector_load %arg13[%get3A_223, %get3A_224] {strides = array<i32>} : memref<50x128xi32, #tpu.memory_space<vmem>>, vector<16xi32>,
          %swap3A_226 = arith.constant 96 : index
          %swap3A_227 = tpu.vector_load %arg15[%swap3A_226] {strides = array<i32>} : memref<128xi32, #tpu.memory_space<vmem>>, vector<16xi32>,
          tpu.vector_store %arg15[%swap3A_226], %get3A_225 {strides = array<i32>} : memref<128xi32, #tpu.memory_space<vmem>>, vector<16xi32>,
          %get3A_228 = arith.index_cast %while3A_186 : i32 to index
          %get3A_229 = arith.constant 112 : index
          %get3A_230 = tpu.vector_load %arg13[%get3A_228, %get3A_229] {strides = array<i32>} : memref<50x128xi32, #tpu.memory_space<vmem>>, vector<16xi32>,
          %swap3A_231 = arith.constant 112 : index
          %swap3A_232 = tpu.vector_load %arg15[%swap3A_231] {strides = array<i32>} : memref<128xi32, #tpu.memory_space<vmem>>, vector<16xi32>,
          tpu.vector_store %arg15[%swap3A_231], %get3A_230 {strides = array<i32>} : memref<128xi32, #tpu.memory_space<vmem>>, vector<16xi32>,
          "tpu.region"() ({
            %run_scoped3A = tpu.sem_alloc : memref<!tpu.dma_semaphore, #tpu.memory_space<semaphore_mem>>
            %dma_start3A_233 = arith.constant 0 : i32
            %dma_start3A_234 = arith.constant 0 : i32
            %dma_start3A_235 = tpu.memref_slice %arg17[%dma_start3A_233, %dma_start3A_234] : memref<8464x128xf32, #tpu.memory_space<vmem_shared>> -> memref<8464x128xf32, #tpu.memory_space<vmem_shared>>
            tpu.enqueue_indirect_dma source(%arg14 : memref<128x128xf32, #tpu.memory_space<vmem>>) target(%dma_start3A_235 : memref<8464x128xf32, #tpu.memory_space<vmem_shared>>) offsets(%arg15 : memref<128xi32, #tpu.memory_space<vmem>>) semaphore(%run_scoped3A : memref<!tpu.dma_semaphore, #tpu.memory_space<semaphore_mem>>) {add = true}
            %dma_wait3A_236 = arith.constant 0 : i32
            %dma_wait3A_237 = arith.constant 0 : i32
            %dma_wait3A_238 = tpu.memref_slice %arg17[%dma_wait3A_236, %dma_wait3A_237] : memref<8464x128xf32, #tpu.memory_space<vmem_shared>> -> memref<8464x128xf32, #tpu.memory_space<vmem_shared>>
            tpu.wait_indirect_dma semaphore(%run_scoped3A : memref<!tpu.dma_semaphore, #tpu.memory_space<semaphore_mem>>) src(%arg14 : memref<128x128xf32, #tpu.memory_space<vmem>>) dst(%dma_wait3A_238 : memref<8464x128xf32, #tpu.memory_space<vmem_shared>>)
            tpu.yield
          }) : () -> ()
        }
        %while3A_185 = arith.constant 1 : i32
        scf.for %while3A_186 = %while3A_183 to %while3A_179 step %while3A_185  : i32 {
          %mul3A_187 = arith.constant 128 : i32
          %mul3A_188 = arith.muli %while3A_186, %mul3A_187 : i32
          %dma_start3A = tpu.memref_slice %arg12[%mul3A_188] : memref<6400xi32, #tpu.memory_space<vmem>> -> memref<128xi32, #tpu.memory_space<vmem>>
          %dma_start3A_189 = arith.constant 0 : i32
          %dma_start3A_190 = arith.constant 0 : i32
          %dma_start3A_191 = tpu.memref_slice %arg2[%dma_start3A_189, %dma_start3A_190] : memref<50000x128xf32, #tpu.memory_space<hbm>> -> memref<50000x128xf32, #tpu.memory_space<hbm>>
          tpu.enqueue_indirect_dma source(%dma_start3A_191 : memref<50000x128xf32, #tpu.memory_space<hbm>>) target(%arg14 : memref<128x128xf32, #tpu.memory_space<vmem>>) offsets(%dma_start3A : memref<128xi32, #tpu.memory_space<vmem>>) semaphore(%arg16 : memref<!tpu.dma_semaphore, #tpu.memory_space<semaphore_mem>>)
          %dma_wait3A = tpu.memref_slice %arg12[%mul3A_188] : memref<6400xi32, #tpu.memory_space<vmem>> -> memref<128xi32, #tpu.memory_space<vmem>>
          %dma_wait3A_192 = arith.constant 0 : i32
          %dma_wait3A_193 = arith.constant 0 : i32
          %dma_wait3A_194 = tpu.memref_slice %arg2[%dma_wait3A_192, %dma_wait3A_193] : memref<50000x128xf32, #tpu.memory_space<hbm>> -> memref<50000x128xf32, #tpu.memory_space<hbm>>
          tpu.wait_indirect_dma semaphore(%arg16 : memref<!tpu.dma_semaphore, #tpu.memory_space<semaphore_mem>>) src(%dma_wait3A_194 : memref<50000x128xf32, #tpu.memory_space<hbm>>) dst(%arg14 : memref<128x128xf32, #tpu.memory_space<vmem>>)
          %get3A = arith.index_cast %while3A_186 : i32 to index
          %get3A_195 = arith.constant 0 : index
          %get3A_196 = tpu.vector_load %arg13[%get3A, %get3A_195] {strides = array<i32>} : memref<50x128xi32, #tpu.memory_space<vmem>>, vector<16xi32>,
          %swap3A = arith.constant 0 : index
          %swap3A_197 = tpu.vector_load %arg15[%swap3A] {strides = array<i32>} : memref<128xi32, #tpu.memory_space<vmem>>, vector<16xi32>,
          tpu.vector_store %arg15[%swap3A], %get3A_196 {strides = array<i32>} : memref<128xi32, #tpu.memory_space<vmem>>, vector<16xi32>,
          %get3A_198 = arith.index_cast %while3A_186 : i32 to index
          %get3A_199 = arith.constant 16 : index
          %get3A_200 = tpu.vector_load %arg13[%get3A_198, %get3A_199] {strides = array<i32>} : memref<50x128xi32, #tpu.memory_space<vmem>>, vector<16xi32>,
          %swap3A_201 = arith.constant 16 : index
          %swap3A_202 = tpu.vector_load %arg15[%swap3A_201] {strides = array<i32>} : memref<128xi32, #tpu.memory_space<vmem>>, vector<16xi32>,
          tpu.vector_store %arg15[%swap3A_201], %get3A_200 {strides = array<i32>} : memref<128xi32, #tpu.memory_space<vmem>>, vector<16xi32>,
          %get3A_203 = arith.index_cast %while3A_186 : i32 to index
          %get3A_204 = arith.constant 32 : index
          %get3A_205 = tpu.vector_load %arg13[%get3A_203, %get3A_204] {strides = array<i32>} : memref<50x128xi32, #tpu.memory_space<vmem>>, vector<16xi32>,
          %swap3A_206 = arith.constant 32 : index
          %swap3A_207 = tpu.vector_load %arg15[%swap3A_206] {strides = array<i32>} : memref<128xi32, #tpu.memory_space<vmem>>, vector<16xi32>,
          tpu.vector_store %arg15[%swap3A_206], %get3A_205 {strides = array<i32>} : memref<128xi32, #tpu.memory_space<vmem>>, vector<16xi32>,
          %get3A_208 = arith.index_cast %while3A_186 : i32 to index
          %get3A_209 = arith.constant 48 : index
          %get3A_210 = tpu.vector_load %arg13[%get3A_208, %get3A_209] {strides = array<i32>} : memref<50x128xi32, #tpu.memory_space<vmem>>, vector<16xi32>,
          %swap3A_211 = arith.constant 48 : index
          %swap3A_212 = tpu.vector_load %arg15[%swap3A_211] {strides = array<i32>} : memref<128xi32, #tpu.memory_space<vmem>>, vector<16xi32>,
          tpu.vector_store %arg15[%swap3A_211], %get3A_210 {strides = array<i32>} : memref<128xi32, #tpu.memory_space<vmem>>, vector<16xi32>,
          %get3A_213 = arith.index_cast %while3A_186 : i32 to index
          %get3A_214 = arith.constant 64 : index
          %get3A_215 = tpu.vector_load %arg13[%get3A_213, %get3A_214] {strides = array<i32>} : memref<50x128xi32, #tpu.memory_space<vmem>>, vector<16xi32>,
          %swap3A_216 = arith.constant 64 : index
          %swap3A_217 = tpu.vector_load %arg15[%swap3A_216] {strides = array<i32>} : memref<128xi32, #tpu.memory_space<vmem>>, vector<16xi32>,
          tpu.vector_store %arg15[%swap3A_216], %get3A_215 {strides = array<i32>} : memref<128xi32, #tpu.memory_space<vmem>>, vector<16xi32>,
          %get3A_218 = arith.index_cast %while3A_186 : i32 to index
          %get3A_219 = arith.constant 80 : index
          %get3A_220 = tpu.vector_load %arg13[%get3A_218, %get3A_219] {strides = array<i32>} : memref<50x128xi32, #tpu.memory_space<vmem>>, vector<16xi32>,
          %swap3A_221 = arith.constant 80 : index
          %swap3A_222 = tpu.vector_load %arg15[%swap3A_221] {strides = array<i32>} : memref<128xi32, #tpu.memory_space<vmem>>, vector<16xi32>,
          tpu.vector_store %arg15[%swap3A_221], %get3A_220 {strides = array<i32>} : memref<128xi32, #tpu.memory_space<vmem>>, vector<16xi32>,
          %get3A_223 = arith.index_cast %while3A_186 : i32 to index
          %get3A_224 = arith.constant 96 : index
          %get3A_225 = tpu.vector_load %arg13[%get3A_223, %get3A_224] {strides = array<i32>} : memref<50x128xi32, #tpu.memory_space<vmem>>, vector<16xi32>,
          %swap3A_226 = arith.constant 96 : index
          %swap3A_227 = tpu.vector_load %arg15[%swap3A_226] {strides = array<i32>} : memref<128xi32, #tpu.memory_space<vmem>>, vector<16xi32>,
          tpu.vector_store %arg15[%swap3A_226], %get3A_225 {strides = array<i32>} : memref<128xi32, #tpu.memory_space<vmem>>, vector<16xi32>,
          %get3A_228 = arith.index_cast %while3A_186 : i32 to index
          %get3A_229 = arith.constant 112 : index
          %get3A_230 = tpu.vector_load %arg13[%get3A_228, %get3A_229] {strides = array<i32>} : memref<50x128xi32, #tpu.memory_space<vmem>>, vector<16xi32>,
          %swap3A_231 = arith.constant 112 : index
          %swap3A_232 = tpu.vector_load %arg15[%swap3A_231] {strides = array<i32>} : memref<128xi32, #tpu.memory_space<vmem>>, vector<16xi32>,
          tpu.vector_store %arg15[%swap3A_231], %get3A_230 {strides = array<i32>} : memref<128xi32, #tpu.memory_space<vmem>>, vector<16xi32>,
          "tpu.region"() ({
            %run_scoped3A = tpu.sem_alloc : memref<!tpu.dma_semaphore, #tpu.memory_space<semaphore_mem>>
            %dma_start3A_233 = arith.constant 0 : i32
            %dma_start3A_234 = arith.constant 0 : i32
            %dma_start3A_235 = tpu.memref_slice %arg17[%dma_start3A_233, %dma_start3A_234] : memref<8464x128xf32, #tpu.memory_space<vmem_shared>> -> memref<8464x128xf32, #tpu.memory_space<vmem_shared>>
            tpu.enqueue_indirect_dma source(%arg14 : memref<128x128xf32, #tpu.memory_space<vmem>>) target(%dma_start3A_235 : memref<8464x128xf32, #tpu.memory_space<vmem_shared>>) offsets(%arg15 : memref<128xi32, #tpu.memory_space<vmem>>) semaphore(%run_scoped3A : memref<!tpu.dma_semaphore, #tpu.memory_space<semaphore_mem>>) {add = true}
            %dma_wait3A_236 = arith.constant 0 : i32
            %dma_wait3A_237 = arith.constant 0 : i32
            %dma_wait3A_238 = tpu.memref_slice %arg17[%dma_wait3A_236, %dma_wait3A_237] : memref<8464x128xf32, #tpu.memory_space<vmem_shared>> -> memref<8464x128xf32, #tpu.memory_space<vmem_shared>>
            tpu.wait_indirect_dma semaphore(%run_scoped3A : memref<!tpu.dma_semaphore, #tpu.memory_space<semaphore_mem>>) src(%arg14 : memref<128x128xf32, #tpu.memory_space<vmem>>) dst(%dma_wait3A_238 : memref<8464x128xf32, #tpu.memory_space<vmem_shared>>)
            tpu.yield
          }) : () -> ()
        }
      }
      %scan3A_55 = arith.constant 3 : i32
      %barrier3A_56 = arith.constant 0 : index
      tpu.barrier barrier_id(%barrier3A_56)
      %mul3A_57 = arith.constant 528 : i32
      %mul3A_58 = arith.muli %arg1, %mul3A_57 : i32
      %mul3A_59 = arith.constant 8448 : i32
      %mul3A_60 = arith.muli %add3A, %mul3A_59 : i32
      %mul3A_61 = arith.constant 528 : i32
      %mul3A_62 = arith.muli %arg1, %mul3A_61 : i32
      %add3A_63 = arith.addi %mul3A_60, %mul3A_62 : i32
      "tpu.region"() ({
        %run_scoped3A = tpu.sem_alloc : memref<!tpu.dma_semaphore, #tpu.memory_space<semaphore_mem>>
        %dma_start3A = arith.constant 0 : i32
        %dma_start3A_65 = tpu.memref_slice %arg8[%add3A_63, %dma_start3A] : memref<50688x128xf32, #tpu.memory_space<hbm>> -> memref<528x128xf32, #tpu.memory_space<hbm>>
        %dma_start3A_66 = arith.constant 0 : i32
        %dma_start3A_67 = tpu.memref_slice %arg17[%mul3A_58, %dma_start3A_66] : memref<8464x128xf32, #tpu.memory_space<vmem_shared>> -> memref<528x128xf32, #tpu.memory_space<vmem_shared>>
        tpu.enqueue_dma source(%dma_start3A_67 : memref<528x128xf32, #tpu.memory_space<vmem_shared>>) target(%dma_start3A_65 : memref<528x128xf32, #tpu.memory_space<hbm>>) target_semaphore(%run_scoped3A : memref<!tpu.dma_semaphore, #tpu.memory_space<semaphore_mem>>)
        %dma_wait3A = arith.constant 0 : i32
        %dma_wait3A_68 = tpu.memref_slice %arg8[%add3A_63, %dma_wait3A] : memref<50688x128xf32, #tpu.memory_space<hbm>> -> memref<528x128xf32, #tpu.memory_space<hbm>>
        %dma_wait3A_69 = arith.constant 0 : i32
        %dma_wait3A_70 = tpu.memref_slice %arg17[%mul3A_58, %dma_wait3A_69] : memref<8464x128xf32, #tpu.memory_space<vmem_shared>> -> memref<528x128xf32, #tpu.memory_space<vmem_shared>>
        tpu.wait_dma2 semaphore(%run_scoped3A : memref<!tpu.dma_semaphore, #tpu.memory_space<semaphore_mem>>) src(%dma_wait3A_70 : memref<528x128xf32, #tpu.memory_space<vmem_shared>>) dst(%dma_wait3A_68 : memref<528x128xf32, #tpu.memory_space<hbm>>)
        tpu.yield
      }) : () -> ()
      %barrier3A_64 = arith.constant 0 : index
      tpu.barrier barrier_id(%barrier3A_64)
    }
    %scan3A_11 = arith.constant 3 : i32
    %scan3A_12 = arith.constant 0 : i32
    %scan3A_13 = arith.constant 0 : i32
    %scan3A_14 = arith.constant 3 : i32
    %scan3A_15 = arith.addi %scan3A_13, %scan3A_14 : i32
    %scan3A_16 = arith.constant 1 : i32
    scf.for %scan3A_18 = %scan3A_13 to %scan3A_15 step %scan3A_16  : i32 {
      %mul3A = arith.constant 3 : i32
      %mul3A_19 = arith.muli %mul3A, %arg0 : i32
      %add3A = arith.addi %mul3A_19, %scan3A_18 : i32
      %mul3A_20 = arith.constant 8448 : i32
      %mul3A_21 = arith.muli %add3A, %mul3A_20 : i32
      %broadcast_in_dim3A_22 = arith.constant 0.000000e+00 : f32
      %broadcast_in_dim3A_23 = vector.broadcast %broadcast_in_dim3A_22 : f32 to vector<16xf32>
      %scan3A_24 = arith.constant 0 : i32
      %scan3A_25 = arith.constant 0 : i32
      %scan3A_26 = arith.constant 128 : i32
      %scan3A_27 = arith.addi %scan3A_25, %scan3A_26 : i32
      %scan3A_28 = arith.constant 1 : i32
      scf.for %scan3A_65 = %scan3A_25 to %scan3A_27 step %scan3A_28  : i32 {
        %swap3A = arith.index_cast %scan3A_65 : i32 to index
        %swap3A_66 = arith.constant 0 : index
        %swap3A_67 = tpu.vector_load %arg14[%swap3A, %swap3A_66] {strides = array<i32>} : memref<128x128xf32, #tpu.memory_space<vmem>>, vector<16xf32>,
        tpu.vector_store %arg14[%swap3A, %swap3A_66], %broadcast_in_dim3A_23 {strides = array<i32>} : memref<128x128xf32, #tpu.memory_space<vmem>>, vector<16xf32>,
        %swap3A_68 = arith.index_cast %scan3A_65 : i32 to index
        %swap3A_69 = arith.constant 16 : index
        %swap3A_70 = tpu.vector_load %arg14[%swap3A_68, %swap3A_69] {strides = array<i32>} : memref<128x128xf32, #tpu.memory_space<vmem>>, vector<16xf32>,
        tpu.vector_store %arg14[%swap3A_68, %swap3A_69], %broadcast_in_dim3A_23 {strides = array<i32>} : memref<128x128xf32, #tpu.memory_space<vmem>>, vector<16xf32>,
        %swap3A_71 = arith.index_cast %scan3A_65 : i32 to index
        %swap3A_72 = arith.constant 32 : index
        %swap3A_73 = tpu.vector_load %arg14[%swap3A_71, %swap3A_72] {strides = array<i32>} : memref<128x128xf32, #tpu.memory_space<vmem>>, vector<16xf32>,
        tpu.vector_store %arg14[%swap3A_71, %swap3A_72], %broadcast_in_dim3A_23 {strides = array<i32>} : memref<128x128xf32, #tpu.memory_space<vmem>>, vector<16xf32>,
        %swap3A_74 = arith.index_cast %scan3A_65 : i32 to index
        %swap3A_75 = arith.constant 48 : index
        %swap3A_76 = tpu.vector_load %arg14[%swap3A_74, %swap3A_75] {strides = array<i32>} : memref<128x128xf32, #tpu.memory_space<vmem>>, vector<16xf32>,
        tpu.vector_store %arg14[%swap3A_74, %swap3A_75], %broadcast_in_dim3A_23 {strides = array<i32>} : memref<128x128xf32, #tpu.memory_space<vmem>>, vector<16xf32>,
        %swap3A_77 = arith.index_cast %scan3A_65 : i32 to index
        %swap3A_78 = arith.constant 64 : index
        %swap3A_79 = tpu.vector_load %arg14[%swap3A_77, %swap3A_78] {strides = array<i32>} : memref<128x128xf32, #tpu.memory_space<vmem>>, vector<16xf32>,
        tpu.vector_store %arg14[%swap3A_77, %swap3A_78], %broadcast_in_dim3A_23 {strides = array<i32>} : memref<128x128xf32, #tpu.memory_space<vmem>>, vector<16xf32>,
        %swap3A_80 = arith.index_cast %scan3A_65 : i32 to index
        %swap3A_81 = arith.constant 80 : index
        %swap3A_82 = tpu.vector_load %arg14[%swap3A_80, %swap3A_81] {strides = array<i32>} : memref<128x128xf32, #tpu.memory_space<vmem>>, vector<16xf32>,
        tpu.vector_store %arg14[%swap3A_80, %swap3A_81], %broadcast_in_dim3A_23 {strides = array<i32>} : memref<128x128xf32, #tpu.memory_space<vmem>>, vector<16xf32>,
        %swap3A_83 = arith.index_cast %scan3A_65 : i32 to index
        %swap3A_84 = arith.constant 96 : index
        %swap3A_85 = tpu.vector_load %arg14[%swap3A_83, %swap3A_84] {strides = array<i32>} : memref<128x128xf32, #tpu.memory_space<vmem>>, vector<16xf32>,
        tpu.vector_store %arg14[%swap3A_83, %swap3A_84], %broadcast_in_dim3A_23 {strides = array<i32>} : memref<128x128xf32, #tpu.memory_space<vmem>>, vector<16xf32>,
        %swap3A_86 = arith.index_cast %scan3A_65 : i32 to index
        %swap3A_87 = arith.constant 112 : index
        %swap3A_88 = tpu.vector_load %arg14[%swap3A_86, %swap3A_87] {strides = array<i32>} : memref<128x128xf32, #tpu.memory_space<vmem>>, vector<16xf32>,
        tpu.vector_store %arg14[%swap3A_86, %swap3A_87], %broadcast_in_dim3A_23 {strides = array<i32>} : memref<128x128xf32, #tpu.memory_space<vmem>>, vector<16xf32>,
      }
      %scan3A_29 = arith.constant 128 : i32
      %mul3A_30 = arith.constant 528 : i32
      %mul3A_31 = arith.muli %arg1, %mul3A_30 : i32
      %add3A_32 = arith.constant 0 : i32
      %add3A_33 = arith.addi %mul3A_31, %add3A_32 : i32
      "tpu.region"() ({
        %run_scoped3A = tpu.sem_alloc : memref<!tpu.dma_semaphore, #tpu.memory_space<semaphore_mem>>
        %dma_start3A = arith.constant 0 : i32
        %dma_start3A_65 = tpu.memref_slice %arg17[%add3A_33, %dma_start3A] : memref<8464x128xf32, #tpu.memory_space<vmem_shared>> -> memref<128x128xf32, #tpu.memory_space<vmem_shared>>
        %dma_start3A_66 = arith.constant 0 : i32
        %dma_start3A_67 = tpu.memref_slice %arg17[%add3A_33, %dma_start3A_66] : memref<8464x128xf32, #tpu.memory_space<vmem_shared>> -> memref<128x128xf32, #tpu.memory_space<vmem_shared>>
        tpu.enqueue_dma source(%arg14 : memref<128x128xf32, #tpu.memory_space<vmem>>) target(%dma_start3A_67 : memref<128x128xf32, #tpu.memory_space<vmem_shared>>) target_semaphore(%run_scoped3A : memref<!tpu.dma_semaphore, #tpu.memory_space<semaphore_mem>>)
        %dma_wait3A = arith.constant 0 : i32
        %dma_wait3A_68 = tpu.memref_slice %arg17[%add3A_33, %dma_wait3A] : memref<8464x128xf32, #tpu.memory_space<vmem_shared>> -> memref<128x128xf32, #tpu.memory_space<vmem_shared>>
        %dma_wait3A_69 = arith.constant 0 : i32
        %dma_wait3A_70 = tpu.memref_slice %arg17[%add3A_33, %dma_wait3A_69] : memref<8464x128xf32, #tpu.memory_space<vmem_shared>> -> memref<128x128xf32, #tpu.memory_space<vmem_shared>>
        tpu.wait_dma2 semaphore(%run_scoped3A : memref<!tpu.dma_semaphore, #tpu.memory_space<semaphore_mem>>) src(%arg14 : memref<128x128xf32, #tpu.memory_space<vmem>>) dst(%dma_wait3A_70 : memref<128x128xf32, #tpu.memory_space<vmem_shared>>)
        tpu.yield
      }) : () -> ()
      %mul3A_34 = arith.constant 528 : i32
      %mul3A_35 = arith.muli %arg1, %mul3A_34 : i32
      %add3A_36 = arith.constant 128 : i32
      %add3A_37 = arith.addi %mul3A_35, %add3A_36 : i32
      "tpu.region"() ({
        %run_scoped3A = tpu.sem_alloc : memref<!tpu.dma_semaphore, #tpu.memory_space<semaphore_mem>>
        %dma_start3A = arith.constant 0 : i32
        %dma_start3A_65 = tpu.memref_slice %arg17[%add3A_37, %dma_start3A] : memref<8464x128xf32, #tpu.memory_space<vmem_shared>> -> memref<128x128xf32, #tpu.memory_space<vmem_shared>>
        %dma_start3A_66 = arith.constant 0 : i32
        %dma_start3A_67 = tpu.memref_slice %arg17[%add3A_37, %dma_start3A_66] : memref<8464x128xf32, #tpu.memory_space<vmem_shared>> -> memref<128x128xf32, #tpu.memory_space<vmem_shared>>
        tpu.enqueue_dma source(%arg14 : memref<128x128xf32, #tpu.memory_space<vmem>>) target(%dma_start3A_67 : memref<128x128xf32, #tpu.memory_space<vmem_shared>>) target_semaphore(%run_scoped3A : memref<!tpu.dma_semaphore, #tpu.memory_space<semaphore_mem>>)
        %dma_wait3A = arith.constant 0 : i32
        %dma_wait3A_68 = tpu.memref_slice %arg17[%add3A_37, %dma_wait3A] : memref<8464x128xf32, #tpu.memory_space<vmem_shared>> -> memref<128x128xf32, #tpu.memory_space<vmem_shared>>
        %dma_wait3A_69 = arith.constant 0 : i32
        %dma_wait3A_70 = tpu.memref_slice %arg17[%add3A_37, %dma_wait3A_69] : memref<8464x128xf32, #tpu.memory_space<vmem_shared>> -> memref<128x128xf32, #tpu.memory_space<vmem_shared>>
        tpu.wait_dma2 semaphore(%run_scoped3A : memref<!tpu.dma_semaphore, #tpu.memory_space<semaphore_mem>>) src(%arg14 : memref<128x128xf32, #tpu.memory_space<vmem>>) dst(%dma_wait3A_70 : memref<128x128xf32, #tpu.memory_space<vmem_shared>>)
        tpu.yield
      }) : () -> ()
      %mul3A_38 = arith.constant 528 : i32
      %mul3A_39 = arith.muli %arg1, %mul3A_38 : i32
      %add3A_40 = arith.constant 256 : i32
      %add3A_41 = arith.addi %mul3A_39, %add3A_40 : i32
      "tpu.region"() ({
        %run_scoped3A = tpu.sem_alloc : memref<!tpu.dma_semaphore, #tpu.memory_space<semaphore_mem>>
        %dma_start3A = arith.constant 0 : i32
        %dma_start3A_65 = tpu.memref_slice %arg17[%add3A_41, %dma_start3A] : memref<8464x128xf32, #tpu.memory_space<vmem_shared>> -> memref<128x128xf32, #tpu.memory_space<vmem_shared>>
        %dma_start3A_66 = arith.constant 0 : i32
        %dma_start3A_67 = tpu.memref_slice %arg17[%add3A_41, %dma_start3A_66] : memref<8464x128xf32, #tpu.memory_space<vmem_shared>> -> memref<128x128xf32, #tpu.memory_space<vmem_shared>>
        tpu.enqueue_dma source(%arg14 : memref<128x128xf32, #tpu.memory_space<vmem>>) target(%dma_start3A_67 : memref<128x128xf32, #tpu.memory_space<vmem_shared>>) target_semaphore(%run_scoped3A : memref<!tpu.dma_semaphore, #tpu.memory_space<semaphore_mem>>)
        %dma_wait3A = arith.constant 0 : i32
        %dma_wait3A_68 = tpu.memref_slice %arg17[%add3A_41, %dma_wait3A] : memref<8464x128xf32, #tpu.memory_space<vmem_shared>> -> memref<128x128xf32, #tpu.memory_space<vmem_shared>>
        %dma_wait3A_69 = arith.constant 0 : i32
        %dma_wait3A_70 = tpu.memref_slice %arg17[%add3A_41, %dma_wait3A_69] : memref<8464x128xf32, #tpu.memory_space<vmem_shared>> -> memref<128x128xf32, #tpu.memory_space<vmem_shared>>
        tpu.wait_dma2 semaphore(%run_scoped3A : memref<!tpu.dma_semaphore, #tpu.memory_space<semaphore_mem>>) src(%arg14 : memref<128x128xf32, #tpu.memory_space<vmem>>) dst(%dma_wait3A_70 : memref<128x128xf32, #tpu.memory_space<vmem_shared>>)
        tpu.yield
      }) : () -> ()
      %mul3A_42 = arith.constant 528 : i32
      %mul3A_43 = arith.muli %arg1, %mul3A_42 : i32
      %add3A_44 = arith.constant 384 : i32
      %add3A_45 = arith.addi %mul3A_43, %add3A_44 : i32
      "tpu.region"() ({
        %run_scoped3A = tpu.sem_alloc : memref<!tpu.dma_semaphore, #tpu.memory_space<semaphore_mem>>
        %dma_start3A = arith.constant 0 : i32
        %dma_start3A_65 = tpu.memref_slice %arg17[%add3A_45, %dma_start3A] : memref<8464x128xf32, #tpu.memory_space<vmem_shared>> -> memref<128x128xf32, #tpu.memory_space<vmem_shared>>
        %dma_start3A_66 = arith.constant 0 : i32
        %dma_start3A_67 = tpu.memref_slice %arg17[%add3A_45, %dma_start3A_66] : memref<8464x128xf32, #tpu.memory_space<vmem_shared>> -> memref<128x128xf32, #tpu.memory_space<vmem_shared>>
        tpu.enqueue_dma source(%arg14 : memref<128x128xf32, #tpu.memory_space<vmem>>) target(%dma_start3A_67 : memref<128x128xf32, #tpu.memory_space<vmem_shared>>) target_semaphore(%run_scoped3A : memref<!tpu.dma_semaphore, #tpu.memory_space<semaphore_mem>>)
        %dma_wait3A = arith.constant 0 : i32
        %dma_wait3A_68 = tpu.memref_slice %arg17[%add3A_45, %dma_wait3A] : memref<8464x128xf32, #tpu.memory_space<vmem_shared>> -> memref<128x128xf32, #tpu.memory_space<vmem_shared>>
        %dma_wait3A_69 = arith.constant 0 : i32
        %dma_wait3A_70 = tpu.memref_slice %arg17[%add3A_45, %dma_wait3A_69] : memref<8464x128xf32, #tpu.memory_space<vmem_shared>> -> memref<128x128xf32, #tpu.memory_space<vmem_shared>>
        tpu.wait_dma2 semaphore(%run_scoped3A : memref<!tpu.dma_semaphore, #tpu.memory_space<semaphore_mem>>) src(%arg14 : memref<128x128xf32, #tpu.memory_space<vmem>>) dst(%dma_wait3A_70 : memref<128x128xf32, #tpu.memory_space<vmem_shared>>)
        tpu.yield
      }) : () -> ()
      %mul3A_46 = arith.constant 528 : i32
      %mul3A_47 = arith.muli %arg1, %mul3A_46 : i32
      %add3A_48 = arith.constant 512 : i32
      %add3A_49 = arith.addi %mul3A_47, %add3A_48 : i32
      "tpu.region"() ({
        %run_scoped3A = tpu.sem_alloc : memref<!tpu.dma_semaphore, #tpu.memory_space<semaphore_mem>>
        %dma_start3A = arith.constant 0 : i32
        %dma_start3A_65 = arith.constant 0 : i32
        %dma_start3A_66 = tpu.memref_slice %arg14[%dma_start3A, %dma_start3A_65] : memref<128x128xf32, #tpu.memory_space<vmem>> -> memref<16x128xf32, #tpu.memory_space<vmem>>
        %dma_start3A_67 = arith.constant 0 : i32
        %dma_start3A_68 = tpu.memref_slice %arg17[%add3A_49, %dma_start3A_67] : memref<8464x128xf32, #tpu.memory_space<vmem_shared>> -> memref<16x128xf32, #tpu.memory_space<vmem_shared>>
        %dma_start3A_69 = arith.constant 0 : i32
        %dma_start3A_70 = tpu.memref_slice %arg17[%add3A_49, %dma_start3A_69] : memref<8464x128xf32, #tpu.memory_space<vmem_shared>> -> memref<16x128xf32, #tpu.memory_space<vmem_shared>>
        %dma_start3A_71 = arith.constant 0 : i32
        %dma_start3A_72 = arith.constant 0 : i32
        %dma_start3A_73 = tpu.memref_slice %arg14[%dma_start3A_71, %dma_start3A_72] : memref<128x128xf32, #tpu.memory_space<vmem>> -> memref<16x128xf32, #tpu.memory_space<vmem>>
        tpu.enqueue_dma source(%dma_start3A_73 : memref<16x128xf32, #tpu.memory_space<vmem>>) target(%dma_start3A_70 : memref<16x128xf32, #tpu.memory_space<vmem_shared>>) target_semaphore(%run_scoped3A : memref<!tpu.dma_semaphore, #tpu.memory_space<semaphore_mem>>)
        %dma_wait3A = arith.constant 0 : i32
        %dma_wait3A_74 = arith.constant 0 : i32
        %dma_wait3A_75 = tpu.memref_slice %arg14[%dma_wait3A, %dma_wait3A_74] : memref<128x128xf32, #tpu.memory_space<vmem>> -> memref<16x128xf32, #tpu.memory_space<vmem>>
        %dma_wait3A_76 = arith.constant 0 : i32
        %dma_wait3A_77 = tpu.memref_slice %arg17[%add3A_49, %dma_wait3A_76] : memref<8464x128xf32, #tpu.memory_space<vmem_shared>> -> memref<16x128xf32, #tpu.memory_space<vmem_shared>>
        %dma_wait3A_78 = arith.constant 0 : i32
        %dma_wait3A_79 = tpu.memref_slice %arg17[%add3A_49, %dma_wait3A_78] : memref<8464x128xf32, #tpu.memory_space<vmem_shared>> -> memref<16x128xf32, #tpu.memory_space<vmem_shared>>
        %dma_wait3A_80 = arith.constant 0 : i32
        %dma_wait3A_81 = arith.constant 0 : i32
        %dma_wait3A_82 = tpu.memref_slice %arg14[%dma_wait3A_80, %dma_wait3A_81] : memref<128x128xf32, #tpu.memory_space<vmem>> -> memref<16x128xf32, #tpu.memory_space<vmem>>
        tpu.wait_dma2 semaphore(%run_scoped3A : memref<!tpu.dma_semaphore, #tpu.memory_space<semaphore_mem>>) src(%dma_wait3A_82 : memref<16x128xf32, #tpu.memory_space<vmem>>) dst(%dma_wait3A_79 : memref<16x128xf32, #tpu.memory_space<vmem_shared>>)
        tpu.yield
      }) : () -> ()
      %barrier3A = arith.constant 0 : index
      tpu.barrier barrier_id(%barrier3A)
      %scan3A_50 = arith.constant 0 : i32
      %scan3A_51 = arith.constant 0 : i32
      %scan3A_52 = arith.constant 3 : i32
      %scan3A_53 = arith.addi %scan3A_51, %scan3A_52 : i32
      %scan3A_54 = arith.constant 1 : i32
      scf.for %scan3A_65 = %scan3A_51 to %scan3A_53 step %scan3A_54  : i32 {
        %mul3A_66 = arith.constant 18816 : i32
        %mul3A_67 = arith.muli %arg1, %mul3A_66 : i32
        %mul3A_68 = arith.constant 6272 : i32
        %mul3A_69 = arith.muli %scan3A_65, %mul3A_68 : i32
        %add3A_70 = arith.addi %mul3A_67, %mul3A_69 : i32
        "tpu.region"() ({
          %run_scoped3A = tpu.sem_alloc : memref<!tpu.dma_semaphore, #tpu.memory_space<semaphore_mem>>
          %dma_start3A = tpu.memref_slice %arg6[%add3A_70] : memref<301056xi32, #tpu.memory_space<hbm>> -> memref<6272xi32, #tpu.memory_space<hbm>>
          %dma_start3A_186 = tpu.memref_slice %arg6[%add3A_70] : memref<301056xi32, #tpu.memory_space<hbm>> -> memref<6272xi32, #tpu.memory_space<hbm>>
          tpu.enqueue_dma source(%dma_start3A_186 : memref<6272xi32, #tpu.memory_space<hbm>>) target(%arg10 : memref<6272xi32, #tpu.memory_space<vmem>>) target_semaphore(%run_scoped3A : memref<!tpu.dma_semaphore, #tpu.memory_space<semaphore_mem>>)
          %dma_wait3A = tpu.memref_slice %arg6[%add3A_70] : memref<301056xi32, #tpu.memory_space<hbm>> -> memref<6272xi32, #tpu.memory_space<hbm>>
          %dma_wait3A_187 = tpu.memref_slice %arg6[%add3A_70] : memref<301056xi32, #tpu.memory_space<hbm>> -> memref<6272xi32, #tpu.memory_space<hbm>>
          tpu.wait_dma2 semaphore(%run_scoped3A : memref<!tpu.dma_semaphore, #tpu.memory_space<semaphore_mem>>) src(%dma_wait3A_187 : memref<6272xi32, #tpu.memory_space<hbm>>) dst(%arg10 : memref<6272xi32, #tpu.memory_space<vmem>>)
          tpu.yield
        }) : () -> ()
        "tpu.region"() ({
          %run_scoped3A = tpu.sem_alloc : memref<!tpu.dma_semaphore, #tpu.memory_space<semaphore_mem>>
          %dma_start3A = tpu.memref_slice %arg7[%add3A_70] : memref<301056xi32, #tpu.memory_space<hbm>> -> memref<6272xi32, #tpu.memory_space<hbm>>
          %dma_start3A_186 = tpu.memref_slice %arg7[%add3A_70] : memref<301056xi32, #tpu.memory_space<hbm>> -> memref<6272xi32, #tpu.memory_space<hbm>>
          tpu.enqueue_dma source(%dma_start3A_186 : memref<6272xi32, #tpu.memory_space<hbm>>) target(%arg11 : memref<6272xi32, #tpu.memory_space<vmem>>) target_semaphore(%run_scoped3A : memref<!tpu.dma_semaphore, #tpu.memory_space<semaphore_mem>>)
          %dma_wait3A = tpu.memref_slice %arg7[%add3A_70] : memref<301056xi32, #tpu.memory_space<hbm>> -> memref<6272xi32, #tpu.memory_space<hbm>>
          %dma_wait3A_187 = tpu.memref_slice %arg7[%add3A_70] : memref<301056xi32, #tpu.memory_space<hbm>> -> memref<6272xi32, #tpu.memory_space<hbm>>
          tpu.wait_dma2 semaphore(%run_scoped3A : memref<!tpu.dma_semaphore, #tpu.memory_space<semaphore_mem>>) src(%dma_wait3A_187 : memref<6272xi32, #tpu.memory_space<hbm>>) dst(%arg11 : memref<6272xi32, #tpu.memory_space<vmem>>)
          tpu.yield
        }) : () -> ()
        %scan3A_71 = arith.constant 0 : i32
        %scan3A_72 = arith.constant 0 : i32
        %scan3A_73 = arith.constant 392 : i32
        %scan3A_74 = arith.addi %scan3A_72, %scan3A_73 : i32
        %scan3A_75 = arith.constant 1 : i32
        %scan3A_76 = scf.for %scan3A_186 = %scan3A_72 to %scan3A_74 step %scan3A_75 iter_args(%scan3A_187 = %scan3A_71) -> (i32)  : i32 {
          %mul3A_188 = arith.constant 16 : i32
          %mul3A_189 = arith.muli %scan3A_186, %mul3A_188 : i32
          %get3A = arith.index_cast %mul3A_189 : i32 to index
          %get3A_190 = tpu.vector_load %arg11[%get3A] {strides = array<i32>} : memref<6272xi32, #tpu.memory_space<vmem>>, vector<16xi32>,
          %get3A_191 = arith.index_cast %mul3A_189 : i32 to index
          %get3A_192 = tpu.vector_load %arg10[%get3A_191] {strides = array<i32>} : memref<6272xi32, #tpu.memory_space<vmem>>, vector<16xi32>,
          %ge3A = vector.broadcast %mul3A_21 : i32 to vector<16xi32>
          %ge3A_193 = arith.cmpi sge, %get3A_190, %ge3A : vector<16xi32>
          %add3A_194 = arith.constant 8448 : i32
          %add3A_195 = arith.addi %mul3A_21, %add3A_194 : i32
          %lt3A = vector.broadcast %add3A_195 : i32 to vector<16xi32>
          %lt3A_196 = arith.cmpi slt, %get3A_190, %lt3A : vector<16xi32>
          %and3A_197 = arith.andi %ge3A_193, %lt3A_196 : vector<16xi1>
          %convert_element_type3A = arith.extui %and3A_197 : vector<16xi1> to vector<16xi32>
          %broadcast_in_dim3A_198 = arith.constant true
          %broadcast_in_dim3A_199 = vector.broadcast %broadcast_in_dim3A_198 : i1 to vector<16xi1>
          %masked_cumsum3A = tpu.scan <sum>, %convert_element_type3A masked %broadcast_in_dim3A_199 : vector<16xi32>, vector<16xi1> -> vector<16xi32>
          %add3A_200 = vector.broadcast %scan3A_187 : i32 to vector<16xi32>
          %add3A_201 = arith.addi %add3A_200, %masked_cumsum3A : vector<16xi32>
          %sub3A_202 = arith.subi %add3A_201, %convert_element_type3A : vector<16xi32>
          tpu.vector_store_idx %arg12[%sub3A_202], %get3A_192 masked %and3A_197 : memref<6400xi32, #tpu.memory_space<vmem>>[vector<16xi32>], vector<16xi32>, vector<16xi1>
          %shift_right_arithmetic3A_203 = arith.constant 7 : i32
          %shift_right_arithmetic3A_204 = vector.broadcast %shift_right_arithmetic3A_203 : i32 to vector<16xi32>
          %shift_right_arithmetic3A_205 = arith.shrsi %sub3A_202, %shift_right_arithmetic3A_204 : vector<16xi32>
          %and3A_206 = arith.constant 127 : i32
          %and3A_207 = vector.broadcast %and3A_206 : i32 to vector<16xi32>
          %and3A_208 = arith.andi %sub3A_202, %and3A_207 : vector<16xi32>
          %sub3A_209 = vector.broadcast %mul3A_21 : i32 to vector<16xi32>
          %sub3A_210 = arith.subi %get3A_190, %sub3A_209 : vector<16xi32>
          tpu.vector_store_idx %arg13[%shift_right_arithmetic3A_205, %and3A_208], %sub3A_210 masked %and3A_197 : memref<50x128xi32, #tpu.memory_space<vmem>>[vector<16xi32>, vector<16xi32>], vector<16xi32>, vector<16xi1>
          %reduce_sum3A = arith.constant true
          %reduce_sum3A_211 = vector.broadcast %reduce_sum3A : i1 to vector<16xi1>
          %reduce_sum3A_212 = tpu.scan <sum>, %convert_element_type3A masked %reduce_sum3A_211 : vector<16xi32>, vector<16xi1> -> vector<16xi32>
          %reduce_sum3A_213 = vector.extract %reduce_sum3A_212[15] : i32 from vector<16xi32>
          %add3A_214 = arith.addi %scan3A_187, %reduce_sum3A_213 : i32
          scf.yield %add3A_214 : i32
        }
        %scan3A_77 = arith.constant 392 : i32
        %add3A_78 = arith.constant 0 : i32
        %add3A_79 = arith.addi %scan3A_76, %add3A_78 : i32
        %add3A_80 = vector.broadcast %add3A_79 : i32 to vector<16xi32>
        %add3A_81 = arith.addi %add3A_80, %iota3A : vector<16xi32>
        tpu.vector_store_idx %arg12[%add3A_81], %broadcast_in_dim3A_0 : memref<6400xi32, #tpu.memory_space<vmem>>[vector<16xi32>], vector<16xi32>,
        %shift_right_arithmetic3A = arith.constant 7 : i32
        %shift_right_arithmetic3A_82 = vector.broadcast %shift_right_arithmetic3A : i32 to vector<16xi32>
        %shift_right_arithmetic3A_83 = arith.shrsi %add3A_81, %shift_right_arithmetic3A_82 : vector<16xi32>
        %and3A = arith.constant 127 : i32
        %and3A_84 = vector.broadcast %and3A : i32 to vector<16xi32>
        %and3A_85 = arith.andi %add3A_81, %and3A_84 : vector<16xi32>
        tpu.vector_store_idx %arg13[%shift_right_arithmetic3A_83, %and3A_85], %broadcast_in_dim3A_2 : memref<50x128xi32, #tpu.memory_space<vmem>>[vector<16xi32>, vector<16xi32>], vector<16xi32>,
        %add3A_86 = arith.constant 16 : i32
        %add3A_87 = arith.addi %scan3A_76, %add3A_86 : i32
        %add3A_88 = vector.broadcast %add3A_87 : i32 to vector<16xi32>
        %add3A_89 = arith.addi %add3A_88, %iota3A : vector<16xi32>
        tpu.vector_store_idx %arg12[%add3A_89], %broadcast_in_dim3A_0 : memref<6400xi32, #tpu.memory_space<vmem>>[vector<16xi32>], vector<16xi32>,
        %shift_right_arithmetic3A_90 = arith.constant 7 : i32
        %shift_right_arithmetic3A_91 = vector.broadcast %shift_right_arithmetic3A_90 : i32 to vector<16xi32>
        %shift_right_arithmetic3A_92 = arith.shrsi %add3A_89, %shift_right_arithmetic3A_91 : vector<16xi32>
        %and3A_93 = arith.constant 127 : i32
        %and3A_94 = vector.broadcast %and3A_93 : i32 to vector<16xi32>
        %and3A_95 = arith.andi %add3A_89, %and3A_94 : vector<16xi32>
        tpu.vector_store_idx %arg13[%shift_right_arithmetic3A_92, %and3A_95], %broadcast_in_dim3A_2 : memref<50x128xi32, #tpu.memory_space<vmem>>[vector<16xi32>, vector<16xi32>], vector<16xi32>,
        %add3A_96 = arith.constant 32 : i32
        %add3A_97 = arith.addi %scan3A_76, %add3A_96 : i32
        %add3A_98 = vector.broadcast %add3A_97 : i32 to vector<16xi32>
        %add3A_99 = arith.addi %add3A_98, %iota3A : vector<16xi32>
        tpu.vector_store_idx %arg12[%add3A_99], %broadcast_in_dim3A_0 : memref<6400xi32, #tpu.memory_space<vmem>>[vector<16xi32>], vector<16xi32>,
        %shift_right_arithmetic3A_100 = arith.constant 7 : i32
        %shift_right_arithmetic3A_101 = vector.broadcast %shift_right_arithmetic3A_100 : i32 to vector<16xi32>
        %shift_right_arithmetic3A_102 = arith.shrsi %add3A_99, %shift_right_arithmetic3A_101 : vector<16xi32>
        %and3A_103 = arith.constant 127 : i32
        %and3A_104 = vector.broadcast %and3A_103 : i32 to vector<16xi32>
        %and3A_105 = arith.andi %add3A_99, %and3A_104 : vector<16xi32>
        tpu.vector_store_idx %arg13[%shift_right_arithmetic3A_102, %and3A_105], %broadcast_in_dim3A_2 : memref<50x128xi32, #tpu.memory_space<vmem>>[vector<16xi32>, vector<16xi32>], vector<16xi32>,
        %add3A_106 = arith.constant 48 : i32
        %add3A_107 = arith.addi %scan3A_76, %add3A_106 : i32
        %add3A_108 = vector.broadcast %add3A_107 : i32 to vector<16xi32>
        %add3A_109 = arith.addi %add3A_108, %iota3A : vector<16xi32>
        tpu.vector_store_idx %arg12[%add3A_109], %broadcast_in_dim3A_0 : memref<6400xi32, #tpu.memory_space<vmem>>[vector<16xi32>], vector<16xi32>,
        %shift_right_arithmetic3A_110 = arith.constant 7 : i32
        %shift_right_arithmetic3A_111 = vector.broadcast %shift_right_arithmetic3A_110 : i32 to vector<16xi32>
        %shift_right_arithmetic3A_112 = arith.shrsi %add3A_109, %shift_right_arithmetic3A_111 : vector<16xi32>
        %and3A_113 = arith.constant 127 : i32
        %and3A_114 = vector.broadcast %and3A_113 : i32 to vector<16xi32>
        %and3A_115 = arith.andi %add3A_109, %and3A_114 : vector<16xi32>
        tpu.vector_store_idx %arg13[%shift_right_arithmetic3A_112, %and3A_115], %broadcast_in_dim3A_2 : memref<50x128xi32, #tpu.memory_space<vmem>>[vector<16xi32>, vector<16xi32>], vector<16xi32>,
        %add3A_116 = arith.constant 64 : i32
        %add3A_117 = arith.addi %scan3A_76, %add3A_116 : i32
        %add3A_118 = vector.broadcast %add3A_117 : i32 to vector<16xi32>
        %add3A_119 = arith.addi %add3A_118, %iota3A : vector<16xi32>
        tpu.vector_store_idx %arg12[%add3A_119], %broadcast_in_dim3A_0 : memref<6400xi32, #tpu.memory_space<vmem>>[vector<16xi32>], vector<16xi32>,
        %shift_right_arithmetic3A_120 = arith.constant 7 : i32
        %shift_right_arithmetic3A_121 = vector.broadcast %shift_right_arithmetic3A_120 : i32 to vector<16xi32>
        %shift_right_arithmetic3A_122 = arith.shrsi %add3A_119, %shift_right_arithmetic3A_121 : vector<16xi32>
        %and3A_123 = arith.constant 127 : i32
        %and3A_124 = vector.broadcast %and3A_123 : i32 to vector<16xi32>
        %and3A_125 = arith.andi %add3A_119, %and3A_124 : vector<16xi32>
        tpu.vector_store_idx %arg13[%shift_right_arithmetic3A_122, %and3A_125], %broadcast_in_dim3A_2 : memref<50x128xi32, #tpu.memory_space<vmem>>[vector<16xi32>, vector<16xi32>], vector<16xi32>,
        %add3A_126 = arith.constant 80 : i32
        %add3A_127 = arith.addi %scan3A_76, %add3A_126 : i32
        %add3A_128 = vector.broadcast %add3A_127 : i32 to vector<16xi32>
        %add3A_129 = arith.addi %add3A_128, %iota3A : vector<16xi32>
        tpu.vector_store_idx %arg12[%add3A_129], %broadcast_in_dim3A_0 : memref<6400xi32, #tpu.memory_space<vmem>>[vector<16xi32>], vector<16xi32>,
        %shift_right_arithmetic3A_130 = arith.constant 7 : i32
        %shift_right_arithmetic3A_131 = vector.broadcast %shift_right_arithmetic3A_130 : i32 to vector<16xi32>
        %shift_right_arithmetic3A_132 = arith.shrsi %add3A_129, %shift_right_arithmetic3A_131 : vector<16xi32>
        %and3A_133 = arith.constant 127 : i32
        %and3A_134 = vector.broadcast %and3A_133 : i32 to vector<16xi32>
        %and3A_135 = arith.andi %add3A_129, %and3A_134 : vector<16xi32>
        tpu.vector_store_idx %arg13[%shift_right_arithmetic3A_132, %and3A_135], %broadcast_in_dim3A_2 : memref<50x128xi32, #tpu.memory_space<vmem>>[vector<16xi32>, vector<16xi32>], vector<16xi32>,
        %add3A_136 = arith.constant 96 : i32
        %add3A_137 = arith.addi %scan3A_76, %add3A_136 : i32
        %add3A_138 = vector.broadcast %add3A_137 : i32 to vector<16xi32>
        %add3A_139 = arith.addi %add3A_138, %iota3A : vector<16xi32>
        tpu.vector_store_idx %arg12[%add3A_139], %broadcast_in_dim3A_0 : memref<6400xi32, #tpu.memory_space<vmem>>[vector<16xi32>], vector<16xi32>,
        %shift_right_arithmetic3A_140 = arith.constant 7 : i32
        %shift_right_arithmetic3A_141 = vector.broadcast %shift_right_arithmetic3A_140 : i32 to vector<16xi32>
        %shift_right_arithmetic3A_142 = arith.shrsi %add3A_139, %shift_right_arithmetic3A_141 : vector<16xi32>
        %and3A_143 = arith.constant 127 : i32
        %and3A_144 = vector.broadcast %and3A_143 : i32 to vector<16xi32>
        %and3A_145 = arith.andi %add3A_139, %and3A_144 : vector<16xi32>
        tpu.vector_store_idx %arg13[%shift_right_arithmetic3A_142, %and3A_145], %broadcast_in_dim3A_2 : memref<50x128xi32, #tpu.memory_space<vmem>>[vector<16xi32>, vector<16xi32>], vector<16xi32>,
        %add3A_146 = arith.constant 112 : i32
        %add3A_147 = arith.addi %scan3A_76, %add3A_146 : i32
        %add3A_148 = vector.broadcast %add3A_147 : i32 to vector<16xi32>
        %add3A_149 = arith.addi %add3A_148, %iota3A : vector<16xi32>
        tpu.vector_store_idx %arg12[%add3A_149], %broadcast_in_dim3A_0 : memref<6400xi32, #tpu.memory_space<vmem>>[vector<16xi32>], vector<16xi32>,
        %shift_right_arithmetic3A_150 = arith.constant 7 : i32
        %shift_right_arithmetic3A_151 = vector.broadcast %shift_right_arithmetic3A_150 : i32 to vector<16xi32>
        %shift_right_arithmetic3A_152 = arith.shrsi %add3A_149, %shift_right_arithmetic3A_151 : vector<16xi32>
        %and3A_153 = arith.constant 127 : i32
        %and3A_154 = vector.broadcast %and3A_153 : i32 to vector<16xi32>
        %and3A_155 = arith.andi %add3A_149, %and3A_154 : vector<16xi32>
        tpu.vector_store_idx %arg13[%shift_right_arithmetic3A_152, %and3A_155], %broadcast_in_dim3A_2 : memref<50x128xi32, #tpu.memory_space<vmem>>[vector<16xi32>, vector<16xi32>], vector<16xi32>,
        %add3A_156 = arith.constant 128 : i32
        %add3A_157 = arith.addi %scan3A_76, %add3A_156 : i32
        %sub3A = arith.constant 1 : i32
        %sub3A_158 = arith.subi %add3A_157, %sub3A : i32
        %jit3A = arith.constant 128 : i32
        %div3A = arith.divsi %sub3A_158, %jit3A : i32
        %sign3A = arith.constant 0 : i32
        %sign3A_159 = arith.cmpi sgt, %sub3A_158, %sign3A : i32
        %sign3A_160 = arith.extui %sign3A_159 : i1 to i32
        %sign3A_161 = arith.constant 0 : i32
        %sign3A_162 = arith.cmpi slt, %sub3A_158, %sign3A_161 : i32
        %sign3A_163 = arith.extui %sign3A_162 : i1 to i32
        %sign3A_164 = arith.subi %sign3A_160, %sign3A_163 : i32
        %sign3A_165 = arith.constant 0 : i32
        %sign3A_166 = arith.cmpi sgt, %jit3A, %sign3A_165 : i32
        %sign3A_167 = arith.extui %sign3A_166 : i1 to i32
        %sign3A_168 = arith.constant 0 : i32
        %sign3A_169 = arith.cmpi slt, %jit3A, %sign3A_168 : i32
        %sign3A_170 = arith.extui %sign3A_169 : i1 to i32
        %sign3A_171 = arith.subi %sign3A_167, %sign3A_170 : i32
        %ne3A = arith.cmpi ne, %sign3A_164, %sign3A_171 : i32
        %rem3A = arith.remsi %sub3A_158, %jit3A : i32
        %ne3A_172 = arith.constant 0 : i32
        %ne3A_173 = arith.cmpi ne, %rem3A, %ne3A_172 : i32
        %and3A_174 = arith.andi %ne3A, %ne3A_173 : i1
        %sub3A_175 = arith.constant 1 : i32
        %sub3A_176 = arith.subi %div3A, %sub3A_175 : i32
        %select_n3A = arith.select %and3A_174, %sub3A_176, %div3A : i32
        %while3A = arith.constant 0 : i32
        %while3A_177 = arith.constant 0 : i32
        %while3A_178 = arith.subi %select_n3A, %while3A_177 : i32
        %while3A_179 = arith.addi %while3A_177, %while3A_178 : i32
        %while3A_180 = arith.constant 1 : i32
        %while3A_181 = arith.divsi %while3A_178, %while3A_180 : i32
        %while3A_182 = arith.muli %while3A_181, %while3A_180 : i32
        %while3A_183 = arith.addi %while3A_177, %while3A_182 : i32
        %while3A_184 = arith.constant 1 : i32
        scf.for %while3A_186 = %while3A_177 to %while3A_183 step %while3A_184  : i32 {
          %mul3A_187 = arith.constant 128 : i32
          %mul3A_188 = arith.muli %while3A_186, %mul3A_187 : i32
          %dma_start3A = tpu.memref_slice %arg12[%mul3A_188] : memref<6400xi32, #tpu.memory_space<vmem>> -> memref<128xi32, #tpu.memory_space<vmem>>
          %dma_start3A_189 = arith.constant 0 : i32
          %dma_start3A_190 = arith.constant 0 : i32
          %dma_start3A_191 = tpu.memref_slice %arg3[%dma_start3A_189, %dma_start3A_190] : memref<50000x128xf32, #tpu.memory_space<hbm>> -> memref<50000x128xf32, #tpu.memory_space<hbm>>
          tpu.enqueue_indirect_dma source(%dma_start3A_191 : memref<50000x128xf32, #tpu.memory_space<hbm>>) target(%arg14 : memref<128x128xf32, #tpu.memory_space<vmem>>) offsets(%dma_start3A : memref<128xi32, #tpu.memory_space<vmem>>) semaphore(%arg16 : memref<!tpu.dma_semaphore, #tpu.memory_space<semaphore_mem>>)
          %dma_wait3A = tpu.memref_slice %arg12[%mul3A_188] : memref<6400xi32, #tpu.memory_space<vmem>> -> memref<128xi32, #tpu.memory_space<vmem>>
          %dma_wait3A_192 = arith.constant 0 : i32
          %dma_wait3A_193 = arith.constant 0 : i32
          %dma_wait3A_194 = tpu.memref_slice %arg3[%dma_wait3A_192, %dma_wait3A_193] : memref<50000x128xf32, #tpu.memory_space<hbm>> -> memref<50000x128xf32, #tpu.memory_space<hbm>>
          tpu.wait_indirect_dma semaphore(%arg16 : memref<!tpu.dma_semaphore, #tpu.memory_space<semaphore_mem>>) src(%dma_wait3A_194 : memref<50000x128xf32, #tpu.memory_space<hbm>>) dst(%arg14 : memref<128x128xf32, #tpu.memory_space<vmem>>)
          %get3A = arith.index_cast %while3A_186 : i32 to index
          %get3A_195 = arith.constant 0 : index
          %get3A_196 = tpu.vector_load %arg13[%get3A, %get3A_195] {strides = array<i32>} : memref<50x128xi32, #tpu.memory_space<vmem>>, vector<16xi32>,
          %swap3A = arith.constant 0 : index
          %swap3A_197 = tpu.vector_load %arg15[%swap3A] {strides = array<i32>} : memref<128xi32, #tpu.memory_space<vmem>>, vector<16xi32>,
          tpu.vector_store %arg15[%swap3A], %get3A_196 {strides = array<i32>} : memref<128xi32, #tpu.memory_space<vmem>>, vector<16xi32>,
          %get3A_198 = arith.index_cast %while3A_186 : i32 to index
          %get3A_199 = arith.constant 16 : index
          %get3A_200 = tpu.vector_load %arg13[%get3A_198, %get3A_199] {strides = array<i32>} : memref<50x128xi32, #tpu.memory_space<vmem>>, vector<16xi32>,
          %swap3A_201 = arith.constant 16 : index
          %swap3A_202 = tpu.vector_load %arg15[%swap3A_201] {strides = array<i32>} : memref<128xi32, #tpu.memory_space<vmem>>, vector<16xi32>,
          tpu.vector_store %arg15[%swap3A_201], %get3A_200 {strides = array<i32>} : memref<128xi32, #tpu.memory_space<vmem>>, vector<16xi32>,
          %get3A_203 = arith.index_cast %while3A_186 : i32 to index
          %get3A_204 = arith.constant 32 : index
          %get3A_205 = tpu.vector_load %arg13[%get3A_203, %get3A_204] {strides = array<i32>} : memref<50x128xi32, #tpu.memory_space<vmem>>, vector<16xi32>,
          %swap3A_206 = arith.constant 32 : index
          %swap3A_207 = tpu.vector_load %arg15[%swap3A_206] {strides = array<i32>} : memref<128xi32, #tpu.memory_space<vmem>>, vector<16xi32>,
          tpu.vector_store %arg15[%swap3A_206], %get3A_205 {strides = array<i32>} : memref<128xi32, #tpu.memory_space<vmem>>, vector<16xi32>,
          %get3A_208 = arith.index_cast %while3A_186 : i32 to index
          %get3A_209 = arith.constant 48 : index
          %get3A_210 = tpu.vector_load %arg13[%get3A_208, %get3A_209] {strides = array<i32>} : memref<50x128xi32, #tpu.memory_space<vmem>>, vector<16xi32>,
          %swap3A_211 = arith.constant 48 : index
          %swap3A_212 = tpu.vector_load %arg15[%swap3A_211] {strides = array<i32>} : memref<128xi32, #tpu.memory_space<vmem>>, vector<16xi32>,
          tpu.vector_store %arg15[%swap3A_211], %get3A_210 {strides = array<i32>} : memref<128xi32, #tpu.memory_space<vmem>>, vector<16xi32>,
          %get3A_213 = arith.index_cast %while3A_186 : i32 to index
          %get3A_214 = arith.constant 64 : index
          %get3A_215 = tpu.vector_load %arg13[%get3A_213, %get3A_214] {strides = array<i32>} : memref<50x128xi32, #tpu.memory_space<vmem>>, vector<16xi32>,
          %swap3A_216 = arith.constant 64 : index
          %swap3A_217 = tpu.vector_load %arg15[%swap3A_216] {strides = array<i32>} : memref<128xi32, #tpu.memory_space<vmem>>, vector<16xi32>,
          tpu.vector_store %arg15[%swap3A_216], %get3A_215 {strides = array<i32>} : memref<128xi32, #tpu.memory_space<vmem>>, vector<16xi32>,
          %get3A_218 = arith.index_cast %while3A_186 : i32 to index
          %get3A_219 = arith.constant 80 : index
          %get3A_220 = tpu.vector_load %arg13[%get3A_218, %get3A_219] {strides = array<i32>} : memref<50x128xi32, #tpu.memory_space<vmem>>, vector<16xi32>,
          %swap3A_221 = arith.constant 80 : index
          %swap3A_222 = tpu.vector_load %arg15[%swap3A_221] {strides = array<i32>} : memref<128xi32, #tpu.memory_space<vmem>>, vector<16xi32>,
          tpu.vector_store %arg15[%swap3A_221], %get3A_220 {strides = array<i32>} : memref<128xi32, #tpu.memory_space<vmem>>, vector<16xi32>,
          %get3A_223 = arith.index_cast %while3A_186 : i32 to index
          %get3A_224 = arith.constant 96 : index
          %get3A_225 = tpu.vector_load %arg13[%get3A_223, %get3A_224] {strides = array<i32>} : memref<50x128xi32, #tpu.memory_space<vmem>>, vector<16xi32>,
          %swap3A_226 = arith.constant 96 : index
          %swap3A_227 = tpu.vector_load %arg15[%swap3A_226] {strides = array<i32>} : memref<128xi32, #tpu.memory_space<vmem>>, vector<16xi32>,
          tpu.vector_store %arg15[%swap3A_226], %get3A_225 {strides = array<i32>} : memref<128xi32, #tpu.memory_space<vmem>>, vector<16xi32>,
          %get3A_228 = arith.index_cast %while3A_186 : i32 to index
          %get3A_229 = arith.constant 112 : index
          %get3A_230 = tpu.vector_load %arg13[%get3A_228, %get3A_229] {strides = array<i32>} : memref<50x128xi32, #tpu.memory_space<vmem>>, vector<16xi32>,
          %swap3A_231 = arith.constant 112 : index
          %swap3A_232 = tpu.vector_load %arg15[%swap3A_231] {strides = array<i32>} : memref<128xi32, #tpu.memory_space<vmem>>, vector<16xi32>,
          tpu.vector_store %arg15[%swap3A_231], %get3A_230 {strides = array<i32>} : memref<128xi32, #tpu.memory_space<vmem>>, vector<16xi32>,
          "tpu.region"() ({
            %run_scoped3A = tpu.sem_alloc : memref<!tpu.dma_semaphore, #tpu.memory_space<semaphore_mem>>
            %dma_start3A_233 = arith.constant 0 : i32
            %dma_start3A_234 = arith.constant 0 : i32
            %dma_start3A_235 = tpu.memref_slice %arg17[%dma_start3A_233, %dma_start3A_234] : memref<8464x128xf32, #tpu.memory_space<vmem_shared>> -> memref<8464x128xf32, #tpu.memory_space<vmem_shared>>
            tpu.enqueue_indirect_dma source(%arg14 : memref<128x128xf32, #tpu.memory_space<vmem>>) target(%dma_start3A_235 : memref<8464x128xf32, #tpu.memory_space<vmem_shared>>) offsets(%arg15 : memref<128xi32, #tpu.memory_space<vmem>>) semaphore(%run_scoped3A : memref<!tpu.dma_semaphore, #tpu.memory_space<semaphore_mem>>) {add = true}
            %dma_wait3A_236 = arith.constant 0 : i32
            %dma_wait3A_237 = arith.constant 0 : i32
            %dma_wait3A_238 = tpu.memref_slice %arg17[%dma_wait3A_236, %dma_wait3A_237] : memref<8464x128xf32, #tpu.memory_space<vmem_shared>> -> memref<8464x128xf32, #tpu.memory_space<vmem_shared>>
            tpu.wait_indirect_dma semaphore(%run_scoped3A : memref<!tpu.dma_semaphore, #tpu.memory_space<semaphore_mem>>) src(%arg14 : memref<128x128xf32, #tpu.memory_space<vmem>>) dst(%dma_wait3A_238 : memref<8464x128xf32, #tpu.memory_space<vmem_shared>>)
            tpu.yield
          }) : () -> ()
        }
        %while3A_185 = arith.constant 1 : i32
        scf.for %while3A_186 = %while3A_183 to %while3A_179 step %while3A_185  : i32 {
          %mul3A_187 = arith.constant 128 : i32
          %mul3A_188 = arith.muli %while3A_186, %mul3A_187 : i32
          %dma_start3A = tpu.memref_slice %arg12[%mul3A_188] : memref<6400xi32, #tpu.memory_space<vmem>> -> memref<128xi32, #tpu.memory_space<vmem>>
          %dma_start3A_189 = arith.constant 0 : i32
          %dma_start3A_190 = arith.constant 0 : i32
          %dma_start3A_191 = tpu.memref_slice %arg3[%dma_start3A_189, %dma_start3A_190] : memref<50000x128xf32, #tpu.memory_space<hbm>> -> memref<50000x128xf32, #tpu.memory_space<hbm>>
          tpu.enqueue_indirect_dma source(%dma_start3A_191 : memref<50000x128xf32, #tpu.memory_space<hbm>>) target(%arg14 : memref<128x128xf32, #tpu.memory_space<vmem>>) offsets(%dma_start3A : memref<128xi32, #tpu.memory_space<vmem>>) semaphore(%arg16 : memref<!tpu.dma_semaphore, #tpu.memory_space<semaphore_mem>>)
          %dma_wait3A = tpu.memref_slice %arg12[%mul3A_188] : memref<6400xi32, #tpu.memory_space<vmem>> -> memref<128xi32, #tpu.memory_space<vmem>>
          %dma_wait3A_192 = arith.constant 0 : i32
          %dma_wait3A_193 = arith.constant 0 : i32
          %dma_wait3A_194 = tpu.memref_slice %arg3[%dma_wait3A_192, %dma_wait3A_193] : memref<50000x128xf32, #tpu.memory_space<hbm>> -> memref<50000x128xf32, #tpu.memory_space<hbm>>
          tpu.wait_indirect_dma semaphore(%arg16 : memref<!tpu.dma_semaphore, #tpu.memory_space<semaphore_mem>>) src(%dma_wait3A_194 : memref<50000x128xf32, #tpu.memory_space<hbm>>) dst(%arg14 : memref<128x128xf32, #tpu.memory_space<vmem>>)
          %get3A = arith.index_cast %while3A_186 : i32 to index
          %get3A_195 = arith.constant 0 : index
          %get3A_196 = tpu.vector_load %arg13[%get3A, %get3A_195] {strides = array<i32>} : memref<50x128xi32, #tpu.memory_space<vmem>>, vector<16xi32>,
          %swap3A = arith.constant 0 : index
          %swap3A_197 = tpu.vector_load %arg15[%swap3A] {strides = array<i32>} : memref<128xi32, #tpu.memory_space<vmem>>, vector<16xi32>,
          tpu.vector_store %arg15[%swap3A], %get3A_196 {strides = array<i32>} : memref<128xi32, #tpu.memory_space<vmem>>, vector<16xi32>,
          %get3A_198 = arith.index_cast %while3A_186 : i32 to index
          %get3A_199 = arith.constant 16 : index
          %get3A_200 = tpu.vector_load %arg13[%get3A_198, %get3A_199] {strides = array<i32>} : memref<50x128xi32, #tpu.memory_space<vmem>>, vector<16xi32>,
          %swap3A_201 = arith.constant 16 : index
          %swap3A_202 = tpu.vector_load %arg15[%swap3A_201] {strides = array<i32>} : memref<128xi32, #tpu.memory_space<vmem>>, vector<16xi32>,
          tpu.vector_store %arg15[%swap3A_201], %get3A_200 {strides = array<i32>} : memref<128xi32, #tpu.memory_space<vmem>>, vector<16xi32>,
          %get3A_203 = arith.index_cast %while3A_186 : i32 to index
          %get3A_204 = arith.constant 32 : index
          %get3A_205 = tpu.vector_load %arg13[%get3A_203, %get3A_204] {strides = array<i32>} : memref<50x128xi32, #tpu.memory_space<vmem>>, vector<16xi32>,
          %swap3A_206 = arith.constant 32 : index
          %swap3A_207 = tpu.vector_load %arg15[%swap3A_206] {strides = array<i32>} : memref<128xi32, #tpu.memory_space<vmem>>, vector<16xi32>,
          tpu.vector_store %arg15[%swap3A_206], %get3A_205 {strides = array<i32>} : memref<128xi32, #tpu.memory_space<vmem>>, vector<16xi32>,
          %get3A_208 = arith.index_cast %while3A_186 : i32 to index
          %get3A_209 = arith.constant 48 : index
          %get3A_210 = tpu.vector_load %arg13[%get3A_208, %get3A_209] {strides = array<i32>} : memref<50x128xi32, #tpu.memory_space<vmem>>, vector<16xi32>,
          %swap3A_211 = arith.constant 48 : index
          %swap3A_212 = tpu.vector_load %arg15[%swap3A_211] {strides = array<i32>} : memref<128xi32, #tpu.memory_space<vmem>>, vector<16xi32>,
          tpu.vector_store %arg15[%swap3A_211], %get3A_210 {strides = array<i32>} : memref<128xi32, #tpu.memory_space<vmem>>, vector<16xi32>,
          %get3A_213 = arith.index_cast %while3A_186 : i32 to index
          %get3A_214 = arith.constant 64 : index
          %get3A_215 = tpu.vector_load %arg13[%get3A_213, %get3A_214] {strides = array<i32>} : memref<50x128xi32, #tpu.memory_space<vmem>>, vector<16xi32>,
          %swap3A_216 = arith.constant 64 : index
          %swap3A_217 = tpu.vector_load %arg15[%swap3A_216] {strides = array<i32>} : memref<128xi32, #tpu.memory_space<vmem>>, vector<16xi32>,
          tpu.vector_store %arg15[%swap3A_216], %get3A_215 {strides = array<i32>} : memref<128xi32, #tpu.memory_space<vmem>>, vector<16xi32>,
          %get3A_218 = arith.index_cast %while3A_186 : i32 to index
          %get3A_219 = arith.constant 80 : index
          %get3A_220 = tpu.vector_load %arg13[%get3A_218, %get3A_219] {strides = array<i32>} : memref<50x128xi32, #tpu.memory_space<vmem>>, vector<16xi32>,
          %swap3A_221 = arith.constant 80 : index
          %swap3A_222 = tpu.vector_load %arg15[%swap3A_221] {strides = array<i32>} : memref<128xi32, #tpu.memory_space<vmem>>, vector<16xi32>,
          tpu.vector_store %arg15[%swap3A_221], %get3A_220 {strides = array<i32>} : memref<128xi32, #tpu.memory_space<vmem>>, vector<16xi32>,
          %get3A_223 = arith.index_cast %while3A_186 : i32 to index
          %get3A_224 = arith.constant 96 : index
          %get3A_225 = tpu.vector_load %arg13[%get3A_223, %get3A_224] {strides = array<i32>} : memref<50x128xi32, #tpu.memory_space<vmem>>, vector<16xi32>,
          %swap3A_226 = arith.constant 96 : index
          %swap3A_227 = tpu.vector_load %arg15[%swap3A_226] {strides = array<i32>} : memref<128xi32, #tpu.memory_space<vmem>>, vector<16xi32>,
          tpu.vector_store %arg15[%swap3A_226], %get3A_225 {strides = array<i32>} : memref<128xi32, #tpu.memory_space<vmem>>, vector<16xi32>,
          %get3A_228 = arith.index_cast %while3A_186 : i32 to index
          %get3A_229 = arith.constant 112 : index
          %get3A_230 = tpu.vector_load %arg13[%get3A_228, %get3A_229] {strides = array<i32>} : memref<50x128xi32, #tpu.memory_space<vmem>>, vector<16xi32>,
          %swap3A_231 = arith.constant 112 : index
          %swap3A_232 = tpu.vector_load %arg15[%swap3A_231] {strides = array<i32>} : memref<128xi32, #tpu.memory_space<vmem>>, vector<16xi32>,
          tpu.vector_store %arg15[%swap3A_231], %get3A_230 {strides = array<i32>} : memref<128xi32, #tpu.memory_space<vmem>>, vector<16xi32>,
          "tpu.region"() ({
            %run_scoped3A = tpu.sem_alloc : memref<!tpu.dma_semaphore, #tpu.memory_space<semaphore_mem>>
            %dma_start3A_233 = arith.constant 0 : i32
            %dma_start3A_234 = arith.constant 0 : i32
            %dma_start3A_235 = tpu.memref_slice %arg17[%dma_start3A_233, %dma_start3A_234] : memref<8464x128xf32, #tpu.memory_space<vmem_shared>> -> memref<8464x128xf32, #tpu.memory_space<vmem_shared>>
            tpu.enqueue_indirect_dma source(%arg14 : memref<128x128xf32, #tpu.memory_space<vmem>>) target(%dma_start3A_235 : memref<8464x128xf32, #tpu.memory_space<vmem_shared>>) offsets(%arg15 : memref<128xi32, #tpu.memory_space<vmem>>) semaphore(%run_scoped3A : memref<!tpu.dma_semaphore, #tpu.memory_space<semaphore_mem>>) {add = true}
            %dma_wait3A_236 = arith.constant 0 : i32
            %dma_wait3A_237 = arith.constant 0 : i32
            %dma_wait3A_238 = tpu.memref_slice %arg17[%dma_wait3A_236, %dma_wait3A_237] : memref<8464x128xf32, #tpu.memory_space<vmem_shared>> -> memref<8464x128xf32, #tpu.memory_space<vmem_shared>>
            tpu.wait_indirect_dma semaphore(%run_scoped3A : memref<!tpu.dma_semaphore, #tpu.memory_space<semaphore_mem>>) src(%arg14 : memref<128x128xf32, #tpu.memory_space<vmem>>) dst(%dma_wait3A_238 : memref<8464x128xf32, #tpu.memory_space<vmem_shared>>)
            tpu.yield
          }) : () -> ()
        }
      }
      %scan3A_55 = arith.constant 3 : i32
      %barrier3A_56 = arith.constant 0 : index
      tpu.barrier barrier_id(%barrier3A_56)
      %mul3A_57 = arith.constant 528 : i32
      %mul3A_58 = arith.muli %arg1, %mul3A_57 : i32
      %mul3A_59 = arith.constant 8448 : i32
      %mul3A_60 = arith.muli %add3A, %mul3A_59 : i32
      %mul3A_61 = arith.constant 528 : i32
      %mul3A_62 = arith.muli %arg1, %mul3A_61 : i32
      %add3A_63 = arith.addi %mul3A_60, %mul3A_62 : i32
      "tpu.region"() ({
        %run_scoped3A = tpu.sem_alloc : memref<!tpu.dma_semaphore, #tpu.memory_space<semaphore_mem>>
        %dma_start3A = arith.constant 0 : i32
        %dma_start3A_65 = tpu.memref_slice %arg9[%add3A_63, %dma_start3A] : memref<50688x128xf32, #tpu.memory_space<hbm>> -> memref<528x128xf32, #tpu.memory_space<hbm>>
        %dma_start3A_66 = arith.constant 0 : i32
        %dma_start3A_67 = tpu.memref_slice %arg17[%mul3A_58, %dma_start3A_66] : memref<8464x128xf32, #tpu.memory_space<vmem_shared>> -> memref<528x128xf32, #tpu.memory_space<vmem_shared>>
        tpu.enqueue_dma source(%dma_start3A_67 : memref<528x128xf32, #tpu.memory_space<vmem_shared>>) target(%dma_start3A_65 : memref<528x128xf32, #tpu.memory_space<hbm>>) target_semaphore(%run_scoped3A : memref<!tpu.dma_semaphore, #tpu.memory_space<semaphore_mem>>)
        %dma_wait3A = arith.constant 0 : i32
        %dma_wait3A_68 = tpu.memref_slice %arg9[%add3A_63, %dma_wait3A] : memref<50688x128xf32, #tpu.memory_space<hbm>> -> memref<528x128xf32, #tpu.memory_space<hbm>>
        %dma_wait3A_69 = arith.constant 0 : i32
        %dma_wait3A_70 = tpu.memref_slice %arg17[%mul3A_58, %dma_wait3A_69] : memref<8464x128xf32, #tpu.memory_space<vmem_shared>> -> memref<528x128xf32, #tpu.memory_space<vmem_shared>>
        tpu.wait_dma2 semaphore(%run_scoped3A : memref<!tpu.dma_semaphore, #tpu.memory_space<semaphore_mem>>) src(%dma_wait3A_70 : memref<528x128xf32, #tpu.memory_space<vmem_shared>>) dst(%dma_wait3A_68 : memref<528x128xf32, #tpu.memory_space<hbm>>)
        tpu.yield
      }) : () -> ()
      %barrier3A_64 = arith.constant 0 : index
      tpu.barrier barrier_id(%barrier3A_64)
    }
    %scan3A_17 = arith.constant 3 : i32
    return
  }
}

module attributes {stable_mosaic.version = 14 : i64} {
  func.func @body(%arg0: i32, %arg1: memref<512x128xf32, #tpu.memory_space<vmem>>, %arg2: memref<16x512xf32, #tpu.memory_space<vmem>>, %arg3: memref<512x128xf32, #tpu.memory_space<vmem>>, %arg4: memref<128x128xf32, #tpu.memory_space<vmem>>, %arg5: memref<1x128xf32, #tpu.memory_space<vmem>>, %arg6: memref<128x128xf32, #tpu.memory_space<vmem>>, %arg7: memref<512x128xf32, #tpu.memory_space<vmem>>) attributes {dimension_semantics = [#tpu.dimension_semantics<arbitrary>], iteration_bounds = array<i64: 98>, scalar_prefetch = 0 : i64, scratch_operands = 0 : i64, tpu.core_type = #tpu.core_type<tc>, window_params = [{transform_indices = @transform_0, window_bounds = array<i64: 512, 128>}, {transform_indices = @transform_1, window_bounds = array<i64: 16, 512>}, {transform_indices = @transform_2, window_bounds = array<i64: 512, 128>}, {pipeline_mode = #tpu.pipeline_mode<synchronous>, transform_indices = @transform_3, window_bounds = array<i64: 128, 128>}, {pipeline_mode = #tpu.pipeline_mode<synchronous>, transform_indices = @transform_4, window_bounds = array<i64: 1, 128>}, {pipeline_mode = #tpu.pipeline_mode<synchronous>, transform_indices = @transform_5, window_bounds = array<i64: 128, 128>}, {transform_indices = @transform_6, window_bounds = array<i64: 512, 128>}]} {
    %get3A = arith.constant 0 : index
    %get3A_0 = arith.constant 0 : index
    %get3A_1 = vector.load %arg2[%get3A, %get3A_0] : memref<16x512xf32, #tpu.memory_space<vmem>>, vector<16x512xf32>
    %reduce_sum3A = arith.constant dense<0.000000e+00> : vector<512xf32>
    %reduce_sum3A_2 = vector.multi_reduction <add>, %get3A_1, %reduce_sum3A [0] : vector<16x512xf32> to vector<512xf32>
    %max3A = arith.constant 1.000000e+00 : f32
    %max3A_3 = vector.broadcast %max3A : f32 to vector<512xf32>
    %max3A_4 = arith.maximumf %reduce_sum3A_2, %max3A_3 : vector<512xf32>
    %get3A_5 = arith.constant 0 : index
    %get3A_6 = arith.constant 0 : index
    %get3A_7 = vector.load %arg1[%get3A_5, %get3A_6] : memref<512x128xf32, #tpu.memory_space<vmem>>, vector<512x128xf32>
    %broadcast_in_dim3A = vector.shape_cast %max3A_4 : vector<512xf32> to vector<512x1xf32>
    %div3A = vector.broadcast %broadcast_in_dim3A : vector<512x1xf32> to vector<512x128xf32>
    %div3A_8 = arith.divf %get3A_7, %div3A : vector<512x128xf32>
    %get3A_9 = arith.constant 0 : index
    %get3A_10 = arith.constant 0 : index
    %get3A_11 = vector.load %arg3[%get3A_9, %get3A_10] : memref<512x128xf32, #tpu.memory_space<vmem>>, vector<512x128xf32>
    %get3A_12 = arith.constant 0 : index
    %get3A_13 = arith.constant 0 : index
    %get3A_14 = vector.load %arg6[%get3A_12, %get3A_13] : memref<128x128xf32, #tpu.memory_space<vmem>>, vector<128x128xf32>
    %dot_general3A = arith.constant dense<0.000000e+00> : vector<512x128xf32>
    %dot_general3A_15 = tpu.matmul %get3A_11, %get3A_14, %dot_general3A {dimension_numbers = #tpu.dot_dimension_numbers<[1], [0], [0], [1], [0, 0, 1, 1], [], []>, transpose_lhs_hint = false} : vector<512x128xf32>, vector<128x128xf32>, vector<512x128xf32> -> vector<512x128xf32>
    %get3A_16 = arith.constant 0 : index
    %get3A_17 = arith.constant 0 : index
    %get3A_18 = vector.load %arg4[%get3A_16, %get3A_17] : memref<128x128xf32, #tpu.memory_space<vmem>>, vector<128x128xf32>
    %dot_general3A_19 = arith.constant dense<0.000000e+00> : vector<512x128xf32>
    %dot_general3A_20 = tpu.matmul %div3A_8, %get3A_18, %dot_general3A_19 {dimension_numbers = #tpu.dot_dimension_numbers<[1], [0], [0], [1], [0, 0, 1, 1], [], []>, transpose_lhs_hint = false} : vector<512x128xf32>, vector<128x128xf32>, vector<512x128xf32> -> vector<512x128xf32>
    %add3A = arith.addf %dot_general3A_15, %dot_general3A_20 : vector<512x128xf32>
    %get3A_21 = arith.constant 0 : index
    %get3A_22 = arith.constant 0 : index
    %get3A_23 = vector.load %arg5[%get3A_21, %get3A_22] : memref<1x128xf32, #tpu.memory_space<vmem>>, vector<1x128xf32>
    %add3A_24 = vector.broadcast %get3A_23 : vector<1x128xf32> to vector<512x128xf32>
    %add3A_25 = arith.addf %add3A, %add3A_24 : vector<512x128xf32>
    %max3A_26 = arith.constant 0.000000e+00 : f32
    %max3A_27 = vector.broadcast %max3A_26 : f32 to vector<512x128xf32>
    %max3A_28 = arith.maximumf %add3A_25, %max3A_27 : vector<512x128xf32>
    %swap3A = arith.constant 0 : index
    %swap3A_29 = arith.constant 0 : index
    %swap3A_30 = vector.load %arg7[%swap3A, %swap3A_29] : memref<512x128xf32, #tpu.memory_space<vmem>>, vector<512x128xf32>
    tpu.vector_store %arg7[%swap3A, %swap3A_29], %max3A_28 {strides = array<i32>} : memref<512x128xf32, #tpu.memory_space<vmem>>, vector<512x128xf32>,
    return
  }
  func.func @transform_0(%arg0: i32) -> (i32, i32) {
    %c0_i32 = arith.constant 0 : i32
    %c0_i32_0 = arith.constant 0 : i32
    return %arg0, %c0_i32 : i32, i32
  }
  func.func @transform_1(%arg0: i32) -> (i32, i32) {
    %c0_i32 = arith.constant 0 : i32
    %c0_i32_0 = arith.constant 0 : i32
    return %c0_i32, %arg0 : i32, i32
  }
  func.func @transform_2(%arg0: i32) -> (i32, i32) {
    %c0_i32 = arith.constant 0 : i32
    %c0_i32_0 = arith.constant 0 : i32
    return %arg0, %c0_i32 : i32, i32
  }
  func.func @transform_3(%arg0: i32) -> (i32, i32) {
    %c0_i32 = arith.constant 0 : i32
    %c0_i32_0 = arith.constant 0 : i32
    %c0_i32_1 = arith.constant 0 : i32
    return %c0_i32, %c0_i32_0 : i32, i32
  }
  func.func @transform_4(%arg0: i32) -> (i32, i32) {
    %c0_i32 = arith.constant 0 : i32
    %c0_i32_0 = arith.constant 0 : i32
    %c0_i32_1 = arith.constant 0 : i32
    return %c0_i32, %c0_i32_0 : i32, i32
  }
  func.func @transform_5(%arg0: i32) -> (i32, i32) {
    %c0_i32 = arith.constant 0 : i32
    %c0_i32_0 = arith.constant 0 : i32
    %c0_i32_1 = arith.constant 0 : i32
    return %c0_i32, %c0_i32_0 : i32, i32
  }
  func.func @transform_6(%arg0: i32) -> (i32, i32) {
    %c0_i32 = arith.constant 0 : i32
    %c0_i32_0 = arith.constant 0 : i32
    return %arg0, %c0_i32 : i32, i32
  }
}

module attributes {stable_mosaic.version = 14 : i64} {
  func.func @body(%arg0: i32, %arg1: memref<512x128xf32, #tpu.memory_space<vmem>>, %arg2: memref<16x512xf32, #tpu.memory_space<vmem>>, %arg3: memref<512x128xf32, #tpu.memory_space<vmem>>, %arg4: memref<128x64xf32, #tpu.memory_space<vmem>>, %arg5: memref<1x64xf32, #tpu.memory_space<vmem>>, %arg6: memref<128x64xf32, #tpu.memory_space<vmem>>, %arg7: memref<512x64xf32, #tpu.memory_space<vmem>>) attributes {dimension_semantics = [#tpu.dimension_semantics<arbitrary>], iteration_bounds = array<i64: 98>, scalar_prefetch = 0 : i64, scratch_operands = 0 : i64, tpu.core_type = #tpu.core_type<tc>, window_params = [{transform_indices = @transform_0, window_bounds = array<i64: 512, 128>}, {transform_indices = @transform_1, window_bounds = array<i64: 16, 512>}, {transform_indices = @transform_2, window_bounds = array<i64: 512, 128>}, {pipeline_mode = #tpu.pipeline_mode<synchronous>, transform_indices = @transform_3, window_bounds = array<i64: 128, 64>}, {pipeline_mode = #tpu.pipeline_mode<synchronous>, transform_indices = @transform_4, window_bounds = array<i64: 1, 64>}, {pipeline_mode = #tpu.pipeline_mode<synchronous>, transform_indices = @transform_5, window_bounds = array<i64: 128, 64>}, {transform_indices = @transform_6, window_bounds = array<i64: 512, 64>}]} {
    %get3A = arith.constant 0 : index
    %get3A_0 = arith.constant 0 : index
    %get3A_1 = vector.load %arg2[%get3A, %get3A_0] : memref<16x512xf32, #tpu.memory_space<vmem>>, vector<16x512xf32>
    %reduce_sum3A = arith.constant dense<0.000000e+00> : vector<512xf32>
    %reduce_sum3A_2 = vector.multi_reduction <add>, %get3A_1, %reduce_sum3A [0] : vector<16x512xf32> to vector<512xf32>
    %max3A = arith.constant 1.000000e+00 : f32
    %max3A_3 = vector.broadcast %max3A : f32 to vector<512xf32>
    %max3A_4 = arith.maximumf %reduce_sum3A_2, %max3A_3 : vector<512xf32>
    %get3A_5 = arith.constant 0 : index
    %get3A_6 = arith.constant 0 : index
    %get3A_7 = vector.load %arg1[%get3A_5, %get3A_6] : memref<512x128xf32, #tpu.memory_space<vmem>>, vector<512x128xf32>
    %broadcast_in_dim3A = vector.shape_cast %max3A_4 : vector<512xf32> to vector<512x1xf32>
    %div3A = vector.broadcast %broadcast_in_dim3A : vector<512x1xf32> to vector<512x128xf32>
    %div3A_8 = arith.divf %get3A_7, %div3A : vector<512x128xf32>
    %get3A_9 = arith.constant 0 : index
    %get3A_10 = arith.constant 0 : index
    %get3A_11 = vector.load %arg3[%get3A_9, %get3A_10] : memref<512x128xf32, #tpu.memory_space<vmem>>, vector<512x128xf32>
    %get3A_12 = arith.constant 0 : index
    %get3A_13 = arith.constant 0 : index
    %get3A_14 = vector.load %arg6[%get3A_12, %get3A_13] : memref<128x64xf32, #tpu.memory_space<vmem>>, vector<128x64xf32>
    %dot_general3A = arith.constant dense<0.000000e+00> : vector<512x64xf32>
    %dot_general3A_15 = tpu.matmul %get3A_11, %get3A_14, %dot_general3A {dimension_numbers = #tpu.dot_dimension_numbers<[1], [0], [0], [1], [0, 0, 1, 1], [], []>, transpose_lhs_hint = false} : vector<512x128xf32>, vector<128x64xf32>, vector<512x64xf32> -> vector<512x64xf32>
    %get3A_16 = arith.constant 0 : index
    %get3A_17 = arith.constant 0 : index
    %get3A_18 = vector.load %arg4[%get3A_16, %get3A_17] : memref<128x64xf32, #tpu.memory_space<vmem>>, vector<128x64xf32>
    %dot_general3A_19 = arith.constant dense<0.000000e+00> : vector<512x64xf32>
    %dot_general3A_20 = tpu.matmul %div3A_8, %get3A_18, %dot_general3A_19 {dimension_numbers = #tpu.dot_dimension_numbers<[1], [0], [0], [1], [0, 0, 1, 1], [], []>, transpose_lhs_hint = false} : vector<512x128xf32>, vector<128x64xf32>, vector<512x64xf32> -> vector<512x64xf32>
    %add3A = arith.addf %dot_general3A_15, %dot_general3A_20 : vector<512x64xf32>
    %get3A_21 = arith.constant 0 : index
    %get3A_22 = arith.constant 0 : index
    %get3A_23 = vector.load %arg5[%get3A_21, %get3A_22] : memref<1x64xf32, #tpu.memory_space<vmem>>, vector<1x64xf32>
    %add3A_24 = vector.broadcast %get3A_23 : vector<1x64xf32> to vector<512x64xf32>
    %add3A_25 = arith.addf %add3A, %add3A_24 : vector<512x64xf32>
    %swap3A = arith.constant 0 : index
    %swap3A_26 = arith.constant 0 : index
    %swap3A_27 = vector.load %arg7[%swap3A, %swap3A_26] : memref<512x64xf32, #tpu.memory_space<vmem>>, vector<512x64xf32>
    tpu.vector_store %arg7[%swap3A, %swap3A_26], %add3A_25 {strides = array<i32>} : memref<512x64xf32, #tpu.memory_space<vmem>>, vector<512x64xf32>,
    return
  }
  func.func @transform_0(%arg0: i32) -> (i32, i32) {
    %c0_i32 = arith.constant 0 : i32
    %c0_i32_0 = arith.constant 0 : i32
    return %arg0, %c0_i32 : i32, i32
  }
  func.func @transform_1(%arg0: i32) -> (i32, i32) {
    %c0_i32 = arith.constant 0 : i32
    %c0_i32_0 = arith.constant 0 : i32
    return %c0_i32, %arg0 : i32, i32
  }
  func.func @transform_2(%arg0: i32) -> (i32, i32) {
    %c0_i32 = arith.constant 0 : i32
    %c0_i32_0 = arith.constant 0 : i32
    return %arg0, %c0_i32 : i32, i32
  }
  func.func @transform_3(%arg0: i32) -> (i32, i32) {
    %c0_i32 = arith.constant 0 : i32
    %c0_i32_0 = arith.constant 0 : i32
    %c0_i32_1 = arith.constant 0 : i32
    return %c0_i32, %c0_i32_0 : i32, i32
  }
  func.func @transform_4(%arg0: i32) -> (i32, i32) {
    %c0_i32 = arith.constant 0 : i32
    %c0_i32_0 = arith.constant 0 : i32
    %c0_i32_1 = arith.constant 0 : i32
    return %c0_i32, %c0_i32_0 : i32, i32
  }
  func.func @transform_5(%arg0: i32) -> (i32, i32) {
    %c0_i32 = arith.constant 0 : i32
    %c0_i32_0 = arith.constant 0 : i32
    %c0_i32_1 = arith.constant 0 : i32
    return %c0_i32, %c0_i32_0 : i32, i32
  }
  func.func @transform_6(%arg0: i32) -> (i32, i32) {
    %c0_i32 = arith.constant 0 : i32
    %c0_i32_0 = arith.constant 0 : i32
    return %arg0, %c0_i32 : i32, i32
  }
}

</mosaic_0001>

<sc_bundles>
// kernel: sc_agg.3.cloned.1.call-start
scs
__scs_entry_jumppad:
0x0: {  	(pc) =	sbr.rel $0x88, $3  }
0x1: {  	(tag) =	ssettag $0x0;
	lr =	simm.s32 $0x1  }
0x2: {  	[smem:$0x3F91] =	sst lr;
	_ =	strace $0xD0000000  }
0x3: {  	_ = 	snop  }
0x4: {  	_ = 	snop  }
0x5: {  	_ = 	snop  }
0x6: {  	_ = 	snop  }
0x7: {  	_ = 	snop  }
__scs_overlays_trampoline_lowered:
0x8: {  	[smem:$0x3FA0] =	sst s0  }
0x9: {  	[smem:$0x3FA1] =	sst s1  }
0xa: {  	[smem:$0x3FA2] =	sst s2  }
0xb: {  	[smem:$0x3FA3] =	sst s3  }
0xc: {  	[smem:$0x3FA4] =	sst s4  }
0xd: {  	[smem:$0x3FA5] =	sst s5  }
0xe: {  	[smem:$0x3FA6] =	sst s6  }
0xf: {  	[smem:$0x3FA7] =	sst s7  }
0x10: {  	[smem:$0x3FA8] =	sst s8  }
0x11: {  	[smem:$0x3FA9] =	sst s9;
	s0 =	simm.s32 @!p0 $0x0  }
0x12: {  	s1 =	sld [smem:$0x3F8F];
	s0 =	simm.s32 @p0 $0x1  }
0x13: {  	[smem:$0x3FAA] =	sst s0;
	s0 =	simm.s32 @!p1 $0x0  }
0x14: {  	s2 =	sld [smem:$0x3F8E];
	s0 =	simm.s32 @p1 $0x1  }
0x15: {  	[smem:$0x3FAB] =	sst s0;
	s0 =	simm.s32 @!p2 $0x0  }
0x16: {  	s3 =	sld [smem:$0x3FDB];
	s0 =	simm.s32 @p2 $0x1  }
0x17: {  	s4 =	simm.s32 $0x1BF5;
	[smem:$0x3FAD] =	sst s0  }
0x18: {  	s0 =	sld [smem:$0x3F90];
	_ =	swait.ge [sflag:s4], $0x0  }
0x19: {  	s7 =	sld [smem:$0x3F91]  }
0x1a: {  	s8 =	sadd.s32 $0xFFFFE003, lr  }
0x1b: {  	s9 =	sadd.s32 $0xFFFFFEF7, lr;
	s5 =	simm.s32 $0xFFFFFFFF;
	p2 =	slt.u32 s8, $0xFFFFF086  }
0x1c: {  	p1 =	slt.u32 s9, $0xF7A;
	s5 =	simm.s32 @!p2 $0x0  }
0x1d: {  	s5 =	simm.s32 @p1 $0x1;
	p0 =	seq.s32 s7, s2  }
0x1e: {  	s7 =	smul.u32 @!p0 $0xF7A, s2;
	p2 =	seq.s32 @!p0 s5, $0x0  }
0x1f: {  	s9 =	smul.u32 $0xF7A, s1;
	s8 =	simm.s32 @!p0 $0x1BF5;
	p2 =	por !p2, p0  }
0x20: {  	[sflag:s8] =	ssyncset.s32 @!p0 $0xFFFFF086;
	s6 =	sadd.s32 @!p0 s3, s7;
	s7 =	simm.s32 @!p0 $0x108  }
0x21: {  	s3 =	sadd.s32 s3, s9;
	s6 =	sadd.s32 @!p0 $0x88, s6;
	s7 =	simm.s32 @p2 $0x1082  }
0x22: {  	[simem:s7], [sflag:s8] =	dma.local @!p0 [hbm:s6], $0xF7A  }
0x23: {  	s9 =	sor.u32 $0xD0000000, s2;
	s6 =	simm.s32 $0x108;
	_ =	swait.ge @!p0 [sflag:s8], $0x0  }
0x24: {  	s3 =	sadd.s32 $0x88, s3;
	s6 =	simm.s32 @!p1 $0x1082;
	[sflag:s4] =	ssyncset.s32 $0xFFFFF086  }
0x25: {  	[simem:s6], [sflag:s4] =	dma.local [hbm:s3], $0xF7A  }
0x26: {  	[smem:$0x3F91] =	sst s1;
	(tag) =	ssettag s2;
	_ =	strace s9  }
0x27: {  	s1 =	sld [smem:$0x3FA1]  }
0x28: {  	s2 =	sld [smem:$0x3FA2]  }
0x29: {  	s4 =	sld [smem:$0x3FA4]  }
0x2a: {  	p0 =	seq.s32 s5, $0x0;
	s5 =	sld [smem:$0x3FA5]  }
0x2b: {  	s6 =	sld [smem:$0x3FA6]  }
0x2c: {  	s7 =	sld [smem:$0x3FA7]  }
0x2d: {  	s3 =	simm.s32 $0x108;
	s8 =	sld [smem:$0x3FA8]  }
0x2e: {  	s3 =	simm.s32 @!p0 $0x1082;
	s9 =	sld [smem:$0x3FA9]  }
0x2f: {  	lr =	sadd.s32 s0, s3;
	s0 =	sld [smem:$0x3FA0]  }
0x30: {  	s3 =	sld [smem:$0x3FA3]  }
0x31: {  	[smem:$0x3FAC] =	sst s10  }
0x32: {  	s10 =	sld [smem:$0x3FAA];
	_ =	sdelay $0x3  }
0x33: {  	p0 =	seq.s32 s10, $0x1;
	s10 =	sld [smem:$0x3FAC];
	_ =	sdelay $0x3  }
0x34: {  	[smem:$0x3FAC] =	sst s10  }
0x35: {  	s10 =	sld [smem:$0x3FAB];
	_ =	sdelay $0x3  }
0x36: {  	p1 =	seq.s32 s10, $0x1;
	s10 =	sld [smem:$0x3FAC];
	_ =	sdelay $0x3  }
0x37: {  	[smem:$0x3FAC] =	sst s10  }
0x38: {  	s10 =	sld [smem:$0x3FAD]  }
0x39: {  	_ = 	snop;
	(pc) =	sbr.ind lr, $3  }
0x3a: {  	_ = 	snop  }
0x3b: {  	_ = 	snop  }
0x3c: {  	p2 =	seq.s32 s10, $0x1;
	s10 =	sld [smem:$0x3FAC]  }
0x3d: {  	_ =	shalt  }
0x3e: {  	_ =	shalt  }
0x3f: {  	_ =	shalt  }
0x40: {  	_ =	shalt  }
0x41: {  	_ =	shalt  }
0x42: {  	_ =	shalt  }
0x43: {  	_ =	shalt  }
0x44: {  	_ =	shalt  }
0x45: {  	_ =	shalt  }
0x46: {  	_ =	shalt  }
0x47: {  	_ =	shalt  }
0x48: {  	_ =	shalt  }
0x49: {  	_ =	shalt  }
0x4a: {  	_ =	shalt  }
0x4b: {  	_ =	shalt  }
0x4c: {  	_ =	shalt  }
0x4d: {  	_ =	shalt  }
0x4e: {  	_ =	shalt  }
0x4f: {  	_ =	shalt  }
0x50: {  	_ =	shalt  }
0x51: {  	_ =	shalt  }
0x52: {  	_ =	shalt  }
0x53: {  	_ =	shalt  }
0x54: {  	_ =	shalt  }
0x55: {  	_ =	shalt  }
0x56: {  	_ =	shalt  }
0x57: {  	_ =	shalt  }
0x58: {  	_ =	shalt  }
0x59: {  	_ =	shalt  }
0x5a: {  	_ =	shalt  }
0x5b: {  	_ =	shalt  }
0x5c: {  	_ =	shalt  }
0x5d: {  	_ =	shalt  }
0x5e: {  	_ =	shalt  }
0x5f: {  	_ =	shalt  }
0x60: {  	_ =	shalt  }
0x61: {  	_ =	shalt  }
0x62: {  	_ =	shalt  }
0x63: {  	_ =	shalt  }
0x64: {  	_ =	shalt  }
0x65: {  	_ =	shalt  }
0x66: {  	_ =	shalt  }
0x67: {  	_ =	shalt  }
0x68: {  	_ =	shalt  }
0x69: {  	_ =	shalt  }
0x6a: {  	_ =	shalt  }
0x6b: {  	_ =	shalt  }
0x6c: {  	_ =	shalt  }
0x6d: {  	_ =	shalt  }
0x6e: {  	_ =	shalt  }
0x6f: {  	_ =	shalt  }
0x70: {  	_ =	shalt  }
0x71: {  	_ =	shalt  }
0x72: {  	_ =	shalt  }
0x73: {  	_ =	shalt  }
0x74: {  	_ =	shalt  }
0x75: {  	_ =	shalt  }
0x76: {  	_ =	shalt  }
0x77: {  	_ =	shalt  }
0x78: {  	_ =	shalt  }
0x79: {  	_ =	shalt  }
0x7a: {  	_ =	shalt  }
0x7b: {  	_ =	shalt  }
0x7c: {  	_ =	shalt  }
0x7d: {  	_ =	shalt  }
0x7e: {  	_ =	shalt  }
0x7f: {  	_ =	shalt  }
0x80: {  	_ =	shalt  }
0x81: {  	_ =	shalt  }
0x82: {  	_ =	shalt  }
0x83: {  	_ =	shalt  }
0x84: {  	_ =	shalt  }
0x85: {  	_ =	shalt  }
0x86: {  	_ =	shalt  }
0x87: {  	_ =	shalt  }
.Lfunc_end0:
.L_simem_size_0:
called_computation.1_lowered:
.L_overlay_start_0:
0x88: {  	s2 =	sld [smem:$0x3FD9]  }
0x89: {  	s3 =	sld [smem:$0x3FFE];
	_ =	sdelay $0x1  }
0x8a: {  	s1 =	srdreg.scid  }
0x8b: {  	s0 =	sand.u32 $0x1, s1  }
0x8c: {  	s16 =	sshll.u32 s0, $0xA;
	s2 =	sadd.s32 s3, s2  }
0x8d: {  	s2 =	sadd.s32 s2, s16  }
0x8e: {  	[smem:$0x3FB8] =	sst s2  }
0x8f: {  	_ = 	snop  }
0x90: {  	(tm) =	ssettm $0x1  }
0x91: {  	s17 =	sld [smem:$0x3FFB];
	_ =	sdelay $0x3  }
0x92: {  	_ =	strace s17  }
0x93: {  	s2 =	sld [smem:$0x3FFC];
	_ =	sdelay $0x3  }
0x94: {  	_ =	strace s2  }
0x95: {  	s2 =	sld [smem:$0x3FFD];
	_ =	sdelay $0x3  }
0x96: {  	_ =	strace s2  }
0x97: {  	_ =	strace $0x8FFFFFFF  }
0x98: {  	s18 =	sld [smem:$0x3FDB];
	_ =	sdelay $0x1  }
0x99: {  	s19 =	simm.s32 $_scs_section_size  }
0x9a: {  	s4 =	simm.s32 $_size__tile_overlayer_lowered;
	s5 =	simm.s32 $_tile_overlayer_lowered  }
0x9b: {  	s22 =	simm.s32 $0x1BFF;
	s21 =	sshll.u32 s5, $0x1;
	s2 =	sadd.s32 s19, s18  }
0x9c: {  	s6 =	simm.s32 $0x0;
	s20 =	sshll.u32 s4, $0x1;
	s4 =	sadd.s32 s21, s2  }
0x9d: {  	[timem:s6], [sflag:s22] =	dma.local [hbm:s4], s20  }
0x9e: {  	_ =	swait.ge [sflag:s22], s20  }
0x9f: {  	s3 =	ssub.s32 $0x0, s20;
	[sflag:s22] =	ssyncset.done $0x0  }
0xa0: {  	[sflag:s22] =	ssyncadd.s32 s3;
	_ =	sdelay $0x1  }
0xa1: {  	s23 =	simm.s32 $0x1B8B  }
0xa2: {  	_ =	swait.ge [sflag:s23], $0x1  }
0xa3: {  	[sflag:s23] =	ssyncset.done $0x0  }
0xa4: {  	s25 =	simm.s32 $0x1B8E;
	s24 =	sld [smem:$0x3FFE];
	[sflag:s23] =	ssyncadd.s32 $0xFFFFFFFF  }
0xa5: {  	s26 =	simm.s32 $execute0_lowered;
	[smem:$0x3FD2] =	sst s25  }
0xa6: {  	s4 =	sshll.u32 s26, $0x1;
	_ =	strace $0x80000049;
	[dreg:$0x1] =	wrdreg $0xFFFFFFFF  }
0xa7: {  	s28 =	simm.s32 $_size_execute0_lowered;
	s2 =	sadd.s32 s2, s4;
	[dreg:$0x0] =	wrdreg $0x0  }
0xa8: {  	s4 =	sshll.u32 s28, $0x1;
	[dreg:$0x2] =	wrdreg s2  }
0xa9: {  	[dreg:$0x3] =	wrdreg s4  }
0xaa: {  	[dreg:$0x4] =	wrdreg $0xC0  }
0xab: {  	_ =	task [dreg:s6], $0x5FFFF  }
0xac: {  	[dreg:$0x1] =	wrdreg $0xFFFFFFFF  }
0xad: {  	[dreg:$0x0] =	wrdreg $0x60  }
0xae: {  	[dreg:$0x2] =	wrdreg s24  }
0xaf: {  	[dreg:$0x3] =	wrdreg $0xA6800  }
0xb0: {  	[dreg:$0x4] =	wrdreg $0x9  }
0xb1: {  	_ =	task.clear_ibuf [dreg:s6], $0x5FFFF;
	_ =	strace $0x90000049  }
0xb2: {  	s29 =	simm.s32 $0x9;
	_ =	strace $0x8000004B  }
0xb3: {  	_ =	swait.ge [sflag:s29], $0x1  }
0xb4: {  	[sflag:s29] =	ssyncadd.s32 $0xFFFFFFFF  }
0xb5: {  	_ =	strace $0x9000004B  }
0xb6: {  	_ =	sfence  }
0xb7: {  	s30 =	sld [smem:$0x0];
	_ =	sdelay $0x2  }
0xb8: {  	s31 =	sshll.u32 s1, $0xD;
	s1 =	sshrl.u32 s1, $0x2  }
0xb9: {  	s3 =	sand.u32 $0x4000, s31;
	s1 =	sadd.s32 s1, s30  }
0xba: {  	s0 =	sor.u32 s3, s0;
	s1 =	sshll.u32 s1, $0x11  }
0xbb: {  	s0 =	sor.u32 s1, s0  }
0xbc: {  	s0 =	sadd.s32 $0x8F2B, s0  }
0xbd: {  	[sflag:s0] =	ssyncadd.remote.s32 $0x1  }
0xbe: {  	_ =	sfence.sel $0xFFFF  }
0xbf: {  	[dreg:$0x0] =	wrdreg $0xFFFFFFFF;
	(pc) =	sbr.abs _section_cstart, $3  }
0xc0: {  	[dreg:$0x1] =	wrdreg $0xFFFFFFFF  }
0xc1: {  	_ =	task.clear_ibuf [dreg:s6], $0x2FFFF;
	_ =	strace $0x9FFFFFFF  }
0xc2: {  	(tm) =	ssettm $0x7FFFFFFF  }
0xc3: {  	_ =	shalt  }
tec
execute0_lowered:
.L_overlay_start_1:
0x0: {  	(tag) =	ssettag $0x1  }
0x1: {  	s0 =	rddreg [dreg:$0x0]  }
0x2: {  	s1 =	rddreg [dreg:$0x1];
	s11 =	simm.s32 $0x0  }
0x3: {  	s2 =	srdreg.scid;
	s12 =	stileid.u32;
	s21 =	simm.s32 $0x6600  }
0x4: {  	s22 =	simm.s32 $0x2;
	s23 =	simm.s32 $0x1880;
	s24 =	simm.s32 $0x3100  }
0x5: {  	s28 =	simm.s32 $0x80;
	s29 =	simm.s32 $0xA600;
	[smem:$0x7FF] =	sst s11  }
0x6: {  	s3 =	sadd.s32 $0x28200, s0;
	s5 =	sadd.s32 $0x1B4200, s0;
	s6 =	sadd.s32 $0x3200, s0  }
0x7: {  	s7 =	sadd.s32 $0x15A00, s0;
	s8 =	sadd.s32 $0xC600, s0;
	s4 =	smul.u32 $0x42000, s12  }
0x8: {  	s2 =	sand.u32 $0x1, s2;
	s9 =	sadd.s32 $0x1EE00, s0;
	s30 =	smul.u32 $0x210, s12  }
0x9: {  	s10 =	sadd.s32 $0xEB800, s0;
	s0 =	sadd.s32 $0x277800, s0;
	s19 =	smul.u32 $0x4980, s12  }
0xa: {  	_ =	strace $0x8000004A;
	[dreg:$0x4] =	wrdreg s10;
	s25 =	ssub.s32 $0x2, s2  }
0xb: {  	[dreg:$0x5] =	wrdreg s0;
	s2 =	smul.u32 $0x3, s2;
	s26 =	sshrl.u32 s25, $0x1  }
.Ltmp0:
0xc: {  	s4 =	sshrl.u32 s4, $0x2;
	[dreg:$0x7] =	wrdreg s30;
	(pc) =	sbr.rel .LBB2_1-.Ltmp0, $4  }
0xd: {  	s0 =	ssub.s32 s25, s26;
	[dreg:$0x6] =	wrdreg s2;
	s13 =	sadd.s32 s4, s1  }
0xe: {  	s25 =	simm.s32 $0x4A00;
	s26 =	simm.s32 $0x1;
	s31 =	sadd.s32 $0x4000, s13  }
0xf: {  	v0 =	vimm.f32 $0.0e+00;
	s16 =	sadd.s32 $0x8000, s13;
	s0 =	smax.u32 s0, $0x1;
	[dreg:$0x8] =	wrdreg s31  }
0x10: {  	v1 =	vimm.s32 $0x0;
	v2 =	vlaneseq.u32;
	v3 =	vimm.s32 $0x2100;
	s17 =	sadd.s32 $0xC000, s13;
	s18 =	sadd.s32 $0x10000, s13;
	[dreg:$0x9] =	wrdreg s0  }
.LBB2_24:
0x11: {  	s11 =	rddreg [dreg:$0x3]  }
0x12: {  	s0 =	rddreg [dreg:$0x9];
	s11 =	sadd.s32 $0x1, s11  }
0x13: {  	p0 =	sne.s32 s11, s0  }
.Ltmp1:
0x14: {  	_ = 	snop;
	(pc) =	sbr.rel @!p0 .LBB2_25-.Ltmp1, $1  }
0x15: {  	_ =	sdelay $0x3  }
.LBB2_1:
.Ltmp2:
0x16: {  	(pc) =	sbr.rel .LBB2_2-.Ltmp2, $2  }
0x17: {  	_ =	sdelay $0x2  }
0x18: {  	[dreg:$0x3] =	wrdreg s11;
	s0 =	simm.s32 $0x0  }
.LBB2_12:
0x19: {  	s2 =	rddreg [dreg:$0x7];
	[bflag:$0x0] =	sbarrier.arrive $0xFFFF;
	s4 =	stileid.u32  }
0x1a: {  	s31 =	sshrl.u32 s13, $0x3;
	s0 =	sadd.s32 $0x1, s0;
	s2 =	sadd.s32 s2, s20  }
0x1b: {  	s4 =	sshll.u32 s4, $0x6;
	s10 =	rddreg [dreg:$0x4];
	s2 =	sshll.u32 s2, $0x4  }
0x1c: {  	p0 =	sne.s32 s0, $0x3;
	s30 =	sor.u32 $0x1C02, s4;
	s2 =	sadd.s32 s10, s2  }
0x1d: {  	[hbm:s2], [sflag:s30] =	dma.local [spmem:s31], $0x2100  }
.Ltmp3:
0x1e: {  	_ =	swait.ge [sflag:s22], $0x2100;
	(pc) =	sbr.rel @!p0 .LBB2_13-.Ltmp3, $4  }
0x1f: {  	[sflag:s22] =	ssyncset.done $0x0  }
0x20: {  	[sflag:s22] =	ssyncadd.s32 $0xFFFFDF00  }
0x21: {  	[bflag:$0x0] =	sbarrier.arrive $0xFFFF  }
0x22: {  	s20 =	simm.s32 $0x0  }
.LBB2_2:
0x23: {  	s2 =	simm.s32 $0x0;
	s4 =	simm.s32 $0x200  }
.LBB2_3:
0x24: {  	p0 =	sne.s32 s4, $0xFE00;
	[tilespmem:s2+$0x6670] =	vst v0  }
0x25: {  	[tilespmem:s2+$0x6600] =	vst v0  }
0x26: {  	[tilespmem:s2+$0x6610] =	vst v0  }
.Ltmp4:
0x27: {  	[tilespmem:s2+$0x6620] =	vst v0;
	(pc) =	sbr.rel @p0 .LBB2_3-.Ltmp4, $4  }
0x28: {  	[tilespmem:s2+$0x6630] =	vst v0  }
0x29: {  	[tilespmem:s2+$0x6640] =	vst v0  }
0x2a: {  	[tilespmem:s2+$0x6650] =	vst v0  }
0x2b: {  	[tilespmem:s2+$0x6660] =	vst v0;
	s2 =	sshra.s32 s4, $0x2;
	s4 =	sadd.s32 $0x200, s4  }
0x2c: {  	[tilespmem:s2+$0x6670] =	vst v0  }
0x2d: {  	[tilespmem:s2+$0x6600] =	vst v0  }
0x2e: {  	[tilespmem:s2+$0x6610] =	vst v0  }
0x2f: {  	[tilespmem:s2+$0x6620] =	vst v0  }
0x30: {  	[tilespmem:s2+$0x6630] =	vst v0  }
0x31: {  	[tilespmem:s2+$0x6640] =	vst v0  }
0x32: {  	[tilespmem:s2+$0x6650] =	vst v0  }
0x33: {  	[tilespmem:s2+$0x6660] =	vst v0  }
0x34: {  	[spmem:s13] =	stream.linear.scatter [tilespmem:s21], [sflag:$0x2], $0x4000, $0x38;
	[tilespmem:$0x1AF00] =	vst v63  }
0x35: {  	_ =	swait.ge [sflag:s22], $0x4000  }
0x36: {  	[sflag:s22] =	ssyncset.done $0x0  }
0x37: {  	s20 =	rddreg [dreg:$0x8];
	[sflag:s22] =	ssyncadd.s32 $0xFFFFC000  }
0x38: {  	[spmem:s20] =	stream.linear.scatter [tilespmem:s21], [sflag:$0x2], $0x4000, $0x38;
	[tilespmem:$0x1AF00] =	vst v63  }
0x39: {  	_ =	swait.ge [sflag:s22], $0x4000  }
0x3a: {  	[sflag:s22] =	ssyncset.done $0x0  }
0x3b: {  	[sflag:s22] =	ssyncadd.s32 $0xFFFFC000  }
0x3c: {  	[spmem:s16] =	stream.linear.scatter [tilespmem:s21], [sflag:$0x2], $0x4000, $0x38;
	[tilespmem:$0x1AF00] =	vst v63  }
0x3d: {  	_ =	swait.ge [sflag:s22], $0x4000  }
0x3e: {  	[sflag:s22] =	ssyncset.done $0x0  }
0x3f: {  	[sflag:s22] =	ssyncadd.s32 $0xFFFFC000  }
0x40: {  	[spmem:s17] =	stream.linear.scatter [tilespmem:s21], [sflag:$0x2], $0x4000, $0x38;
	[tilespmem:$0x1AF00] =	vst v63  }
0x41: {  	_ =	swait.ge [sflag:s22], $0x4000  }
0x42: {  	[sflag:s22] =	ssyncset.done $0x0  }
0x43: {  	s31 =	rddreg [dreg:$0x6];
	[sflag:s22] =	ssyncadd.s32 $0xFFFFC000  }
0x44: {  	[spmem:s18] =	stream.linear.scatter [tilespmem:s21], [sflag:$0x2], $0x800, $0x38;
	[tilespmem:$0x1AF00] =	vst v63  }
.Ltmp5:
0x45: {  	s2 =	sadd.s32 s31, s0;
	_ =	swait.ge [sflag:s22], $0x800;
	(pc) =	sbr.rel .LBB2_5-.Ltmp5, $4  }
0x46: {  	s20 =	smul.u32 $0x2100, s2;
	[sflag:s22] =	ssyncset.done $0x0  }
0x47: {  	[sflag:s22] =	ssyncadd.s32 $0xFFFFF800  }
0x48: {  	s2 =	sadd.s32 $0x2100, s20;
	[bflag:$0x0] =	sbarrier.arrive $0xFFFF  }
0x49: {  	s30 =	simm.s32 $0x0;
	v4 =	vmov s20;
	v5 =	vmov s2;
	s2 =	simm.s32 $0x0  }
.LBB2_10:
0x4a: {  	[sflag:s22] =	ssyncadd.s32 $0xFFFFC000  }
.LBB2_11:
0x4b: {  	s2 =	sadd.s32 $0x1, s2  }
0x4c: {  	p0 =	sne.s32 s2, $0x3  }
.Ltmp6:
0x4d: {  	_ = 	snop;
	(pc) =	sbr.rel @!p0 .LBB2_12-.Ltmp6, $1  }
0x4e: {  	_ =	sdelay $0x3  }
.LBB2_5:
0x4f: {  	s4 =	smul.u32 $0x1880, s2;
	_ =	sdelay $0x1  }
0x50: {  	s4 =	sadd.s32 s19, s4  }
0x51: {  	s4 =	sshrl.u32 s4, $0x3  }
0x52: {  	s10 =	sadd.s32 s6, s4  }
0x53: {  	[tilespmem:s30], [sflag:$0x2] =	stream.linear.gather [hbm4b:s10+s30], $0x1880, $0x38;
	[tilespmem:$0x1AF00] =	vst v63  }
0x54: {  	_ =	swait.ge [sflag:s22], $0x1880  }
0x55: {  	[sflag:s22] =	ssyncset.done $0x0  }
0x56: {  	s4 =	sadd.s32 s7, s4;
	[sflag:s22] =	ssyncadd.s32 $0xFFFFE780  }
0x57: {  	[tilespmem:s23], [sflag:$0x2] =	stream.linear.gather [hbm4b:s4+s30], $0x1880, $0x38;
	[tilespmem:$0x1AF00] =	vst v63  }
0x58: {  	_ =	swait.ge [sflag:s22], $0x1880  }
0x59: {  	[sflag:s22] =	ssyncset.done $0x0  }
0x5a: {  	s11 =	simm.s32 $0x0;
	[sflag:s22] =	ssyncadd.s32 $0xFFFFE780  }
0x5b: {  	v6 =	vld [tilespmem:s11+$0x1880];
	_ =	sdelay $0x4  }
0x5c: {  	vm0 =	vge.s32 v6, v4;
	vm1 =	vlt.s32 v6, v5  }
0x5d: {  	vm0 =	vmand vm0, vm1  }
0x5e: {  	v7 =	vsel vm0, $0x1, v1  }
0x5f: {  	(xrf0) =	vadd.scan.msk.s32 $0xffff, v7;
	_ =	sdelay $0x2  }
0x60: {  	s12 =	simm.s32 $0x80;
	s10 =	simm.s32 $0x40;
	s4 =	simm.s32 $0x0  }
.LBB2_6:
0x61: {  	p0 =	sne.s32 s12, $0x61C0  }
0x62: {  	v7 =	vsel vm0, $0xFFFFFFFF, v1  }
0x63: {  	v7 =	vadd.s32 s4, v7;
	v8, _, _ =	vpop (xrf0)  }
0x64: {  	v9 =	vld [tilespmem:s11+$0x0];
	v7 =	vadd.s32 v8, v7;
	(v2sf) =	vpush v8, $0xF;
	_ =	sdelay $0x4  }
0x65: {  	v6 =	vsub.s32 v6, v4;
	[tilespmem:v7+s24+$0x0] =	vst.idx.msk vm0, v9  }
0x66: {  	s11 =	sshra.s32 s10, $0x2;
	s10 =	smov.u32 s12;
	[tilespmem:v7+s25+$0x0] =	vst.idx.msk vm0, v6  }
0x67: {  	v6 =	vld [tilespmem:s11+$0x1880];
	_ =	sdelay $0x4  }
0x68: {  	vm0 =	vge.s32 v6, v4;
	vm1 =	vlt.s32 v6, v5  }
0x69: {  	vm0 =	vmand vm0, vm1  }
.Ltmp7:
0x6a: {  	v7 =	vsel vm0, $0x1, v1;
	(pc) =	sbr.rel @p0 .LBB2_6-.Ltmp7, $3  }
0x6b: {  	(xrf0) =	vadd.scan.msk.s32 $0xffff, v7;
	s14 =	spop (v2sf)  }
0x6c: {  	s4 =	sadd.s32 s4, s14;
	_ =	sdelay $0x1  }
0x6d: {  	s12 =	sadd.s32 $0x40, s12  }
0x6e: {  	_ = 	snop  }
0x6f: {  	v7 =	vsel vm0, $0xFFFFFFFF, v1  }
0x70: {  	v7 =	vadd.s32 s4, v7;
	v8, _, _ =	vpop (xrf0)  }
0x71: {  	v9 =	vld [tilespmem:s11+$0x0];
	v7 =	vadd.s32 v8, v7;
	_ =	sdelay $0x4  }
0x72: {  	v6 =	vsub.s32 v6, v4;
	[tilespmem:v7+s24+$0x0] =	vst.idx.msk vm0, v9  }
0x73: {  	s10 =	sshra.s32 s10, $0x2;
	[tilespmem:v7+s25+$0x0] =	vst.idx.msk vm0, v6  }
0x74: {  	v6 =	vld [tilespmem:s10+$0x1880];
	_ =	sdelay $0x4  }
0x75: {  	vm15 =	vge.s32 v6, v4;
	vm1 =	vlt.s32 v6, v5  }
0x76: {  	vm0 =	vmand vm15, vm1  }
0x77: {  	v7 =	vsel vm0, $0x1, v1  }
0x78: {  	(xrf0) =	vadd.scan.msk.s32 $0xffff, v7;
	_ =	sdelay $0x3  }
0x79: {  	(v2sf) =	vpush v8, $0xF;
	_ =	sdelay $0x1  }
0x7a: {  	v7, _, _ =	vpop (xrf0)  }
0x7b: {  	(v2sf) =	vpush v7, $0xF;
	_ =	sdelay $0xb  }
0x7c: {  	s31 =	spop (v2sf)  }
0x7d: {  	v60 =	vsel vm0, $0xFFFFFFFF, v1;
	s11 =	sadd.s32 s4, s31  }
0x7e: {  	v8 =	vadd.s32 s11, v60  }
0x7f: {  	v9 =	vld [tilespmem:s10+$0x0];
	v7 =	vadd.s32 v7, v8;
	s12 =	spop (v2sf)  }
0x80: {  	s10 =	sadd.s32 s11, s12  }
0x81: {  	v61 =	vadd.s32 s10, v2  }
0x82: {  	s4 =	sadd.s32 $0x10, s10  }
0x83: {  	v10 =	vadd.s32 s4, v2  }
0x84: {  	v6 =	vsub.s32 v6, v4;
	[tilespmem:v7+s24+$0x0] =	vst.idx.msk vm0, v9;
	s14 =	sadd.s32 $0x20, s10  }
0x85: {  	[tilespmem:v7+s25+$0x0] =	vst.idx.msk vm0, v6;
	s4 =	simm.s32 $0x3100;
	v6 =	vadd.s32 s14, v2  }
0x86: {  	[tilespmem:v61+s4+$0x0] =	vst.idx.msk $0xffff, v1  }
0x87: {  	s15 =	sadd.s32 $0x30, s10;
	[tilespmem:v61+s25+$0x0] =	vst.idx.msk $0xffff, v3  }
0x88: {  	v7 =	vadd.s32 s15, v2;
	[tilespmem:v10+s4+$0x0] =	vst.idx.msk $0xffff, v1  }
0x89: {  	s31 =	sadd.s32 $0x40, s10;
	[tilespmem:v10+s25+$0x0] =	vst.idx.msk $0xffff, v3  }
0x8a: {  	s12 =	sadd.s32 $0x50, s10;
	v62 =	vadd.s32 s31, v2;
	s15 =	sadd.s32 $0x7F, s10;
	[tilespmem:v6+s4+$0x0] =	vst.idx.msk $0xffff, v1  }
0x8b: {  	s14 =	sadd.s32 $0x60, s10;
	s10 =	sadd.s32 $0x70, s10;
	[tilespmem:v6+s25+$0x0] =	vst.idx.msk $0xffff, v3;
	v6 =	vadd.s32 s12, v2;
	s12 =	sand.u32 $0x7F, s15  }
0x8c: {  	s31 =	sshra.s32 s15, $0x1F;
	p1 =	slt.s32 s15, $0x1;
	p0 =	sne.s32 s12, $0x0  }
0x8d: {  	v63 =	vadd.s32 s10, v2;
	s10 =	sshrl.u32 s31, $0x19;
	[tilespmem:v7+s4+$0x0] =	vst.idx.msk $0xffff, v1;
	p0 =	por !p1, !p0  }
0x8e: {  	s11 =	simm.s32 $0x1;
	s10 =	sadd.s32 s10, s15;
	[tilespmem:v7+s25+$0x0] =	vst.idx.msk $0xffff, v3;
	v7 =	vadd.s32 s14, v2;
	p0 =	por !p0, !p0  }
0x8f: {  	s10 =	sshra.s32 s10, $0x7;
	[tilespmem:v62+s4+$0x0] =	vst.idx.msk $0xffff, v1;
	s11 =	simm.s32 @!p0 $0x0  }
0x90: {  	[tilespmem:v62+s25+$0x0] =	vst.idx.msk $0xffff, v3;
	s11 =	ssub.s32 s10, s11  }
0x91: {  	[tilespmem:v6+s4+$0x0] =	vst.idx.msk $0xffff, v1;
	p0 =	slt.s32 s11, $0x1  }
.Ltmp8:
0x92: {  	[tilespmem:v6+s25+$0x0] =	vst.idx.msk $0xffff, v3;
	(pc) =	sbr.rel @p0 .LBB2_11-.Ltmp8, $4  }
0x93: {  	[tilespmem:v7+s4+$0x0] =	vst.idx.msk $0xffff, v1  }
0x94: {  	[tilespmem:v7+s25+$0x0] =	vst.idx.msk $0xffff, v3  }
0x95: {  	[tilespmem:v63+s4+$0x0] =	vst.idx.msk $0xffff, v1  }
0x96: {  	s10 =	simm.s32 $0x4A40;
	[tilespmem:v63+s25+$0x0] =	vst.idx.msk $0xffff, v3  }
0x97: {  	[tilespmem:s21], [sflag:$0x1] =	stream.indirect.gather [hbm4b:s3+s28], $0x80, s4, s28, $0xb8;
	[tilespmem:$0x1AF00] =	vst v63  }
0x98: {  	_ =	swait.ge [sflag:s26], $0x4000  }
0x99: {  	[sflag:s26] =	ssyncset.done $0x0  }
0x9a: {  	[sflag:s26] =	ssyncadd.s32 $0xFFFFC000  }
0x9b: {  	v6 =	vld [tilespmem:s10+$0xFFFFFFC0];
	_ =	sdelay $0x4  }
0x9c: {  	[tilespmem:$0xA600] =	vst v6  }
0x9d: {  	v6 =	vld [tilespmem:s10+$0xFFFFFFD0];
	_ =	sdelay $0x4  }
0x9e: {  	[tilespmem:$0xA610] =	vst v6  }
0x9f: {  	v6 =	vld [tilespmem:s10+$0xFFFFFFE0];
	_ =	sdelay $0x4  }
0xa0: {  	[tilespmem:$0xA620] =	vst v6  }
0xa1: {  	v6 =	vld [tilespmem:s10+$0xFFFFFFF0];
	_ =	sdelay $0x4  }
0xa2: {  	[tilespmem:$0xA630] =	vst v6  }
0xa3: {  	v6 =	vld [tilespmem:s10+$0x0];
	_ =	sdelay $0x4  }
0xa4: {  	[tilespmem:$0xA640] =	vst v6  }
0xa5: {  	v6 =	vld [tilespmem:s10+$0x10];
	_ =	sdelay $0x4  }
0xa6: {  	[tilespmem:$0xA650] =	vst v6  }
0xa7: {  	v6 =	vld [tilespmem:s10+$0x20];
	_ =	sdelay $0x4  }
0xa8: {  	[tilespmem:$0xA660] =	vst v6  }
0xa9: {  	v6 =	vld [tilespmem:s10+$0x30];
	_ =	sdelay $0x2  }
0xaa: {  	p0 =	sne.s32 s11, $0x1  }
.Ltmp9:
0xab: {  	_ = 	snop;
	(pc) =	sbr.rel @!p0 .LBB2_10-.Ltmp9, $4  }
0xac: {  	[tilespmem:$0xA670] =	vst v6  }
0xad: {  	[spmem:s1] =	stream.indirect.scatter.add.f32 [tilespmem:s21], [sflag:$0x2], $0x80, s29, s28, $0xb8;
	[tilespmem:$0x1AF00] =	vst v63  }
0xae: {  	_ =	swait.ge [sflag:s22], $0x4000  }
0xaf: {  	s11 =	sadd.s32 $0xFFFFFFFF, s11;
	[sflag:s22] =	ssyncset.done $0x0  }
.LBB2_9:
0xb0: {  	[sflag:s22] =	ssyncadd.s32 $0xFFFFC000;
	s4 =	sadd.s32 $0x80, s4;
	s10 =	sadd.s32 $0x80, s10  }
0xb1: {  	[tilespmem:s21], [sflag:$0x1] =	stream.indirect.gather [hbm4b:s3+s28], $0x80, s4, s28, $0xb8;
	[tilespmem:$0x1AF00] =	vst v63  }
0xb2: {  	p0 =	sne.s32 s11, $0x1;
	s11 =	sadd.s32 $0xFFFFFFFF, s11;
	_ =	swait.ge [sflag:s26], $0x4000  }
0xb3: {  	[sflag:s26] =	ssyncset.done $0x0  }
0xb4: {  	[sflag:s26] =	ssyncadd.s32 $0xFFFFC000  }
0xb5: {  	v6 =	vld [tilespmem:s10+$0xFFFFFFC0];
	_ =	sdelay $0x4  }
0xb6: {  	[tilespmem:$0xA600] =	vst v6  }
0xb7: {  	v6 =	vld [tilespmem:s10+$0xFFFFFFD0];
	_ =	sdelay $0x4  }
0xb8: {  	[tilespmem:$0xA610] =	vst v6  }
0xb9: {  	v6 =	vld [tilespmem:s10+$0xFFFFFFE0];
	_ =	sdelay $0x4  }
0xba: {  	[tilespmem:$0xA620] =	vst v6  }
0xbb: {  	v6 =	vld [tilespmem:s10+$0xFFFFFFF0];
	_ =	sdelay $0x4  }
0xbc: {  	[tilespmem:$0xA630] =	vst v6  }
0xbd: {  	v6 =	vld [tilespmem:s10+$0x0];
	_ =	sdelay $0x4  }
0xbe: {  	[tilespmem:$0xA640] =	vst v6  }
0xbf: {  	v6 =	vld [tilespmem:s10+$0x10];
	_ =	sdelay $0x4  }
0xc0: {  	[tilespmem:$0xA650] =	vst v6  }
0xc1: {  	v6 =	vld [tilespmem:s10+$0x20];
	_ =	sdelay $0x4  }
0xc2: {  	[tilespmem:$0xA660] =	vst v6  }
0xc3: {  	v6 =	vld [tilespmem:s10+$0x30];
	_ =	sdelay $0x3  }
.Ltmp10:
0xc4: {  	(pc) =	sbr.rel @p0 .LBB2_9-.Ltmp10, $4  }
0xc5: {  	[tilespmem:$0xA670] =	vst v6  }
0xc6: {  	[spmem:s1] =	stream.indirect.scatter.add.f32 [tilespmem:s21], [sflag:$0x2], $0x80, s29, s28, $0xb8;
	[tilespmem:$0x1AF00] =	vst v63  }
0xc7: {  	_ =	swait.ge [sflag:s22], $0x4000  }
0xc8: {  	[sflag:s22] =	ssyncset.done $0x0  }
.Ltmp11:
0xc9: {  	_ = 	snop;
	(pc) =	sbr.rel .LBB2_10-.Ltmp11, $1  }
0xca: {  	_ =	sdelay $0x3  }
.LBB2_23:
0xcb: {  	s2 =	rddreg [dreg:$0x7]  }
0xcc: {  	[bflag:$0x0] =	sbarrier.arrive $0xFFFF;
	s0 =	sadd.s32 s2, s0  }
0xcd: {  	s20 =	sadd.s32 $0x1, s20;
	s15 =	rddreg [dreg:$0x5];
	s0 =	sshll.u32 s0, $0x4  }
0xce: {  	p0 =	sne.s32 s20, $0x3;
	s0 =	sadd.s32 s15, s0  }
0xcf: {  	[hbm:s0], [sflag:s30] =	dma.local [spmem:s31], $0x2100  }
.Ltmp12:
0xd0: {  	_ =	swait.ge [sflag:s22], $0x2100;
	(pc) =	sbr.rel @!p0 .LBB2_24-.Ltmp12, $3  }
0xd1: {  	[sflag:s22] =	ssyncset.done $0x0  }
0xd2: {  	[sflag:s22] =	ssyncadd.s32 $0xFFFFDF00  }
0xd3: {  	[bflag:$0x0] =	sbarrier.arrive $0xFFFF;
	_ =	sdelay $0x1  }
.LBB2_13:
0xd4: {  	s0 =	simm.s32 $0x0;
	s2 =	simm.s32 $0x200  }
.LBB2_14:
0xd5: {  	p0 =	sne.s32 s2, $0xFE00;
	[tilespmem:s0+$0x6670] =	vst v0  }
0xd6: {  	[tilespmem:s0+$0x6600] =	vst v0  }
0xd7: {  	[tilespmem:s0+$0x6610] =	vst v0  }
.Ltmp13:
0xd8: {  	[tilespmem:s0+$0x6620] =	vst v0;
	(pc) =	sbr.rel @p0 .LBB2_14-.Ltmp13, $4  }
0xd9: {  	[tilespmem:s0+$0x6630] =	vst v0  }
0xda: {  	[tilespmem:s0+$0x6640] =	vst v0  }
0xdb: {  	[tilespmem:s0+$0x6650] =	vst v0  }
0xdc: {  	[tilespmem:s0+$0x6660] =	vst v0;
	s0 =	sshra.s32 s2, $0x2;
	s2 =	sadd.s32 $0x200, s2  }
0xdd: {  	[tilespmem:s0+$0x6670] =	vst v0  }
0xde: {  	[tilespmem:s0+$0x6600] =	vst v0  }
0xdf: {  	[tilespmem:s0+$0x6610] =	vst v0  }
0xe0: {  	[tilespmem:s0+$0x6620] =	vst v0  }
0xe1: {  	[tilespmem:s0+$0x6630] =	vst v0  }
0xe2: {  	[tilespmem:s0+$0x6640] =	vst v0  }
0xe3: {  	[tilespmem:s0+$0x6650] =	vst v0  }
0xe4: {  	[tilespmem:s0+$0x6660] =	vst v0  }
0xe5: {  	[spmem:s13] =	stream.linear.scatter [tilespmem:s21], [sflag:$0x2], $0x4000, $0x38;
	[tilespmem:$0x1AF00] =	vst v63  }
0xe6: {  	_ =	swait.ge [sflag:s22], $0x4000  }
0xe7: {  	[sflag:s22] =	ssyncset.done $0x0  }
0xe8: {  	s14 =	rddreg [dreg:$0x8];
	[sflag:s22] =	ssyncadd.s32 $0xFFFFC000  }
0xe9: {  	[spmem:s14] =	stream.linear.scatter [tilespmem:s21], [sflag:$0x2], $0x4000, $0x38;
	[tilespmem:$0x1AF00] =	vst v63  }
0xea: {  	_ =	swait.ge [sflag:s22], $0x4000  }
0xeb: {  	[sflag:s22] =	ssyncset.done $0x0  }
0xec: {  	[sflag:s22] =	ssyncadd.s32 $0xFFFFC000  }
0xed: {  	[spmem:s16] =	stream.linear.scatter [tilespmem:s21], [sflag:$0x2], $0x4000, $0x38;
	[tilespmem:$0x1AF00] =	vst v63  }
0xee: {  	_ =	swait.ge [sflag:s22], $0x4000  }
0xef: {  	[sflag:s22] =	ssyncset.done $0x0  }
0xf0: {  	[sflag:s22] =	ssyncadd.s32 $0xFFFFC000  }
0xf1: {  	[spmem:s17] =	stream.linear.scatter [tilespmem:s21], [sflag:$0x2], $0x4000, $0x38;
	[tilespmem:$0x1AF00] =	vst v63  }
0xf2: {  	_ =	swait.ge [sflag:s22], $0x4000  }
0xf3: {  	[sflag:s22] =	ssyncset.done $0x0  }
0xf4: {  	s15 =	rddreg [dreg:$0x6];
	[sflag:s22] =	ssyncadd.s32 $0xFFFFC000  }
0xf5: {  	[spmem:s18] =	stream.linear.scatter [tilespmem:s21], [sflag:$0x2], $0x800, $0x38;
	[tilespmem:$0x1AF00] =	vst v63  }
.Ltmp14:
0xf6: {  	s0 =	sadd.s32 s15, s20;
	_ =	swait.ge [sflag:s22], $0x800;
	(pc) =	sbr.rel .LBB2_16-.Ltmp14, $4  }
0xf7: {  	s0 =	smul.u32 $0x2100, s0;
	[sflag:s22] =	ssyncset.done $0x0  }
0xf8: {  	[sflag:s22] =	ssyncadd.s32 $0xFFFFF800  }
0xf9: {  	s2 =	sadd.s32 $0x2100, s0;
	[bflag:$0x0] =	sbarrier.arrive $0xFFFF  }
0xfa: {  	s4 =	simm.s32 $0x0;
	v4 =	vmov s0;
	v5 =	vmov s2;
	s2 =	simm.s32 $0x0  }
.LBB2_21:
0xfb: {  	[sflag:s22] =	ssyncadd.s32 $0xFFFFC000  }
.LBB2_22:
0xfc: {  	s4 =	sadd.s32 $0x1, s4  }
0xfd: {  	p0 =	sne.s32 s4, $0x3  }
.Ltmp15:
0xfe: {  	_ = 	snop;
	(pc) =	sbr.rel @!p0 .LBB2_23-.Ltmp15, $1  }
0xff: {  	_ =	sdelay $0x3  }
.LBB2_16:
0x100: {  	s10 =	smul.u32 $0x1880, s4;
	_ =	sdelay $0x1  }
0x101: {  	s10 =	sadd.s32 s19, s10  }
0x102: {  	s10 =	sshrl.u32 s10, $0x3  }
0x103: {  	s11 =	sadd.s32 s8, s10  }
0x104: {  	[tilespmem:s2], [sflag:$0x2] =	stream.linear.gather [hbm4b:s11+s2], $0x1880, $0x38;
	[tilespmem:$0x1AF00] =	vst v63  }
0x105: {  	_ =	swait.ge [sflag:s22], $0x1880  }
0x106: {  	[sflag:s22] =	ssyncset.done $0x0  }
0x107: {  	s10 =	sadd.s32 s9, s10;
	[sflag:s22] =	ssyncadd.s32 $0xFFFFE780  }
0x108: {  	[tilespmem:s23], [sflag:$0x2] =	stream.linear.gather [hbm4b:s10+s2], $0x1880, $0x38;
	[tilespmem:$0x1AF00] =	vst v63  }
0x109: {  	_ =	swait.ge [sflag:s22], $0x1880  }
0x10a: {  	[sflag:s22] =	ssyncset.done $0x0  }
0x10b: {  	s12 =	simm.s32 $0x0;
	[sflag:s22] =	ssyncadd.s32 $0xFFFFE780  }
0x10c: {  	v6 =	vld [tilespmem:s12+$0x1880];
	_ =	sdelay $0x4  }
0x10d: {  	vm0 =	vge.s32 v6, v4;
	vm1 =	vlt.s32 v6, v5  }
0x10e: {  	vm0 =	vmand vm0, vm1  }
0x10f: {  	v7 =	vsel vm0, $0x1, v1  }
0x110: {  	(xrf0) =	vadd.scan.msk.s32 $0xffff, v7;
	_ =	sdelay $0x2  }
0x111: {  	s14 =	simm.s32 $0x80;
	s11 =	simm.s32 $0x40;
	s10 =	simm.s32 $0x0  }
.LBB2_17:
0x112: {  	p0 =	sne.s32 s14, $0x61C0  }
0x113: {  	v7 =	vsel vm0, $0xFFFFFFFF, v1  }
0x114: {  	v7 =	vadd.s32 s10, v7;
	v8, _, _ =	vpop (xrf0)  }
0x115: {  	v9 =	vld [tilespmem:s12+$0x0];
	v7 =	vadd.s32 v8, v7;
	(v2sf) =	vpush v8, $0xF;
	_ =	sdelay $0x4  }
0x116: {  	v6 =	vsub.s32 v6, v4;
	[tilespmem:v7+s24+$0x0] =	vst.idx.msk vm0, v9  }
0x117: {  	s12 =	sshra.s32 s11, $0x2;
	s11 =	smov.u32 s14;
	[tilespmem:v7+s25+$0x0] =	vst.idx.msk vm0, v6  }
0x118: {  	v6 =	vld [tilespmem:s12+$0x1880];
	_ =	sdelay $0x4  }
0x119: {  	vm0 =	vge.s32 v6, v4;
	vm1 =	vlt.s32 v6, v5  }
0x11a: {  	vm0 =	vmand vm0, vm1  }
.Ltmp16:
0x11b: {  	v7 =	vsel vm0, $0x1, v1;
	(pc) =	sbr.rel @p0 .LBB2_17-.Ltmp16, $3  }
0x11c: {  	(xrf0) =	vadd.scan.msk.s32 $0xffff, v7;
	s15 =	spop (v2sf)  }
0x11d: {  	s10 =	sadd.s32 s10, s15;
	_ =	sdelay $0x1  }
0x11e: {  	s14 =	sadd.s32 $0x40, s14  }
0x11f: {  	_ = 	snop  }
0x120: {  	v7 =	vsel vm0, $0xFFFFFFFF, v1  }
0x121: {  	v7 =	vadd.s32 s10, v7;
	v8, _, _ =	vpop (xrf0)  }
0x122: {  	v9 =	vld [tilespmem:s12+$0x0];
	v7 =	vadd.s32 v8, v7;
	_ =	sdelay $0x4  }
0x123: {  	v6 =	vsub.s32 v6, v4;
	[tilespmem:v7+s24+$0x0] =	vst.idx.msk vm0, v9  }
0x124: {  	s11 =	sshra.s32 s11, $0x2;
	[tilespmem:v7+s25+$0x0] =	vst.idx.msk vm0, v6  }
0x125: {  	v6 =	vld [tilespmem:s11+$0x1880];
	_ =	sdelay $0x4  }
0x126: {  	vm15 =	vge.s32 v6, v4;
	vm1 =	vlt.s32 v6, v5  }
0x127: {  	vm0 =	vmand vm15, vm1  }
0x128: {  	v7 =	vsel vm0, $0x1, v1  }
0x129: {  	(xrf0) =	vadd.scan.msk.s32 $0xffff, v7;
	_ =	sdelay $0x3  }
0x12a: {  	(v2sf) =	vpush v8, $0xF;
	_ =	sdelay $0x1  }
0x12b: {  	v7, _, _ =	vpop (xrf0)  }
0x12c: {  	(v2sf) =	vpush v7, $0xF;
	_ =	sdelay $0xb  }
0x12d: {  	s14 =	spop (v2sf)  }
0x12e: {  	v60 =	vsel vm0, $0xFFFFFFFF, v1;
	s15 =	sadd.s32 s10, s14  }
0x12f: {  	v8 =	vadd.s32 s15, v60  }
0x130: {  	v9 =	vld [tilespmem:s11+$0x0];
	v7 =	vadd.s32 v7, v8;
	s12 =	spop (v2sf)  }
0x131: {  	s11 =	sadd.s32 s15, s12  }
0x132: {  	v61 =	vadd.s32 s11, v2  }
0x133: {  	s10 =	sadd.s32 $0x10, s11  }
0x134: {  	v10 =	vadd.s32 s10, v2  }
0x135: {  	v6 =	vsub.s32 v6, v4;
	[tilespmem:v7+s24+$0x0] =	vst.idx.msk vm0, v9;
	s14 =	sadd.s32 $0x20, s11  }
0x136: {  	[tilespmem:v7+s25+$0x0] =	vst.idx.msk vm0, v6;
	s10 =	simm.s32 $0x3100;
	v6 =	vadd.s32 s14, v2  }
0x137: {  	s15 =	sadd.s32 $0x30, s11;
	[tilespmem:v61+s10+$0x0] =	vst.idx.msk $0xffff, v1  }
0x138: {  	v7 =	vadd.s32 s15, v2;
	[tilespmem:v61+s25+$0x0] =	vst.idx.msk $0xffff, v3  }
0x139: {  	[tilespmem:v10+s10+$0x0] =	vst.idx.msk $0xffff, v1  }
0x13a: {  	[tilespmem:v10+s25+$0x0] =	vst.idx.msk $0xffff, v3  }
0x13b: {  	[tilespmem:v6+s10+$0x0] =	vst.idx.msk $0xffff, v1  }
0x13c: {  	s14 =	sadd.s32 $0x40, s11;
	[tilespmem:v6+s25+$0x0] =	vst.idx.msk $0xffff, v3  }
0x13d: {  	s12 =	sadd.s32 $0x7F, s11;
	v62 =	vadd.s32 s14, v2;
	s14 =	sadd.s32 $0x60, s11;
	[tilespmem:v7+s10+$0x0] =	vst.idx.msk $0xffff, v1  }
0x13e: {  	s15 =	sadd.s32 $0x50, s11;
	p1 =	slt.s32 s12, $0x1;
	[tilespmem:v7+s25+$0x0] =	vst.idx.msk $0xffff, v3;
	v7 =	vadd.s32 s14, v2;
	s14 =	sand.u32 $0x7F, s12  }
0x13f: {  	s11 =	sadd.s32 $0x70, s11;
	v6 =	vadd.s32 s15, v2;
	s15 =	sshra.s32 s12, $0x1F;
	p0 =	sne.s32 s14, $0x0  }
0x140: {  	v63 =	vadd.s32 s11, v2;
	s11 =	sshrl.u32 s15, $0x19;
	p0 =	por !p1, !p0  }
0x141: {  	s11 =	sadd.s32 s11, s12;
	s12 =	simm.s32 $0x1;
	p0 =	por !p0, !p0  }
0x142: {  	[tilespmem:v62+s10+$0x0] =	vst.idx.msk $0xffff, v1;
	s11 =	sshra.s32 s11, $0x7;
	s12 =	simm.s32 @!p0 $0x0  }
0x143: {  	[tilespmem:v62+s25+$0x0] =	vst.idx.msk $0xffff, v3;
	s12 =	ssub.s32 s11, s12  }
0x144: {  	[tilespmem:v6+s10+$0x0] =	vst.idx.msk $0xffff, v1;
	p0 =	slt.s32 s12, $0x1  }
.Ltmp17:
0x145: {  	[tilespmem:v6+s25+$0x0] =	vst.idx.msk $0xffff, v3;
	(pc) =	sbr.rel @p0 .LBB2_22-.Ltmp17, $4  }
0x146: {  	[tilespmem:v7+s10+$0x0] =	vst.idx.msk $0xffff, v1  }
0x147: {  	[tilespmem:v7+s25+$0x0] =	vst.idx.msk $0xffff, v3  }
0x148: {  	[tilespmem:v63+s10+$0x0] =	vst.idx.msk $0xffff, v1  }
0x149: {  	s11 =	simm.s32 $0x4A40;
	[tilespmem:v63+s25+$0x0] =	vst.idx.msk $0xffff, v3  }
0x14a: {  	[tilespmem:s21], [sflag:$0x1] =	stream.indirect.gather [hbm4b:s5+s28], $0x80, s10, s28, $0xb8;
	[tilespmem:$0x1AF00] =	vst v63  }
0x14b: {  	_ =	swait.ge [sflag:s26], $0x4000  }
0x14c: {  	[sflag:s26] =	ssyncset.done $0x0  }
0x14d: {  	[sflag:s26] =	ssyncadd.s32 $0xFFFFC000  }
0x14e: {  	v6 =	vld [tilespmem:s11+$0xFFFFFFC0];
	_ =	sdelay $0x4  }
0x14f: {  	[tilespmem:$0xA600] =	vst v6  }
0x150: {  	v6 =	vld [tilespmem:s11+$0xFFFFFFD0];
	_ =	sdelay $0x4  }
0x151: {  	[tilespmem:$0xA610] =	vst v6  }
0x152: {  	v6 =	vld [tilespmem:s11+$0xFFFFFFE0];
	_ =	sdelay $0x4  }
0x153: {  	[tilespmem:$0xA620] =	vst v6  }
0x154: {  	v6 =	vld [tilespmem:s11+$0xFFFFFFF0];
	_ =	sdelay $0x4  }
0x155: {  	[tilespmem:$0xA630] =	vst v6  }
0x156: {  	v6 =	vld [tilespmem:s11+$0x0];
	_ =	sdelay $0x4  }
0x157: {  	[tilespmem:$0xA640] =	vst v6  }
0x158: {  	v6 =	vld [tilespmem:s11+$0x10];
	_ =	sdelay $0x4  }
0x159: {  	[tilespmem:$0xA650] =	vst v6  }
0x15a: {  	v6 =	vld [tilespmem:s11+$0x20];
	_ =	sdelay $0x4  }
0x15b: {  	[tilespmem:$0xA660] =	vst v6  }
0x15c: {  	v6 =	vld [tilespmem:s11+$0x30];
	_ =	sdelay $0x2  }
0x15d: {  	p0 =	sne.s32 s12, $0x1  }
.Ltmp18:
0x15e: {  	_ = 	snop;
	(pc) =	sbr.rel @!p0 .LBB2_21-.Ltmp18, $4  }
0x15f: {  	[tilespmem:$0xA670] =	vst v6  }
0x160: {  	[spmem:s1] =	stream.indirect.scatter.add.f32 [tilespmem:s21], [sflag:$0x2], $0x80, s29, s28, $0xb8;
	[tilespmem:$0x1AF00] =	vst v63  }
0x161: {  	_ =	swait.ge [sflag:s22], $0x4000  }
0x162: {  	s12 =	sadd.s32 $0xFFFFFFFF, s12;
	[sflag:s22] =	ssyncset.done $0x0  }
.LBB2_20:
0x163: {  	[sflag:s22] =	ssyncadd.s32 $0xFFFFC000;
	s10 =	sadd.s32 $0x80, s10;
	s11 =	sadd.s32 $0x80, s11  }
0x164: {  	[tilespmem:s21], [sflag:$0x1] =	stream.indirect.gather [hbm4b:s5+s28], $0x80, s10, s28, $0xb8;
	[tilespmem:$0x1AF00] =	vst v63  }
0x165: {  	p0 =	sne.s32 s12, $0x1;
	s12 =	sadd.s32 $0xFFFFFFFF, s12;
	_ =	swait.ge [sflag:s26], $0x4000  }
0x166: {  	[sflag:s26] =	ssyncset.done $0x0  }
0x167: {  	[sflag:s26] =	ssyncadd.s32 $0xFFFFC000  }
0x168: {  	v6 =	vld [tilespmem:s11+$0xFFFFFFC0];
	_ =	sdelay $0x4  }
0x169: {  	[tilespmem:$0xA600] =	vst v6  }
0x16a: {  	v6 =	vld [tilespmem:s11+$0xFFFFFFD0];
	_ =	sdelay $0x4  }
0x16b: {  	[tilespmem:$0xA610] =	vst v6  }
0x16c: {  	v6 =	vld [tilespmem:s11+$0xFFFFFFE0];
	_ =	sdelay $0x4  }
0x16d: {  	[tilespmem:$0xA620] =	vst v6  }
0x16e: {  	v6 =	vld [tilespmem:s11+$0xFFFFFFF0];
	_ =	sdelay $0x4  }
0x16f: {  	[tilespmem:$0xA630] =	vst v6  }
0x170: {  	v6 =	vld [tilespmem:s11+$0x0];
	_ =	sdelay $0x4  }
0x171: {  	[tilespmem:$0xA640] =	vst v6  }
0x172: {  	v6 =	vld [tilespmem:s11+$0x10];
	_ =	sdelay $0x4  }
0x173: {  	[tilespmem:$0xA650] =	vst v6  }
0x174: {  	v6 =	vld [tilespmem:s11+$0x20];
	_ =	sdelay $0x4  }
0x175: {  	[tilespmem:$0xA660] =	vst v6  }
0x176: {  	v6 =	vld [tilespmem:s11+$0x30];
	_ =	sdelay $0x3  }
.Ltmp19:
0x177: {  	(pc) =	sbr.rel @p0 .LBB2_20-.Ltmp19, $4  }
0x178: {  	[tilespmem:$0xA670] =	vst v6  }
0x179: {  	[spmem:s1] =	stream.indirect.scatter.add.f32 [tilespmem:s21], [sflag:$0x2], $0x80, s29, s28, $0xb8;
	[tilespmem:$0x1AF00] =	vst v63  }
0x17a: {  	_ =	swait.ge [sflag:s22], $0x4000  }
0x17b: {  	[sflag:s22] =	ssyncset.done $0x0  }
.Ltmp20:
0x17c: {  	_ = 	snop;
	(pc) =	sbr.rel .LBB2_21-.Ltmp20, $1  }
0x17d: {  	_ =	sdelay $0x3  }
.LBB2_25:
0x17e: {  	_ =	sfence.sel $0x180000  }
0x17f: {  	[bflag:$0x0] =	sbarrier.arrive $0xFFFF  }
0x180: {  	_ =	strace $0x9000004A  }
0x181: {  	s0 =	stileid.u32;
	[bflag:$0x2] =	sbarrier.arrive $0xFFFF  }
0x182: {  	p0 =	sne.s32 s0, $0x0;
	s0 =	rddreg [dreg:$0x2]  }
0x183: {  	s0 =	sadd.s32 @!p0 $0x100000, s0  }
0x184: {  	[sflag:s0] =	ssyncadd.tile.s32 @!p0 $0x1;
	_ =	shalt  }
.Lfunc_end2:
_tile_overlayer_lowered:
.L_overlay_start_2:
0x185: {  	(tag) =	ssettag $0x2  }
0x186: {  	s0 =	rddreg [dreg:$0x0];
	s2 =	stileid.u32  }
0x187: {  	s1 =	rddreg [dreg:$0x1];
	p0 =	sne.s32 s2, $0x0  }
0x188: {  	s3 =	rddreg [dreg:$0x2];
	[bflag:$0x3] =	sbarrier.arrive $0xFFFF;
	s2 =	simm.s32 @!p0 $0x1C02  }
0x189: {  	[timem:s3], [sflag:s2] =	dma.local @!p0 [hbm:s0], s1  }
0x18a: {  	s0 =	simm.s32 @!p0 $0x2  }
0x18b: {  	_ =	swait.ge @!p0 [sflag:s0], s1  }
0x18c: {  	s1 =	ssub.s32 @!p0 $0x0, s1;
	[sflag:s0] =	ssyncset.done @!p0 $0x0  }
0x18d: {  	[sflag:s0] =	ssyncadd.s32 @!p0 s1  }
0x18e: {  	[bflag:$0x3] =	sbarrier.arrive $0xFFFF  }
0x18f: {  	_ =	shalt  }

// kernel: sc_agg_cnt.3.cloned.1.call-start
scs
__scs_entry_jumppad:
0x0: {  	(pc) =	sbr.rel $0x88, $3  }
0x1: {  	(tag) =	ssettag $0x0;
	lr =	simm.s32 $0x1  }
0x2: {  	[smem:$0x3F91] =	sst lr;
	_ =	strace $0xD0000000  }
0x3: {  	_ = 	snop  }
0x4: {  	_ = 	snop  }
0x5: {  	_ = 	snop  }
0x6: {  	_ = 	snop  }
0x7: {  	_ = 	snop  }
__scs_overlays_trampoline_lowered:
0x8: {  	[smem:$0x3FA0] =	sst s0  }
0x9: {  	[smem:$0x3FA1] =	sst s1  }
0xa: {  	[smem:$0x3FA2] =	sst s2  }
0xb: {  	[smem:$0x3FA3] =	sst s3  }
0xc: {  	[smem:$0x3FA4] =	sst s4  }
0xd: {  	[smem:$0x3FA5] =	sst s5  }
0xe: {  	[smem:$0x3FA6] =	sst s6  }
0xf: {  	[smem:$0x3FA7] =	sst s7  }
0x10: {  	[smem:$0x3FA8] =	sst s8  }
0x11: {  	[smem:$0x3FA9] =	sst s9;
	s0 =	simm.s32 @!p0 $0x0  }
0x12: {  	s1 =	sld [smem:$0x3F8F];
	s0 =	simm.s32 @p0 $0x1  }
0x13: {  	[smem:$0x3FAA] =	sst s0;
	s0 =	simm.s32 @!p1 $0x0  }
0x14: {  	s2 =	sld [smem:$0x3F8E];
	s0 =	simm.s32 @p1 $0x1  }
0x15: {  	[smem:$0x3FAB] =	sst s0;
	s0 =	simm.s32 @!p2 $0x0  }
0x16: {  	s3 =	sld [smem:$0x3FDB];
	s0 =	simm.s32 @p2 $0x1  }
0x17: {  	s4 =	simm.s32 $0x1BF5;
	[smem:$0x3FAD] =	sst s0  }
0x18: {  	s0 =	sld [smem:$0x3F90];
	_ =	swait.ge [sflag:s4], $0x0  }
0x19: {  	s7 =	sld [smem:$0x3F91]  }
0x1a: {  	s8 =	sadd.s32 $0xFFFFE003, lr  }
0x1b: {  	s9 =	sadd.s32 $0xFFFFFEF7, lr;
	s5 =	simm.s32 $0xFFFFFFFF;
	p2 =	slt.u32 s8, $0xFFFFF086  }
0x1c: {  	p1 =	slt.u32 s9, $0xF7A;
	s5 =	simm.s32 @!p2 $0x0  }
0x1d: {  	s5 =	simm.s32 @p1 $0x1;
	p0 =	seq.s32 s7, s2  }
0x1e: {  	s7 =	smul.u32 @!p0 $0xF7A, s2;
	p2 =	seq.s32 @!p0 s5, $0x0  }
0x1f: {  	s9 =	smul.u32 $0xF7A, s1;
	s8 =	simm.s32 @!p0 $0x1BF5;
	p2 =	por !p2, p0  }
0x20: {  	[sflag:s8] =	ssyncset.s32 @!p0 $0xFFFFF086;
	s6 =	sadd.s32 @!p0 s3, s7;
	s7 =	simm.s32 @!p0 $0x108  }
0x21: {  	s3 =	sadd.s32 s3, s9;
	s6 =	sadd.s32 @!p0 $0x88, s6;
	s7 =	simm.s32 @p2 $0x1082  }
0x22: {  	[simem:s7], [sflag:s8] =	dma.local @!p0 [hbm:s6], $0xF7A  }
0x23: {  	s9 =	sor.u32 $0xD0000000, s2;
	s6 =	simm.s32 $0x108;
	_ =	swait.ge @!p0 [sflag:s8], $0x0  }
0x24: {  	s3 =	sadd.s32 $0x88, s3;
	s6 =	simm.s32 @!p1 $0x1082;
	[sflag:s4] =	ssyncset.s32 $0xFFFFF086  }
0x25: {  	[simem:s6], [sflag:s4] =	dma.local [hbm:s3], $0xF7A  }
0x26: {  	[smem:$0x3F91] =	sst s1;
	(tag) =	ssettag s2;
	_ =	strace s9  }
0x27: {  	s1 =	sld [smem:$0x3FA1]  }
0x28: {  	s2 =	sld [smem:$0x3FA2]  }
0x29: {  	s4 =	sld [smem:$0x3FA4]  }
0x2a: {  	p0 =	seq.s32 s5, $0x0;
	s5 =	sld [smem:$0x3FA5]  }
0x2b: {  	s6 =	sld [smem:$0x3FA6]  }
0x2c: {  	s7 =	sld [smem:$0x3FA7]  }
0x2d: {  	s3 =	simm.s32 $0x108;
	s8 =	sld [smem:$0x3FA8]  }
0x2e: {  	s3 =	simm.s32 @!p0 $0x1082;
	s9 =	sld [smem:$0x3FA9]  }
0x2f: {  	lr =	sadd.s32 s0, s3;
	s0 =	sld [smem:$0x3FA0]  }
0x30: {  	s3 =	sld [smem:$0x3FA3]  }
0x31: {  	[smem:$0x3FAC] =	sst s10  }
0x32: {  	s10 =	sld [smem:$0x3FAA];
	_ =	sdelay $0x3  }
0x33: {  	p0 =	seq.s32 s10, $0x1;
	s10 =	sld [smem:$0x3FAC];
	_ =	sdelay $0x3  }
0x34: {  	[smem:$0x3FAC] =	sst s10  }
0x35: {  	s10 =	sld [smem:$0x3FAB];
	_ =	sdelay $0x3  }
0x36: {  	p1 =	seq.s32 s10, $0x1;
	s10 =	sld [smem:$0x3FAC];
	_ =	sdelay $0x3  }
0x37: {  	[smem:$0x3FAC] =	sst s10  }
0x38: {  	s10 =	sld [smem:$0x3FAD]  }
0x39: {  	_ = 	snop;
	(pc) =	sbr.ind lr, $3  }
0x3a: {  	_ = 	snop  }
0x3b: {  	_ = 	snop  }
0x3c: {  	p2 =	seq.s32 s10, $0x1;
	s10 =	sld [smem:$0x3FAC]  }
0x3d: {  	_ =	shalt  }
0x3e: {  	_ =	shalt  }
0x3f: {  	_ =	shalt  }
0x40: {  	_ =	shalt  }
0x41: {  	_ =	shalt  }
0x42: {  	_ =	shalt  }
0x43: {  	_ =	shalt  }
0x44: {  	_ =	shalt  }
0x45: {  	_ =	shalt  }
0x46: {  	_ =	shalt  }
0x47: {  	_ =	shalt  }
0x48: {  	_ =	shalt  }
0x49: {  	_ =	shalt  }
0x4a: {  	_ =	shalt  }
0x4b: {  	_ =	shalt  }
0x4c: {  	_ =	shalt  }
0x4d: {  	_ =	shalt  }
0x4e: {  	_ =	shalt  }
0x4f: {  	_ =	shalt  }
0x50: {  	_ =	shalt  }
0x51: {  	_ =	shalt  }
0x52: {  	_ =	shalt  }
0x53: {  	_ =	shalt  }
0x54: {  	_ =	shalt  }
0x55: {  	_ =	shalt  }
0x56: {  	_ =	shalt  }
0x57: {  	_ =	shalt  }
0x58: {  	_ =	shalt  }
0x59: {  	_ =	shalt  }
0x5a: {  	_ =	shalt  }
0x5b: {  	_ =	shalt  }
0x5c: {  	_ =	shalt  }
0x5d: {  	_ =	shalt  }
0x5e: {  	_ =	shalt  }
0x5f: {  	_ =	shalt  }
0x60: {  	_ =	shalt  }
0x61: {  	_ =	shalt  }
0x62: {  	_ =	shalt  }
0x63: {  	_ =	shalt  }
0x64: {  	_ =	shalt  }
0x65: {  	_ =	shalt  }
0x66: {  	_ =	shalt  }
0x67: {  	_ =	shalt  }
0x68: {  	_ =	shalt  }
0x69: {  	_ =	shalt  }
0x6a: {  	_ =	shalt  }
0x6b: {  	_ =	shalt  }
0x6c: {  	_ =	shalt  }
0x6d: {  	_ =	shalt  }
0x6e: {  	_ =	shalt  }
0x6f: {  	_ =	shalt  }
0x70: {  	_ =	shalt  }
0x71: {  	_ =	shalt  }
0x72: {  	_ =	shalt  }
0x73: {  	_ =	shalt  }
0x74: {  	_ =	shalt  }
0x75: {  	_ =	shalt  }
0x76: {  	_ =	shalt  }
0x77: {  	_ =	shalt  }
0x78: {  	_ =	shalt  }
0x79: {  	_ =	shalt  }
0x7a: {  	_ =	shalt  }
0x7b: {  	_ =	shalt  }
0x7c: {  	_ =	shalt  }
0x7d: {  	_ =	shalt  }
0x7e: {  	_ =	shalt  }
0x7f: {  	_ =	shalt  }
0x80: {  	_ =	shalt  }
0x81: {  	_ =	shalt  }
0x82: {  	_ =	shalt  }
0x83: {  	_ =	shalt  }
0x84: {  	_ =	shalt  }
0x85: {  	_ =	shalt  }
0x86: {  	_ =	shalt  }
0x87: {  	_ =	shalt  }
.Lfunc_end0:
.L_simem_size_0:
called_computation_lowered:
.L_overlay_start_0:
0x88: {  	s2 =	sld [smem:$0x3FD9]  }
0x89: {  	s3 =	sld [smem:$0x3FFE];
	_ =	sdelay $0x1  }
0x8a: {  	s1 =	srdreg.scid  }
0x8b: {  	s0 =	sand.u32 $0x1, s1  }
0x8c: {  	s14 =	sshll.u32 s0, $0xA;
	s2 =	sadd.s32 s3, s2  }
0x8d: {  	s2 =	sadd.s32 s2, s14  }
0x8e: {  	[smem:$0x3FB8] =	sst s2  }
0x8f: {  	_ = 	snop  }
0x90: {  	s2 =	sld [smem:$0x3FD0];
	_ =	sdelay $0x1  }
0x91: {  	s15 =	sld [smem:$0x3FC9]  }
0x92: {  	s5 =	simm.s32 $0xA;
	s6 =	simm.s32 $0x10;
	s4 =	sld [smem:$0x3FC8]  }
0x93: {  	[smem:s6], [sflag:s5] =	dma.local [hbm:s2], $0x1  }
0x94: {  	_ =	swait.eq [sflag:s5], $0x1  }
0x95: {  	[sflag:s5] =	ssyncset.done $0x0  }
0x96: {  	s16 =	sld [smem:$0x10];
	[sflag:s5] =	ssyncadd.s32 $0xFFFFFFFF  }
0x97: {  	s17 =	sld [smem:$0x11];
	(tm) =	ssettm $0x1  }
0x98: {  	s18 =	sld [smem:$0x3FFB];
	_ =	sdelay $0x3  }
0x99: {  	_ =	strace s18  }
0x9a: {  	s6 =	sld [smem:$0x3FFC];
	_ =	sdelay $0x3  }
0x9b: {  	_ =	strace s6  }
0x9c: {  	s6 =	sld [smem:$0x3FFD];
	_ =	sdelay $0x3  }
0x9d: {  	_ =	strace s6  }
0x9e: {  	_ =	strace $0x8FFFFFFF  }
0x9f: {  	s19 =	sld [smem:$0x3FDB];
	_ =	sdelay $0x1  }
0xa0: {  	s7 =	simm.s32 $_scs_section_size  }
0xa1: {  	s8 =	simm.s32 $_size__tile_overlayer_lowered;
	s9 =	simm.s32 $_tile_overlayer_lowered  }
0xa2: {  	s22 =	simm.s32 $0x1BFF;
	s21 =	sshll.u32 s9, $0x1;
	s6 =	sadd.s32 s7, s19  }
0xa3: {  	s10 =	simm.s32 $0x0;
	s20 =	sshll.u32 s8, $0x1;
	s8 =	sadd.s32 s21, s6  }
0xa4: {  	[timem:s10], [sflag:s22] =	dma.local [hbm:s8], s20  }
0xa5: {  	_ =	swait.ge [sflag:s22], s20  }
0xa6: {  	s7 =	ssub.s32 $0x0, s20;
	[sflag:s22] =	ssyncset.done $0x0  }
0xa7: {  	[sflag:s22] =	ssyncadd.s32 s7;
	_ =	sdelay $0x1  }
0xa8: {  	s23 =	simm.s32 $0x1B8B  }
0xa9: {  	_ =	swait.ge [sflag:s23], $0x1  }
0xaa: {  	[sflag:s23] =	ssyncset.done $0x0  }
0xab: {  	s25 =	simm.s32 $0x1B8E;
	s24 =	sld [smem:$0x3FFE];
	[sflag:s23] =	ssyncadd.s32 $0xFFFFFFFF  }
0xac: {  	s26 =	simm.s32 $execute0_lowered;
	[smem:$0x3FD2] =	sst s25  }
0xad: {  	s8 =	sshll.u32 s26, $0x1;
	_ =	strace $0x80000046;
	[dreg:$0x1] =	wrdreg $0xFFFFFFFF  }
0xae: {  	s28 =	simm.s32 $_size_execute0_lowered;
	s6 =	sadd.s32 s6, s8;
	[dreg:$0x0] =	wrdreg $0x0  }
0xaf: {  	s8 =	sshll.u32 s28, $0x1;
	[dreg:$0x2] =	wrdreg s6  }
0xb0: {  	[dreg:$0x3] =	wrdreg s8  }
0xb1: {  	[dreg:$0x4] =	wrdreg $0xC0  }
0xb2: {  	_ =	task [dreg:s10], $0x5FFFF  }
0xb3: {  	[dreg:$0x1] =	wrdreg $0xFFFFFFFF  }
0xb4: {  	[dreg:$0x0] =	wrdreg $0x60  }
0xb5: {  	[dreg:$0x2] =	wrdreg s15  }
0xb6: {  	[dreg:$0x3] =	wrdreg s4  }
0xb7: {  	[dreg:$0x4] =	wrdreg s24  }
0xb8: {  	[dreg:$0x5] =	wrdreg s17  }
0xb9: {  	[dreg:$0x6] =	wrdreg s16  }
0xba: {  	[dreg:$0x7] =	wrdreg $0xA6800  }
0xbb: {  	[dreg:$0x8] =	wrdreg $0x9  }
0xbc: {  	_ =	task.clear_ibuf [dreg:s10], $0x9FFFF;
	_ =	strace $0x90000046  }
0xbd: {  	s29 =	simm.s32 $0x9;
	_ =	strace $0x80000048  }
0xbe: {  	_ =	swait.ge [sflag:s29], $0x1  }
0xbf: {  	[sflag:s29] =	ssyncadd.s32 $0xFFFFFFFF  }
0xc0: {  	_ =	strace $0x90000048  }
0xc1: {  	_ =	sfence  }
0xc2: {  	s30 =	sld [smem:$0x0];
	_ =	sdelay $0x2  }
0xc3: {  	s31 =	sshll.u32 s1, $0xD;
	s1 =	sshrl.u32 s1, $0x2  }
0xc4: {  	s3 =	sand.u32 $0x4000, s31;
	s1 =	sadd.s32 s1, s30  }
0xc5: {  	s0 =	sor.u32 s3, s0;
	s1 =	sshll.u32 s1, $0x11  }
0xc6: {  	s0 =	sor.u32 s1, s0  }
0xc7: {  	s0 =	sadd.s32 $0x8F2B, s0  }
0xc8: {  	[sflag:s0] =	ssyncadd.remote.s32 $0x1  }
0xc9: {  	_ =	sfence.sel $0xFFFF  }
0xca: {  	[dreg:$0x0] =	wrdreg $0xFFFFFFFF;
	(pc) =	sbr.abs _section_cstart, $3  }
0xcb: {  	[dreg:$0x1] =	wrdreg $0xFFFFFFFF  }
0xcc: {  	_ =	task.clear_ibuf [dreg:s10], $0x2FFFF;
	_ =	strace $0x9FFFFFFF  }
0xcd: {  	(tm) =	ssettm $0x7FFFFFFF  }
tec
execute0_lowered:
.L_overlay_start_1:
0x0: {  	(tag) =	ssettag $0x1  }
0x1: {  	s1 =	rddreg [dreg:$0x0]  }
0x2: {  	s2 =	rddreg [dreg:$0x1]  }
0x3: {  	s0 =	rddreg [dreg:$0x2]  }
0x4: {  	s5 =	rddreg [dreg:$0x5];
	s7 =	simm.s32 $0x0;
	s3 =	srdreg.scid  }
0x5: {  	s12 =	stileid.u32;
	s28 =	simm.s32 $0x3100;
	s29 =	simm.s32 $0x4A00  }
0x6: {  	s30 =	simm.s32 $0x1;
	s31 =	simm.s32 $0x1AF00;
	[smem:$0x7FF] =	sst s7  }
0x7: {  	s8 =	sadd.s32 $0x3200, s0;
	s9 =	sadd.s32 $0x15A00, s0;
	s10 =	sadd.s32 $0xC600, s0  }
0x8: {  	s11 =	sadd.s32 $0x1EE00, s0;
	s3 =	sand.u32 $0x1, s3;
	s4 =	smul.u32 $0x42000, s12  }
0x9: {  	s6 =	sadd.s32 $0x28200, s0;
	s0 =	sadd.s32 $0xEE200, s0;
	s22 =	smul.u32 $0x210, s12  }
0xa: {  	s23 =	sshrl.u32 s12, $0x3;
	_ =	strace $0x80000047;
	[dreg:$0x8] =	wrdreg s6  }
0xb: {  	s25 =	sshll.u32 s12, $0x7;
	[dreg:$0x9] =	wrdreg s0;
	s19 =	smul.u32 $0x3, s3  }
0xc: {  	s18 =	ssub.s32 $0x2, s3;
	s3 =	smul.u32 $0x63000, s23;
	s23 =	simm.s32 $0xA600  }
0xd: {  	s20 =	sshrl.u32 s18, $0x1;
	s21 =	sshrl.u32 s4, $0x2;
	s4 =	sand.u32 $0x380, s25  }
0xe: {  	[dreg:$0xa] =	wrdreg s22;
	s25 =	simm.s32 $0x2;
	s3 =	sor.u32 s4, s3  }
0xf: {  	s0 =	ssub.s32 s18, s20;
	s16 =	sadd.s32 s21, s5;
	[dreg:$0xf] =	wrdreg s3  }
.Ltmp0:
0x10: {  	s24 =	sadd.s32 $0xC000, s16;
	[dreg:$0xb] =	wrdreg s16;
	(pc) =	sbr.rel .LBB2_1-.Ltmp0, $4  }
0x11: {  	s21 =	smul.u32 $0x4980, s12;
	s26 =	sadd.s32 $0x10000, s16;
	[dreg:$0xd] =	wrdreg s24  }
0x12: {  	s20 =	sadd.s32 $0x4000, s16;
	s0 =	smax.u32 s0, $0x1;
	[dreg:$0xe] =	wrdreg s26  }
0x13: {  	v0 =	vimm.f32 $0.0e+00;
	v1 =	vimm.s32 $0x0;
	s22 =	sadd.s32 $0x8000, s16;
	[dreg:$0x10] =	wrdreg s0;
	s24 =	simm.s32 $0x6600  }
0x14: {  	v2 =	vlaneseq.u32;
	v3 =	vimm.s32 $0x2100;
	v4 =	vimm.f32 $1.000000000e+00;
	s26 =	simm.s32 $0x1880;
	s0 =	simm.s32 $0x80;
	[dreg:$0xc] =	wrdreg s22  }
.LBB2_30:
0x15: {  	s7 =	rddreg [dreg:$0x7]  }
0x16: {  	s3 =	rddreg [dreg:$0x10];
	s7 =	sadd.s32 $0x1, s7  }
0x17: {  	p0 =	sne.s32 s7, s3  }
.Ltmp1:
0x18: {  	_ = 	snop;
	(pc) =	sbr.rel @!p0 .LBB2_31-.Ltmp1, $1  }
0x19: {  	_ =	sdelay $0x3  }
.LBB2_1:
.Ltmp2:
0x1a: {  	(pc) =	sbr.rel .LBB2_2-.Ltmp2, $2  }
0x1b: {  	_ =	sdelay $0x2  }
0x1c: {  	[dreg:$0x7] =	wrdreg s7;
	s7 =	simm.s32 $0x0  }
.LBB2_15:
0x1d: {  	s4 =	smul.u32 $0x10800, s4  }
0x1e: {  	s6 =	rddreg [dreg:$0xf]  }
0x1f: {  	s4 =	sadd.s32 s6, s4  }
0x20: {  	s13 =	rddreg [dreg:$0x3];
	s4 =	sshrl.u32 s4, $0x3  }
0x21: {  	s14 =	simm.s32 $0x400;
	s4 =	sadd.s32 s13, s4  }
0x22: {  	[hbm4b:s4+s0] =	stream.strided.scatter [tilespmem:s31], [sflag:$0x2], $0x2100, s14, s0, $0x38;
	[tilespmem:$0x1D080] =	vst v63  }
0x23: {  	_ =	swait.ge [sflag:s25], $0x2100  }
0x24: {  	s17 =	stileid.u32;
	[sflag:s25] =	ssyncset.done $0x0  }
0x25: {  	s7 =	sadd.s32 $0x1, s7;
	s15 =	rddreg [dreg:$0xa];
	[sflag:s25] =	ssyncadd.s32 $0xFFFFDF00  }
0x26: {  	p0 =	sne.s32 s7, $0x3;
	s3 =	sadd.s32 s15, s3;
	[bflag:$0x0] =	sbarrier.arrive $0xFFFF  }
0x27: {  	s4 =	sshll.u32 s17, $0x6;
	s3 =	sshll.u32 s3, $0x4;
	s18 =	rddreg [dreg:$0x8]  }
0x28: {  	s6 =	sadd.s32 s18, s3;
	s3 =	sor.u32 $0x1C02, s4;
	s4 =	sshrl.u32 s16, $0x3  }
0x29: {  	[hbm:s6], [sflag:s3] =	dma.local [spmem:s4], $0x2100  }
.Ltmp3:
0x2a: {  	_ =	swait.ge [sflag:s25], $0x2100;
	(pc) =	sbr.rel @!p0 .LBB2_16-.Ltmp3, $4  }
0x2b: {  	[sflag:s25] =	ssyncset.done $0x0  }
0x2c: {  	[sflag:s25] =	ssyncadd.s32 $0xFFFFDF00  }
0x2d: {  	[bflag:$0x0] =	sbarrier.arrive $0xFFFF  }
0x2e: {  	s12 =	simm.s32 $0x0  }
.LBB2_2:
0x2f: {  	s3 =	simm.s32 $0x0;
	s4 =	simm.s32 $0x200  }
.LBB2_3:
0x30: {  	p0 =	sne.s32 s4, $0xFE00;
	[tilespmem:s3+$0x6670] =	vst v0  }
0x31: {  	[tilespmem:s3+$0x6600] =	vst v0  }
0x32: {  	[tilespmem:s3+$0x6610] =	vst v0  }
.Ltmp4:
0x33: {  	[tilespmem:s3+$0x6620] =	vst v0;
	(pc) =	sbr.rel @p0 .LBB2_3-.Ltmp4, $4  }
0x34: {  	[tilespmem:s3+$0x6630] =	vst v0  }
0x35: {  	[tilespmem:s3+$0x6640] =	vst v0  }
0x36: {  	[tilespmem:s3+$0x6650] =	vst v0  }
0x37: {  	[tilespmem:s3+$0x6660] =	vst v0;
	s3 =	sshra.s32 s4, $0x2;
	s4 =	sadd.s32 $0x200, s4  }
0x38: {  	[tilespmem:s3+$0x6670] =	vst v0  }
0x39: {  	[tilespmem:s3+$0x6600] =	vst v0  }
0x3a: {  	[tilespmem:s3+$0x6610] =	vst v0  }
0x3b: {  	[tilespmem:s3+$0x6620] =	vst v0  }
0x3c: {  	[tilespmem:s3+$0x6630] =	vst v0  }
0x3d: {  	[tilespmem:s3+$0x6640] =	vst v0  }
0x3e: {  	[tilespmem:s3+$0x6650] =	vst v0  }
0x3f: {  	[tilespmem:s3+$0x6660] =	vst v0  }
0x40: {  	[spmem:s16] =	stream.linear.scatter [tilespmem:s24], [sflag:$0x2], $0x4000, $0x38;
	[tilespmem:$0x1D080] =	vst v63  }
0x41: {  	_ =	swait.ge [sflag:s25], $0x4000  }
0x42: {  	[sflag:s25] =	ssyncset.done $0x0  }
0x43: {  	[sflag:s25] =	ssyncadd.s32 $0xFFFFC000  }
0x44: {  	[spmem:s20] =	stream.linear.scatter [tilespmem:s24], [sflag:$0x2], $0x4000, $0x38;
	[tilespmem:$0x1D080] =	vst v63  }
0x45: {  	_ =	swait.ge [sflag:s25], $0x4000  }
0x46: {  	[sflag:s25] =	ssyncset.done $0x0  }
0x47: {  	[sflag:s25] =	ssyncadd.s32 $0xFFFFC000  }
0x48: {  	[spmem:s22] =	stream.linear.scatter [tilespmem:s24], [sflag:$0x2], $0x4000, $0x38;
	[tilespmem:$0x1D080] =	vst v63  }
0x49: {  	_ =	swait.ge [sflag:s25], $0x4000  }
0x4a: {  	[sflag:s25] =	ssyncset.done $0x0  }
0x4b: {  	s17 =	rddreg [dreg:$0xd];
	[sflag:s25] =	ssyncadd.s32 $0xFFFFC000  }
0x4c: {  	[spmem:s17] =	stream.linear.scatter [tilespmem:s24], [sflag:$0x2], $0x4000, $0x38;
	[tilespmem:$0x1D080] =	vst v63  }
0x4d: {  	_ =	swait.ge [sflag:s25], $0x4000  }
0x4e: {  	[sflag:s25] =	ssyncset.done $0x0  }
0x4f: {  	s18 =	rddreg [dreg:$0xe];
	[sflag:s25] =	ssyncadd.s32 $0xFFFFC000  }
0x50: {  	[spmem:s18] =	stream.linear.scatter [tilespmem:s24], [sflag:$0x2], $0x800, $0x38;
	[tilespmem:$0x1D080] =	vst v63  }
0x51: {  	_ =	swait.ge [sflag:s25], $0x800  }
0x52: {  	[sflag:s25] =	ssyncset.done $0x0  }
0x53: {  	[sflag:s25] =	ssyncadd.s32 $0xFFFFF800  }
0x54: {  	s3 =	simm.s32 $0x40;
	s4 =	simm.s32 $0x0;
	[bflag:$0x0] =	sbarrier.arrive $0xFFFF  }
.LBB2_5:
0x55: {  	p0 =	seq.s32 s3, $0x8400;
	[tilespmem:s4+$0x1AF00] =	vst v0;
	s4 =	smov.u32 s3;
	s3 =	sadd.s32 $0x40, s3  }
.Ltmp5:
0x56: {  	(pc) =	sbr.rel @!p0 .LBB2_5-.Ltmp5, $2  }
0x57: {  	_ =	sdelay $0x2  }
0x58: {  	s4 =	sshra.s32 s4, $0x2  }
.Ltmp6:
0x59: {  	[tilespmem:s4+$0x1AF00] =	vst v0;
	s4 =	sadd.s32 s19, s7;
	(pc) =	sbr.rel .LBB2_7-.Ltmp6, $3  }
0x5a: {  	s3 =	smul.u32 $0x2100, s4;
	_ =	sdelay $0x1  }
0x5b: {  	s6 =	sadd.s32 $0x2100, s3  }
0x5c: {  	s12 =	simm.s32 $0x0;
	v5 =	vmov s3;
	v6 =	vmov s6;
	s6 =	simm.s32 $0x0  }
.LBB2_13:
0x5d: {  	[sflag:s25] =	ssyncadd.s32 $0xFFFFC000  }
.LBB2_14:
0x5e: {  	s6 =	sadd.s32 $0x1, s6  }
0x5f: {  	p0 =	sne.s32 s6, $0x3  }
.Ltmp7:
0x60: {  	_ = 	snop;
	(pc) =	sbr.rel @!p0 .LBB2_15-.Ltmp7, $1  }
0x61: {  	_ =	sdelay $0x3  }
.LBB2_7:
0x62: {  	s13 =	smul.u32 $0x1880, s6;
	_ =	sdelay $0x1  }
0x63: {  	s13 =	sadd.s32 s21, s13  }
0x64: {  	s13 =	sshrl.u32 s13, $0x3  }
0x65: {  	s14 =	sadd.s32 s8, s13  }
0x66: {  	[tilespmem:s12], [sflag:$0x2] =	stream.linear.gather [hbm4b:s14+s12], $0x1880, $0x38;
	[tilespmem:$0x1D080] =	vst v63  }
0x67: {  	_ =	swait.ge [sflag:s25], $0x1880  }
0x68: {  	[sflag:s25] =	ssyncset.done $0x0  }
0x69: {  	s13 =	sadd.s32 s9, s13;
	[sflag:s25] =	ssyncadd.s32 $0xFFFFE780  }
0x6a: {  	[tilespmem:s26], [sflag:$0x2] =	stream.linear.gather [hbm4b:s13+s12], $0x1880, $0x38;
	[tilespmem:$0x1D080] =	vst v63  }
0x6b: {  	_ =	swait.ge [sflag:s25], $0x1880  }
0x6c: {  	[sflag:s25] =	ssyncset.done $0x0  }
0x6d: {  	s15 =	simm.s32 $0x0;
	[sflag:s25] =	ssyncadd.s32 $0xFFFFE780  }
0x6e: {  	v7 =	vld [tilespmem:s15+$0x1880];
	_ =	sdelay $0x4  }
0x6f: {  	vm0 =	vge.s32 v7, v5;
	vm1 =	vlt.s32 v7, v6  }
0x70: {  	vm0 =	vmand vm0, vm1  }
0x71: {  	v8 =	vsel vm0, $0x1, v1  }
0x72: {  	(xrf0) =	vadd.scan.msk.s32 $0xffff, v8;
	_ =	sdelay $0x2  }
0x73: {  	s17 =	simm.s32 $0x80;
	s14 =	simm.s32 $0x40;
	s13 =	simm.s32 $0x0  }
.LBB2_8:
0x74: {  	p0 =	sne.s32 s17, $0x61C0  }
0x75: {  	v8 =	vsel vm0, $0xFFFFFFFF, v1  }
0x76: {  	v8 =	vadd.s32 s13, v8;
	v9, _, _ =	vpop (xrf0)  }
0x77: {  	v10 =	vld [tilespmem:s15+$0x0];
	v8 =	vadd.s32 v9, v8;
	(v2sf) =	vpush v9, $0xF;
	_ =	sdelay $0x4  }
0x78: {  	v7 =	vsub.s32 v7, v5;
	[tilespmem:v8+s28+$0x0] =	vst.idx.msk vm0, v10  }
0x79: {  	s15 =	sshra.s32 s14, $0x2;
	s14 =	smov.u32 s17;
	[tilespmem:v8+s29+$0x0] =	vst.idx.msk vm0, v7  }
0x7a: {  	v7 =	vld [tilespmem:s15+$0x1880];
	_ =	sdelay $0x4  }
0x7b: {  	vm0 =	vge.s32 v7, v5;
	vm1 =	vlt.s32 v7, v6  }
0x7c: {  	vm0 =	vmand vm0, vm1  }
.Ltmp8:
0x7d: {  	v8 =	vsel vm0, $0x1, v1;
	(pc) =	sbr.rel @p0 .LBB2_8-.Ltmp8, $3  }
0x7e: {  	(xrf0) =	vadd.scan.msk.s32 $0xffff, v8;
	s18 =	spop (v2sf)  }
0x7f: {  	s13 =	sadd.s32 s13, s18;
	_ =	sdelay $0x1  }
0x80: {  	s17 =	sadd.s32 $0x40, s17  }
0x81: {  	_ = 	snop  }
0x82: {  	v8 =	vsel vm0, $0xFFFFFFFF, v1  }
0x83: {  	v8 =	vadd.s32 s13, v8;
	v9, _, _ =	vpop (xrf0)  }
0x84: {  	v10 =	vld [tilespmem:s15+$0x0];
	v8 =	vadd.s32 v9, v8;
	_ =	sdelay $0x4  }
0x85: {  	v7 =	vsub.s32 v7, v5;
	[tilespmem:v8+s28+$0x0] =	vst.idx.msk vm0, v10  }
0x86: {  	s14 =	sshra.s32 s14, $0x2;
	[tilespmem:v8+s29+$0x0] =	vst.idx.msk vm0, v7  }
0x87: {  	v7 =	vld [tilespmem:s14+$0x1880];
	_ =	sdelay $0x4  }
0x88: {  	vm15 =	vge.s32 v7, v5;
	vm1 =	vlt.s32 v7, v6  }
0x89: {  	vm0 =	vmand vm15, vm1  }
0x8a: {  	v8 =	vsel vm0, $0x1, v1  }
0x8b: {  	(xrf0) =	vadd.scan.msk.s32 $0xffff, v8;
	_ =	sdelay $0x3  }
0x8c: {  	(v2sf) =	vpush v9, $0xF;
	_ =	sdelay $0x1  }
0x8d: {  	v8, _, _ =	vpop (xrf0)  }
0x8e: {  	(v2sf) =	vpush v8, $0xF;
	_ =	sdelay $0xb  }
0x8f: {  	s18 =	spop (v2sf)  }
0x90: {  	v60 =	vsel vm0, $0xFFFFFFFF, v1;
	s15 =	sadd.s32 s13, s18  }
0x91: {  	v9 =	vadd.s32 s15, v60  }
0x92: {  	v10 =	vld [tilespmem:s14+$0x0];
	v8 =	vadd.s32 v8, v9;
	s17 =	spop (v2sf)  }
0x93: {  	s13 =	sadd.s32 s15, s17  }
0x94: {  	v61 =	vadd.s32 s13, v2  }
0x95: {  	s14 =	sadd.s32 $0x10, s13  }
0x96: {  	v11 =	vadd.s32 s14, v2  }
0x97: {  	v7 =	vsub.s32 v7, v5;
	[tilespmem:v8+s28+$0x0] =	vst.idx.msk vm0, v10;
	s18 =	sadd.s32 $0x20, s13  }
0x98: {  	[tilespmem:v8+s29+$0x0] =	vst.idx.msk vm0, v7;
	v7 =	vadd.s32 s18, v2  }
0x99: {  	s15 =	sadd.s32 $0x30, s13;
	[tilespmem:v61+s28+$0x0] =	vst.idx.msk $0xffff, v1  }
0x9a: {  	v8 =	vadd.s32 s15, v2;
	[tilespmem:v61+s29+$0x0] =	vst.idx.msk $0xffff, v3  }
0x9b: {  	s17 =	sadd.s32 $0x40, s13;
	[tilespmem:v11+s28+$0x0] =	vst.idx.msk $0xffff, v1  }
0x9c: {  	v62 =	vadd.s32 s17, v2;
	s18 =	sadd.s32 $0x50, s13;
	s14 =	sadd.s32 $0x7F, s13;
	[tilespmem:v11+s29+$0x0] =	vst.idx.msk $0xffff, v3  }
0x9d: {  	s15 =	sadd.s32 $0x60, s13;
	s13 =	sadd.s32 $0x70, s13;
	s17 =	sand.u32 $0x7F, s14;
	[tilespmem:v7+s28+$0x0] =	vst.idx.msk $0xffff, v1  }
0x9e: {  	p0 =	slt.s32 s14, $0x1;
	p1 =	sne.s32 s17, $0x0;
	[tilespmem:v7+s29+$0x0] =	vst.idx.msk $0xffff, v3;
	v7 =	vadd.s32 s18, v2;
	s18 =	sshra.s32 s14, $0x1F  }
0x9f: {  	v63 =	vadd.s32 s13, v2;
	p0 =	por !p0, !p1;
	[tilespmem:v8+s28+$0x0] =	vst.idx.msk $0xffff, v1;
	s13 =	sshrl.u32 s18, $0x19  }
0xa0: {  	p0 =	por !p0, !p0;
	[tilespmem:v8+s29+$0x0] =	vst.idx.msk $0xffff, v3;
	v8 =	vadd.s32 s15, v2;
	s13 =	sadd.s32 s13, s14;
	s14 =	simm.s32 $0x1  }
0xa1: {  	[tilespmem:v62+s28+$0x0] =	vst.idx.msk $0xffff, v1;
	s13 =	sshra.s32 s13, $0x7;
	s14 =	simm.s32 @!p0 $0x0  }
0xa2: {  	[tilespmem:v62+s29+$0x0] =	vst.idx.msk $0xffff, v3;
	s15 =	ssub.s32 s13, s14  }
0xa3: {  	[tilespmem:v7+s28+$0x0] =	vst.idx.msk $0xffff, v1;
	p0 =	slt.s32 s15, $0x1  }
.Ltmp9:
0xa4: {  	[tilespmem:v7+s29+$0x0] =	vst.idx.msk $0xffff, v3;
	(pc) =	sbr.rel @p0 .LBB2_14-.Ltmp9, $4  }
0xa5: {  	[tilespmem:v8+s28+$0x0] =	vst.idx.msk $0xffff, v1  }
0xa6: {  	[tilespmem:v8+s29+$0x0] =	vst.idx.msk $0xffff, v3  }
0xa7: {  	[tilespmem:v63+s28+$0x0] =	vst.idx.msk $0xffff, v1  }
0xa8: {  	s13 =	simm.s32 $0x4A40;
	s14 =	simm.s32 $0x4A40;
	s17 =	smov.u32 s15;
	[tilespmem:v63+s29+$0x0] =	vst.idx.msk $0xffff, v3  }
.LBB2_10:
0xa9: {  	v7 =	vld [tilespmem:s14+$0xFFFFFFC0];
	_ =	sdelay $0x7  }
0xaa: {  	[tilespmem:v7+s31+$0x0] =	vst.idx.add.f32.msk $0xffff, v4  }
0xab: {  	v7 =	vld [tilespmem:s14+$0xFFFFFFD0];
	_ =	sdelay $0x7  }
0xac: {  	[tilespmem:v7+s31+$0x0] =	vst.idx.add.f32.msk $0xffff, v4  }
0xad: {  	v7 =	vld [tilespmem:s14+$0xFFFFFFE0];
	_ =	sdelay $0x7  }
0xae: {  	[tilespmem:v7+s31+$0x0] =	vst.idx.add.f32.msk $0xffff, v4  }
0xaf: {  	v7 =	vld [tilespmem:s14+$0xFFFFFFF0];
	_ =	sdelay $0x7  }
0xb0: {  	[tilespmem:v7+s31+$0x0] =	vst.idx.add.f32.msk $0xffff, v4  }
0xb1: {  	v7 =	vld [tilespmem:s14+$0x0];
	_ =	sdelay $0x7  }
0xb2: {  	[tilespmem:v7+s31+$0x0] =	vst.idx.add.f32.msk $0xffff, v4  }
0xb3: {  	v7 =	vld [tilespmem:s14+$0x10];
	_ =	sdelay $0x7  }
0xb4: {  	[tilespmem:v7+s31+$0x0] =	vst.idx.add.f32.msk $0xffff, v4  }
0xb5: {  	v7 =	vld [tilespmem:s14+$0x20];
	_ =	sdelay $0x7  }
0xb6: {  	[tilespmem:v7+s31+$0x0] =	vst.idx.add.f32.msk $0xffff, v4  }
0xb7: {  	v7 =	vld [tilespmem:s14+$0x30];
	_ =	sdelay $0x2  }
0xb8: {  	p0 =	sne.s32 s17, $0x1  }
.Ltmp10:
0xb9: {  	_ = 	snop;
	(pc) =	sbr.rel @p0 .LBB2_10-.Ltmp10, $2  }
0xba: {  	_ =	sdelay $0x2  }
0xbb: {  	s17 =	sadd.s32 $0xFFFFFFFF, s17;
	s14 =	sadd.s32 $0x80, s14;
	[tilespmem:v7+s31+$0x0] =	vst.idx.add.f32.msk $0xffff, v4  }
0xbc: {  	s14 =	simm.s32 $0x3100  }
0xbd: {  	[tilespmem:s24], [sflag:$0x1] =	stream.indirect.gather [hbm4b:s1+s0], $0x80, s14, s0, $0xb8;
	[tilespmem:$0x1D080] =	vst v63  }
0xbe: {  	_ =	swait.ge [sflag:s30], $0x4000  }
0xbf: {  	[sflag:s30] =	ssyncset.done $0x0  }
0xc0: {  	[sflag:s30] =	ssyncadd.s32 $0xFFFFC000  }
0xc1: {  	v7 =	vld [tilespmem:s13+$0xFFFFFFC0];
	_ =	sdelay $0x4  }
0xc2: {  	[tilespmem:$0xA600] =	vst v7  }
0xc3: {  	v7 =	vld [tilespmem:s13+$0xFFFFFFD0];
	_ =	sdelay $0x4  }
0xc4: {  	[tilespmem:$0xA610] =	vst v7  }
0xc5: {  	v7 =	vld [tilespmem:s13+$0xFFFFFFE0];
	_ =	sdelay $0x4  }
0xc6: {  	[tilespmem:$0xA620] =	vst v7  }
0xc7: {  	v7 =	vld [tilespmem:s13+$0xFFFFFFF0];
	_ =	sdelay $0x4  }
0xc8: {  	[tilespmem:$0xA630] =	vst v7  }
0xc9: {  	v7 =	vld [tilespmem:s13+$0x0];
	_ =	sdelay $0x4  }
0xca: {  	[tilespmem:$0xA640] =	vst v7  }
0xcb: {  	v7 =	vld [tilespmem:s13+$0x10];
	_ =	sdelay $0x4  }
0xcc: {  	[tilespmem:$0xA650] =	vst v7  }
0xcd: {  	v7 =	vld [tilespmem:s13+$0x20];
	_ =	sdelay $0x4  }
0xce: {  	[tilespmem:$0xA660] =	vst v7  }
0xcf: {  	v7 =	vld [tilespmem:s13+$0x30];
	_ =	sdelay $0x2  }
0xd0: {  	p0 =	sne.s32 s15, $0x1  }
.Ltmp11:
0xd1: {  	_ = 	snop;
	(pc) =	sbr.rel @!p0 .LBB2_13-.Ltmp11, $4  }
0xd2: {  	[tilespmem:$0xA670] =	vst v7  }
0xd3: {  	[spmem:s5] =	stream.indirect.scatter.add.f32 [tilespmem:s24], [sflag:$0x2], $0x80, s23, s0, $0xb8;
	[tilespmem:$0x1D080] =	vst v63  }
0xd4: {  	_ =	swait.ge [sflag:s25], $0x4000  }
0xd5: {  	s15 =	sadd.s32 $0xFFFFFFFF, s15;
	[sflag:s25] =	ssyncset.done $0x0  }
.LBB2_12:
0xd6: {  	[sflag:s25] =	ssyncadd.s32 $0xFFFFC000;
	s14 =	sadd.s32 $0x80, s14;
	s13 =	sadd.s32 $0x80, s13  }
0xd7: {  	[tilespmem:s24], [sflag:$0x1] =	stream.indirect.gather [hbm4b:s1+s0], $0x80, s14, s0, $0xb8;
	[tilespmem:$0x1D080] =	vst v63  }
0xd8: {  	p0 =	sne.s32 s15, $0x1;
	s15 =	sadd.s32 $0xFFFFFFFF, s15;
	_ =	swait.ge [sflag:s30], $0x4000  }
0xd9: {  	[sflag:s30] =	ssyncset.done $0x0  }
0xda: {  	[sflag:s30] =	ssyncadd.s32 $0xFFFFC000  }
0xdb: {  	v7 =	vld [tilespmem:s13+$0xFFFFFFC0];
	_ =	sdelay $0x4  }
0xdc: {  	[tilespmem:$0xA600] =	vst v7  }
0xdd: {  	v7 =	vld [tilespmem:s13+$0xFFFFFFD0];
	_ =	sdelay $0x4  }
0xde: {  	[tilespmem:$0xA610] =	vst v7  }
0xdf: {  	v7 =	vld [tilespmem:s13+$0xFFFFFFE0];
	_ =	sdelay $0x4  }
0xe0: {  	[tilespmem:$0xA620] =	vst v7  }
0xe1: {  	v7 =	vld [tilespmem:s13+$0xFFFFFFF0];
	_ =	sdelay $0x4  }
0xe2: {  	[tilespmem:$0xA630] =	vst v7  }
0xe3: {  	v7 =	vld [tilespmem:s13+$0x0];
	_ =	sdelay $0x4  }
0xe4: {  	[tilespmem:$0xA640] =	vst v7  }
0xe5: {  	v7 =	vld [tilespmem:s13+$0x10];
	_ =	sdelay $0x4  }
0xe6: {  	[tilespmem:$0xA650] =	vst v7  }
0xe7: {  	v7 =	vld [tilespmem:s13+$0x20];
	_ =	sdelay $0x4  }
0xe8: {  	[tilespmem:$0xA660] =	vst v7  }
0xe9: {  	v7 =	vld [tilespmem:s13+$0x30];
	_ =	sdelay $0x3  }
.Ltmp12:
0xea: {  	(pc) =	sbr.rel @p0 .LBB2_12-.Ltmp12, $4  }
0xeb: {  	[tilespmem:$0xA670] =	vst v7  }
0xec: {  	[spmem:s5] =	stream.indirect.scatter.add.f32 [tilespmem:s24], [sflag:$0x2], $0x80, s23, s0, $0xb8;
	[tilespmem:$0x1D080] =	vst v63  }
0xed: {  	_ =	swait.ge [sflag:s25], $0x4000  }
0xee: {  	[sflag:s25] =	ssyncset.done $0x0  }
.Ltmp13:
0xef: {  	_ = 	snop;
	(pc) =	sbr.rel .LBB2_13-.Ltmp13, $1  }
0xf0: {  	_ =	sdelay $0x3  }
.LBB2_29:
0xf1: {  	s6 =	smul.u32 $0x10800, s13  }
0xf2: {  	s15 =	rddreg [dreg:$0xf]  }
0xf3: {  	s6 =	sadd.s32 s15, s6  }
0xf4: {  	s17 =	rddreg [dreg:$0x4];
	s6 =	sshrl.u32 s6, $0x3  }
0xf5: {  	s18 =	simm.s32 $0x400;
	s6 =	sadd.s32 s17, s6  }
0xf6: {  	[hbm4b:s6+s0] =	stream.strided.scatter [tilespmem:s31], [sflag:$0x2], $0x2100, s18, s0, $0x38;
	[tilespmem:$0x1D080] =	vst v63  }
0xf7: {  	_ =	swait.ge [sflag:s25], $0x2100  }
0xf8: {  	[sflag:s25] =	ssyncset.done $0x0  }
0xf9: {  	s19 =	rddreg [dreg:$0xa];
	[sflag:s25] =	ssyncadd.s32 $0xFFFFDF00  }
0xfa: {  	s6 =	sadd.s32 s19, s7;
	[bflag:$0x0] =	sbarrier.arrive $0xFFFF  }
0xfb: {  	s6 =	sshll.u32 s6, $0x4;
	s20 =	rddreg [dreg:$0x9]  }
0xfc: {  	s12 =	sadd.s32 $0x1, s12;
	s6 =	sadd.s32 s20, s6  }
0xfd: {  	[hbm:s6], [sflag:s3] =	dma.local [spmem:s4], $0x2100  }
0xfe: {  	p0 =	sne.s32 s12, $0x3;
	_ =	swait.ge [sflag:s25], $0x2100  }
.Ltmp14:
0xff: {  	[sflag:s25] =	ssyncset.done $0x0;
	(pc) =	sbr.rel @!p0 .LBB2_30-.Ltmp14, $4  }
0x100: {  	[sflag:s25] =	ssyncadd.s32 $0xFFFFDF00  }
0x101: {  	[bflag:$0x0] =	sbarrier.arrive $0xFFFF  }
0x102: {  	s20 =	smov.u32 s16;
	s16 =	rddreg [dreg:$0xb]  }
0x103: {  	s19 =	smov.u32 s22;
	s22 =	rddreg [dreg:$0xc]  }
.LBB2_16:
0x104: {  	s6 =	simm.s32 $0x0;
	s7 =	simm.s32 $0x200  }
.LBB2_17:
0x105: {  	p0 =	sne.s32 s7, $0xFE00;
	[tilespmem:s6+$0x6670] =	vst v0  }
0x106: {  	[tilespmem:s6+$0x6600] =	vst v0  }
0x107: {  	[tilespmem:s6+$0x6610] =	vst v0  }
.Ltmp15:
0x108: {  	[tilespmem:s6+$0x6620] =	vst v0;
	(pc) =	sbr.rel @p0 .LBB2_17-.Ltmp15, $4  }
0x109: {  	[tilespmem:s6+$0x6630] =	vst v0  }
0x10a: {  	[tilespmem:s6+$0x6640] =	vst v0  }
0x10b: {  	[tilespmem:s6+$0x6650] =	vst v0  }
0x10c: {  	[tilespmem:s6+$0x6660] =	vst v0;
	s6 =	sshra.s32 s7, $0x2;
	s7 =	sadd.s32 $0x200, s7  }
0x10d: {  	[tilespmem:s6+$0x6670] =	vst v0  }
0x10e: {  	[tilespmem:s6+$0x6600] =	vst v0  }
0x10f: {  	[tilespmem:s6+$0x6610] =	vst v0  }
0x110: {  	[tilespmem:s6+$0x6620] =	vst v0  }
0x111: {  	[tilespmem:s6+$0x6630] =	vst v0  }
0x112: {  	[tilespmem:s6+$0x6640] =	vst v0  }
0x113: {  	[tilespmem:s6+$0x6650] =	vst v0  }
0x114: {  	[tilespmem:s6+$0x6660] =	vst v0  }
0x115: {  	[spmem:s16] =	stream.linear.scatter [tilespmem:s24], [sflag:$0x2], $0x4000, $0x38;
	[tilespmem:$0x1D080] =	vst v63  }
0x116: {  	_ =	swait.ge [sflag:s25], $0x4000  }
0x117: {  	[sflag:s25] =	ssyncset.done $0x0  }
0x118: {  	[sflag:s25] =	ssyncadd.s32 $0xFFFFC000  }
0x119: {  	[spmem:s20] =	stream.linear.scatter [tilespmem:s24], [sflag:$0x2], $0x4000, $0x38;
	[tilespmem:$0x1D080] =	vst v63  }
0x11a: {  	_ =	swait.ge [sflag:s25], $0x4000  }
0x11b: {  	[sflag:s25] =	ssyncset.done $0x0  }
0x11c: {  	[sflag:s25] =	ssyncadd.s32 $0xFFFFC000  }
0x11d: {  	[spmem:s22] =	stream.linear.scatter [tilespmem:s24], [sflag:$0x2], $0x4000, $0x38;
	[tilespmem:$0x1D080] =	vst v63  }
0x11e: {  	_ =	swait.ge [sflag:s25], $0x4000  }
0x11f: {  	[sflag:s25] =	ssyncset.done $0x0  }
0x120: {  	s18 =	rddreg [dreg:$0xd];
	[sflag:s25] =	ssyncadd.s32 $0xFFFFC000  }
0x121: {  	[spmem:s18] =	stream.linear.scatter [tilespmem:s24], [sflag:$0x2], $0x4000, $0x38;
	[tilespmem:$0x1D080] =	vst v63  }
0x122: {  	_ =	swait.ge [sflag:s25], $0x4000  }
0x123: {  	[sflag:s25] =	ssyncset.done $0x0  }
0x124: {  	s22 =	rddreg [dreg:$0xe];
	[sflag:s25] =	ssyncadd.s32 $0xFFFFC000  }
0x125: {  	[spmem:s22] =	stream.linear.scatter [tilespmem:s24], [sflag:$0x2], $0x800, $0x38;
	[tilespmem:$0x1D080] =	vst v63  }
0x126: {  	_ =	swait.ge [sflag:s25], $0x800  }
0x127: {  	[sflag:s25] =	ssyncset.done $0x0  }
0x128: {  	[sflag:s25] =	ssyncadd.s32 $0xFFFFF800  }
0x129: {  	s6 =	simm.s32 $0x40;
	s7 =	simm.s32 $0x0;
	[bflag:$0x0] =	sbarrier.arrive $0xFFFF  }
.LBB2_19:
0x12a: {  	p0 =	seq.s32 s6, $0x8400;
	[tilespmem:s7+$0x1AF00] =	vst v0;
	s7 =	smov.u32 s6;
	s6 =	sadd.s32 $0x40, s6  }
.Ltmp16:
0x12b: {  	(pc) =	sbr.rel @!p0 .LBB2_19-.Ltmp16, $2  }
0x12c: {  	_ =	sdelay $0x2  }
0x12d: {  	s7 =	sshra.s32 s7, $0x2  }
.Ltmp17:
0x12e: {  	s13 =	sadd.s32 s19, s12;
	(pc) =	sbr.rel .LBB2_21-.Ltmp17, $3  }
0x12f: {  	[tilespmem:s7+$0x1AF00] =	vst v0;
	s7 =	smul.u32 $0x2100, s13;
	_ =	sdelay $0x1  }
0x130: {  	s16 =	smov.u32 s20;
	s6 =	sadd.s32 $0x2100, s7  }
0x131: {  	s22 =	smov.u32 s19;
	s14 =	simm.s32 $0x0;
	v5 =	vmov s7;
	v6 =	vmov s6;
	s6 =	simm.s32 $0x0  }
.LBB2_27:
0x132: {  	[sflag:s25] =	ssyncadd.s32 $0xFFFFC000  }
.LBB2_28:
0x133: {  	s14 =	sadd.s32 $0x1, s14  }
0x134: {  	p0 =	sne.s32 s14, $0x3  }
.Ltmp18:
0x135: {  	_ = 	snop;
	(pc) =	sbr.rel @!p0 .LBB2_29-.Ltmp18, $1  }
0x136: {  	_ =	sdelay $0x3  }
.LBB2_21:
0x137: {  	s15 =	smul.u32 $0x1880, s14;
	_ =	sdelay $0x1  }
0x138: {  	s15 =	sadd.s32 s21, s15  }
0x139: {  	s15 =	sshrl.u32 s15, $0x3  }
0x13a: {  	s17 =	sadd.s32 s10, s15  }
0x13b: {  	[tilespmem:s6], [sflag:$0x2] =	stream.linear.gather [hbm4b:s17+s6], $0x1880, $0x38;
	[tilespmem:$0x1D080] =	vst v63  }
0x13c: {  	_ =	swait.ge [sflag:s25], $0x1880  }
0x13d: {  	[sflag:s25] =	ssyncset.done $0x0  }
0x13e: {  	s15 =	sadd.s32 s11, s15;
	[sflag:s25] =	ssyncadd.s32 $0xFFFFE780  }
0x13f: {  	[tilespmem:s26], [sflag:$0x2] =	stream.linear.gather [hbm4b:s15+s6], $0x1880, $0x38;
	[tilespmem:$0x1D080] =	vst v63  }
0x140: {  	_ =	swait.ge [sflag:s25], $0x1880  }
0x141: {  	[sflag:s25] =	ssyncset.done $0x0  }
0x142: {  	s18 =	simm.s32 $0x0;
	[sflag:s25] =	ssyncadd.s32 $0xFFFFE780  }
0x143: {  	v7 =	vld [tilespmem:s18+$0x1880];
	_ =	sdelay $0x4  }
0x144: {  	vm0 =	vge.s32 v7, v5;
	vm1 =	vlt.s32 v7, v6  }
0x145: {  	vm0 =	vmand vm0, vm1  }
0x146: {  	v8 =	vsel vm0, $0x1, v1  }
0x147: {  	(xrf0) =	vadd.scan.msk.s32 $0xffff, v8;
	_ =	sdelay $0x2  }
0x148: {  	s19 =	simm.s32 $0x80;
	s17 =	simm.s32 $0x40;
	s15 =	simm.s32 $0x0  }
.LBB2_22:
0x149: {  	p0 =	sne.s32 s19, $0x61C0  }
0x14a: {  	v8 =	vsel vm0, $0xFFFFFFFF, v1  }
0x14b: {  	v8 =	vadd.s32 s15, v8;
	v9, _, _ =	vpop (xrf0)  }
0x14c: {  	v10 =	vld [tilespmem:s18+$0x0];
	v8 =	vadd.s32 v9, v8;
	(v2sf) =	vpush v9, $0xF;
	_ =	sdelay $0x4  }
0x14d: {  	v7 =	vsub.s32 v7, v5;
	[tilespmem:v8+s28+$0x0] =	vst.idx.msk vm0, v10  }
0x14e: {  	s18 =	sshra.s32 s17, $0x2;
	s17 =	smov.u32 s19;
	[tilespmem:v8+s29+$0x0] =	vst.idx.msk vm0, v7  }
0x14f: {  	v7 =	vld [tilespmem:s18+$0x1880];
	_ =	sdelay $0x4  }
0x150: {  	vm0 =	vge.s32 v7, v5;
	vm1 =	vlt.s32 v7, v6  }
0x151: {  	vm0 =	vmand vm0, vm1  }
.Ltmp19:
0x152: {  	v8 =	vsel vm0, $0x1, v1;
	(pc) =	sbr.rel @p0 .LBB2_22-.Ltmp19, $3  }
0x153: {  	(xrf0) =	vadd.scan.msk.s32 $0xffff, v8;
	s20 =	spop (v2sf)  }
0x154: {  	s15 =	sadd.s32 s15, s20;
	_ =	sdelay $0x1  }
0x155: {  	s19 =	sadd.s32 $0x40, s19  }
0x156: {  	_ = 	snop  }
0x157: {  	v8 =	vsel vm0, $0xFFFFFFFF, v1  }
0x158: {  	v8 =	vadd.s32 s15, v8;
	v9, _, _ =	vpop (xrf0)  }
0x159: {  	v10 =	vld [tilespmem:s18+$0x0];
	v8 =	vadd.s32 v9, v8;
	_ =	sdelay $0x4  }
0x15a: {  	v7 =	vsub.s32 v7, v5;
	[tilespmem:v8+s28+$0x0] =	vst.idx.msk vm0, v10  }
0x15b: {  	s17 =	sshra.s32 s17, $0x2;
	[tilespmem:v8+s29+$0x0] =	vst.idx.msk vm0, v7  }
0x15c: {  	v7 =	vld [tilespmem:s17+$0x1880];
	_ =	sdelay $0x4  }
0x15d: {  	vm15 =	vge.s32 v7, v5;
	vm1 =	vlt.s32 v7, v6  }
0x15e: {  	vm0 =	vmand vm15, vm1  }
0x15f: {  	v8 =	vsel vm0, $0x1, v1  }
0x160: {  	(xrf0) =	vadd.scan.msk.s32 $0xffff, v8;
	_ =	sdelay $0x3  }
0x161: {  	(v2sf) =	vpush v9, $0xF;
	_ =	sdelay $0x1  }
0x162: {  	v8, _, _ =	vpop (xrf0)  }
0x163: {  	(v2sf) =	vpush v8, $0xF;
	_ =	sdelay $0xb  }
0x164: {  	s20 =	spop (v2sf)  }
0x165: {  	v60 =	vsel vm0, $0xFFFFFFFF, v1;
	s18 =	sadd.s32 s15, s20  }
0x166: {  	v9 =	vadd.s32 s18, v60  }
0x167: {  	v10 =	vld [tilespmem:s17+$0x0];
	v8 =	vadd.s32 v8, v9;
	s19 =	spop (v2sf)  }
0x168: {  	s15 =	sadd.s32 s18, s19  }
0x169: {  	v61 =	vadd.s32 s15, v2  }
0x16a: {  	s17 =	sadd.s32 $0x10, s15  }
0x16b: {  	v11 =	vadd.s32 s17, v2  }
0x16c: {  	v7 =	vsub.s32 v7, v5;
	[tilespmem:v8+s28+$0x0] =	vst.idx.msk vm0, v10;
	s20 =	sadd.s32 $0x20, s15  }
0x16d: {  	[tilespmem:v8+s29+$0x0] =	vst.idx.msk vm0, v7;
	v7 =	vadd.s32 s20, v2  }
0x16e: {  	s18 =	sadd.s32 $0x30, s15;
	[tilespmem:v61+s28+$0x0] =	vst.idx.msk $0xffff, v1  }
0x16f: {  	v8 =	vadd.s32 s18, v2;
	[tilespmem:v61+s29+$0x0] =	vst.idx.msk $0xffff, v3  }
0x170: {  	s19 =	sadd.s32 $0x40, s15;
	[tilespmem:v11+s28+$0x0] =	vst.idx.msk $0xffff, v1  }
0x171: {  	v62 =	vadd.s32 s19, v2;
	s20 =	sadd.s32 $0x50, s15;
	s17 =	sadd.s32 $0x7F, s15;
	[tilespmem:v11+s29+$0x0] =	vst.idx.msk $0xffff, v3  }
0x172: {  	s18 =	sadd.s32 $0x60, s15;
	s15 =	sadd.s32 $0x70, s15;
	s19 =	sand.u32 $0x7F, s17;
	[tilespmem:v7+s28+$0x0] =	vst.idx.msk $0xffff, v1  }
0x173: {  	p0 =	slt.s32 s17, $0x1;
	p1 =	sne.s32 s19, $0x0;
	[tilespmem:v7+s29+$0x0] =	vst.idx.msk $0xffff, v3;
	v7 =	vadd.s32 s20, v2;
	s20 =	sshra.s32 s17, $0x1F  }
0x174: {  	v63 =	vadd.s32 s15, v2;
	p0 =	por !p0, !p1;
	[tilespmem:v8+s28+$0x0] =	vst.idx.msk $0xffff, v1;
	s15 =	sshrl.u32 s20, $0x19  }
0x175: {  	p0 =	por !p0, !p0;
	[tilespmem:v8+s29+$0x0] =	vst.idx.msk $0xffff, v3;
	v8 =	vadd.s32 s18, v2;
	s15 =	sadd.s32 s15, s17;
	s17 =	simm.s32 $0x1  }
0x176: {  	[tilespmem:v62+s28+$0x0] =	vst.idx.msk $0xffff, v1;
	s15 =	sshra.s32 s15, $0x7;
	s17 =	simm.s32 @!p0 $0x0  }
0x177: {  	[tilespmem:v62+s29+$0x0] =	vst.idx.msk $0xffff, v3;
	s18 =	ssub.s32 s15, s17  }
0x178: {  	[tilespmem:v7+s28+$0x0] =	vst.idx.msk $0xffff, v1;
	p0 =	slt.s32 s18, $0x1  }
.Ltmp20:
0x179: {  	[tilespmem:v7+s29+$0x0] =	vst.idx.msk $0xffff, v3;
	(pc) =	sbr.rel @p0 .LBB2_28-.Ltmp20, $4  }
0x17a: {  	[tilespmem:v8+s28+$0x0] =	vst.idx.msk $0xffff, v1  }
0x17b: {  	[tilespmem:v8+s29+$0x0] =	vst.idx.msk $0xffff, v3  }
0x17c: {  	[tilespmem:v63+s28+$0x0] =	vst.idx.msk $0xffff, v1  }
0x17d: {  	s15 =	simm.s32 $0x4A40;
	s17 =	simm.s32 $0x4A40;
	s19 =	smov.u32 s18;
	[tilespmem:v63+s29+$0x0] =	vst.idx.msk $0xffff, v3  }
.LBB2_24:
0x17e: {  	v7 =	vld [tilespmem:s17+$0xFFFFFFC0];
	_ =	sdelay $0x7  }
0x17f: {  	[tilespmem:v7+s31+$0x0] =	vst.idx.add.f32.msk $0xffff, v4  }
0x180: {  	v7 =	vld [tilespmem:s17+$0xFFFFFFD0];
	_ =	sdelay $0x7  }
0x181: {  	[tilespmem:v7+s31+$0x0] =	vst.idx.add.f32.msk $0xffff, v4  }
0x182: {  	v7 =	vld [tilespmem:s17+$0xFFFFFFE0];
	_ =	sdelay $0x7  }
0x183: {  	[tilespmem:v7+s31+$0x0] =	vst.idx.add.f32.msk $0xffff, v4  }
0x184: {  	v7 =	vld [tilespmem:s17+$0xFFFFFFF0];
	_ =	sdelay $0x7  }
0x185: {  	[tilespmem:v7+s31+$0x0] =	vst.idx.add.f32.msk $0xffff, v4  }
0x186: {  	v7 =	vld [tilespmem:s17+$0x0];
	_ =	sdelay $0x7  }
0x187: {  	[tilespmem:v7+s31+$0x0] =	vst.idx.add.f32.msk $0xffff, v4  }
0x188: {  	v7 =	vld [tilespmem:s17+$0x10];
	_ =	sdelay $0x7  }
0x189: {  	[tilespmem:v7+s31+$0x0] =	vst.idx.add.f32.msk $0xffff, v4  }
0x18a: {  	v7 =	vld [tilespmem:s17+$0x20];
	_ =	sdelay $0x7  }
0x18b: {  	[tilespmem:v7+s31+$0x0] =	vst.idx.add.f32.msk $0xffff, v4  }
0x18c: {  	v7 =	vld [tilespmem:s17+$0x30];
	_ =	sdelay $0x2  }
0x18d: {  	p0 =	sne.s32 s19, $0x1  }
.Ltmp21:
0x18e: {  	_ = 	snop;
	(pc) =	sbr.rel @p0 .LBB2_24-.Ltmp21, $2  }
0x18f: {  	_ =	sdelay $0x2  }
0x190: {  	s19 =	sadd.s32 $0xFFFFFFFF, s19;
	s17 =	sadd.s32 $0x80, s17;
	[tilespmem:v7+s31+$0x0] =	vst.idx.add.f32.msk $0xffff, v4  }
0x191: {  	s17 =	simm.s32 $0x3100  }
0x192: {  	[tilespmem:s24], [sflag:$0x1] =	stream.indirect.gather [hbm4b:s2+s0], $0x80, s17, s0, $0xb8;
	[tilespmem:$0x1D080] =	vst v63  }
0x193: {  	_ =	swait.ge [sflag:s30], $0x4000  }
0x194: {  	[sflag:s30] =	ssyncset.done $0x0  }
0x195: {  	[sflag:s30] =	ssyncadd.s32 $0xFFFFC000  }
0x196: {  	v7 =	vld [tilespmem:s15+$0xFFFFFFC0];
	_ =	sdelay $0x4  }
0x197: {  	[tilespmem:$0xA600] =	vst v7  }
0x198: {  	v7 =	vld [tilespmem:s15+$0xFFFFFFD0];
	_ =	sdelay $0x4  }
0x199: {  	[tilespmem:$0xA610] =	vst v7  }
0x19a: {  	v7 =	vld [tilespmem:s15+$0xFFFFFFE0];
	_ =	sdelay $0x4  }
0x19b: {  	[tilespmem:$0xA620] =	vst v7  }
0x19c: {  	v7 =	vld [tilespmem:s15+$0xFFFFFFF0];
	_ =	sdelay $0x4  }
0x19d: {  	[tilespmem:$0xA630] =	vst v7  }
0x19e: {  	v7 =	vld [tilespmem:s15+$0x0];
	_ =	sdelay $0x4  }
0x19f: {  	[tilespmem:$0xA640] =	vst v7  }
0x1a0: {  	v7 =	vld [tilespmem:s15+$0x10];
	_ =	sdelay $0x4  }
0x1a1: {  	[tilespmem:$0xA650] =	vst v7  }
0x1a2: {  	v7 =	vld [tilespmem:s15+$0x20];
	_ =	sdelay $0x4  }
0x1a3: {  	[tilespmem:$0xA660] =	vst v7  }
0x1a4: {  	v7 =	vld [tilespmem:s15+$0x30];
	_ =	sdelay $0x2  }
0x1a5: {  	p0 =	sne.s32 s18, $0x1  }
.Ltmp22:
0x1a6: {  	_ = 	snop;
	(pc) =	sbr.rel @!p0 .LBB2_27-.Ltmp22, $4  }
0x1a7: {  	[tilespmem:$0xA670] =	vst v7  }
0x1a8: {  	[spmem:s5] =	stream.indirect.scatter.add.f32 [tilespmem:s24], [sflag:$0x2], $0x80, s23, s0, $0xb8;
	[tilespmem:$0x1D080] =	vst v63  }
0x1a9: {  	_ =	swait.ge [sflag:s25], $0x4000  }
0x1aa: {  	s18 =	sadd.s32 $0xFFFFFFFF, s18;
	[sflag:s25] =	ssyncset.done $0x0  }
.LBB2_26:
0x1ab: {  	[sflag:s25] =	ssyncadd.s32 $0xFFFFC000;
	s17 =	sadd.s32 $0x80, s17;
	s15 =	sadd.s32 $0x80, s15  }
0x1ac: {  	[tilespmem:s24], [sflag:$0x1] =	stream.indirect.gather [hbm4b:s2+s0], $0x80, s17, s0, $0xb8;
	[tilespmem:$0x1D080] =	vst v63  }
0x1ad: {  	p0 =	sne.s32 s18, $0x1;
	s18 =	sadd.s32 $0xFFFFFFFF, s18;
	_ =	swait.ge [sflag:s30], $0x4000  }
0x1ae: {  	[sflag:s30] =	ssyncset.done $0x0  }
0x1af: {  	[sflag:s30] =	ssyncadd.s32 $0xFFFFC000  }
0x1b0: {  	v7 =	vld [tilespmem:s15+$0xFFFFFFC0];
	_ =	sdelay $0x4  }
0x1b1: {  	[tilespmem:$0xA600] =	vst v7  }
0x1b2: {  	v7 =	vld [tilespmem:s15+$0xFFFFFFD0];
	_ =	sdelay $0x4  }
0x1b3: {  	[tilespmem:$0xA610] =	vst v7  }
0x1b4: {  	v7 =	vld [tilespmem:s15+$0xFFFFFFE0];
	_ =	sdelay $0x4  }
0x1b5: {  	[tilespmem:$0xA620] =	vst v7  }
0x1b6: {  	v7 =	vld [tilespmem:s15+$0xFFFFFFF0];
	_ =	sdelay $0x4  }
0x1b7: {  	[tilespmem:$0xA630] =	vst v7  }
0x1b8: {  	v7 =	vld [tilespmem:s15+$0x0];
	_ =	sdelay $0x4  }
0x1b9: {  	[tilespmem:$0xA640] =	vst v7  }
0x1ba: {  	v7 =	vld [tilespmem:s15+$0x10];
	_ =	sdelay $0x4  }
0x1bb: {  	[tilespmem:$0xA650] =	vst v7  }
0x1bc: {  	v7 =	vld [tilespmem:s15+$0x20];
	_ =	sdelay $0x4  }
0x1bd: {  	[tilespmem:$0xA660] =	vst v7  }
0x1be: {  	v7 =	vld [tilespmem:s15+$0x30];
	_ =	sdelay $0x3  }
.Ltmp23:
0x1bf: {  	(pc) =	sbr.rel @p0 .LBB2_26-.Ltmp23, $4  }
0x1c0: {  	[tilespmem:$0xA670] =	vst v7  }
0x1c1: {  	[spmem:s5] =	stream.indirect.scatter.add.f32 [tilespmem:s24], [sflag:$0x2], $0x80, s23, s0, $0xb8;
	[tilespmem:$0x1D080] =	vst v63  }
0x1c2: {  	_ =	swait.ge [sflag:s25], $0x4000  }
0x1c3: {  	[sflag:s25] =	ssyncset.done $0x0  }
.Ltmp24:
0x1c4: {  	_ = 	snop;
	(pc) =	sbr.rel .LBB2_27-.Ltmp24, $1  }
0x1c5: {  	_ =	sdelay $0x3  }
.LBB2_31:
0x1c6: {  	_ =	sfence.sel $0x180000  }
0x1c7: {  	[bflag:$0x0] =	sbarrier.arrive $0xFFFF  }
0x1c8: {  	_ =	strace $0x90000047  }
0x1c9: {  	s0 =	stileid.u32;
	[bflag:$0x2] =	sbarrier.arrive $0xFFFF  }
0x1ca: {  	p0 =	sne.s32 s0, $0x0;
	s0 =	rddreg [dreg:$0x6]  }
0x1cb: {  	s0 =	sadd.s32 @!p0 $0x100000, s0  }
0x1cc: {  	[sflag:s0] =	ssyncadd.tile.s32 @!p0 $0x1;
	_ =	shalt  }
.Lfunc_end2:
_tile_overlayer_lowered:
.L_overlay_start_2:
0x1cd: {  	(tag) =	ssettag $0x2  }
0x1ce: {  	s0 =	rddreg [dreg:$0x0];
	s2 =	stileid.u32  }
0x1cf: {  	s1 =	rddreg [dreg:$0x1];
	p0 =	sne.s32 s2, $0x0  }
0x1d0: {  	s3 =	rddreg [dreg:$0x2];
	[bflag:$0x3] =	sbarrier.arrive $0xFFFF;
	s2 =	simm.s32 @!p0 $0x1C02  }
0x1d1: {  	[timem:s3], [sflag:s2] =	dma.local @!p0 [hbm:s0], s1  }
0x1d2: {  	s0 =	simm.s32 @!p0 $0x2  }
0x1d3: {  	_ =	swait.ge @!p0 [sflag:s0], s1  }
0x1d4: {  	s1 =	ssub.s32 @!p0 $0x0, s1;
	[sflag:s0] =	ssyncset.done @!p0 $0x0  }
0x1d5: {  	[sflag:s0] =	ssyncadd.s32 @!p0 s1  }
0x1d6: {  	[bflag:$0x3] =	sbarrier.arrive $0xFFFF  }
0x1d7: {  	_ =	shalt  }

</sc_bundles>
